<compile_context>
chip_gen: v7x
topology: tpu7x:2x2x1
jax: 0.10.2.dev20260603
libtpu: 0.0.44.dev20260713+nightly
codegen_flags: <defaults>
</compile_context>

<pallas_src>
import functools

import jax
import jax.numpy as jnp
from jax import lax
from jax.experimental import pallas as pl
from jax.experimental.pallas import tpu as pltpu
from jax.experimental.pallas import tpu_sc as plsc

NC = 2
NS = 16
NW = NC * NS
L = 16
CH = 50


def _zero_rows(buf, nrows, ncols):
  z = jnp.zeros((L,), jnp.float32)

  def body(i, _):
    for jj in range(ncols // L):
      buf[i, pl.ds(jj * L, L)] = z
    return 0

  lax.fori_loop(0, nrows, body, 0)


def _fill_ones(buf, nrows, ncols):
  o = jnp.ones((L,), jnp.float32)

  def body(i, _):
    for jj in range(ncols // L):
      buf[i, pl.ds(jj * L, L)] = o
    return 0

  lax.fori_loop(0, nrows, body, 0)


def _make_deg_kernel(n, e):
  ring = 8
  assert e % (CH * NW) == 0 and n % (8 * NS) == 0
  nch = e // CH
  ncw = nch // NW
  assert ncw >= ring
  npt = n // NS
  zr = min(npt, CH)
  mesh = plsc.VectorSubcoreMesh(core_axis_name="c", subcore_axis_name="s")

  @functools.partial(
      pl.kernel,
      out_type=jax.ShapeDtypeStruct((NC, n, L), jnp.float32),
      mesh=mesh,
      compiler_params=pltpu.CompilerParams(use_tc_tiling_on_sc=False),
      scratch_types=[
          pltpu.VMEM_SHARED((n, L), jnp.float32),
          pltpu.VMEM((CH, L), jnp.float32),
          pltpu.VMEM((ncw, CH), jnp.int32),
          pltpu.SemaphoreType.DMA((ring,)),
      ],
  )
  def deg_kernel(dst2_hbm, degp_hbm, acc, buf, didx_all, ssem):
    c = lax.axis_index("c")
    s = lax.axis_index("s")
    w = c * NS + s
    row0 = s * npt

    pltpu.sync_copy(dst2_hbm.at[pl.ds(w * ncw, ncw)], didx_all)

    _zero_rows(buf, zr, L)
    off = 0
    while off < npt:
      step = min(zr, npt - off)
      pltpu.sync_copy(buf.at[pl.ds(0, step)],
                      acc.at[pl.ds(row0 + off, step)])
      off += step
    plsc.subcore_barrier()

    _fill_ones(buf, CH, L)

    def body(j, _):
      pltpu.sync_copy(buf, acc.at[didx_all.at[j]], add=True)
      return 0

    lax.fori_loop(0, ncw, body, 0)
    plsc.subcore_barrier()
    pltpu.sync_copy(acc.at[pl.ds(row0, npt)],
                    degp_hbm.at[c, pl.ds(row0, npt)])

  return deg_kernel


def _make_agg_kernel(n, e, d):
  assert e % (CH * NW) == 0 and n % (8 * NS) == 0 and d % L == 0
  nch = e // CH
  ncw = nch // NW
  npt = n // NS
  zr = min(npt, CH)
  ring = 8 if d <= 64 else 4
  assert ncw >= ring
  mesh = plsc.VectorSubcoreMesh(core_axis_name="c", subcore_axis_name="s")

  @functools.partial(
      pl.kernel,
      out_type=jax.ShapeDtypeStruct((NC, n, d), jnp.float32),
      mesh=mesh,
      compiler_params=pltpu.CompilerParams(use_tc_tiling_on_sc=False),
      scratch_types=[
          pltpu.VMEM_SHARED((n, d), jnp.float32),
          pltpu.VMEM((ring, CH, d), jnp.float32),
          pltpu.VMEM((ncw, CH), jnp.int32),
          pltpu.VMEM((ncw, CH), jnp.int32),
          pltpu.SemaphoreType.DMA((ring,)),
      ],
  )
  def agg_kernel(y_hbm, src2_hbm, dst2_hbm, aggp_hbm,
                 acc, rows_v, sidx_all, didx_all, gsem):
    c = lax.axis_index("c")
    s = lax.axis_index("s")
    w = c * NS + s
    row0 = s * npt

    pltpu.sync_copy(src2_hbm.at[pl.ds(w * ncw, ncw)], sidx_all)
    pltpu.sync_copy(dst2_hbm.at[pl.ds(w * ncw, ncw)], didx_all)

    zslot = rows_v.at[0]
    _zero_rows(zslot, zr, d)
    off = 0
    while off < npt:
      step = min(zr, npt - off)
      pltpu.sync_copy(zslot.at[pl.ds(0, step)],
                      acc.at[pl.ds(row0 + off, step)])
      off += step
    plsc.subcore_barrier()

    for jj in range(ring):
      pltpu.async_copy(y_hbm.at[sidx_all.at[jj]], rows_v.at[jj],
                       gsem.at[jj])

    def body(j, _):
      rb = j % ring
      pltpu.make_async_copy(y_hbm.at[sidx_all.at[j]], rows_v.at[rb],
                            gsem.at[rb]).wait()
      pltpu.sync_copy(rows_v.at[rb], acc.at[didx_all.at[j]], add=True)
      pltpu.async_copy(y_hbm.at[sidx_all.at[j + ring]], rows_v.at[rb],
                       gsem.at[rb])
      return 0

    lax.fori_loop(0, ncw - ring, body, 0)

    def tail(j, _):
      rb = j % ring
      pltpu.make_async_copy(y_hbm.at[sidx_all.at[j]], rows_v.at[rb],
                            gsem.at[rb]).wait()
      pltpu.sync_copy(rows_v.at[rb], acc.at[didx_all.at[j]], add=True)
      return 0

    lax.fori_loop(ncw - ring, ncw, tail, 0)
    plsc.subcore_barrier()
    pltpu.sync_copy(acc.at[pl.ds(row0, npt)],
                    aggp_hbm.at[c, pl.ds(row0, npt)])

  return agg_kernel


def _tc_layer1(degp0_ref, degp1_ref, x_ref, w1_ref, dinv_ref, y1_ref):
  deg = degp0_ref[...] + degp1_ref[...] + 1.0
  dinv = lax.rsqrt(deg)
  dinv_ref[...] = dinv
  xw = jnp.dot(x_ref[...], w1_ref[...], preferred_element_type=jnp.float32)
  y1_ref[...] = xw * dinv[:, 0:1]


def _tc_layer2(aggp0_ref, aggp1_ref, y1_ref, dinv_ref, w2_ref, y2_ref):
  dv = dinv_ref[...][:, 0:1]
  h = jnp.tanh((aggp0_ref[...] + aggp1_ref[...] + y1_ref[...]) * dv)
  y2_ref[...] = jnp.dot(h, w2_ref[...],
                        preferred_element_type=jnp.float32) * dv


def _tc_final(aggp0_ref, aggp1_ref, y2_ref, dinv_ref, out_ref):
  dv = dinv_ref[...][:, 0:1]
  out_ref[...] = (aggp0_ref[...] + aggp1_ref[...] + y2_ref[...]) * dv


def kernel(x, edge_index, W1, W2):
  n, f_in = x.shape
  e = edge_index.shape[1]
  h = W1.shape[1]
  cdim = W2.shape[1]
  cpad = 128
  assert e % CH == 0
  src2 = edge_index[0].reshape(e // CH, CH)
  dst2 = edge_index[1].reshape(e // CH, CH)
  W2p = jnp.zeros((h, cpad), jnp.float32).at[:, :cdim].set(W2)
  np_pad = -(-n // (8 * NS)) * (8 * NS)

  blk = 2000
  assert n % blk == 0
  grid = (n // blk,)
  row_spec = lambda width: pl.BlockSpec((blk, width), lambda i: (i, 0))
  full_spec = lambda r, ccol: pl.BlockSpec((r, ccol), lambda i: (0, 0))

  degp = _make_deg_kernel(np_pad, e)(dst2)

  dinv, y1 = pl.pallas_call(
      _tc_layer1,
      grid=grid,
      in_specs=[row_spec(L), row_spec(L), row_spec(f_in), full_spec(f_in, h)],
      out_specs=[row_spec(L), row_spec(h)],
      out_shape=[
          jax.ShapeDtypeStruct((n, L), jnp.float32),
          jax.ShapeDtypeStruct((n, h), jnp.float32),
      ],
  )(degp[0], degp[1], x, W1)

  aggp1 = _make_agg_kernel(np_pad, e, h)(y1, src2, dst2)

  y2 = pl.pallas_call(
      _tc_layer2,
      grid=grid,
      in_specs=[row_spec(h), row_spec(h), row_spec(h), row_spec(L),
                full_spec(h, cpad)],
      out_specs=row_spec(cpad),
      out_shape=jax.ShapeDtypeStruct((n, cpad), jnp.float32),
  )(aggp1[0], aggp1[1], y1, dinv, W2p)

  aggp2 = _make_agg_kernel(np_pad, e, cpad)(y2, src2, dst2)

  out = pl.pallas_call(
      _tc_final,
      grid=grid,
      in_specs=[row_spec(cpad), row_spec(cpad), row_spec(cpad), row_spec(L)],
      out_specs=row_spec(cpad),
      out_shape=jax.ShapeDtypeStruct((n, cpad), jnp.float32),
  )(aggp2[0], aggp2[1], y2, dinv)

  return out[:, :cdim]

# --- scband reference (transcript-rebuilt; emitter-appended) ---
"""Pipeline reference for scband-gcn-20882130993418 (READ-ONLY COPY).

The authoritative reference and input builder live on the scoring server;
editing this copy changes nothing except your own understanding.
"""

import jax, jax.numpy as jnp
import numpy as np

N = 10000
E = 320000
F_IN = 128
H = 64
C = 121


def setup_inputs(seed: int = 0) -> dict:
    key = jax.random.key(seed)
    k1, k2, k3, k4 = jax.random.split(key, 4)
    x = jax.random.normal(k1, (N, F_IN), dtype=jnp.float32)
    edge_index = jax.random.randint(k2, (2, E), 0, N, dtype=jnp.int32)
    # GCNConv weights (bias=False), glorot-ish scaling
    W1 = jax.random.normal(k3, (F_IN, H), dtype=jnp.float32) * (1.0 / np.sqrt(F_IN))
    W2 = jax.random.normal(k4, (H, C), dtype=jnp.float32) * (1.0 / np.sqrt(H))
    return {"x": x, "edge_index": edge_index, "W1": W1, "W2": W2}


def _gcn_conv(x, src, dst, norm, W, num_nodes):
    # PyG GCNConv: out = D^{-1/2} (A + I) D^{-1/2} X W  (bias=False)
    xw = x @ W
    msg = xw[src] * norm[:, None]
    out = jax.ops.segment_sum(msg, dst, num_segments=num_nodes)
    return out


def reference(x, edge_index, W1, W2):
    num_nodes = x.shape[0]
    # add self-loops
    loop = jnp.arange(num_nodes, dtype=edge_index.dtype)
    src = jnp.concatenate([edge_index[0], loop])
    dst = jnp.concatenate([edge_index[1], loop])
    # symmetric normalization (edge_weight = 1)
    ones = jnp.ones(src.shape[0], dtype=x.dtype)
    deg = jax.ops.segment_sum(ones, dst, num_segments=num_nodes)
    deg_inv_sqrt = jnp.where(deg > 0, jax.lax.rsqrt(deg), 0.0)
    norm = deg_inv_sqrt[src] * deg_inv_sqrt[dst]
    h = _gcn_conv(x, src, dst, norm, W1, num_nodes)
    h = jnp.tanh(h)
    out = _gcn_conv(h, src, dst, norm, W2, num_nodes)
    return out

if __name__ == "__main__":
    import jax
    _d = setup_inputs()
    print(jax.jit(kernel)(*tuple(_d.values())))

</pallas_src>

<mosaic_0001>
#map = affine_map<(d0, d1) -> (0, 0)>
#map1 = affine_map<(d0, d1) -> (0, 0, 0)>
module attributes {stable_mosaic.version = 14 : i64} {
  func.func @agg_kernel(%arg0: i32, %arg1: i32, %arg2: memref<10000x64xf32, #tpu.memory_space<hbm>>, %arg3: memref<6400x50xi32, #tpu.memory_space<hbm>>, %arg4: memref<6400x50xi32, #tpu.memory_space<hbm>>, %arg5: memref<2x10112x64xf32, #tpu.memory_space<hbm>>, %arg6: memref<10112x64xf32, #tpu.memory_space<vmem_shared>>, %arg7: memref<8x50x64xf32, #tpu.memory_space<vmem>>, %arg8: memref<200x50xi32, #tpu.memory_space<vmem>>, %arg9: memref<200x50xi32, #tpu.memory_space<vmem>>, %arg10: memref<8x!tpu.dma_semaphore, #tpu.memory_space<semaphore_mem>>) attributes {dimension_semantics = [#tpu.dimension_semantics<core_parallel>, #tpu.dimension_semantics<subcore_parallel>], iteration_bounds = array<i64: 2, 16>, scalar_prefetch = 0 : i64, scratch_operands = 5 : i64, tpu.core_type = #tpu.core_type<sc_vector_subcore>, window_params = [{transform_indices = #map}, {transform_indices = #map}, {transform_indices = #map}, {transform_indices = #map1}]} {
    %mul3A = arith.constant 16 : i32
    %mul3A_0 = arith.muli %arg0, %mul3A : i32
    %add3A = arith.addi %mul3A_0, %arg1 : i32
    %mul3A_1 = arith.constant 632 : i32
    %mul3A_2 = arith.muli %arg1, %mul3A_1 : i32
    %mul3A_3 = arith.constant 200 : i32
    %mul3A_4 = arith.muli %add3A, %mul3A_3 : i32
    "tpu.region"() ({
      %run_scoped3A_187 = tpu.sem_alloc : memref<!tpu.dma_semaphore, #tpu.memory_space<semaphore_mem>>
      %dma_start3A_188 = arith.constant 0 : i32
      %dma_start3A_189 = tpu.memref_slice %arg3[%mul3A_4, %dma_start3A_188] : memref<6400x50xi32, #tpu.memory_space<hbm>> -> memref<200x50xi32, #tpu.memory_space<hbm>>
      %dma_start3A_190 = arith.constant 0 : i32
      %dma_start3A_191 = tpu.memref_slice %arg3[%mul3A_4, %dma_start3A_190] : memref<6400x50xi32, #tpu.memory_space<hbm>> -> memref<200x50xi32, #tpu.memory_space<hbm>>
      tpu.enqueue_dma source(%dma_start3A_191 : memref<200x50xi32, #tpu.memory_space<hbm>>) target(%arg8 : memref<200x50xi32, #tpu.memory_space<vmem>>) target_semaphore(%run_scoped3A_187 : memref<!tpu.dma_semaphore, #tpu.memory_space<semaphore_mem>>)
      %dma_wait3A = arith.constant 0 : i32
      %dma_wait3A_192 = tpu.memref_slice %arg3[%mul3A_4, %dma_wait3A] : memref<6400x50xi32, #tpu.memory_space<hbm>> -> memref<200x50xi32, #tpu.memory_space<hbm>>
      %dma_wait3A_193 = arith.constant 0 : i32
      %dma_wait3A_194 = tpu.memref_slice %arg3[%mul3A_4, %dma_wait3A_193] : memref<6400x50xi32, #tpu.memory_space<hbm>> -> memref<200x50xi32, #tpu.memory_space<hbm>>
      tpu.wait_dma2 semaphore(%run_scoped3A_187 : memref<!tpu.dma_semaphore, #tpu.memory_space<semaphore_mem>>) src(%dma_wait3A_194 : memref<200x50xi32, #tpu.memory_space<hbm>>) dst(%arg8 : memref<200x50xi32, #tpu.memory_space<vmem>>)
      tpu.yield
    }) : () -> ()
    %mul3A_5 = arith.constant 200 : i32
    %mul3A_6 = arith.muli %add3A, %mul3A_5 : i32
    "tpu.region"() ({
      %run_scoped3A_187 = tpu.sem_alloc : memref<!tpu.dma_semaphore, #tpu.memory_space<semaphore_mem>>
      %dma_start3A_188 = arith.constant 0 : i32
      %dma_start3A_189 = tpu.memref_slice %arg4[%mul3A_6, %dma_start3A_188] : memref<6400x50xi32, #tpu.memory_space<hbm>> -> memref<200x50xi32, #tpu.memory_space<hbm>>
      %dma_start3A_190 = arith.constant 0 : i32
      %dma_start3A_191 = tpu.memref_slice %arg4[%mul3A_6, %dma_start3A_190] : memref<6400x50xi32, #tpu.memory_space<hbm>> -> memref<200x50xi32, #tpu.memory_space<hbm>>
      tpu.enqueue_dma source(%dma_start3A_191 : memref<200x50xi32, #tpu.memory_space<hbm>>) target(%arg9 : memref<200x50xi32, #tpu.memory_space<vmem>>) target_semaphore(%run_scoped3A_187 : memref<!tpu.dma_semaphore, #tpu.memory_space<semaphore_mem>>)
      %dma_wait3A = arith.constant 0 : i32
      %dma_wait3A_192 = tpu.memref_slice %arg4[%mul3A_6, %dma_wait3A] : memref<6400x50xi32, #tpu.memory_space<hbm>> -> memref<200x50xi32, #tpu.memory_space<hbm>>
      %dma_wait3A_193 = arith.constant 0 : i32
      %dma_wait3A_194 = tpu.memref_slice %arg4[%mul3A_6, %dma_wait3A_193] : memref<6400x50xi32, #tpu.memory_space<hbm>> -> memref<200x50xi32, #tpu.memory_space<hbm>>
      tpu.wait_dma2 semaphore(%run_scoped3A_187 : memref<!tpu.dma_semaphore, #tpu.memory_space<semaphore_mem>>) src(%dma_wait3A_194 : memref<200x50xi32, #tpu.memory_space<hbm>>) dst(%arg9 : memref<200x50xi32, #tpu.memory_space<vmem>>)
      tpu.yield
    }) : () -> ()
    %broadcast_in_dim3A = arith.constant 0.000000e+00 : f32
    %broadcast_in_dim3A_7 = vector.broadcast %broadcast_in_dim3A : f32 to vector<16xf32>
    %scan3A = arith.constant 0 : i32
    %scan3A_8 = arith.constant 0 : i32
    %scan3A_9 = arith.constant 0 : i32
    %scan3A_10 = arith.constant 50 : i32
    %scan3A_11 = arith.addi %scan3A_9, %scan3A_10 : i32
    %scan3A_12 = arith.constant 1 : i32
    %scan3A_13 = scf.for %scan3A_187 = %scan3A_9 to %scan3A_11 step %scan3A_12 iter_args(%scan3A_188 = %scan3A_8) -> (i32)  : i32 {
      %swap3A = arith.constant 0 : i32
      %swap3A_189 = arith.constant 0 : i32
      %swap3A_190 = tpu.memref_slice %arg7[%scan3A, %swap3A, %swap3A_189] : memref<8x50x64xf32, #tpu.memory_space<vmem>> -> memref<1x50x64xf32, #tpu.memory_space<vmem>>
      %swap3A_191 = tpu.memref_squeeze %swap3A_190 : memref<1x50x64xf32, #tpu.memory_space<vmem>> -> memref<50x64xf32, #tpu.memory_space<vmem>>
      %swap3A_192 = arith.index_cast %scan3A_187 : i32 to index
      %swap3A_193 = arith.constant 0 : index
      %swap3A_194 = tpu.vector_load %swap3A_191[%swap3A_192, %swap3A_193] {strides = array<i32>} : memref<50x64xf32, #tpu.memory_space<vmem>>, vector<1x16xf32>,
      %swap3A_195 = vector.shape_cast %swap3A_194 : vector<1x16xf32> to vector<16xf32>
      %swap3A_196 = vector.shape_cast %broadcast_in_dim3A_7 : vector<16xf32> to vector<1x16xf32>
      tpu.vector_store %swap3A_191[%swap3A_192, %swap3A_193], %swap3A_196 {strides = array<i32>} : memref<50x64xf32, #tpu.memory_space<vmem>>, vector<1x16xf32>,
      %swap3A_197 = arith.constant 0 : i32
      %swap3A_198 = arith.constant 0 : i32
      %swap3A_199 = tpu.memref_slice %arg7[%scan3A, %swap3A_197, %swap3A_198] : memref<8x50x64xf32, #tpu.memory_space<vmem>> -> memref<1x50x64xf32, #tpu.memory_space<vmem>>
      %swap3A_200 = tpu.memref_squeeze %swap3A_199 : memref<1x50x64xf32, #tpu.memory_space<vmem>> -> memref<50x64xf32, #tpu.memory_space<vmem>>
      %swap3A_201 = arith.index_cast %scan3A_187 : i32 to index
      %swap3A_202 = arith.constant 16 : index
      %swap3A_203 = tpu.vector_load %swap3A_200[%swap3A_201, %swap3A_202] {strides = array<i32>} : memref<50x64xf32, #tpu.memory_space<vmem>>, vector<1x16xf32>,
      %swap3A_204 = vector.shape_cast %swap3A_203 : vector<1x16xf32> to vector<16xf32>
      %swap3A_205 = vector.shape_cast %broadcast_in_dim3A_7 : vector<16xf32> to vector<1x16xf32>
      tpu.vector_store %swap3A_200[%swap3A_201, %swap3A_202], %swap3A_205 {strides = array<i32>} : memref<50x64xf32, #tpu.memory_space<vmem>>, vector<1x16xf32>,
      %swap3A_206 = arith.constant 0 : i32
      %swap3A_207 = arith.constant 0 : i32
      %swap3A_208 = tpu.memref_slice %arg7[%scan3A, %swap3A_206, %swap3A_207] : memref<8x50x64xf32, #tpu.memory_space<vmem>> -> memref<1x50x64xf32, #tpu.memory_space<vmem>>
      %swap3A_209 = tpu.memref_squeeze %swap3A_208 : memref<1x50x64xf32, #tpu.memory_space<vmem>> -> memref<50x64xf32, #tpu.memory_space<vmem>>
      %swap3A_210 = arith.index_cast %scan3A_187 : i32 to index
      %swap3A_211 = arith.constant 32 : index
      %swap3A_212 = tpu.vector_load %swap3A_209[%swap3A_210, %swap3A_211] {strides = array<i32>} : memref<50x64xf32, #tpu.memory_space<vmem>>, vector<1x16xf32>,
      %swap3A_213 = vector.shape_cast %swap3A_212 : vector<1x16xf32> to vector<16xf32>
      %swap3A_214 = vector.shape_cast %broadcast_in_dim3A_7 : vector<16xf32> to vector<1x16xf32>
      tpu.vector_store %swap3A_209[%swap3A_210, %swap3A_211], %swap3A_214 {strides = array<i32>} : memref<50x64xf32, #tpu.memory_space<vmem>>, vector<1x16xf32>,
      %swap3A_215 = arith.constant 0 : i32
      %swap3A_216 = arith.constant 0 : i32
      %swap3A_217 = tpu.memref_slice %arg7[%scan3A, %swap3A_215, %swap3A_216] : memref<8x50x64xf32, #tpu.memory_space<vmem>> -> memref<1x50x64xf32, #tpu.memory_space<vmem>>
      %swap3A_218 = tpu.memref_squeeze %swap3A_217 : memref<1x50x64xf32, #tpu.memory_space<vmem>> -> memref<50x64xf32, #tpu.memory_space<vmem>>
      %swap3A_219 = arith.index_cast %scan3A_187 : i32 to index
      %swap3A_220 = arith.constant 48 : index
      %swap3A_221 = tpu.vector_load %swap3A_218[%swap3A_219, %swap3A_220] {strides = array<i32>} : memref<50x64xf32, #tpu.memory_space<vmem>>, vector<1x16xf32>,
      %swap3A_222 = vector.shape_cast %swap3A_221 : vector<1x16xf32> to vector<16xf32>
      %swap3A_223 = vector.shape_cast %broadcast_in_dim3A_7 : vector<16xf32> to vector<1x16xf32>
      tpu.vector_store %swap3A_218[%swap3A_219, %swap3A_220], %swap3A_223 {strides = array<i32>} : memref<50x64xf32, #tpu.memory_space<vmem>>, vector<1x16xf32>,
      %scan3A_224 = arith.constant 0 : i32
      scf.yield %scan3A_224 : i32
    }
    %scan3A_14 = arith.constant 50 : i32
    %add3A_15 = arith.constant 0 : i32
    %add3A_16 = arith.addi %mul3A_2, %add3A_15 : i32
    %run_scoped3A = arith.constant 0 : i32
    "tpu.region"() ({
      %run_scoped3A_187 = tpu.sem_alloc : memref<!tpu.dma_semaphore, #tpu.memory_space<semaphore_mem>>
      %dma_start3A_188 = arith.constant 0 : i32
      %dma_start3A_189 = arith.constant 0 : i32
      %dma_start3A_190 = tpu.memref_slice %arg7[%run_scoped3A, %dma_start3A_188, %dma_start3A_189] : memref<8x50x64xf32, #tpu.memory_space<vmem>> -> memref<1x50x64xf32, #tpu.memory_space<vmem>>
      %dma_start3A_191 = tpu.memref_squeeze %dma_start3A_190 : memref<1x50x64xf32, #tpu.memory_space<vmem>> -> memref<50x64xf32, #tpu.memory_space<vmem>>
      %dma_start3A_192 = arith.constant 0 : i32
      %dma_start3A_193 = arith.constant 0 : i32
      %dma_start3A_194 = tpu.memref_slice %dma_start3A_191[%dma_start3A_192, %dma_start3A_193] : memref<50x64xf32, #tpu.memory_space<vmem>> -> memref<50x64xf32, #tpu.memory_space<vmem>>
      %dma_start3A_195 = arith.constant 0 : i32
      %dma_start3A_196 = tpu.memref_slice %arg6[%add3A_16, %dma_start3A_195] : memref<10112x64xf32, #tpu.memory_space<vmem_shared>> -> memref<50x64xf32, #tpu.memory_space<vmem_shared>>
      %dma_start3A_197 = arith.constant 0 : i32
      %dma_start3A_198 = tpu.memref_slice %arg6[%add3A_16, %dma_start3A_197] : memref<10112x64xf32, #tpu.memory_space<vmem_shared>> -> memref<50x64xf32, #tpu.memory_space<vmem_shared>>
      %dma_start3A_199 = arith.constant 0 : i32
      %dma_start3A_200 = arith.constant 0 : i32
      %dma_start3A_201 = tpu.memref_slice %arg7[%run_scoped3A, %dma_start3A_199, %dma_start3A_200] : memref<8x50x64xf32, #tpu.memory_space<vmem>> -> memref<1x50x64xf32, #tpu.memory_space<vmem>>
      %dma_start3A_202 = tpu.memref_squeeze %dma_start3A_201 : memref<1x50x64xf32, #tpu.memory_space<vmem>> -> memref<50x64xf32, #tpu.memory_space<vmem>>
      %dma_start3A_203 = arith.constant 0 : i32
      %dma_start3A_204 = arith.constant 0 : i32
      %dma_start3A_205 = tpu.memref_slice %dma_start3A_202[%dma_start3A_203, %dma_start3A_204] : memref<50x64xf32, #tpu.memory_space<vmem>> -> memref<50x64xf32, #tpu.memory_space<vmem>>
      tpu.enqueue_dma source(%dma_start3A_205 : memref<50x64xf32, #tpu.memory_space<vmem>>) target(%dma_start3A_198 : memref<50x64xf32, #tpu.memory_space<vmem_shared>>) target_semaphore(%run_scoped3A_187 : memref<!tpu.dma_semaphore, #tpu.memory_space<semaphore_mem>>)
      %dma_wait3A = arith.constant 0 : i32
      %dma_wait3A_206 = arith.constant 0 : i32
      %dma_wait3A_207 = tpu.memref_slice %arg7[%run_scoped3A, %dma_wait3A, %dma_wait3A_206] : memref<8x50x64xf32, #tpu.memory_space<vmem>> -> memref<1x50x64xf32, #tpu.memory_space<vmem>>
      %dma_wait3A_208 = tpu.memref_squeeze %dma_wait3A_207 : memref<1x50x64xf32, #tpu.memory_space<vmem>> -> memref<50x64xf32, #tpu.memory_space<vmem>>
      %dma_wait3A_209 = arith.constant 0 : i32
      %dma_wait3A_210 = arith.constant 0 : i32
      %dma_wait3A_211 = tpu.memref_slice %dma_wait3A_208[%dma_wait3A_209, %dma_wait3A_210] : memref<50x64xf32, #tpu.memory_space<vmem>> -> memref<50x64xf32, #tpu.memory_space<vmem>>
      %dma_wait3A_212 = arith.constant 0 : i32
      %dma_wait3A_213 = tpu.memref_slice %arg6[%add3A_16, %dma_wait3A_212] : memref<10112x64xf32, #tpu.memory_space<vmem_shared>> -> memref<50x64xf32, #tpu.memory_space<vmem_shared>>
      %dma_wait3A_214 = arith.constant 0 : i32
      %dma_wait3A_215 = tpu.memref_slice %arg6[%add3A_16, %dma_wait3A_214] : memref<10112x64xf32, #tpu.memory_space<vmem_shared>> -> memref<50x64xf32, #tpu.memory_space<vmem_shared>>
      %dma_wait3A_216 = arith.constant 0 : i32
      %dma_wait3A_217 = arith.constant 0 : i32
      %dma_wait3A_218 = tpu.memref_slice %arg7[%run_scoped3A, %dma_wait3A_216, %dma_wait3A_217] : memref<8x50x64xf32, #tpu.memory_space<vmem>> -> memref<1x50x64xf32, #tpu.memory_space<vmem>>
      %dma_wait3A_219 = tpu.memref_squeeze %dma_wait3A_218 : memref<1x50x64xf32, #tpu.memory_space<vmem>> -> memref<50x64xf32, #tpu.memory_space<vmem>>
      %dma_wait3A_220 = arith.constant 0 : i32
      %dma_wait3A_221 = arith.constant 0 : i32
      %dma_wait3A_222 = tpu.memref_slice %dma_wait3A_219[%dma_wait3A_220, %dma_wait3A_221] : memref<50x64xf32, #tpu.memory_space<vmem>> -> memref<50x64xf32, #tpu.memory_space<vmem>>
      tpu.wait_dma2 semaphore(%run_scoped3A_187 : memref<!tpu.dma_semaphore, #tpu.memory_space<semaphore_mem>>) src(%dma_wait3A_222 : memref<50x64xf32, #tpu.memory_space<vmem>>) dst(%dma_wait3A_215 : memref<50x64xf32, #tpu.memory_space<vmem_shared>>)
      tpu.yield
    }) : () -> ()
    %add3A_17 = arith.constant 50 : i32
    %add3A_18 = arith.addi %mul3A_2, %add3A_17 : i32
    %run_scoped3A_19 = arith.constant 0 : i32
    "tpu.region"() ({
      %run_scoped3A_187 = tpu.sem_alloc : memref<!tpu.dma_semaphore, #tpu.memory_space<semaphore_mem>>
      %dma_start3A_188 = arith.constant 0 : i32
      %dma_start3A_189 = arith.constant 0 : i32
      %dma_start3A_190 = tpu.memref_slice %arg7[%run_scoped3A_19, %dma_start3A_188, %dma_start3A_189] : memref<8x50x64xf32, #tpu.memory_space<vmem>> -> memref<1x50x64xf32, #tpu.memory_space<vmem>>
      %dma_start3A_191 = tpu.memref_squeeze %dma_start3A_190 : memref<1x50x64xf32, #tpu.memory_space<vmem>> -> memref<50x64xf32, #tpu.memory_space<vmem>>
      %dma_start3A_192 = arith.constant 0 : i32
      %dma_start3A_193 = arith.constant 0 : i32
      %dma_start3A_194 = tpu.memref_slice %dma_start3A_191[%dma_start3A_192, %dma_start3A_193] : memref<50x64xf32, #tpu.memory_space<vmem>> -> memref<50x64xf32, #tpu.memory_space<vmem>>
      %dma_start3A_195 = arith.constant 0 : i32
      %dma_start3A_196 = tpu.memref_slice %arg6[%add3A_18, %dma_start3A_195] : memref<10112x64xf32, #tpu.memory_space<vmem_shared>> -> memref<50x64xf32, #tpu.memory_space<vmem_shared>>
      %dma_start3A_197 = arith.constant 0 : i32
      %dma_start3A_198 = tpu.memref_slice %arg6[%add3A_18, %dma_start3A_197] : memref<10112x64xf32, #tpu.memory_space<vmem_shared>> -> memref<50x64xf32, #tpu.memory_space<vmem_shared>>
      %dma_start3A_199 = arith.constant 0 : i32
      %dma_start3A_200 = arith.constant 0 : i32
      %dma_start3A_201 = tpu.memref_slice %arg7[%run_scoped3A_19, %dma_start3A_199, %dma_start3A_200] : memref<8x50x64xf32, #tpu.memory_space<vmem>> -> memref<1x50x64xf32, #tpu.memory_space<vmem>>
      %dma_start3A_202 = tpu.memref_squeeze %dma_start3A_201 : memref<1x50x64xf32, #tpu.memory_space<vmem>> -> memref<50x64xf32, #tpu.memory_space<vmem>>
      %dma_start3A_203 = arith.constant 0 : i32
      %dma_start3A_204 = arith.constant 0 : i32
      %dma_start3A_205 = tpu.memref_slice %dma_start3A_202[%dma_start3A_203, %dma_start3A_204] : memref<50x64xf32, #tpu.memory_space<vmem>> -> memref<50x64xf32, #tpu.memory_space<vmem>>
      tpu.enqueue_dma source(%dma_start3A_205 : memref<50x64xf32, #tpu.memory_space<vmem>>) target(%dma_start3A_198 : memref<50x64xf32, #tpu.memory_space<vmem_shared>>) target_semaphore(%run_scoped3A_187 : memref<!tpu.dma_semaphore, #tpu.memory_space<semaphore_mem>>)
      %dma_wait3A = arith.constant 0 : i32
      %dma_wait3A_206 = arith.constant 0 : i32
      %dma_wait3A_207 = tpu.memref_slice %arg7[%run_scoped3A_19, %dma_wait3A, %dma_wait3A_206] : memref<8x50x64xf32, #tpu.memory_space<vmem>> -> memref<1x50x64xf32, #tpu.memory_space<vmem>>
      %dma_wait3A_208 = tpu.memref_squeeze %dma_wait3A_207 : memref<1x50x64xf32, #tpu.memory_space<vmem>> -> memref<50x64xf32, #tpu.memory_space<vmem>>
      %dma_wait3A_209 = arith.constant 0 : i32
      %dma_wait3A_210 = arith.constant 0 : i32
      %dma_wait3A_211 = tpu.memref_slice %dma_wait3A_208[%dma_wait3A_209, %dma_wait3A_210] : memref<50x64xf32, #tpu.memory_space<vmem>> -> memref<50x64xf32, #tpu.memory_space<vmem>>
      %dma_wait3A_212 = arith.constant 0 : i32
      %dma_wait3A_213 = tpu.memref_slice %arg6[%add3A_18, %dma_wait3A_212] : memref<10112x64xf32, #tpu.memory_space<vmem_shared>> -> memref<50x64xf32, #tpu.memory_space<vmem_shared>>
      %dma_wait3A_214 = arith.constant 0 : i32
      %dma_wait3A_215 = tpu.memref_slice %arg6[%add3A_18, %dma_wait3A_214] : memref<10112x64xf32, #tpu.memory_space<vmem_shared>> -> memref<50x64xf32, #tpu.memory_space<vmem_shared>>
      %dma_wait3A_216 = arith.constant 0 : i32
      %dma_wait3A_217 = arith.constant 0 : i32
      %dma_wait3A_218 = tpu.memref_slice %arg7[%run_scoped3A_19, %dma_wait3A_216, %dma_wait3A_217] : memref<8x50x64xf32, #tpu.memory_space<vmem>> -> memref<1x50x64xf32, #tpu.memory_space<vmem>>
      %dma_wait3A_219 = tpu.memref_squeeze %dma_wait3A_218 : memref<1x50x64xf32, #tpu.memory_space<vmem>> -> memref<50x64xf32, #tpu.memory_space<vmem>>
      %dma_wait3A_220 = arith.constant 0 : i32
      %dma_wait3A_221 = arith.constant 0 : i32
      %dma_wait3A_222 = tpu.memref_slice %dma_wait3A_219[%dma_wait3A_220, %dma_wait3A_221] : memref<50x64xf32, #tpu.memory_space<vmem>> -> memref<50x64xf32, #tpu.memory_space<vmem>>
      tpu.wait_dma2 semaphore(%run_scoped3A_187 : memref<!tpu.dma_semaphore, #tpu.memory_space<semaphore_mem>>) src(%dma_wait3A_222 : memref<50x64xf32, #tpu.memory_space<vmem>>) dst(%dma_wait3A_215 : memref<50x64xf32, #tpu.memory_space<vmem_shared>>)
      tpu.yield
    }) : () -> ()
    %add3A_20 = arith.constant 100 : i32
    %add3A_21 = arith.addi %mul3A_2, %add3A_20 : i32
    %run_scoped3A_22 = arith.constant 0 : i32
    "tpu.region"() ({
      %run_scoped3A_187 = tpu.sem_alloc : memref<!tpu.dma_semaphore, #tpu.memory_space<semaphore_mem>>
      %dma_start3A_188 = arith.constant 0 : i32
      %dma_start3A_189 = arith.constant 0 : i32
      %dma_start3A_190 = tpu.memref_slice %arg7[%run_scoped3A_22, %dma_start3A_188, %dma_start3A_189] : memref<8x50x64xf32, #tpu.memory_space<vmem>> -> memref<1x50x64xf32, #tpu.memory_space<vmem>>
      %dma_start3A_191 = tpu.memref_squeeze %dma_start3A_190 : memref<1x50x64xf32, #tpu.memory_space<vmem>> -> memref<50x64xf32, #tpu.memory_space<vmem>>
      %dma_start3A_192 = arith.constant 0 : i32
      %dma_start3A_193 = arith.constant 0 : i32
      %dma_start3A_194 = tpu.memref_slice %dma_start3A_191[%dma_start3A_192, %dma_start3A_193] : memref<50x64xf32, #tpu.memory_space<vmem>> -> memref<50x64xf32, #tpu.memory_space<vmem>>
      %dma_start3A_195 = arith.constant 0 : i32
      %dma_start3A_196 = tpu.memref_slice %arg6[%add3A_21, %dma_start3A_195] : memref<10112x64xf32, #tpu.memory_space<vmem_shared>> -> memref<50x64xf32, #tpu.memory_space<vmem_shared>>
      %dma_start3A_197 = arith.constant 0 : i32
      %dma_start3A_198 = tpu.memref_slice %arg6[%add3A_21, %dma_start3A_197] : memref<10112x64xf32, #tpu.memory_space<vmem_shared>> -> memref<50x64xf32, #tpu.memory_space<vmem_shared>>
      %dma_start3A_199 = arith.constant 0 : i32
      %dma_start3A_200 = arith.constant 0 : i32
      %dma_start3A_201 = tpu.memref_slice %arg7[%run_scoped3A_22, %dma_start3A_199, %dma_start3A_200] : memref<8x50x64xf32, #tpu.memory_space<vmem>> -> memref<1x50x64xf32, #tpu.memory_space<vmem>>
      %dma_start3A_202 = tpu.memref_squeeze %dma_start3A_201 : memref<1x50x64xf32, #tpu.memory_space<vmem>> -> memref<50x64xf32, #tpu.memory_space<vmem>>
      %dma_start3A_203 = arith.constant 0 : i32
      %dma_start3A_204 = arith.constant 0 : i32
      %dma_start3A_205 = tpu.memref_slice %dma_start3A_202[%dma_start3A_203, %dma_start3A_204] : memref<50x64xf32, #tpu.memory_space<vmem>> -> memref<50x64xf32, #tpu.memory_space<vmem>>
      tpu.enqueue_dma source(%dma_start3A_205 : memref<50x64xf32, #tpu.memory_space<vmem>>) target(%dma_start3A_198 : memref<50x64xf32, #tpu.memory_space<vmem_shared>>) target_semaphore(%run_scoped3A_187 : memref<!tpu.dma_semaphore, #tpu.memory_space<semaphore_mem>>)
      %dma_wait3A = arith.constant 0 : i32
      %dma_wait3A_206 = arith.constant 0 : i32
      %dma_wait3A_207 = tpu.memref_slice %arg7[%run_scoped3A_22, %dma_wait3A, %dma_wait3A_206] : memref<8x50x64xf32, #tpu.memory_space<vmem>> -> memref<1x50x64xf32, #tpu.memory_space<vmem>>
      %dma_wait3A_208 = tpu.memref_squeeze %dma_wait3A_207 : memref<1x50x64xf32, #tpu.memory_space<vmem>> -> memref<50x64xf32, #tpu.memory_space<vmem>>
      %dma_wait3A_209 = arith.constant 0 : i32
      %dma_wait3A_210 = arith.constant 0 : i32
      %dma_wait3A_211 = tpu.memref_slice %dma_wait3A_208[%dma_wait3A_209, %dma_wait3A_210] : memref<50x64xf32, #tpu.memory_space<vmem>> -> memref<50x64xf32, #tpu.memory_space<vmem>>
      %dma_wait3A_212 = arith.constant 0 : i32
      %dma_wait3A_213 = tpu.memref_slice %arg6[%add3A_21, %dma_wait3A_212] : memref<10112x64xf32, #tpu.memory_space<vmem_shared>> -> memref<50x64xf32, #tpu.memory_space<vmem_shared>>
      %dma_wait3A_214 = arith.constant 0 : i32
      %dma_wait3A_215 = tpu.memref_slice %arg6[%add3A_21, %dma_wait3A_214] : memref<10112x64xf32, #tpu.memory_space<vmem_shared>> -> memref<50x64xf32, #tpu.memory_space<vmem_shared>>
      %dma_wait3A_216 = arith.constant 0 : i32
      %dma_wait3A_217 = arith.constant 0 : i32
      %dma_wait3A_218 = tpu.memref_slice %arg7[%run_scoped3A_22, %dma_wait3A_216, %dma_wait3A_217] : memref<8x50x64xf32, #tpu.memory_space<vmem>> -> memref<1x50x64xf32, #tpu.memory_space<vmem>>
      %dma_wait3A_219 = tpu.memref_squeeze %dma_wait3A_218 : memref<1x50x64xf32, #tpu.memory_space<vmem>> -> memref<50x64xf32, #tpu.memory_space<vmem>>
      %dma_wait3A_220 = arith.constant 0 : i32
      %dma_wait3A_221 = arith.constant 0 : i32
      %dma_wait3A_222 = tpu.memref_slice %dma_wait3A_219[%dma_wait3A_220, %dma_wait3A_221] : memref<50x64xf32, #tpu.memory_space<vmem>> -> memref<50x64xf32, #tpu.memory_space<vmem>>
      tpu.wait_dma2 semaphore(%run_scoped3A_187 : memref<!tpu.dma_semaphore, #tpu.memory_space<semaphore_mem>>) src(%dma_wait3A_222 : memref<50x64xf32, #tpu.memory_space<vmem>>) dst(%dma_wait3A_215 : memref<50x64xf32, #tpu.memory_space<vmem_shared>>)
      tpu.yield
    }) : () -> ()
    %add3A_23 = arith.constant 150 : i32
    %add3A_24 = arith.addi %mul3A_2, %add3A_23 : i32
    %run_scoped3A_25 = arith.constant 0 : i32
    "tpu.region"() ({
      %run_scoped3A_187 = tpu.sem_alloc : memref<!tpu.dma_semaphore, #tpu.memory_space<semaphore_mem>>
      %dma_start3A_188 = arith.constant 0 : i32
      %dma_start3A_189 = arith.constant 0 : i32
      %dma_start3A_190 = tpu.memref_slice %arg7[%run_scoped3A_25, %dma_start3A_188, %dma_start3A_189] : memref<8x50x64xf32, #tpu.memory_space<vmem>> -> memref<1x50x64xf32, #tpu.memory_space<vmem>>
      %dma_start3A_191 = tpu.memref_squeeze %dma_start3A_190 : memref<1x50x64xf32, #tpu.memory_space<vmem>> -> memref<50x64xf32, #tpu.memory_space<vmem>>
      %dma_start3A_192 = arith.constant 0 : i32
      %dma_start3A_193 = arith.constant 0 : i32
      %dma_start3A_194 = tpu.memref_slice %dma_start3A_191[%dma_start3A_192, %dma_start3A_193] : memref<50x64xf32, #tpu.memory_space<vmem>> -> memref<50x64xf32, #tpu.memory_space<vmem>>
      %dma_start3A_195 = arith.constant 0 : i32
      %dma_start3A_196 = tpu.memref_slice %arg6[%add3A_24, %dma_start3A_195] : memref<10112x64xf32, #tpu.memory_space<vmem_shared>> -> memref<50x64xf32, #tpu.memory_space<vmem_shared>>
      %dma_start3A_197 = arith.constant 0 : i32
      %dma_start3A_198 = tpu.memref_slice %arg6[%add3A_24, %dma_start3A_197] : memref<10112x64xf32, #tpu.memory_space<vmem_shared>> -> memref<50x64xf32, #tpu.memory_space<vmem_shared>>
      %dma_start3A_199 = arith.constant 0 : i32
      %dma_start3A_200 = arith.constant 0 : i32
      %dma_start3A_201 = tpu.memref_slice %arg7[%run_scoped3A_25, %dma_start3A_199, %dma_start3A_200] : memref<8x50x64xf32, #tpu.memory_space<vmem>> -> memref<1x50x64xf32, #tpu.memory_space<vmem>>
      %dma_start3A_202 = tpu.memref_squeeze %dma_start3A_201 : memref<1x50x64xf32, #tpu.memory_space<vmem>> -> memref<50x64xf32, #tpu.memory_space<vmem>>
      %dma_start3A_203 = arith.constant 0 : i32
      %dma_start3A_204 = arith.constant 0 : i32
      %dma_start3A_205 = tpu.memref_slice %dma_start3A_202[%dma_start3A_203, %dma_start3A_204] : memref<50x64xf32, #tpu.memory_space<vmem>> -> memref<50x64xf32, #tpu.memory_space<vmem>>
      tpu.enqueue_dma source(%dma_start3A_205 : memref<50x64xf32, #tpu.memory_space<vmem>>) target(%dma_start3A_198 : memref<50x64xf32, #tpu.memory_space<vmem_shared>>) target_semaphore(%run_scoped3A_187 : memref<!tpu.dma_semaphore, #tpu.memory_space<semaphore_mem>>)
      %dma_wait3A = arith.constant 0 : i32
      %dma_wait3A_206 = arith.constant 0 : i32
      %dma_wait3A_207 = tpu.memref_slice %arg7[%run_scoped3A_25, %dma_wait3A, %dma_wait3A_206] : memref<8x50x64xf32, #tpu.memory_space<vmem>> -> memref<1x50x64xf32, #tpu.memory_space<vmem>>
      %dma_wait3A_208 = tpu.memref_squeeze %dma_wait3A_207 : memref<1x50x64xf32, #tpu.memory_space<vmem>> -> memref<50x64xf32, #tpu.memory_space<vmem>>
      %dma_wait3A_209 = arith.constant 0 : i32
      %dma_wait3A_210 = arith.constant 0 : i32
      %dma_wait3A_211 = tpu.memref_slice %dma_wait3A_208[%dma_wait3A_209, %dma_wait3A_210] : memref<50x64xf32, #tpu.memory_space<vmem>> -> memref<50x64xf32, #tpu.memory_space<vmem>>
      %dma_wait3A_212 = arith.constant 0 : i32
      %dma_wait3A_213 = tpu.memref_slice %arg6[%add3A_24, %dma_wait3A_212] : memref<10112x64xf32, #tpu.memory_space<vmem_shared>> -> memref<50x64xf32, #tpu.memory_space<vmem_shared>>
      %dma_wait3A_214 = arith.constant 0 : i32
      %dma_wait3A_215 = tpu.memref_slice %arg6[%add3A_24, %dma_wait3A_214] : memref<10112x64xf32, #tpu.memory_space<vmem_shared>> -> memref<50x64xf32, #tpu.memory_space<vmem_shared>>
      %dma_wait3A_216 = arith.constant 0 : i32
      %dma_wait3A_217 = arith.constant 0 : i32
      %dma_wait3A_218 = tpu.memref_slice %arg7[%run_scoped3A_25, %dma_wait3A_216, %dma_wait3A_217] : memref<8x50x64xf32, #tpu.memory_space<vmem>> -> memref<1x50x64xf32, #tpu.memory_space<vmem>>
      %dma_wait3A_219 = tpu.memref_squeeze %dma_wait3A_218 : memref<1x50x64xf32, #tpu.memory_space<vmem>> -> memref<50x64xf32, #tpu.memory_space<vmem>>
      %dma_wait3A_220 = arith.constant 0 : i32
      %dma_wait3A_221 = arith.constant 0 : i32
      %dma_wait3A_222 = tpu.memref_slice %dma_wait3A_219[%dma_wait3A_220, %dma_wait3A_221] : memref<50x64xf32, #tpu.memory_space<vmem>> -> memref<50x64xf32, #tpu.memory_space<vmem>>
      tpu.wait_dma2 semaphore(%run_scoped3A_187 : memref<!tpu.dma_semaphore, #tpu.memory_space<semaphore_mem>>) src(%dma_wait3A_222 : memref<50x64xf32, #tpu.memory_space<vmem>>) dst(%dma_wait3A_215 : memref<50x64xf32, #tpu.memory_space<vmem_shared>>)
      tpu.yield
    }) : () -> ()
    %add3A_26 = arith.constant 200 : i32
    %add3A_27 = arith.addi %mul3A_2, %add3A_26 : i32
    %run_scoped3A_28 = arith.constant 0 : i32
    "tpu.region"() ({
      %run_scoped3A_187 = tpu.sem_alloc : memref<!tpu.dma_semaphore, #tpu.memory_space<semaphore_mem>>
      %dma_start3A_188 = arith.constant 0 : i32
      %dma_start3A_189 = arith.constant 0 : i32
      %dma_start3A_190 = tpu.memref_slice %arg7[%run_scoped3A_28, %dma_start3A_188, %dma_start3A_189] : memref<8x50x64xf32, #tpu.memory_space<vmem>> -> memref<1x50x64xf32, #tpu.memory_space<vmem>>
      %dma_start3A_191 = tpu.memref_squeeze %dma_start3A_190 : memref<1x50x64xf32, #tpu.memory_space<vmem>> -> memref<50x64xf32, #tpu.memory_space<vmem>>
      %dma_start3A_192 = arith.constant 0 : i32
      %dma_start3A_193 = arith.constant 0 : i32
      %dma_start3A_194 = tpu.memref_slice %dma_start3A_191[%dma_start3A_192, %dma_start3A_193] : memref<50x64xf32, #tpu.memory_space<vmem>> -> memref<50x64xf32, #tpu.memory_space<vmem>>
      %dma_start3A_195 = arith.constant 0 : i32
      %dma_start3A_196 = tpu.memref_slice %arg6[%add3A_27, %dma_start3A_195] : memref<10112x64xf32, #tpu.memory_space<vmem_shared>> -> memref<50x64xf32, #tpu.memory_space<vmem_shared>>
      %dma_start3A_197 = arith.constant 0 : i32
      %dma_start3A_198 = tpu.memref_slice %arg6[%add3A_27, %dma_start3A_197] : memref<10112x64xf32, #tpu.memory_space<vmem_shared>> -> memref<50x64xf32, #tpu.memory_space<vmem_shared>>
      %dma_start3A_199 = arith.constant 0 : i32
      %dma_start3A_200 = arith.constant 0 : i32
      %dma_start3A_201 = tpu.memref_slice %arg7[%run_scoped3A_28, %dma_start3A_199, %dma_start3A_200] : memref<8x50x64xf32, #tpu.memory_space<vmem>> -> memref<1x50x64xf32, #tpu.memory_space<vmem>>
      %dma_start3A_202 = tpu.memref_squeeze %dma_start3A_201 : memref<1x50x64xf32, #tpu.memory_space<vmem>> -> memref<50x64xf32, #tpu.memory_space<vmem>>
      %dma_start3A_203 = arith.constant 0 : i32
      %dma_start3A_204 = arith.constant 0 : i32
      %dma_start3A_205 = tpu.memref_slice %dma_start3A_202[%dma_start3A_203, %dma_start3A_204] : memref<50x64xf32, #tpu.memory_space<vmem>> -> memref<50x64xf32, #tpu.memory_space<vmem>>
      tpu.enqueue_dma source(%dma_start3A_205 : memref<50x64xf32, #tpu.memory_space<vmem>>) target(%dma_start3A_198 : memref<50x64xf32, #tpu.memory_space<vmem_shared>>) target_semaphore(%run_scoped3A_187 : memref<!tpu.dma_semaphore, #tpu.memory_space<semaphore_mem>>)
      %dma_wait3A = arith.constant 0 : i32
      %dma_wait3A_206 = arith.constant 0 : i32
      %dma_wait3A_207 = tpu.memref_slice %arg7[%run_scoped3A_28, %dma_wait3A, %dma_wait3A_206] : memref<8x50x64xf32, #tpu.memory_space<vmem>> -> memref<1x50x64xf32, #tpu.memory_space<vmem>>
      %dma_wait3A_208 = tpu.memref_squeeze %dma_wait3A_207 : memref<1x50x64xf32, #tpu.memory_space<vmem>> -> memref<50x64xf32, #tpu.memory_space<vmem>>
      %dma_wait3A_209 = arith.constant 0 : i32
      %dma_wait3A_210 = arith.constant 0 : i32
      %dma_wait3A_211 = tpu.memref_slice %dma_wait3A_208[%dma_wait3A_209, %dma_wait3A_210] : memref<50x64xf32, #tpu.memory_space<vmem>> -> memref<50x64xf32, #tpu.memory_space<vmem>>
      %dma_wait3A_212 = arith.constant 0 : i32
      %dma_wait3A_213 = tpu.memref_slice %arg6[%add3A_27, %dma_wait3A_212] : memref<10112x64xf32, #tpu.memory_space<vmem_shared>> -> memref<50x64xf32, #tpu.memory_space<vmem_shared>>
      %dma_wait3A_214 = arith.constant 0 : i32
      %dma_wait3A_215 = tpu.memref_slice %arg6[%add3A_27, %dma_wait3A_214] : memref<10112x64xf32, #tpu.memory_space<vmem_shared>> -> memref<50x64xf32, #tpu.memory_space<vmem_shared>>
      %dma_wait3A_216 = arith.constant 0 : i32
      %dma_wait3A_217 = arith.constant 0 : i32
      %dma_wait3A_218 = tpu.memref_slice %arg7[%run_scoped3A_28, %dma_wait3A_216, %dma_wait3A_217] : memref<8x50x64xf32, #tpu.memory_space<vmem>> -> memref<1x50x64xf32, #tpu.memory_space<vmem>>
      %dma_wait3A_219 = tpu.memref_squeeze %dma_wait3A_218 : memref<1x50x64xf32, #tpu.memory_space<vmem>> -> memref<50x64xf32, #tpu.memory_space<vmem>>
      %dma_wait3A_220 = arith.constant 0 : i32
      %dma_wait3A_221 = arith.constant 0 : i32
      %dma_wait3A_222 = tpu.memref_slice %dma_wait3A_219[%dma_wait3A_220, %dma_wait3A_221] : memref<50x64xf32, #tpu.memory_space<vmem>> -> memref<50x64xf32, #tpu.memory_space<vmem>>
      tpu.wait_dma2 semaphore(%run_scoped3A_187 : memref<!tpu.dma_semaphore, #tpu.memory_space<semaphore_mem>>) src(%dma_wait3A_222 : memref<50x64xf32, #tpu.memory_space<vmem>>) dst(%dma_wait3A_215 : memref<50x64xf32, #tpu.memory_space<vmem_shared>>)
      tpu.yield
    }) : () -> ()
    %add3A_29 = arith.constant 250 : i32
    %add3A_30 = arith.addi %mul3A_2, %add3A_29 : i32
    %run_scoped3A_31 = arith.constant 0 : i32
    "tpu.region"() ({
      %run_scoped3A_187 = tpu.sem_alloc : memref<!tpu.dma_semaphore, #tpu.memory_space<semaphore_mem>>
      %dma_start3A_188 = arith.constant 0 : i32
      %dma_start3A_189 = arith.constant 0 : i32
      %dma_start3A_190 = tpu.memref_slice %arg7[%run_scoped3A_31, %dma_start3A_188, %dma_start3A_189] : memref<8x50x64xf32, #tpu.memory_space<vmem>> -> memref<1x50x64xf32, #tpu.memory_space<vmem>>
      %dma_start3A_191 = tpu.memref_squeeze %dma_start3A_190 : memref<1x50x64xf32, #tpu.memory_space<vmem>> -> memref<50x64xf32, #tpu.memory_space<vmem>>
      %dma_start3A_192 = arith.constant 0 : i32
      %dma_start3A_193 = arith.constant 0 : i32
      %dma_start3A_194 = tpu.memref_slice %dma_start3A_191[%dma_start3A_192, %dma_start3A_193] : memref<50x64xf32, #tpu.memory_space<vmem>> -> memref<50x64xf32, #tpu.memory_space<vmem>>
      %dma_start3A_195 = arith.constant 0 : i32
      %dma_start3A_196 = tpu.memref_slice %arg6[%add3A_30, %dma_start3A_195] : memref<10112x64xf32, #tpu.memory_space<vmem_shared>> -> memref<50x64xf32, #tpu.memory_space<vmem_shared>>
      %dma_start3A_197 = arith.constant 0 : i32
      %dma_start3A_198 = tpu.memref_slice %arg6[%add3A_30, %dma_start3A_197] : memref<10112x64xf32, #tpu.memory_space<vmem_shared>> -> memref<50x64xf32, #tpu.memory_space<vmem_shared>>
      %dma_start3A_199 = arith.constant 0 : i32
      %dma_start3A_200 = arith.constant 0 : i32
      %dma_start3A_201 = tpu.memref_slice %arg7[%run_scoped3A_31, %dma_start3A_199, %dma_start3A_200] : memref<8x50x64xf32, #tpu.memory_space<vmem>> -> memref<1x50x64xf32, #tpu.memory_space<vmem>>
      %dma_start3A_202 = tpu.memref_squeeze %dma_start3A_201 : memref<1x50x64xf32, #tpu.memory_space<vmem>> -> memref<50x64xf32, #tpu.memory_space<vmem>>
      %dma_start3A_203 = arith.constant 0 : i32
      %dma_start3A_204 = arith.constant 0 : i32
      %dma_start3A_205 = tpu.memref_slice %dma_start3A_202[%dma_start3A_203, %dma_start3A_204] : memref<50x64xf32, #tpu.memory_space<vmem>> -> memref<50x64xf32, #tpu.memory_space<vmem>>
      tpu.enqueue_dma source(%dma_start3A_205 : memref<50x64xf32, #tpu.memory_space<vmem>>) target(%dma_start3A_198 : memref<50x64xf32, #tpu.memory_space<vmem_shared>>) target_semaphore(%run_scoped3A_187 : memref<!tpu.dma_semaphore, #tpu.memory_space<semaphore_mem>>)
      %dma_wait3A = arith.constant 0 : i32
      %dma_wait3A_206 = arith.constant 0 : i32
      %dma_wait3A_207 = tpu.memref_slice %arg7[%run_scoped3A_31, %dma_wait3A, %dma_wait3A_206] : memref<8x50x64xf32, #tpu.memory_space<vmem>> -> memref<1x50x64xf32, #tpu.memory_space<vmem>>
      %dma_wait3A_208 = tpu.memref_squeeze %dma_wait3A_207 : memref<1x50x64xf32, #tpu.memory_space<vmem>> -> memref<50x64xf32, #tpu.memory_space<vmem>>
      %dma_wait3A_209 = arith.constant 0 : i32
      %dma_wait3A_210 = arith.constant 0 : i32
      %dma_wait3A_211 = tpu.memref_slice %dma_wait3A_208[%dma_wait3A_209, %dma_wait3A_210] : memref<50x64xf32, #tpu.memory_space<vmem>> -> memref<50x64xf32, #tpu.memory_space<vmem>>
      %dma_wait3A_212 = arith.constant 0 : i32
      %dma_wait3A_213 = tpu.memref_slice %arg6[%add3A_30, %dma_wait3A_212] : memref<10112x64xf32, #tpu.memory_space<vmem_shared>> -> memref<50x64xf32, #tpu.memory_space<vmem_shared>>
      %dma_wait3A_214 = arith.constant 0 : i32
      %dma_wait3A_215 = tpu.memref_slice %arg6[%add3A_30, %dma_wait3A_214] : memref<10112x64xf32, #tpu.memory_space<vmem_shared>> -> memref<50x64xf32, #tpu.memory_space<vmem_shared>>
      %dma_wait3A_216 = arith.constant 0 : i32
      %dma_wait3A_217 = arith.constant 0 : i32
      %dma_wait3A_218 = tpu.memref_slice %arg7[%run_scoped3A_31, %dma_wait3A_216, %dma_wait3A_217] : memref<8x50x64xf32, #tpu.memory_space<vmem>> -> memref<1x50x64xf32, #tpu.memory_space<vmem>>
      %dma_wait3A_219 = tpu.memref_squeeze %dma_wait3A_218 : memref<1x50x64xf32, #tpu.memory_space<vmem>> -> memref<50x64xf32, #tpu.memory_space<vmem>>
      %dma_wait3A_220 = arith.constant 0 : i32
      %dma_wait3A_221 = arith.constant 0 : i32
      %dma_wait3A_222 = tpu.memref_slice %dma_wait3A_219[%dma_wait3A_220, %dma_wait3A_221] : memref<50x64xf32, #tpu.memory_space<vmem>> -> memref<50x64xf32, #tpu.memory_space<vmem>>
      tpu.wait_dma2 semaphore(%run_scoped3A_187 : memref<!tpu.dma_semaphore, #tpu.memory_space<semaphore_mem>>) src(%dma_wait3A_222 : memref<50x64xf32, #tpu.memory_space<vmem>>) dst(%dma_wait3A_215 : memref<50x64xf32, #tpu.memory_space<vmem_shared>>)
      tpu.yield
    }) : () -> ()
    %add3A_32 = arith.constant 300 : i32
    %add3A_33 = arith.addi %mul3A_2, %add3A_32 : i32
    %run_scoped3A_34 = arith.constant 0 : i32
    "tpu.region"() ({
      %run_scoped3A_187 = tpu.sem_alloc : memref<!tpu.dma_semaphore, #tpu.memory_space<semaphore_mem>>
      %dma_start3A_188 = arith.constant 0 : i32
      %dma_start3A_189 = arith.constant 0 : i32
      %dma_start3A_190 = tpu.memref_slice %arg7[%run_scoped3A_34, %dma_start3A_188, %dma_start3A_189] : memref<8x50x64xf32, #tpu.memory_space<vmem>> -> memref<1x50x64xf32, #tpu.memory_space<vmem>>
      %dma_start3A_191 = tpu.memref_squeeze %dma_start3A_190 : memref<1x50x64xf32, #tpu.memory_space<vmem>> -> memref<50x64xf32, #tpu.memory_space<vmem>>
      %dma_start3A_192 = arith.constant 0 : i32
      %dma_start3A_193 = arith.constant 0 : i32
      %dma_start3A_194 = tpu.memref_slice %dma_start3A_191[%dma_start3A_192, %dma_start3A_193] : memref<50x64xf32, #tpu.memory_space<vmem>> -> memref<50x64xf32, #tpu.memory_space<vmem>>
      %dma_start3A_195 = arith.constant 0 : i32
      %dma_start3A_196 = tpu.memref_slice %arg6[%add3A_33, %dma_start3A_195] : memref<10112x64xf32, #tpu.memory_space<vmem_shared>> -> memref<50x64xf32, #tpu.memory_space<vmem_shared>>
      %dma_start3A_197 = arith.constant 0 : i32
      %dma_start3A_198 = tpu.memref_slice %arg6[%add3A_33, %dma_start3A_197] : memref<10112x64xf32, #tpu.memory_space<vmem_shared>> -> memref<50x64xf32, #tpu.memory_space<vmem_shared>>
      %dma_start3A_199 = arith.constant 0 : i32
      %dma_start3A_200 = arith.constant 0 : i32
      %dma_start3A_201 = tpu.memref_slice %arg7[%run_scoped3A_34, %dma_start3A_199, %dma_start3A_200] : memref<8x50x64xf32, #tpu.memory_space<vmem>> -> memref<1x50x64xf32, #tpu.memory_space<vmem>>
      %dma_start3A_202 = tpu.memref_squeeze %dma_start3A_201 : memref<1x50x64xf32, #tpu.memory_space<vmem>> -> memref<50x64xf32, #tpu.memory_space<vmem>>
      %dma_start3A_203 = arith.constant 0 : i32
      %dma_start3A_204 = arith.constant 0 : i32
      %dma_start3A_205 = tpu.memref_slice %dma_start3A_202[%dma_start3A_203, %dma_start3A_204] : memref<50x64xf32, #tpu.memory_space<vmem>> -> memref<50x64xf32, #tpu.memory_space<vmem>>
      tpu.enqueue_dma source(%dma_start3A_205 : memref<50x64xf32, #tpu.memory_space<vmem>>) target(%dma_start3A_198 : memref<50x64xf32, #tpu.memory_space<vmem_shared>>) target_semaphore(%run_scoped3A_187 : memref<!tpu.dma_semaphore, #tpu.memory_space<semaphore_mem>>)
      %dma_wait3A = arith.constant 0 : i32
      %dma_wait3A_206 = arith.constant 0 : i32
      %dma_wait3A_207 = tpu.memref_slice %arg7[%run_scoped3A_34, %dma_wait3A, %dma_wait3A_206] : memref<8x50x64xf32, #tpu.memory_space<vmem>> -> memref<1x50x64xf32, #tpu.memory_space<vmem>>
      %dma_wait3A_208 = tpu.memref_squeeze %dma_wait3A_207 : memref<1x50x64xf32, #tpu.memory_space<vmem>> -> memref<50x64xf32, #tpu.memory_space<vmem>>
      %dma_wait3A_209 = arith.constant 0 : i32
      %dma_wait3A_210 = arith.constant 0 : i32
      %dma_wait3A_211 = tpu.memref_slice %dma_wait3A_208[%dma_wait3A_209, %dma_wait3A_210] : memref<50x64xf32, #tpu.memory_space<vmem>> -> memref<50x64xf32, #tpu.memory_space<vmem>>
      %dma_wait3A_212 = arith.constant 0 : i32
      %dma_wait3A_213 = tpu.memref_slice %arg6[%add3A_33, %dma_wait3A_212] : memref<10112x64xf32, #tpu.memory_space<vmem_shared>> -> memref<50x64xf32, #tpu.memory_space<vmem_shared>>
      %dma_wait3A_214 = arith.constant 0 : i32
      %dma_wait3A_215 = tpu.memref_slice %arg6[%add3A_33, %dma_wait3A_214] : memref<10112x64xf32, #tpu.memory_space<vmem_shared>> -> memref<50x64xf32, #tpu.memory_space<vmem_shared>>
      %dma_wait3A_216 = arith.constant 0 : i32
      %dma_wait3A_217 = arith.constant 0 : i32
      %dma_wait3A_218 = tpu.memref_slice %arg7[%run_scoped3A_34, %dma_wait3A_216, %dma_wait3A_217] : memref<8x50x64xf32, #tpu.memory_space<vmem>> -> memref<1x50x64xf32, #tpu.memory_space<vmem>>
      %dma_wait3A_219 = tpu.memref_squeeze %dma_wait3A_218 : memref<1x50x64xf32, #tpu.memory_space<vmem>> -> memref<50x64xf32, #tpu.memory_space<vmem>>
      %dma_wait3A_220 = arith.constant 0 : i32
      %dma_wait3A_221 = arith.constant 0 : i32
      %dma_wait3A_222 = tpu.memref_slice %dma_wait3A_219[%dma_wait3A_220, %dma_wait3A_221] : memref<50x64xf32, #tpu.memory_space<vmem>> -> memref<50x64xf32, #tpu.memory_space<vmem>>
      tpu.wait_dma2 semaphore(%run_scoped3A_187 : memref<!tpu.dma_semaphore, #tpu.memory_space<semaphore_mem>>) src(%dma_wait3A_222 : memref<50x64xf32, #tpu.memory_space<vmem>>) dst(%dma_wait3A_215 : memref<50x64xf32, #tpu.memory_space<vmem_shared>>)
      tpu.yield
    }) : () -> ()
    %add3A_35 = arith.constant 350 : i32
    %add3A_36 = arith.addi %mul3A_2, %add3A_35 : i32
    %run_scoped3A_37 = arith.constant 0 : i32
    "tpu.region"() ({
      %run_scoped3A_187 = tpu.sem_alloc : memref<!tpu.dma_semaphore, #tpu.memory_space<semaphore_mem>>
      %dma_start3A_188 = arith.constant 0 : i32
      %dma_start3A_189 = arith.constant 0 : i32
      %dma_start3A_190 = tpu.memref_slice %arg7[%run_scoped3A_37, %dma_start3A_188, %dma_start3A_189] : memref<8x50x64xf32, #tpu.memory_space<vmem>> -> memref<1x50x64xf32, #tpu.memory_space<vmem>>
      %dma_start3A_191 = tpu.memref_squeeze %dma_start3A_190 : memref<1x50x64xf32, #tpu.memory_space<vmem>> -> memref<50x64xf32, #tpu.memory_space<vmem>>
      %dma_start3A_192 = arith.constant 0 : i32
      %dma_start3A_193 = arith.constant 0 : i32
      %dma_start3A_194 = tpu.memref_slice %dma_start3A_191[%dma_start3A_192, %dma_start3A_193] : memref<50x64xf32, #tpu.memory_space<vmem>> -> memref<50x64xf32, #tpu.memory_space<vmem>>
      %dma_start3A_195 = arith.constant 0 : i32
      %dma_start3A_196 = tpu.memref_slice %arg6[%add3A_36, %dma_start3A_195] : memref<10112x64xf32, #tpu.memory_space<vmem_shared>> -> memref<50x64xf32, #tpu.memory_space<vmem_shared>>
      %dma_start3A_197 = arith.constant 0 : i32
      %dma_start3A_198 = tpu.memref_slice %arg6[%add3A_36, %dma_start3A_197] : memref<10112x64xf32, #tpu.memory_space<vmem_shared>> -> memref<50x64xf32, #tpu.memory_space<vmem_shared>>
      %dma_start3A_199 = arith.constant 0 : i32
      %dma_start3A_200 = arith.constant 0 : i32
      %dma_start3A_201 = tpu.memref_slice %arg7[%run_scoped3A_37, %dma_start3A_199, %dma_start3A_200] : memref<8x50x64xf32, #tpu.memory_space<vmem>> -> memref<1x50x64xf32, #tpu.memory_space<vmem>>
      %dma_start3A_202 = tpu.memref_squeeze %dma_start3A_201 : memref<1x50x64xf32, #tpu.memory_space<vmem>> -> memref<50x64xf32, #tpu.memory_space<vmem>>
      %dma_start3A_203 = arith.constant 0 : i32
      %dma_start3A_204 = arith.constant 0 : i32
      %dma_start3A_205 = tpu.memref_slice %dma_start3A_202[%dma_start3A_203, %dma_start3A_204] : memref<50x64xf32, #tpu.memory_space<vmem>> -> memref<50x64xf32, #tpu.memory_space<vmem>>
      tpu.enqueue_dma source(%dma_start3A_205 : memref<50x64xf32, #tpu.memory_space<vmem>>) target(%dma_start3A_198 : memref<50x64xf32, #tpu.memory_space<vmem_shared>>) target_semaphore(%run_scoped3A_187 : memref<!tpu.dma_semaphore, #tpu.memory_space<semaphore_mem>>)
      %dma_wait3A = arith.constant 0 : i32
      %dma_wait3A_206 = arith.constant 0 : i32
      %dma_wait3A_207 = tpu.memref_slice %arg7[%run_scoped3A_37, %dma_wait3A, %dma_wait3A_206] : memref<8x50x64xf32, #tpu.memory_space<vmem>> -> memref<1x50x64xf32, #tpu.memory_space<vmem>>
      %dma_wait3A_208 = tpu.memref_squeeze %dma_wait3A_207 : memref<1x50x64xf32, #tpu.memory_space<vmem>> -> memref<50x64xf32, #tpu.memory_space<vmem>>
      %dma_wait3A_209 = arith.constant 0 : i32
      %dma_wait3A_210 = arith.constant 0 : i32
      %dma_wait3A_211 = tpu.memref_slice %dma_wait3A_208[%dma_wait3A_209, %dma_wait3A_210] : memref<50x64xf32, #tpu.memory_space<vmem>> -> memref<50x64xf32, #tpu.memory_space<vmem>>
      %dma_wait3A_212 = arith.constant 0 : i32
      %dma_wait3A_213 = tpu.memref_slice %arg6[%add3A_36, %dma_wait3A_212] : memref<10112x64xf32, #tpu.memory_space<vmem_shared>> -> memref<50x64xf32, #tpu.memory_space<vmem_shared>>
      %dma_wait3A_214 = arith.constant 0 : i32
      %dma_wait3A_215 = tpu.memref_slice %arg6[%add3A_36, %dma_wait3A_214] : memref<10112x64xf32, #tpu.memory_space<vmem_shared>> -> memref<50x64xf32, #tpu.memory_space<vmem_shared>>
      %dma_wait3A_216 = arith.constant 0 : i32
      %dma_wait3A_217 = arith.constant 0 : i32
      %dma_wait3A_218 = tpu.memref_slice %arg7[%run_scoped3A_37, %dma_wait3A_216, %dma_wait3A_217] : memref<8x50x64xf32, #tpu.memory_space<vmem>> -> memref<1x50x64xf32, #tpu.memory_space<vmem>>
      %dma_wait3A_219 = tpu.memref_squeeze %dma_wait3A_218 : memref<1x50x64xf32, #tpu.memory_space<vmem>> -> memref<50x64xf32, #tpu.memory_space<vmem>>
      %dma_wait3A_220 = arith.constant 0 : i32
      %dma_wait3A_221 = arith.constant 0 : i32
      %dma_wait3A_222 = tpu.memref_slice %dma_wait3A_219[%dma_wait3A_220, %dma_wait3A_221] : memref<50x64xf32, #tpu.memory_space<vmem>> -> memref<50x64xf32, #tpu.memory_space<vmem>>
      tpu.wait_dma2 semaphore(%run_scoped3A_187 : memref<!tpu.dma_semaphore, #tpu.memory_space<semaphore_mem>>) src(%dma_wait3A_222 : memref<50x64xf32, #tpu.memory_space<vmem>>) dst(%dma_wait3A_215 : memref<50x64xf32, #tpu.memory_space<vmem_shared>>)
      tpu.yield
    }) : () -> ()
    %add3A_38 = arith.constant 400 : i32
    %add3A_39 = arith.addi %mul3A_2, %add3A_38 : i32
    %run_scoped3A_40 = arith.constant 0 : i32
    "tpu.region"() ({
      %run_scoped3A_187 = tpu.sem_alloc : memref<!tpu.dma_semaphore, #tpu.memory_space<semaphore_mem>>
      %dma_start3A_188 = arith.constant 0 : i32
      %dma_start3A_189 = arith.constant 0 : i32
      %dma_start3A_190 = tpu.memref_slice %arg7[%run_scoped3A_40, %dma_start3A_188, %dma_start3A_189] : memref<8x50x64xf32, #tpu.memory_space<vmem>> -> memref<1x50x64xf32, #tpu.memory_space<vmem>>
      %dma_start3A_191 = tpu.memref_squeeze %dma_start3A_190 : memref<1x50x64xf32, #tpu.memory_space<vmem>> -> memref<50x64xf32, #tpu.memory_space<vmem>>
      %dma_start3A_192 = arith.constant 0 : i32
      %dma_start3A_193 = arith.constant 0 : i32
      %dma_start3A_194 = tpu.memref_slice %dma_start3A_191[%dma_start3A_192, %dma_start3A_193] : memref<50x64xf32, #tpu.memory_space<vmem>> -> memref<50x64xf32, #tpu.memory_space<vmem>>
      %dma_start3A_195 = arith.constant 0 : i32
      %dma_start3A_196 = tpu.memref_slice %arg6[%add3A_39, %dma_start3A_195] : memref<10112x64xf32, #tpu.memory_space<vmem_shared>> -> memref<50x64xf32, #tpu.memory_space<vmem_shared>>
      %dma_start3A_197 = arith.constant 0 : i32
      %dma_start3A_198 = tpu.memref_slice %arg6[%add3A_39, %dma_start3A_197] : memref<10112x64xf32, #tpu.memory_space<vmem_shared>> -> memref<50x64xf32, #tpu.memory_space<vmem_shared>>
      %dma_start3A_199 = arith.constant 0 : i32
      %dma_start3A_200 = arith.constant 0 : i32
      %dma_start3A_201 = tpu.memref_slice %arg7[%run_scoped3A_40, %dma_start3A_199, %dma_start3A_200] : memref<8x50x64xf32, #tpu.memory_space<vmem>> -> memref<1x50x64xf32, #tpu.memory_space<vmem>>
      %dma_start3A_202 = tpu.memref_squeeze %dma_start3A_201 : memref<1x50x64xf32, #tpu.memory_space<vmem>> -> memref<50x64xf32, #tpu.memory_space<vmem>>
      %dma_start3A_203 = arith.constant 0 : i32
      %dma_start3A_204 = arith.constant 0 : i32
      %dma_start3A_205 = tpu.memref_slice %dma_start3A_202[%dma_start3A_203, %dma_start3A_204] : memref<50x64xf32, #tpu.memory_space<vmem>> -> memref<50x64xf32, #tpu.memory_space<vmem>>
      tpu.enqueue_dma source(%dma_start3A_205 : memref<50x64xf32, #tpu.memory_space<vmem>>) target(%dma_start3A_198 : memref<50x64xf32, #tpu.memory_space<vmem_shared>>) target_semaphore(%run_scoped3A_187 : memref<!tpu.dma_semaphore, #tpu.memory_space<semaphore_mem>>)
      %dma_wait3A = arith.constant 0 : i32
      %dma_wait3A_206 = arith.constant 0 : i32
      %dma_wait3A_207 = tpu.memref_slice %arg7[%run_scoped3A_40, %dma_wait3A, %dma_wait3A_206] : memref<8x50x64xf32, #tpu.memory_space<vmem>> -> memref<1x50x64xf32, #tpu.memory_space<vmem>>
      %dma_wait3A_208 = tpu.memref_squeeze %dma_wait3A_207 : memref<1x50x64xf32, #tpu.memory_space<vmem>> -> memref<50x64xf32, #tpu.memory_space<vmem>>
      %dma_wait3A_209 = arith.constant 0 : i32
      %dma_wait3A_210 = arith.constant 0 : i32
      %dma_wait3A_211 = tpu.memref_slice %dma_wait3A_208[%dma_wait3A_209, %dma_wait3A_210] : memref<50x64xf32, #tpu.memory_space<vmem>> -> memref<50x64xf32, #tpu.memory_space<vmem>>
      %dma_wait3A_212 = arith.constant 0 : i32
      %dma_wait3A_213 = tpu.memref_slice %arg6[%add3A_39, %dma_wait3A_212] : memref<10112x64xf32, #tpu.memory_space<vmem_shared>> -> memref<50x64xf32, #tpu.memory_space<vmem_shared>>
      %dma_wait3A_214 = arith.constant 0 : i32
      %dma_wait3A_215 = tpu.memref_slice %arg6[%add3A_39, %dma_wait3A_214] : memref<10112x64xf32, #tpu.memory_space<vmem_shared>> -> memref<50x64xf32, #tpu.memory_space<vmem_shared>>
      %dma_wait3A_216 = arith.constant 0 : i32
      %dma_wait3A_217 = arith.constant 0 : i32
      %dma_wait3A_218 = tpu.memref_slice %arg7[%run_scoped3A_40, %dma_wait3A_216, %dma_wait3A_217] : memref<8x50x64xf32, #tpu.memory_space<vmem>> -> memref<1x50x64xf32, #tpu.memory_space<vmem>>
      %dma_wait3A_219 = tpu.memref_squeeze %dma_wait3A_218 : memref<1x50x64xf32, #tpu.memory_space<vmem>> -> memref<50x64xf32, #tpu.memory_space<vmem>>
      %dma_wait3A_220 = arith.constant 0 : i32
      %dma_wait3A_221 = arith.constant 0 : i32
      %dma_wait3A_222 = tpu.memref_slice %dma_wait3A_219[%dma_wait3A_220, %dma_wait3A_221] : memref<50x64xf32, #tpu.memory_space<vmem>> -> memref<50x64xf32, #tpu.memory_space<vmem>>
      tpu.wait_dma2 semaphore(%run_scoped3A_187 : memref<!tpu.dma_semaphore, #tpu.memory_space<semaphore_mem>>) src(%dma_wait3A_222 : memref<50x64xf32, #tpu.memory_space<vmem>>) dst(%dma_wait3A_215 : memref<50x64xf32, #tpu.memory_space<vmem_shared>>)
      tpu.yield
    }) : () -> ()
    %add3A_41 = arith.constant 450 : i32
    %add3A_42 = arith.addi %mul3A_2, %add3A_41 : i32
    %run_scoped3A_43 = arith.constant 0 : i32
    "tpu.region"() ({
      %run_scoped3A_187 = tpu.sem_alloc : memref<!tpu.dma_semaphore, #tpu.memory_space<semaphore_mem>>
      %dma_start3A_188 = arith.constant 0 : i32
      %dma_start3A_189 = arith.constant 0 : i32
      %dma_start3A_190 = tpu.memref_slice %arg7[%run_scoped3A_43, %dma_start3A_188, %dma_start3A_189] : memref<8x50x64xf32, #tpu.memory_space<vmem>> -> memref<1x50x64xf32, #tpu.memory_space<vmem>>
      %dma_start3A_191 = tpu.memref_squeeze %dma_start3A_190 : memref<1x50x64xf32, #tpu.memory_space<vmem>> -> memref<50x64xf32, #tpu.memory_space<vmem>>
      %dma_start3A_192 = arith.constant 0 : i32
      %dma_start3A_193 = arith.constant 0 : i32
      %dma_start3A_194 = tpu.memref_slice %dma_start3A_191[%dma_start3A_192, %dma_start3A_193] : memref<50x64xf32, #tpu.memory_space<vmem>> -> memref<50x64xf32, #tpu.memory_space<vmem>>
      %dma_start3A_195 = arith.constant 0 : i32
      %dma_start3A_196 = tpu.memref_slice %arg6[%add3A_42, %dma_start3A_195] : memref<10112x64xf32, #tpu.memory_space<vmem_shared>> -> memref<50x64xf32, #tpu.memory_space<vmem_shared>>
      %dma_start3A_197 = arith.constant 0 : i32
      %dma_start3A_198 = tpu.memref_slice %arg6[%add3A_42, %dma_start3A_197] : memref<10112x64xf32, #tpu.memory_space<vmem_shared>> -> memref<50x64xf32, #tpu.memory_space<vmem_shared>>
      %dma_start3A_199 = arith.constant 0 : i32
      %dma_start3A_200 = arith.constant 0 : i32
      %dma_start3A_201 = tpu.memref_slice %arg7[%run_scoped3A_43, %dma_start3A_199, %dma_start3A_200] : memref<8x50x64xf32, #tpu.memory_space<vmem>> -> memref<1x50x64xf32, #tpu.memory_space<vmem>>
      %dma_start3A_202 = tpu.memref_squeeze %dma_start3A_201 : memref<1x50x64xf32, #tpu.memory_space<vmem>> -> memref<50x64xf32, #tpu.memory_space<vmem>>
      %dma_start3A_203 = arith.constant 0 : i32
      %dma_start3A_204 = arith.constant 0 : i32
      %dma_start3A_205 = tpu.memref_slice %dma_start3A_202[%dma_start3A_203, %dma_start3A_204] : memref<50x64xf32, #tpu.memory_space<vmem>> -> memref<50x64xf32, #tpu.memory_space<vmem>>
      tpu.enqueue_dma source(%dma_start3A_205 : memref<50x64xf32, #tpu.memory_space<vmem>>) target(%dma_start3A_198 : memref<50x64xf32, #tpu.memory_space<vmem_shared>>) target_semaphore(%run_scoped3A_187 : memref<!tpu.dma_semaphore, #tpu.memory_space<semaphore_mem>>)
      %dma_wait3A = arith.constant 0 : i32
      %dma_wait3A_206 = arith.constant 0 : i32
      %dma_wait3A_207 = tpu.memref_slice %arg7[%run_scoped3A_43, %dma_wait3A, %dma_wait3A_206] : memref<8x50x64xf32, #tpu.memory_space<vmem>> -> memref<1x50x64xf32, #tpu.memory_space<vmem>>
      %dma_wait3A_208 = tpu.memref_squeeze %dma_wait3A_207 : memref<1x50x64xf32, #tpu.memory_space<vmem>> -> memref<50x64xf32, #tpu.memory_space<vmem>>
      %dma_wait3A_209 = arith.constant 0 : i32
      %dma_wait3A_210 = arith.constant 0 : i32
      %dma_wait3A_211 = tpu.memref_slice %dma_wait3A_208[%dma_wait3A_209, %dma_wait3A_210] : memref<50x64xf32, #tpu.memory_space<vmem>> -> memref<50x64xf32, #tpu.memory_space<vmem>>
      %dma_wait3A_212 = arith.constant 0 : i32
      %dma_wait3A_213 = tpu.memref_slice %arg6[%add3A_42, %dma_wait3A_212] : memref<10112x64xf32, #tpu.memory_space<vmem_shared>> -> memref<50x64xf32, #tpu.memory_space<vmem_shared>>
      %dma_wait3A_214 = arith.constant 0 : i32
      %dma_wait3A_215 = tpu.memref_slice %arg6[%add3A_42, %dma_wait3A_214] : memref<10112x64xf32, #tpu.memory_space<vmem_shared>> -> memref<50x64xf32, #tpu.memory_space<vmem_shared>>
      %dma_wait3A_216 = arith.constant 0 : i32
      %dma_wait3A_217 = arith.constant 0 : i32
      %dma_wait3A_218 = tpu.memref_slice %arg7[%run_scoped3A_43, %dma_wait3A_216, %dma_wait3A_217] : memref<8x50x64xf32, #tpu.memory_space<vmem>> -> memref<1x50x64xf32, #tpu.memory_space<vmem>>
      %dma_wait3A_219 = tpu.memref_squeeze %dma_wait3A_218 : memref<1x50x64xf32, #tpu.memory_space<vmem>> -> memref<50x64xf32, #tpu.memory_space<vmem>>
      %dma_wait3A_220 = arith.constant 0 : i32
      %dma_wait3A_221 = arith.constant 0 : i32
      %dma_wait3A_222 = tpu.memref_slice %dma_wait3A_219[%dma_wait3A_220, %dma_wait3A_221] : memref<50x64xf32, #tpu.memory_space<vmem>> -> memref<50x64xf32, #tpu.memory_space<vmem>>
      tpu.wait_dma2 semaphore(%run_scoped3A_187 : memref<!tpu.dma_semaphore, #tpu.memory_space<semaphore_mem>>) src(%dma_wait3A_222 : memref<50x64xf32, #tpu.memory_space<vmem>>) dst(%dma_wait3A_215 : memref<50x64xf32, #tpu.memory_space<vmem_shared>>)
      tpu.yield
    }) : () -> ()
    %add3A_44 = arith.constant 500 : i32
    %add3A_45 = arith.addi %mul3A_2, %add3A_44 : i32
    %run_scoped3A_46 = arith.constant 0 : i32
    "tpu.region"() ({
      %run_scoped3A_187 = tpu.sem_alloc : memref<!tpu.dma_semaphore, #tpu.memory_space<semaphore_mem>>
      %dma_start3A_188 = arith.constant 0 : i32
      %dma_start3A_189 = arith.constant 0 : i32
      %dma_start3A_190 = tpu.memref_slice %arg7[%run_scoped3A_46, %dma_start3A_188, %dma_start3A_189] : memref<8x50x64xf32, #tpu.memory_space<vmem>> -> memref<1x50x64xf32, #tpu.memory_space<vmem>>
      %dma_start3A_191 = tpu.memref_squeeze %dma_start3A_190 : memref<1x50x64xf32, #tpu.memory_space<vmem>> -> memref<50x64xf32, #tpu.memory_space<vmem>>
      %dma_start3A_192 = arith.constant 0 : i32
      %dma_start3A_193 = arith.constant 0 : i32
      %dma_start3A_194 = tpu.memref_slice %dma_start3A_191[%dma_start3A_192, %dma_start3A_193] : memref<50x64xf32, #tpu.memory_space<vmem>> -> memref<50x64xf32, #tpu.memory_space<vmem>>
      %dma_start3A_195 = arith.constant 0 : i32
      %dma_start3A_196 = tpu.memref_slice %arg6[%add3A_45, %dma_start3A_195] : memref<10112x64xf32, #tpu.memory_space<vmem_shared>> -> memref<50x64xf32, #tpu.memory_space<vmem_shared>>
      %dma_start3A_197 = arith.constant 0 : i32
      %dma_start3A_198 = tpu.memref_slice %arg6[%add3A_45, %dma_start3A_197] : memref<10112x64xf32, #tpu.memory_space<vmem_shared>> -> memref<50x64xf32, #tpu.memory_space<vmem_shared>>
      %dma_start3A_199 = arith.constant 0 : i32
      %dma_start3A_200 = arith.constant 0 : i32
      %dma_start3A_201 = tpu.memref_slice %arg7[%run_scoped3A_46, %dma_start3A_199, %dma_start3A_200] : memref<8x50x64xf32, #tpu.memory_space<vmem>> -> memref<1x50x64xf32, #tpu.memory_space<vmem>>
      %dma_start3A_202 = tpu.memref_squeeze %dma_start3A_201 : memref<1x50x64xf32, #tpu.memory_space<vmem>> -> memref<50x64xf32, #tpu.memory_space<vmem>>
      %dma_start3A_203 = arith.constant 0 : i32
      %dma_start3A_204 = arith.constant 0 : i32
      %dma_start3A_205 = tpu.memref_slice %dma_start3A_202[%dma_start3A_203, %dma_start3A_204] : memref<50x64xf32, #tpu.memory_space<vmem>> -> memref<50x64xf32, #tpu.memory_space<vmem>>
      tpu.enqueue_dma source(%dma_start3A_205 : memref<50x64xf32, #tpu.memory_space<vmem>>) target(%dma_start3A_198 : memref<50x64xf32, #tpu.memory_space<vmem_shared>>) target_semaphore(%run_scoped3A_187 : memref<!tpu.dma_semaphore, #tpu.memory_space<semaphore_mem>>)
      %dma_wait3A = arith.constant 0 : i32
      %dma_wait3A_206 = arith.constant 0 : i32
      %dma_wait3A_207 = tpu.memref_slice %arg7[%run_scoped3A_46, %dma_wait3A, %dma_wait3A_206] : memref<8x50x64xf32, #tpu.memory_space<vmem>> -> memref<1x50x64xf32, #tpu.memory_space<vmem>>
      %dma_wait3A_208 = tpu.memref_squeeze %dma_wait3A_207 : memref<1x50x64xf32, #tpu.memory_space<vmem>> -> memref<50x64xf32, #tpu.memory_space<vmem>>
      %dma_wait3A_209 = arith.constant 0 : i32
      %dma_wait3A_210 = arith.constant 0 : i32
      %dma_wait3A_211 = tpu.memref_slice %dma_wait3A_208[%dma_wait3A_209, %dma_wait3A_210] : memref<50x64xf32, #tpu.memory_space<vmem>> -> memref<50x64xf32, #tpu.memory_space<vmem>>
      %dma_wait3A_212 = arith.constant 0 : i32
      %dma_wait3A_213 = tpu.memref_slice %arg6[%add3A_45, %dma_wait3A_212] : memref<10112x64xf32, #tpu.memory_space<vmem_shared>> -> memref<50x64xf32, #tpu.memory_space<vmem_shared>>
      %dma_wait3A_214 = arith.constant 0 : i32
      %dma_wait3A_215 = tpu.memref_slice %arg6[%add3A_45, %dma_wait3A_214] : memref<10112x64xf32, #tpu.memory_space<vmem_shared>> -> memref<50x64xf32, #tpu.memory_space<vmem_shared>>
      %dma_wait3A_216 = arith.constant 0 : i32
      %dma_wait3A_217 = arith.constant 0 : i32
      %dma_wait3A_218 = tpu.memref_slice %arg7[%run_scoped3A_46, %dma_wait3A_216, %dma_wait3A_217] : memref<8x50x64xf32, #tpu.memory_space<vmem>> -> memref<1x50x64xf32, #tpu.memory_space<vmem>>
      %dma_wait3A_219 = tpu.memref_squeeze %dma_wait3A_218 : memref<1x50x64xf32, #tpu.memory_space<vmem>> -> memref<50x64xf32, #tpu.memory_space<vmem>>
      %dma_wait3A_220 = arith.constant 0 : i32
      %dma_wait3A_221 = arith.constant 0 : i32
      %dma_wait3A_222 = tpu.memref_slice %dma_wait3A_219[%dma_wait3A_220, %dma_wait3A_221] : memref<50x64xf32, #tpu.memory_space<vmem>> -> memref<50x64xf32, #tpu.memory_space<vmem>>
      tpu.wait_dma2 semaphore(%run_scoped3A_187 : memref<!tpu.dma_semaphore, #tpu.memory_space<semaphore_mem>>) src(%dma_wait3A_222 : memref<50x64xf32, #tpu.memory_space<vmem>>) dst(%dma_wait3A_215 : memref<50x64xf32, #tpu.memory_space<vmem_shared>>)
      tpu.yield
    }) : () -> ()
    %add3A_47 = arith.constant 550 : i32
    %add3A_48 = arith.addi %mul3A_2, %add3A_47 : i32
    %run_scoped3A_49 = arith.constant 0 : i32
    "tpu.region"() ({
      %run_scoped3A_187 = tpu.sem_alloc : memref<!tpu.dma_semaphore, #tpu.memory_space<semaphore_mem>>
      %dma_start3A_188 = arith.constant 0 : i32
      %dma_start3A_189 = arith.constant 0 : i32
      %dma_start3A_190 = tpu.memref_slice %arg7[%run_scoped3A_49, %dma_start3A_188, %dma_start3A_189] : memref<8x50x64xf32, #tpu.memory_space<vmem>> -> memref<1x50x64xf32, #tpu.memory_space<vmem>>
      %dma_start3A_191 = tpu.memref_squeeze %dma_start3A_190 : memref<1x50x64xf32, #tpu.memory_space<vmem>> -> memref<50x64xf32, #tpu.memory_space<vmem>>
      %dma_start3A_192 = arith.constant 0 : i32
      %dma_start3A_193 = arith.constant 0 : i32
      %dma_start3A_194 = tpu.memref_slice %dma_start3A_191[%dma_start3A_192, %dma_start3A_193] : memref<50x64xf32, #tpu.memory_space<vmem>> -> memref<50x64xf32, #tpu.memory_space<vmem>>
      %dma_start3A_195 = arith.constant 0 : i32
      %dma_start3A_196 = tpu.memref_slice %arg6[%add3A_48, %dma_start3A_195] : memref<10112x64xf32, #tpu.memory_space<vmem_shared>> -> memref<50x64xf32, #tpu.memory_space<vmem_shared>>
      %dma_start3A_197 = arith.constant 0 : i32
      %dma_start3A_198 = tpu.memref_slice %arg6[%add3A_48, %dma_start3A_197] : memref<10112x64xf32, #tpu.memory_space<vmem_shared>> -> memref<50x64xf32, #tpu.memory_space<vmem_shared>>
      %dma_start3A_199 = arith.constant 0 : i32
      %dma_start3A_200 = arith.constant 0 : i32
      %dma_start3A_201 = tpu.memref_slice %arg7[%run_scoped3A_49, %dma_start3A_199, %dma_start3A_200] : memref<8x50x64xf32, #tpu.memory_space<vmem>> -> memref<1x50x64xf32, #tpu.memory_space<vmem>>
      %dma_start3A_202 = tpu.memref_squeeze %dma_start3A_201 : memref<1x50x64xf32, #tpu.memory_space<vmem>> -> memref<50x64xf32, #tpu.memory_space<vmem>>
      %dma_start3A_203 = arith.constant 0 : i32
      %dma_start3A_204 = arith.constant 0 : i32
      %dma_start3A_205 = tpu.memref_slice %dma_start3A_202[%dma_start3A_203, %dma_start3A_204] : memref<50x64xf32, #tpu.memory_space<vmem>> -> memref<50x64xf32, #tpu.memory_space<vmem>>
      tpu.enqueue_dma source(%dma_start3A_205 : memref<50x64xf32, #tpu.memory_space<vmem>>) target(%dma_start3A_198 : memref<50x64xf32, #tpu.memory_space<vmem_shared>>) target_semaphore(%run_scoped3A_187 : memref<!tpu.dma_semaphore, #tpu.memory_space<semaphore_mem>>)
      %dma_wait3A = arith.constant 0 : i32
      %dma_wait3A_206 = arith.constant 0 : i32
      %dma_wait3A_207 = tpu.memref_slice %arg7[%run_scoped3A_49, %dma_wait3A, %dma_wait3A_206] : memref<8x50x64xf32, #tpu.memory_space<vmem>> -> memref<1x50x64xf32, #tpu.memory_space<vmem>>
      %dma_wait3A_208 = tpu.memref_squeeze %dma_wait3A_207 : memref<1x50x64xf32, #tpu.memory_space<vmem>> -> memref<50x64xf32, #tpu.memory_space<vmem>>
      %dma_wait3A_209 = arith.constant 0 : i32
      %dma_wait3A_210 = arith.constant 0 : i32
      %dma_wait3A_211 = tpu.memref_slice %dma_wait3A_208[%dma_wait3A_209, %dma_wait3A_210] : memref<50x64xf32, #tpu.memory_space<vmem>> -> memref<50x64xf32, #tpu.memory_space<vmem>>
      %dma_wait3A_212 = arith.constant 0 : i32
      %dma_wait3A_213 = tpu.memref_slice %arg6[%add3A_48, %dma_wait3A_212] : memref<10112x64xf32, #tpu.memory_space<vmem_shared>> -> memref<50x64xf32, #tpu.memory_space<vmem_shared>>
      %dma_wait3A_214 = arith.constant 0 : i32
      %dma_wait3A_215 = tpu.memref_slice %arg6[%add3A_48, %dma_wait3A_214] : memref<10112x64xf32, #tpu.memory_space<vmem_shared>> -> memref<50x64xf32, #tpu.memory_space<vmem_shared>>
      %dma_wait3A_216 = arith.constant 0 : i32
      %dma_wait3A_217 = arith.constant 0 : i32
      %dma_wait3A_218 = tpu.memref_slice %arg7[%run_scoped3A_49, %dma_wait3A_216, %dma_wait3A_217] : memref<8x50x64xf32, #tpu.memory_space<vmem>> -> memref<1x50x64xf32, #tpu.memory_space<vmem>>
      %dma_wait3A_219 = tpu.memref_squeeze %dma_wait3A_218 : memref<1x50x64xf32, #tpu.memory_space<vmem>> -> memref<50x64xf32, #tpu.memory_space<vmem>>
      %dma_wait3A_220 = arith.constant 0 : i32
      %dma_wait3A_221 = arith.constant 0 : i32
      %dma_wait3A_222 = tpu.memref_slice %dma_wait3A_219[%dma_wait3A_220, %dma_wait3A_221] : memref<50x64xf32, #tpu.memory_space<vmem>> -> memref<50x64xf32, #tpu.memory_space<vmem>>
      tpu.wait_dma2 semaphore(%run_scoped3A_187 : memref<!tpu.dma_semaphore, #tpu.memory_space<semaphore_mem>>) src(%dma_wait3A_222 : memref<50x64xf32, #tpu.memory_space<vmem>>) dst(%dma_wait3A_215 : memref<50x64xf32, #tpu.memory_space<vmem_shared>>)
      tpu.yield
    }) : () -> ()
    %add3A_50 = arith.constant 600 : i32
    %add3A_51 = arith.addi %mul3A_2, %add3A_50 : i32
    %run_scoped3A_52 = arith.constant 0 : i32
    "tpu.region"() ({
      %run_scoped3A_187 = tpu.sem_alloc : memref<!tpu.dma_semaphore, #tpu.memory_space<semaphore_mem>>
      %dma_start3A_188 = arith.constant 0 : i32
      %dma_start3A_189 = arith.constant 0 : i32
      %dma_start3A_190 = tpu.memref_slice %arg7[%run_scoped3A_52, %dma_start3A_188, %dma_start3A_189] : memref<8x50x64xf32, #tpu.memory_space<vmem>> -> memref<1x50x64xf32, #tpu.memory_space<vmem>>
      %dma_start3A_191 = tpu.memref_squeeze %dma_start3A_190 : memref<1x50x64xf32, #tpu.memory_space<vmem>> -> memref<50x64xf32, #tpu.memory_space<vmem>>
      %dma_start3A_192 = arith.constant 0 : i32
      %dma_start3A_193 = arith.constant 0 : i32
      %dma_start3A_194 = tpu.memref_slice %dma_start3A_191[%dma_start3A_192, %dma_start3A_193] : memref<50x64xf32, #tpu.memory_space<vmem>> -> memref<32x64xf32, #tpu.memory_space<vmem>>
      %dma_start3A_195 = arith.constant 0 : i32
      %dma_start3A_196 = tpu.memref_slice %arg6[%add3A_51, %dma_start3A_195] : memref<10112x64xf32, #tpu.memory_space<vmem_shared>> -> memref<32x64xf32, #tpu.memory_space<vmem_shared>>
      %dma_start3A_197 = arith.constant 0 : i32
      %dma_start3A_198 = tpu.memref_slice %arg6[%add3A_51, %dma_start3A_197] : memref<10112x64xf32, #tpu.memory_space<vmem_shared>> -> memref<32x64xf32, #tpu.memory_space<vmem_shared>>
      %dma_start3A_199 = arith.constant 0 : i32
      %dma_start3A_200 = arith.constant 0 : i32
      %dma_start3A_201 = tpu.memref_slice %arg7[%run_scoped3A_52, %dma_start3A_199, %dma_start3A_200] : memref<8x50x64xf32, #tpu.memory_space<vmem>> -> memref<1x50x64xf32, #tpu.memory_space<vmem>>
      %dma_start3A_202 = tpu.memref_squeeze %dma_start3A_201 : memref<1x50x64xf32, #tpu.memory_space<vmem>> -> memref<50x64xf32, #tpu.memory_space<vmem>>
      %dma_start3A_203 = arith.constant 0 : i32
      %dma_start3A_204 = arith.constant 0 : i32
      %dma_start3A_205 = tpu.memref_slice %dma_start3A_202[%dma_start3A_203, %dma_start3A_204] : memref<50x64xf32, #tpu.memory_space<vmem>> -> memref<32x64xf32, #tpu.memory_space<vmem>>
      tpu.enqueue_dma source(%dma_start3A_205 : memref<32x64xf32, #tpu.memory_space<vmem>>) target(%dma_start3A_198 : memref<32x64xf32, #tpu.memory_space<vmem_shared>>) target_semaphore(%run_scoped3A_187 : memref<!tpu.dma_semaphore, #tpu.memory_space<semaphore_mem>>)
      %dma_wait3A = arith.constant 0 : i32
      %dma_wait3A_206 = arith.constant 0 : i32
      %dma_wait3A_207 = tpu.memref_slice %arg7[%run_scoped3A_52, %dma_wait3A, %dma_wait3A_206] : memref<8x50x64xf32, #tpu.memory_space<vmem>> -> memref<1x50x64xf32, #tpu.memory_space<vmem>>
      %dma_wait3A_208 = tpu.memref_squeeze %dma_wait3A_207 : memref<1x50x64xf32, #tpu.memory_space<vmem>> -> memref<50x64xf32, #tpu.memory_space<vmem>>
      %dma_wait3A_209 = arith.constant 0 : i32
      %dma_wait3A_210 = arith.constant 0 : i32
      %dma_wait3A_211 = tpu.memref_slice %dma_wait3A_208[%dma_wait3A_209, %dma_wait3A_210] : memref<50x64xf32, #tpu.memory_space<vmem>> -> memref<32x64xf32, #tpu.memory_space<vmem>>
      %dma_wait3A_212 = arith.constant 0 : i32
      %dma_wait3A_213 = tpu.memref_slice %arg6[%add3A_51, %dma_wait3A_212] : memref<10112x64xf32, #tpu.memory_space<vmem_shared>> -> memref<32x64xf32, #tpu.memory_space<vmem_shared>>
      %dma_wait3A_214 = arith.constant 0 : i32
      %dma_wait3A_215 = tpu.memref_slice %arg6[%add3A_51, %dma_wait3A_214] : memref<10112x64xf32, #tpu.memory_space<vmem_shared>> -> memref<32x64xf32, #tpu.memory_space<vmem_shared>>
      %dma_wait3A_216 = arith.constant 0 : i32
      %dma_wait3A_217 = arith.constant 0 : i32
      %dma_wait3A_218 = tpu.memref_slice %arg7[%run_scoped3A_52, %dma_wait3A_216, %dma_wait3A_217] : memref<8x50x64xf32, #tpu.memory_space<vmem>> -> memref<1x50x64xf32, #tpu.memory_space<vmem>>
      %dma_wait3A_219 = tpu.memref_squeeze %dma_wait3A_218 : memref<1x50x64xf32, #tpu.memory_space<vmem>> -> memref<50x64xf32, #tpu.memory_space<vmem>>
      %dma_wait3A_220 = arith.constant 0 : i32
      %dma_wait3A_221 = arith.constant 0 : i32
      %dma_wait3A_222 = tpu.memref_slice %dma_wait3A_219[%dma_wait3A_220, %dma_wait3A_221] : memref<50x64xf32, #tpu.memory_space<vmem>> -> memref<32x64xf32, #tpu.memory_space<vmem>>
      tpu.wait_dma2 semaphore(%run_scoped3A_187 : memref<!tpu.dma_semaphore, #tpu.memory_space<semaphore_mem>>) src(%dma_wait3A_222 : memref<32x64xf32, #tpu.memory_space<vmem>>) dst(%dma_wait3A_215 : memref<32x64xf32, #tpu.memory_space<vmem_shared>>)
      tpu.yield
    }) : () -> ()
    %barrier3A = arith.constant 0 : index
    tpu.barrier barrier_id(%barrier3A)
    %dma_start3A = arith.constant 0 : i32
    %dma_start3A_53 = arith.constant 0 : i32
    %dma_start3A_54 = arith.constant 0 : i32
    %dma_start3A_55 = arith.constant 0 : i32
    %dma_start3A_56 = arith.constant 0 : i32
    %dma_start3A_57 = tpu.memref_slice %arg7[%dma_start3A_53, %dma_start3A_55, %dma_start3A_56] : memref<8x50x64xf32, #tpu.memory_space<vmem>> -> memref<1x50x64xf32, #tpu.memory_space<vmem>>
    %dma_start3A_58 = tpu.memref_squeeze %dma_start3A_57 : memref<1x50x64xf32, #tpu.memory_space<vmem>> -> memref<50x64xf32, #tpu.memory_space<vmem>>
    %dma_start3A_59 = arith.constant 0 : i32
    %dma_start3A_60 = tpu.memref_slice %arg8[%dma_start3A, %dma_start3A_59] : memref<200x50xi32, #tpu.memory_space<vmem>> -> memref<1x50xi32, #tpu.memory_space<vmem>>
    %dma_start3A_61 = tpu.memref_squeeze %dma_start3A_60 : memref<1x50xi32, #tpu.memory_space<vmem>> -> memref<50xi32, #tpu.memory_space<vmem>>
    %dma_start3A_62 = arith.constant 0 : i32
    %dma_start3A_63 = arith.constant 0 : i32
    %dma_start3A_64 = tpu.memref_slice %arg2[%dma_start3A_62, %dma_start3A_63] : memref<10000x64xf32, #tpu.memory_space<hbm>> -> memref<10000x64xf32, #tpu.memory_space<hbm>>
    %dma_start3A_65 = tpu.memref_slice %arg10[%dma_start3A_54] : memref<8x!tpu.dma_semaphore, #tpu.memory_space<semaphore_mem>> -> memref<1x!tpu.dma_semaphore, #tpu.memory_space<semaphore_mem>>
    %dma_start3A_66 = tpu.memref_squeeze %dma_start3A_65 : memref<1x!tpu.dma_semaphore, #tpu.memory_space<semaphore_mem>> -> memref<!tpu.dma_semaphore, #tpu.memory_space<semaphore_mem>>
    tpu.enqueue_indirect_dma source(%dma_start3A_64 : memref<10000x64xf32, #tpu.memory_space<hbm>>) target(%dma_start3A_58 : memref<50x64xf32, #tpu.memory_space<vmem>>) offsets(%dma_start3A_61 : memref<50xi32, #tpu.memory_space<vmem>>) semaphore(%dma_start3A_66 : memref<!tpu.dma_semaphore, #tpu.memory_space<semaphore_mem>>)
    %dma_start3A_67 = arith.constant 1 : i32
    %dma_start3A_68 = arith.constant 1 : i32
    %dma_start3A_69 = arith.constant 1 : i32
    %dma_start3A_70 = arith.constant 0 : i32
    %dma_start3A_71 = arith.constant 0 : i32
    %dma_start3A_72 = tpu.memref_slice %arg7[%dma_start3A_68, %dma_start3A_70, %dma_start3A_71] : memref<8x50x64xf32, #tpu.memory_space<vmem>> -> memref<1x50x64xf32, #tpu.memory_space<vmem>>
    %dma_start3A_73 = tpu.memref_squeeze %dma_start3A_72 : memref<1x50x64xf32, #tpu.memory_space<vmem>> -> memref<50x64xf32, #tpu.memory_space<vmem>>
    %dma_start3A_74 = arith.constant 0 : i32
    %dma_start3A_75 = tpu.memref_slice %arg8[%dma_start3A_67, %dma_start3A_74] : memref<200x50xi32, #tpu.memory_space<vmem>> -> memref<1x50xi32, #tpu.memory_space<vmem>>
    %dma_start3A_76 = tpu.memref_squeeze %dma_start3A_75 : memref<1x50xi32, #tpu.memory_space<vmem>> -> memref<50xi32, #tpu.memory_space<vmem>>
    %dma_start3A_77 = arith.constant 0 : i32
    %dma_start3A_78 = arith.constant 0 : i32
    %dma_start3A_79 = tpu.memref_slice %arg2[%dma_start3A_77, %dma_start3A_78] : memref<10000x64xf32, #tpu.memory_space<hbm>> -> memref<10000x64xf32, #tpu.memory_space<hbm>>
    %dma_start3A_80 = tpu.memref_slice %arg10[%dma_start3A_69] : memref<8x!tpu.dma_semaphore, #tpu.memory_space<semaphore_mem>> -> memref<1x!tpu.dma_semaphore, #tpu.memory_space<semaphore_mem>>
    %dma_start3A_81 = tpu.memref_squeeze %dma_start3A_80 : memref<1x!tpu.dma_semaphore, #tpu.memory_space<semaphore_mem>> -> memref<!tpu.dma_semaphore, #tpu.memory_space<semaphore_mem>>
    tpu.enqueue_indirect_dma source(%dma_start3A_79 : memref<10000x64xf32, #tpu.memory_space<hbm>>) target(%dma_start3A_73 : memref<50x64xf32, #tpu.memory_space<vmem>>) offsets(%dma_start3A_76 : memref<50xi32, #tpu.memory_space<vmem>>) semaphore(%dma_start3A_81 : memref<!tpu.dma_semaphore, #tpu.memory_space<semaphore_mem>>)
    %dma_start3A_82 = arith.constant 2 : i32
    %dma_start3A_83 = arith.constant 2 : i32
    %dma_start3A_84 = arith.constant 2 : i32
    %dma_start3A_85 = arith.constant 0 : i32
    %dma_start3A_86 = arith.constant 0 : i32
    %dma_start3A_87 = tpu.memref_slice %arg7[%dma_start3A_83, %dma_start3A_85, %dma_start3A_86] : memref<8x50x64xf32, #tpu.memory_space<vmem>> -> memref<1x50x64xf32, #tpu.memory_space<vmem>>
    %dma_start3A_88 = tpu.memref_squeeze %dma_start3A_87 : memref<1x50x64xf32, #tpu.memory_space<vmem>> -> memref<50x64xf32, #tpu.memory_space<vmem>>
    %dma_start3A_89 = arith.constant 0 : i32
    %dma_start3A_90 = tpu.memref_slice %arg8[%dma_start3A_82, %dma_start3A_89] : memref<200x50xi32, #tpu.memory_space<vmem>> -> memref<1x50xi32, #tpu.memory_space<vmem>>
    %dma_start3A_91 = tpu.memref_squeeze %dma_start3A_90 : memref<1x50xi32, #tpu.memory_space<vmem>> -> memref<50xi32, #tpu.memory_space<vmem>>
    %dma_start3A_92 = arith.constant 0 : i32
    %dma_start3A_93 = arith.constant 0 : i32
    %dma_start3A_94 = tpu.memref_slice %arg2[%dma_start3A_92, %dma_start3A_93] : memref<10000x64xf32, #tpu.memory_space<hbm>> -> memref<10000x64xf32, #tpu.memory_space<hbm>>
    %dma_start3A_95 = tpu.memref_slice %arg10[%dma_start3A_84] : memref<8x!tpu.dma_semaphore, #tpu.memory_space<semaphore_mem>> -> memref<1x!tpu.dma_semaphore, #tpu.memory_space<semaphore_mem>>
    %dma_start3A_96 = tpu.memref_squeeze %dma_start3A_95 : memref<1x!tpu.dma_semaphore, #tpu.memory_space<semaphore_mem>> -> memref<!tpu.dma_semaphore, #tpu.memory_space<semaphore_mem>>
    tpu.enqueue_indirect_dma source(%dma_start3A_94 : memref<10000x64xf32, #tpu.memory_space<hbm>>) target(%dma_start3A_88 : memref<50x64xf32, #tpu.memory_space<vmem>>) offsets(%dma_start3A_91 : memref<50xi32, #tpu.memory_space<vmem>>) semaphore(%dma_start3A_96 : memref<!tpu.dma_semaphore, #tpu.memory_space<semaphore_mem>>)
    %dma_start3A_97 = arith.constant 3 : i32
    %dma_start3A_98 = arith.constant 3 : i32
    %dma_start3A_99 = arith.constant 3 : i32
    %dma_start3A_100 = arith.constant 0 : i32
    %dma_start3A_101 = arith.constant 0 : i32
    %dma_start3A_102 = tpu.memref_slice %arg7[%dma_start3A_98, %dma_start3A_100, %dma_start3A_101] : memref<8x50x64xf32, #tpu.memory_space<vmem>> -> memref<1x50x64xf32, #tpu.memory_space<vmem>>
    %dma_start3A_103 = tpu.memref_squeeze %dma_start3A_102 : memref<1x50x64xf32, #tpu.memory_space<vmem>> -> memref<50x64xf32, #tpu.memory_space<vmem>>
    %dma_start3A_104 = arith.constant 0 : i32
    %dma_start3A_105 = tpu.memref_slice %arg8[%dma_start3A_97, %dma_start3A_104] : memref<200x50xi32, #tpu.memory_space<vmem>> -> memref<1x50xi32, #tpu.memory_space<vmem>>
    %dma_start3A_106 = tpu.memref_squeeze %dma_start3A_105 : memref<1x50xi32, #tpu.memory_space<vmem>> -> memref<50xi32, #tpu.memory_space<vmem>>
    %dma_start3A_107 = arith.constant 0 : i32
    %dma_start3A_108 = arith.constant 0 : i32
    %dma_start3A_109 = tpu.memref_slice %arg2[%dma_start3A_107, %dma_start3A_108] : memref<10000x64xf32, #tpu.memory_space<hbm>> -> memref<10000x64xf32, #tpu.memory_space<hbm>>
    %dma_start3A_110 = tpu.memref_slice %arg10[%dma_start3A_99] : memref<8x!tpu.dma_semaphore, #tpu.memory_space<semaphore_mem>> -> memref<1x!tpu.dma_semaphore, #tpu.memory_space<semaphore_mem>>
    %dma_start3A_111 = tpu.memref_squeeze %dma_start3A_110 : memref<1x!tpu.dma_semaphore, #tpu.memory_space<semaphore_mem>> -> memref<!tpu.dma_semaphore, #tpu.memory_space<semaphore_mem>>
    tpu.enqueue_indirect_dma source(%dma_start3A_109 : memref<10000x64xf32, #tpu.memory_space<hbm>>) target(%dma_start3A_103 : memref<50x64xf32, #tpu.memory_space<vmem>>) offsets(%dma_start3A_106 : memref<50xi32, #tpu.memory_space<vmem>>) semaphore(%dma_start3A_111 : memref<!tpu.dma_semaphore, #tpu.memory_space<semaphore_mem>>)
    %dma_start3A_112 = arith.constant 4 : i32
    %dma_start3A_113 = arith.constant 4 : i32
    %dma_start3A_114 = arith.constant 4 : i32
    %dma_start3A_115 = arith.constant 0 : i32
    %dma_start3A_116 = arith.constant 0 : i32
    %dma_start3A_117 = tpu.memref_slice %arg7[%dma_start3A_113, %dma_start3A_115, %dma_start3A_116] : memref<8x50x64xf32, #tpu.memory_space<vmem>> -> memref<1x50x64xf32, #tpu.memory_space<vmem>>
    %dma_start3A_118 = tpu.memref_squeeze %dma_start3A_117 : memref<1x50x64xf32, #tpu.memory_space<vmem>> -> memref<50x64xf32, #tpu.memory_space<vmem>>
    %dma_start3A_119 = arith.constant 0 : i32
    %dma_start3A_120 = tpu.memref_slice %arg8[%dma_start3A_112, %dma_start3A_119] : memref<200x50xi32, #tpu.memory_space<vmem>> -> memref<1x50xi32, #tpu.memory_space<vmem>>
    %dma_start3A_121 = tpu.memref_squeeze %dma_start3A_120 : memref<1x50xi32, #tpu.memory_space<vmem>> -> memref<50xi32, #tpu.memory_space<vmem>>
    %dma_start3A_122 = arith.constant 0 : i32
    %dma_start3A_123 = arith.constant 0 : i32
    %dma_start3A_124 = tpu.memref_slice %arg2[%dma_start3A_122, %dma_start3A_123] : memref<10000x64xf32, #tpu.memory_space<hbm>> -> memref<10000x64xf32, #tpu.memory_space<hbm>>
    %dma_start3A_125 = tpu.memref_slice %arg10[%dma_start3A_114] : memref<8x!tpu.dma_semaphore, #tpu.memory_space<semaphore_mem>> -> memref<1x!tpu.dma_semaphore, #tpu.memory_space<semaphore_mem>>
    %dma_start3A_126 = tpu.memref_squeeze %dma_start3A_125 : memref<1x!tpu.dma_semaphore, #tpu.memory_space<semaphore_mem>> -> memref<!tpu.dma_semaphore, #tpu.memory_space<semaphore_mem>>
    tpu.enqueue_indirect_dma source(%dma_start3A_124 : memref<10000x64xf32, #tpu.memory_space<hbm>>) target(%dma_start3A_118 : memref<50x64xf32, #tpu.memory_space<vmem>>) offsets(%dma_start3A_121 : memref<50xi32, #tpu.memory_space<vmem>>) semaphore(%dma_start3A_126 : memref<!tpu.dma_semaphore, #tpu.memory_space<semaphore_mem>>)
    %dma_start3A_127 = arith.constant 5 : i32
    %dma_start3A_128 = arith.constant 5 : i32
    %dma_start3A_129 = arith.constant 5 : i32
    %dma_start3A_130 = arith.constant 0 : i32
    %dma_start3A_131 = arith.constant 0 : i32
    %dma_start3A_132 = tpu.memref_slice %arg7[%dma_start3A_128, %dma_start3A_130, %dma_start3A_131] : memref<8x50x64xf32, #tpu.memory_space<vmem>> -> memref<1x50x64xf32, #tpu.memory_space<vmem>>
    %dma_start3A_133 = tpu.memref_squeeze %dma_start3A_132 : memref<1x50x64xf32, #tpu.memory_space<vmem>> -> memref<50x64xf32, #tpu.memory_space<vmem>>
    %dma_start3A_134 = arith.constant 0 : i32
    %dma_start3A_135 = tpu.memref_slice %arg8[%dma_start3A_127, %dma_start3A_134] : memref<200x50xi32, #tpu.memory_space<vmem>> -> memref<1x50xi32, #tpu.memory_space<vmem>>
    %dma_start3A_136 = tpu.memref_squeeze %dma_start3A_135 : memref<1x50xi32, #tpu.memory_space<vmem>> -> memref<50xi32, #tpu.memory_space<vmem>>
    %dma_start3A_137 = arith.constant 0 : i32
    %dma_start3A_138 = arith.constant 0 : i32
    %dma_start3A_139 = tpu.memref_slice %arg2[%dma_start3A_137, %dma_start3A_138] : memref<10000x64xf32, #tpu.memory_space<hbm>> -> memref<10000x64xf32, #tpu.memory_space<hbm>>
    %dma_start3A_140 = tpu.memref_slice %arg10[%dma_start3A_129] : memref<8x!tpu.dma_semaphore, #tpu.memory_space<semaphore_mem>> -> memref<1x!tpu.dma_semaphore, #tpu.memory_space<semaphore_mem>>
    %dma_start3A_141 = tpu.memref_squeeze %dma_start3A_140 : memref<1x!tpu.dma_semaphore, #tpu.memory_space<semaphore_mem>> -> memref<!tpu.dma_semaphore, #tpu.memory_space<semaphore_mem>>
    tpu.enqueue_indirect_dma source(%dma_start3A_139 : memref<10000x64xf32, #tpu.memory_space<hbm>>) target(%dma_start3A_133 : memref<50x64xf32, #tpu.memory_space<vmem>>) offsets(%dma_start3A_136 : memref<50xi32, #tpu.memory_space<vmem>>) semaphore(%dma_start3A_141 : memref<!tpu.dma_semaphore, #tpu.memory_space<semaphore_mem>>)
    %dma_start3A_142 = arith.constant 6 : i32
    %dma_start3A_143 = arith.constant 6 : i32
    %dma_start3A_144 = arith.constant 6 : i32
    %dma_start3A_145 = arith.constant 0 : i32
    %dma_start3A_146 = arith.constant 0 : i32
    %dma_start3A_147 = tpu.memref_slice %arg7[%dma_start3A_143, %dma_start3A_145, %dma_start3A_146] : memref<8x50x64xf32, #tpu.memory_space<vmem>> -> memref<1x50x64xf32, #tpu.memory_space<vmem>>
    %dma_start3A_148 = tpu.memref_squeeze %dma_start3A_147 : memref<1x50x64xf32, #tpu.memory_space<vmem>> -> memref<50x64xf32, #tpu.memory_space<vmem>>
    %dma_start3A_149 = arith.constant 0 : i32
    %dma_start3A_150 = tpu.memref_slice %arg8[%dma_start3A_142, %dma_start3A_149] : memref<200x50xi32, #tpu.memory_space<vmem>> -> memref<1x50xi32, #tpu.memory_space<vmem>>
    %dma_start3A_151 = tpu.memref_squeeze %dma_start3A_150 : memref<1x50xi32, #tpu.memory_space<vmem>> -> memref<50xi32, #tpu.memory_space<vmem>>
    %dma_start3A_152 = arith.constant 0 : i32
    %dma_start3A_153 = arith.constant 0 : i32
    %dma_start3A_154 = tpu.memref_slice %arg2[%dma_start3A_152, %dma_start3A_153] : memref<10000x64xf32, #tpu.memory_space<hbm>> -> memref<10000x64xf32, #tpu.memory_space<hbm>>
    %dma_start3A_155 = tpu.memref_slice %arg10[%dma_start3A_144] : memref<8x!tpu.dma_semaphore, #tpu.memory_space<semaphore_mem>> -> memref<1x!tpu.dma_semaphore, #tpu.memory_space<semaphore_mem>>
    %dma_start3A_156 = tpu.memref_squeeze %dma_start3A_155 : memref<1x!tpu.dma_semaphore, #tpu.memory_space<semaphore_mem>> -> memref<!tpu.dma_semaphore, #tpu.memory_space<semaphore_mem>>
    tpu.enqueue_indirect_dma source(%dma_start3A_154 : memref<10000x64xf32, #tpu.memory_space<hbm>>) target(%dma_start3A_148 : memref<50x64xf32, #tpu.memory_space<vmem>>) offsets(%dma_start3A_151 : memref<50xi32, #tpu.memory_space<vmem>>) semaphore(%dma_start3A_156 : memref<!tpu.dma_semaphore, #tpu.memory_space<semaphore_mem>>)
    %dma_start3A_157 = arith.constant 7 : i32
    %dma_start3A_158 = arith.constant 7 : i32
    %dma_start3A_159 = arith.constant 7 : i32
    %dma_start3A_160 = arith.constant 0 : i32
    %dma_start3A_161 = arith.constant 0 : i32
    %dma_start3A_162 = tpu.memref_slice %arg7[%dma_start3A_158, %dma_start3A_160, %dma_start3A_161] : memref<8x50x64xf32, #tpu.memory_space<vmem>> -> memref<1x50x64xf32, #tpu.memory_space<vmem>>
    %dma_start3A_163 = tpu.memref_squeeze %dma_start3A_162 : memref<1x50x64xf32, #tpu.memory_space<vmem>> -> memref<50x64xf32, #tpu.memory_space<vmem>>
    %dma_start3A_164 = arith.constant 0 : i32
    %dma_start3A_165 = tpu.memref_slice %arg8[%dma_start3A_157, %dma_start3A_164] : memref<200x50xi32, #tpu.memory_space<vmem>> -> memref<1x50xi32, #tpu.memory_space<vmem>>
    %dma_start3A_166 = tpu.memref_squeeze %dma_start3A_165 : memref<1x50xi32, #tpu.memory_space<vmem>> -> memref<50xi32, #tpu.memory_space<vmem>>
    %dma_start3A_167 = arith.constant 0 : i32
    %dma_start3A_168 = arith.constant 0 : i32
    %dma_start3A_169 = tpu.memref_slice %arg2[%dma_start3A_167, %dma_start3A_168] : memref<10000x64xf32, #tpu.memory_space<hbm>> -> memref<10000x64xf32, #tpu.memory_space<hbm>>
    %dma_start3A_170 = tpu.memref_slice %arg10[%dma_start3A_159] : memref<8x!tpu.dma_semaphore, #tpu.memory_space<semaphore_mem>> -> memref<1x!tpu.dma_semaphore, #tpu.memory_space<semaphore_mem>>
    %dma_start3A_171 = tpu.memref_squeeze %dma_start3A_170 : memref<1x!tpu.dma_semaphore, #tpu.memory_space<semaphore_mem>> -> memref<!tpu.dma_semaphore, #tpu.memory_space<semaphore_mem>>
    tpu.enqueue_indirect_dma source(%dma_start3A_169 : memref<10000x64xf32, #tpu.memory_space<hbm>>) target(%dma_start3A_163 : memref<50x64xf32, #tpu.memory_space<vmem>>) offsets(%dma_start3A_166 : memref<50xi32, #tpu.memory_space<vmem>>) semaphore(%dma_start3A_171 : memref<!tpu.dma_semaphore, #tpu.memory_space<semaphore_mem>>)
    %scan3A_172 = arith.constant 0 : i32
    %scan3A_173 = arith.constant 0 : i32
    %scan3A_174 = arith.constant 192 : i32
    %scan3A_175 = arith.addi %scan3A_173, %scan3A_174 : i32
    %scan3A_176 = arith.constant 1 : i32
    %scan3A_177 = scf.for %scan3A_187 = %scan3A_173 to %scan3A_175 step %scan3A_176 iter_args(%scan3A_188 = %scan3A_172) -> (i32)  : i32 {
      %jit3A = arith.constant 8 : i32
      %eq3A = arith.constant 0 : i32
      %eq3A_189 = arith.cmpi eq, %jit3A, %eq3A : i32
      %jit3A_190 = arith.constant 1 : i32
      %select_n3A = arith.select %eq3A_189, %jit3A_190, %jit3A : i32
      %rem3A = arith.remsi %scan3A_187, %select_n3A : i32
      %ne3A = arith.constant 0 : i32
      %ne3A_191 = arith.cmpi ne, %rem3A, %ne3A : i32
      %lt3A = arith.constant 0 : i32
      %lt3A_192 = arith.cmpi slt, %rem3A, %lt3A : i32
      %lt3A_193 = arith.constant 0 : i32
      %lt3A_194 = arith.cmpi slt, %select_n3A, %lt3A_193 : i32
      %ne3A_195 = arith.xori %lt3A_192, %lt3A_194 : i1
      %and3A = arith.andi %ne3A_195, %ne3A_191 : i1
      %add3A_196 = arith.addi %rem3A, %select_n3A : i32
      %select_n3A_197 = arith.select %and3A, %add3A_196, %rem3A : i32
      %dma_wait3A = arith.constant 0 : i32
      %dma_wait3A_198 = arith.constant 0 : i32
      %dma_wait3A_199 = tpu.memref_slice %arg7[%select_n3A_197, %dma_wait3A, %dma_wait3A_198] : memref<8x50x64xf32, #tpu.memory_space<vmem>> -> memref<1x50x64xf32, #tpu.memory_space<vmem>>
      %dma_wait3A_200 = tpu.memref_squeeze %dma_wait3A_199 : memref<1x50x64xf32, #tpu.memory_space<vmem>> -> memref<50x64xf32, #tpu.memory_space<vmem>>
      %dma_wait3A_201 = arith.constant 0 : i32
      %dma_wait3A_202 = tpu.memref_slice %arg8[%scan3A_187, %dma_wait3A_201] : memref<200x50xi32, #tpu.memory_space<vmem>> -> memref<1x50xi32, #tpu.memory_space<vmem>>
      %dma_wait3A_203 = tpu.memref_squeeze %dma_wait3A_202 : memref<1x50xi32, #tpu.memory_space<vmem>> -> memref<50xi32, #tpu.memory_space<vmem>>
      %dma_wait3A_204 = arith.constant 0 : i32
      %dma_wait3A_205 = arith.constant 0 : i32
      %dma_wait3A_206 = tpu.memref_slice %arg2[%dma_wait3A_204, %dma_wait3A_205] : memref<10000x64xf32, #tpu.memory_space<hbm>> -> memref<10000x64xf32, #tpu.memory_space<hbm>>
      %dma_wait3A_207 = tpu.memref_slice %arg10[%select_n3A_197] : memref<8x!tpu.dma_semaphore, #tpu.memory_space<semaphore_mem>> -> memref<1x!tpu.dma_semaphore, #tpu.memory_space<semaphore_mem>>
      %dma_wait3A_208 = tpu.memref_squeeze %dma_wait3A_207 : memref<1x!tpu.dma_semaphore, #tpu.memory_space<semaphore_mem>> -> memref<!tpu.dma_semaphore, #tpu.memory_space<semaphore_mem>>
      tpu.wait_indirect_dma semaphore(%dma_wait3A_208 : memref<!tpu.dma_semaphore, #tpu.memory_space<semaphore_mem>>) src(%dma_wait3A_206 : memref<10000x64xf32, #tpu.memory_space<hbm>>) dst(%dma_wait3A_200 : memref<50x64xf32, #tpu.memory_space<vmem>>)
      "tpu.region"() ({
        %run_scoped3A_224 = tpu.sem_alloc : memref<!tpu.dma_semaphore, #tpu.memory_space<semaphore_mem>>
        %dma_start3A_225 = arith.constant 0 : i32
        %dma_start3A_226 = arith.constant 0 : i32
        %dma_start3A_227 = tpu.memref_slice %arg7[%select_n3A_197, %dma_start3A_225, %dma_start3A_226] : memref<8x50x64xf32, #tpu.memory_space<vmem>> -> memref<1x50x64xf32, #tpu.memory_space<vmem>>
        %dma_start3A_228 = tpu.memref_squeeze %dma_start3A_227 : memref<1x50x64xf32, #tpu.memory_space<vmem>> -> memref<50x64xf32, #tpu.memory_space<vmem>>
        %dma_start3A_229 = arith.constant 0 : i32
        %dma_start3A_230 = tpu.memref_slice %arg9[%scan3A_187, %dma_start3A_229] : memref<200x50xi32, #tpu.memory_space<vmem>> -> memref<1x50xi32, #tpu.memory_space<vmem>>
        %dma_start3A_231 = tpu.memref_squeeze %dma_start3A_230 : memref<1x50xi32, #tpu.memory_space<vmem>> -> memref<50xi32, #tpu.memory_space<vmem>>
        %dma_start3A_232 = arith.constant 0 : i32
        %dma_start3A_233 = arith.constant 0 : i32
        %dma_start3A_234 = tpu.memref_slice %arg6[%dma_start3A_232, %dma_start3A_233] : memref<10112x64xf32, #tpu.memory_space<vmem_shared>> -> memref<10112x64xf32, #tpu.memory_space<vmem_shared>>
        tpu.enqueue_indirect_dma source(%dma_start3A_228 : memref<50x64xf32, #tpu.memory_space<vmem>>) target(%dma_start3A_234 : memref<10112x64xf32, #tpu.memory_space<vmem_shared>>) offsets(%dma_start3A_231 : memref<50xi32, #tpu.memory_space<vmem>>) semaphore(%run_scoped3A_224 : memref<!tpu.dma_semaphore, #tpu.memory_space<semaphore_mem>>) {add = true}
        %dma_wait3A_235 = arith.constant 0 : i32
        %dma_wait3A_236 = arith.constant 0 : i32
        %dma_wait3A_237 = tpu.memref_slice %arg7[%select_n3A_197, %dma_wait3A_235, %dma_wait3A_236] : memref<8x50x64xf32, #tpu.memory_space<vmem>> -> memref<1x50x64xf32, #tpu.memory_space<vmem>>
        %dma_wait3A_238 = tpu.memref_squeeze %dma_wait3A_237 : memref<1x50x64xf32, #tpu.memory_space<vmem>> -> memref<50x64xf32, #tpu.memory_space<vmem>>
        %dma_wait3A_239 = arith.constant 0 : i32
        %dma_wait3A_240 = tpu.memref_slice %arg9[%scan3A_187, %dma_wait3A_239] : memref<200x50xi32, #tpu.memory_space<vmem>> -> memref<1x50xi32, #tpu.memory_space<vmem>>
        %dma_wait3A_241 = tpu.memref_squeeze %dma_wait3A_240 : memref<1x50xi32, #tpu.memory_space<vmem>> -> memref<50xi32, #tpu.memory_space<vmem>>
        %dma_wait3A_242 = arith.constant 0 : i32
        %dma_wait3A_243 = arith.constant 0 : i32
        %dma_wait3A_244 = tpu.memref_slice %arg6[%dma_wait3A_242, %dma_wait3A_243] : memref<10112x64xf32, #tpu.memory_space<vmem_shared>> -> memref<10112x64xf32, #tpu.memory_space<vmem_shared>>
        tpu.wait_indirect_dma semaphore(%run_scoped3A_224 : memref<!tpu.dma_semaphore, #tpu.memory_space<semaphore_mem>>) src(%dma_wait3A_238 : memref<50x64xf32, #tpu.memory_space<vmem>>) dst(%dma_wait3A_244 : memref<10112x64xf32, #tpu.memory_space<vmem_shared>>)
        tpu.yield
      }) : () -> ()
      %add3A_209 = arith.constant 8 : i32
      %add3A_210 = arith.addi %scan3A_187, %add3A_209 : i32
      %dma_start3A_211 = arith.constant 0 : i32
      %dma_start3A_212 = arith.constant 0 : i32
      %dma_start3A_213 = tpu.memref_slice %arg7[%select_n3A_197, %dma_start3A_211, %dma_start3A_212] : memref<8x50x64xf32, #tpu.memory_space<vmem>> -> memref<1x50x64xf32, #tpu.memory_space<vmem>>
      %dma_start3A_214 = tpu.memref_squeeze %dma_start3A_213 : memref<1x50x64xf32, #tpu.memory_space<vmem>> -> memref<50x64xf32, #tpu.memory_space<vmem>>
      %dma_start3A_215 = arith.constant 0 : i32
      %dma_start3A_216 = tpu.memref_slice %arg8[%add3A_210, %dma_start3A_215] : memref<200x50xi32, #tpu.memory_space<vmem>> -> memref<1x50xi32, #tpu.memory_space<vmem>>
      %dma_start3A_217 = tpu.memref_squeeze %dma_start3A_216 : memref<1x50xi32, #tpu.memory_space<vmem>> -> memref<50xi32, #tpu.memory_space<vmem>>
      %dma_start3A_218 = arith.constant 0 : i32
      %dma_start3A_219 = arith.constant 0 : i32
      %dma_start3A_220 = tpu.memref_slice %arg2[%dma_start3A_218, %dma_start3A_219] : memref<10000x64xf32, #tpu.memory_space<hbm>> -> memref<10000x64xf32, #tpu.memory_space<hbm>>
      %dma_start3A_221 = tpu.memref_slice %arg10[%select_n3A_197] : memref<8x!tpu.dma_semaphore, #tpu.memory_space<semaphore_mem>> -> memref<1x!tpu.dma_semaphore, #tpu.memory_space<semaphore_mem>>
      %dma_start3A_222 = tpu.memref_squeeze %dma_start3A_221 : memref<1x!tpu.dma_semaphore, #tpu.memory_space<semaphore_mem>> -> memref<!tpu.dma_semaphore, #tpu.memory_space<semaphore_mem>>
      tpu.enqueue_indirect_dma source(%dma_start3A_220 : memref<10000x64xf32, #tpu.memory_space<hbm>>) target(%dma_start3A_214 : memref<50x64xf32, #tpu.memory_space<vmem>>) offsets(%dma_start3A_217 : memref<50xi32, #tpu.memory_space<vmem>>) semaphore(%dma_start3A_222 : memref<!tpu.dma_semaphore, #tpu.memory_space<semaphore_mem>>)
      %scan3A_223 = arith.constant 0 : i32
      scf.yield %scan3A_223 : i32
    }
    %scan3A_178 = arith.constant 192 : i32
    %scan3A_179 = arith.constant 0 : i32
    %scan3A_180 = arith.constant 192 : i32
    %scan3A_181 = arith.constant 8 : i32
    %scan3A_182 = arith.addi %scan3A_180, %scan3A_181 : i32
    %scan3A_183 = arith.constant 1 : i32
    %scan3A_184 = scf.for %scan3A_187 = %scan3A_180 to %scan3A_182 step %scan3A_183 iter_args(%scan3A_188 = %scan3A_179) -> (i32)  : i32 {
      %jit3A = arith.constant 8 : i32
      %eq3A = arith.constant 0 : i32
      %eq3A_189 = arith.cmpi eq, %jit3A, %eq3A : i32
      %jit3A_190 = arith.constant 1 : i32
      %select_n3A = arith.select %eq3A_189, %jit3A_190, %jit3A : i32
      %rem3A = arith.remsi %scan3A_187, %select_n3A : i32
      %ne3A = arith.constant 0 : i32
      %ne3A_191 = arith.cmpi ne, %rem3A, %ne3A : i32
      %lt3A = arith.constant 0 : i32
      %lt3A_192 = arith.cmpi slt, %rem3A, %lt3A : i32
      %lt3A_193 = arith.constant 0 : i32
      %lt3A_194 = arith.cmpi slt, %select_n3A, %lt3A_193 : i32
      %ne3A_195 = arith.xori %lt3A_192, %lt3A_194 : i1
      %and3A = arith.andi %ne3A_195, %ne3A_191 : i1
      %add3A_196 = arith.addi %rem3A, %select_n3A : i32
      %select_n3A_197 = arith.select %and3A, %add3A_196, %rem3A : i32
      %dma_wait3A = arith.constant 0 : i32
      %dma_wait3A_198 = arith.constant 0 : i32
      %dma_wait3A_199 = tpu.memref_slice %arg7[%select_n3A_197, %dma_wait3A, %dma_wait3A_198] : memref<8x50x64xf32, #tpu.memory_space<vmem>> -> memref<1x50x64xf32, #tpu.memory_space<vmem>>
      %dma_wait3A_200 = tpu.memref_squeeze %dma_wait3A_199 : memref<1x50x64xf32, #tpu.memory_space<vmem>> -> memref<50x64xf32, #tpu.memory_space<vmem>>
      %dma_wait3A_201 = arith.constant 0 : i32
      %dma_wait3A_202 = tpu.memref_slice %arg8[%scan3A_187, %dma_wait3A_201] : memref<200x50xi32, #tpu.memory_space<vmem>> -> memref<1x50xi32, #tpu.memory_space<vmem>>
      %dma_wait3A_203 = tpu.memref_squeeze %dma_wait3A_202 : memref<1x50xi32, #tpu.memory_space<vmem>> -> memref<50xi32, #tpu.memory_space<vmem>>
      %dma_wait3A_204 = arith.constant 0 : i32
      %dma_wait3A_205 = arith.constant 0 : i32
      %dma_wait3A_206 = tpu.memref_slice %arg2[%dma_wait3A_204, %dma_wait3A_205] : memref<10000x64xf32, #tpu.memory_space<hbm>> -> memref<10000x64xf32, #tpu.memory_space<hbm>>
      %dma_wait3A_207 = tpu.memref_slice %arg10[%select_n3A_197] : memref<8x!tpu.dma_semaphore, #tpu.memory_space<semaphore_mem>> -> memref<1x!tpu.dma_semaphore, #tpu.memory_space<semaphore_mem>>
      %dma_wait3A_208 = tpu.memref_squeeze %dma_wait3A_207 : memref<1x!tpu.dma_semaphore, #tpu.memory_space<semaphore_mem>> -> memref<!tpu.dma_semaphore, #tpu.memory_space<semaphore_mem>>
      tpu.wait_indirect_dma semaphore(%dma_wait3A_208 : memref<!tpu.dma_semaphore, #tpu.memory_space<semaphore_mem>>) src(%dma_wait3A_206 : memref<10000x64xf32, #tpu.memory_space<hbm>>) dst(%dma_wait3A_200 : memref<50x64xf32, #tpu.memory_space<vmem>>)
      "tpu.region"() ({
        %run_scoped3A_210 = tpu.sem_alloc : memref<!tpu.dma_semaphore, #tpu.memory_space<semaphore_mem>>
        %dma_start3A_211 = arith.constant 0 : i32
        %dma_start3A_212 = arith.constant 0 : i32
        %dma_start3A_213 = tpu.memref_slice %arg7[%select_n3A_197, %dma_start3A_211, %dma_start3A_212] : memref<8x50x64xf32, #tpu.memory_space<vmem>> -> memref<1x50x64xf32, #tpu.memory_space<vmem>>
        %dma_start3A_214 = tpu.memref_squeeze %dma_start3A_213 : memref<1x50x64xf32, #tpu.memory_space<vmem>> -> memref<50x64xf32, #tpu.memory_space<vmem>>
        %dma_start3A_215 = arith.constant 0 : i32
        %dma_start3A_216 = tpu.memref_slice %arg9[%scan3A_187, %dma_start3A_215] : memref<200x50xi32, #tpu.memory_space<vmem>> -> memref<1x50xi32, #tpu.memory_space<vmem>>
        %dma_start3A_217 = tpu.memref_squeeze %dma_start3A_216 : memref<1x50xi32, #tpu.memory_space<vmem>> -> memref<50xi32, #tpu.memory_space<vmem>>
        %dma_start3A_218 = arith.constant 0 : i32
        %dma_start3A_219 = arith.constant 0 : i32
        %dma_start3A_220 = tpu.memref_slice %arg6[%dma_start3A_218, %dma_start3A_219] : memref<10112x64xf32, #tpu.memory_space<vmem_shared>> -> memref<10112x64xf32, #tpu.memory_space<vmem_shared>>
        tpu.enqueue_indirect_dma source(%dma_start3A_214 : memref<50x64xf32, #tpu.memory_space<vmem>>) target(%dma_start3A_220 : memref<10112x64xf32, #tpu.memory_space<vmem_shared>>) offsets(%dma_start3A_217 : memref<50xi32, #tpu.memory_space<vmem>>) semaphore(%run_scoped3A_210 : memref<!tpu.dma_semaphore, #tpu.memory_space<semaphore_mem>>) {add = true}
        %dma_wait3A_221 = arith.constant 0 : i32
        %dma_wait3A_222 = arith.constant 0 : i32
        %dma_wait3A_223 = tpu.memref_slice %arg7[%select_n3A_197, %dma_wait3A_221, %dma_wait3A_222] : memref<8x50x64xf32, #tpu.memory_space<vmem>> -> memref<1x50x64xf32, #tpu.memory_space<vmem>>
        %dma_wait3A_224 = tpu.memref_squeeze %dma_wait3A_223 : memref<1x50x64xf32, #tpu.memory_space<vmem>> -> memref<50x64xf32, #tpu.memory_space<vmem>>
        %dma_wait3A_225 = arith.constant 0 : i32
        %dma_wait3A_226 = tpu.memref_slice %arg9[%scan3A_187, %dma_wait3A_225] : memref<200x50xi32, #tpu.memory_space<vmem>> -> memref<1x50xi32, #tpu.memory_space<vmem>>
        %dma_wait3A_227 = tpu.memref_squeeze %dma_wait3A_226 : memref<1x50xi32, #tpu.memory_space<vmem>> -> memref<50xi32, #tpu.memory_space<vmem>>
        %dma_wait3A_228 = arith.constant 0 : i32
        %dma_wait3A_229 = arith.constant 0 : i32
        %dma_wait3A_230 = tpu.memref_slice %arg6[%dma_wait3A_228, %dma_wait3A_229] : memref<10112x64xf32, #tpu.memory_space<vmem_shared>> -> memref<10112x64xf32, #tpu.memory_space<vmem_shared>>
        tpu.wait_indirect_dma semaphore(%run_scoped3A_210 : memref<!tpu.dma_semaphore, #tpu.memory_space<semaphore_mem>>) src(%dma_wait3A_224 : memref<50x64xf32, #tpu.memory_space<vmem>>) dst(%dma_wait3A_230 : memref<10112x64xf32, #tpu.memory_space<vmem_shared>>)
        tpu.yield
      }) : () -> ()
      %scan3A_209 = arith.constant 0 : i32
      scf.yield %scan3A_209 : i32
    }
    %scan3A_185 = arith.constant 8 : i32
    %barrier3A_186 = arith.constant 0 : index
    tpu.barrier barrier_id(%barrier3A_186)
    "tpu.region"() ({
      %run_scoped3A_187 = tpu.sem_alloc : memref<!tpu.dma_semaphore, #tpu.memory_space<semaphore_mem>>
      %dma_start3A_188 = arith.constant 0 : i32
      %dma_start3A_189 = tpu.memref_slice %arg5[%arg0, %mul3A_2, %dma_start3A_188] : memref<2x10112x64xf32, #tpu.memory_space<hbm>> -> memref<1x632x64xf32, #tpu.memory_space<hbm>>
      %dma_start3A_190 = tpu.memref_squeeze %dma_start3A_189 : memref<1x632x64xf32, #tpu.memory_space<hbm>> -> memref<632x64xf32, #tpu.memory_space<hbm>>
      %dma_start3A_191 = arith.constant 0 : i32
      %dma_start3A_192 = tpu.memref_slice %arg6[%mul3A_2, %dma_start3A_191] : memref<10112x64xf32, #tpu.memory_space<vmem_shared>> -> memref<632x64xf32, #tpu.memory_space<vmem_shared>>
      tpu.enqueue_dma source(%dma_start3A_192 : memref<632x64xf32, #tpu.memory_space<vmem_shared>>) target(%dma_start3A_190 : memref<632x64xf32, #tpu.memory_space<hbm>>) target_semaphore(%run_scoped3A_187 : memref<!tpu.dma_semaphore, #tpu.memory_space<semaphore_mem>>)
      %dma_wait3A = arith.constant 0 : i32
      %dma_wait3A_193 = tpu.memref_slice %arg5[%arg0, %mul3A_2, %dma_wait3A] : memref<2x10112x64xf32, #tpu.memory_space<hbm>> -> memref<1x632x64xf32, #tpu.memory_space<hbm>>
      %dma_wait3A_194 = tpu.memref_squeeze %dma_wait3A_193 : memref<1x632x64xf32, #tpu.memory_space<hbm>> -> memref<632x64xf32, #tpu.memory_space<hbm>>
      %dma_wait3A_195 = arith.constant 0 : i32
      %dma_wait3A_196 = tpu.memref_slice %arg6[%mul3A_2, %dma_wait3A_195] : memref<10112x64xf32, #tpu.memory_space<vmem_shared>> -> memref<632x64xf32, #tpu.memory_space<vmem_shared>>
      tpu.wait_dma2 semaphore(%run_scoped3A_187 : memref<!tpu.dma_semaphore, #tpu.memory_space<semaphore_mem>>) src(%dma_wait3A_196 : memref<632x64xf32, #tpu.memory_space<vmem_shared>>) dst(%dma_wait3A_194 : memref<632x64xf32, #tpu.memory_space<hbm>>)
      tpu.yield
    }) : () -> ()
    return
  }
}

#map = affine_map<(d0, d1) -> (0, 0)>
#map1 = affine_map<(d0, d1) -> (0, 0, 0)>
module attributes {stable_mosaic.version = 14 : i64} {
  func.func @deg_kernel(%arg0: i32, %arg1: i32, %arg2: memref<6400x50xi32, #tpu.memory_space<hbm>>, %arg3: memref<2x10112x16xf32, #tpu.memory_space<hbm>>, %arg4: memref<10112x16xf32, #tpu.memory_space<vmem_shared>>, %arg5: memref<50x16xf32, #tpu.memory_space<vmem>>, %arg6: memref<200x50xi32, #tpu.memory_space<vmem>>, %arg7: memref<8x!tpu.dma_semaphore, #tpu.memory_space<semaphore_mem>>) attributes {dimension_semantics = [#tpu.dimension_semantics<core_parallel>, #tpu.dimension_semantics<subcore_parallel>], iteration_bounds = array<i64: 2, 16>, scalar_prefetch = 0 : i64, scratch_operands = 4 : i64, tpu.core_type = #tpu.core_type<sc_vector_subcore>, window_params = [{transform_indices = #map}, {transform_indices = #map1}]} {
    %mul3A = arith.constant 16 : i32
    %mul3A_0 = arith.muli %arg0, %mul3A : i32
    %add3A = arith.addi %mul3A_0, %arg1 : i32
    %mul3A_1 = arith.constant 632 : i32
    %mul3A_2 = arith.muli %arg1, %mul3A_1 : i32
    %mul3A_3 = arith.constant 200 : i32
    %mul3A_4 = arith.muli %add3A, %mul3A_3 : i32
    "tpu.region"() ({
      %run_scoped3A = tpu.sem_alloc : memref<!tpu.dma_semaphore, #tpu.memory_space<semaphore_mem>>
      %dma_start3A = arith.constant 0 : i32
      %dma_start3A_55 = tpu.memref_slice %arg2[%mul3A_4, %dma_start3A] : memref<6400x50xi32, #tpu.memory_space<hbm>> -> memref<200x50xi32, #tpu.memory_space<hbm>>
      %dma_start3A_56 = arith.constant 0 : i32
      %dma_start3A_57 = tpu.memref_slice %arg2[%mul3A_4, %dma_start3A_56] : memref<6400x50xi32, #tpu.memory_space<hbm>> -> memref<200x50xi32, #tpu.memory_space<hbm>>
      tpu.enqueue_dma source(%dma_start3A_57 : memref<200x50xi32, #tpu.memory_space<hbm>>) target(%arg6 : memref<200x50xi32, #tpu.memory_space<vmem>>) target_semaphore(%run_scoped3A : memref<!tpu.dma_semaphore, #tpu.memory_space<semaphore_mem>>)
      %dma_wait3A = arith.constant 0 : i32
      %dma_wait3A_58 = tpu.memref_slice %arg2[%mul3A_4, %dma_wait3A] : memref<6400x50xi32, #tpu.memory_space<hbm>> -> memref<200x50xi32, #tpu.memory_space<hbm>>
      %dma_wait3A_59 = arith.constant 0 : i32
      %dma_wait3A_60 = tpu.memref_slice %arg2[%mul3A_4, %dma_wait3A_59] : memref<6400x50xi32, #tpu.memory_space<hbm>> -> memref<200x50xi32, #tpu.memory_space<hbm>>
      tpu.wait_dma2 semaphore(%run_scoped3A : memref<!tpu.dma_semaphore, #tpu.memory_space<semaphore_mem>>) src(%dma_wait3A_60 : memref<200x50xi32, #tpu.memory_space<hbm>>) dst(%arg6 : memref<200x50xi32, #tpu.memory_space<vmem>>)
      tpu.yield
    }) : () -> ()
    %broadcast_in_dim3A = arith.constant 0.000000e+00 : f32
    %broadcast_in_dim3A_5 = vector.broadcast %broadcast_in_dim3A : f32 to vector<16xf32>
    %scan3A = arith.constant 0 : i32
    %scan3A_6 = arith.constant 0 : i32
    %scan3A_7 = arith.constant 50 : i32
    %scan3A_8 = arith.addi %scan3A_6, %scan3A_7 : i32
    %scan3A_9 = arith.constant 1 : i32
    %scan3A_10 = scf.for %scan3A_55 = %scan3A_6 to %scan3A_8 step %scan3A_9 iter_args(%scan3A_56 = %scan3A) -> (i32)  : i32 {
      %swap3A = arith.index_cast %scan3A_55 : i32 to index
      %swap3A_57 = arith.constant 0 : index
      %swap3A_58 = tpu.vector_load %arg5[%swap3A, %swap3A_57] {strides = array<i32>} : memref<50x16xf32, #tpu.memory_space<vmem>>, vector<1x16xf32>,
      %swap3A_59 = vector.shape_cast %swap3A_58 : vector<1x16xf32> to vector<16xf32>
      %swap3A_60 = vector.shape_cast %broadcast_in_dim3A_5 : vector<16xf32> to vector<1x16xf32>
      tpu.vector_store %arg5[%swap3A, %swap3A_57], %swap3A_60 {strides = array<i32>} : memref<50x16xf32, #tpu.memory_space<vmem>>, vector<1x16xf32>,
      %scan3A_61 = arith.constant 0 : i32
      scf.yield %scan3A_61 : i32
    }
    %scan3A_11 = arith.constant 50 : i32
    %add3A_12 = arith.constant 0 : i32
    %add3A_13 = arith.addi %mul3A_2, %add3A_12 : i32
    "tpu.region"() ({
      %run_scoped3A = tpu.sem_alloc : memref<!tpu.dma_semaphore, #tpu.memory_space<semaphore_mem>>
      %dma_start3A = arith.constant 0 : i32
      %dma_start3A_55 = arith.constant 0 : i32
      %dma_start3A_56 = tpu.memref_slice %arg5[%dma_start3A, %dma_start3A_55] : memref<50x16xf32, #tpu.memory_space<vmem>> -> memref<50x16xf32, #tpu.memory_space<vmem>>
      %dma_start3A_57 = arith.constant 0 : i32
      %dma_start3A_58 = tpu.memref_slice %arg4[%add3A_13, %dma_start3A_57] : memref<10112x16xf32, #tpu.memory_space<vmem_shared>> -> memref<50x16xf32, #tpu.memory_space<vmem_shared>>
      %dma_start3A_59 = arith.constant 0 : i32
      %dma_start3A_60 = tpu.memref_slice %arg4[%add3A_13, %dma_start3A_59] : memref<10112x16xf32, #tpu.memory_space<vmem_shared>> -> memref<50x16xf32, #tpu.memory_space<vmem_shared>>
      %dma_start3A_61 = arith.constant 0 : i32
      %dma_start3A_62 = arith.constant 0 : i32
      %dma_start3A_63 = tpu.memref_slice %arg5[%dma_start3A_61, %dma_start3A_62] : memref<50x16xf32, #tpu.memory_space<vmem>> -> memref<50x16xf32, #tpu.memory_space<vmem>>
      tpu.enqueue_dma source(%dma_start3A_63 : memref<50x16xf32, #tpu.memory_space<vmem>>) target(%dma_start3A_60 : memref<50x16xf32, #tpu.memory_space<vmem_shared>>) target_semaphore(%run_scoped3A : memref<!tpu.dma_semaphore, #tpu.memory_space<semaphore_mem>>)
      %dma_wait3A = arith.constant 0 : i32
      %dma_wait3A_64 = arith.constant 0 : i32
      %dma_wait3A_65 = tpu.memref_slice %arg5[%dma_wait3A, %dma_wait3A_64] : memref<50x16xf32, #tpu.memory_space<vmem>> -> memref<50x16xf32, #tpu.memory_space<vmem>>
      %dma_wait3A_66 = arith.constant 0 : i32
      %dma_wait3A_67 = tpu.memref_slice %arg4[%add3A_13, %dma_wait3A_66] : memref<10112x16xf32, #tpu.memory_space<vmem_shared>> -> memref<50x16xf32, #tpu.memory_space<vmem_shared>>
      %dma_wait3A_68 = arith.constant 0 : i32
      %dma_wait3A_69 = tpu.memref_slice %arg4[%add3A_13, %dma_wait3A_68] : memref<10112x16xf32, #tpu.memory_space<vmem_shared>> -> memref<50x16xf32, #tpu.memory_space<vmem_shared>>
      %dma_wait3A_70 = arith.constant 0 : i32
      %dma_wait3A_71 = arith.constant 0 : i32
      %dma_wait3A_72 = tpu.memref_slice %arg5[%dma_wait3A_70, %dma_wait3A_71] : memref<50x16xf32, #tpu.memory_space<vmem>> -> memref<50x16xf32, #tpu.memory_space<vmem>>
      tpu.wait_dma2 semaphore(%run_scoped3A : memref<!tpu.dma_semaphore, #tpu.memory_space<semaphore_mem>>) src(%dma_wait3A_72 : memref<50x16xf32, #tpu.memory_space<vmem>>) dst(%dma_wait3A_69 : memref<50x16xf32, #tpu.memory_space<vmem_shared>>)
      tpu.yield
    }) : () -> ()
    %add3A_14 = arith.constant 50 : i32
    %add3A_15 = arith.addi %mul3A_2, %add3A_14 : i32
    "tpu.region"() ({
      %run_scoped3A = tpu.sem_alloc : memref<!tpu.dma_semaphore, #tpu.memory_space<semaphore_mem>>
      %dma_start3A = arith.constant 0 : i32
      %dma_start3A_55 = arith.constant 0 : i32
      %dma_start3A_56 = tpu.memref_slice %arg5[%dma_start3A, %dma_start3A_55] : memref<50x16xf32, #tpu.memory_space<vmem>> -> memref<50x16xf32, #tpu.memory_space<vmem>>
      %dma_start3A_57 = arith.constant 0 : i32
      %dma_start3A_58 = tpu.memref_slice %arg4[%add3A_15, %dma_start3A_57] : memref<10112x16xf32, #tpu.memory_space<vmem_shared>> -> memref<50x16xf32, #tpu.memory_space<vmem_shared>>
      %dma_start3A_59 = arith.constant 0 : i32
      %dma_start3A_60 = tpu.memref_slice %arg4[%add3A_15, %dma_start3A_59] : memref<10112x16xf32, #tpu.memory_space<vmem_shared>> -> memref<50x16xf32, #tpu.memory_space<vmem_shared>>
      %dma_start3A_61 = arith.constant 0 : i32
      %dma_start3A_62 = arith.constant 0 : i32
      %dma_start3A_63 = tpu.memref_slice %arg5[%dma_start3A_61, %dma_start3A_62] : memref<50x16xf32, #tpu.memory_space<vmem>> -> memref<50x16xf32, #tpu.memory_space<vmem>>
      tpu.enqueue_dma source(%dma_start3A_63 : memref<50x16xf32, #tpu.memory_space<vmem>>) target(%dma_start3A_60 : memref<50x16xf32, #tpu.memory_space<vmem_shared>>) target_semaphore(%run_scoped3A : memref<!tpu.dma_semaphore, #tpu.memory_space<semaphore_mem>>)
      %dma_wait3A = arith.constant 0 : i32
      %dma_wait3A_64 = arith.constant 0 : i32
      %dma_wait3A_65 = tpu.memref_slice %arg5[%dma_wait3A, %dma_wait3A_64] : memref<50x16xf32, #tpu.memory_space<vmem>> -> memref<50x16xf32, #tpu.memory_space<vmem>>
      %dma_wait3A_66 = arith.constant 0 : i32
      %dma_wait3A_67 = tpu.memref_slice %arg4[%add3A_15, %dma_wait3A_66] : memref<10112x16xf32, #tpu.memory_space<vmem_shared>> -> memref<50x16xf32, #tpu.memory_space<vmem_shared>>
      %dma_wait3A_68 = arith.constant 0 : i32
      %dma_wait3A_69 = tpu.memref_slice %arg4[%add3A_15, %dma_wait3A_68] : memref<10112x16xf32, #tpu.memory_space<vmem_shared>> -> memref<50x16xf32, #tpu.memory_space<vmem_shared>>
      %dma_wait3A_70 = arith.constant 0 : i32
      %dma_wait3A_71 = arith.constant 0 : i32
      %dma_wait3A_72 = tpu.memref_slice %arg5[%dma_wait3A_70, %dma_wait3A_71] : memref<50x16xf32, #tpu.memory_space<vmem>> -> memref<50x16xf32, #tpu.memory_space<vmem>>
      tpu.wait_dma2 semaphore(%run_scoped3A : memref<!tpu.dma_semaphore, #tpu.memory_space<semaphore_mem>>) src(%dma_wait3A_72 : memref<50x16xf32, #tpu.memory_space<vmem>>) dst(%dma_wait3A_69 : memref<50x16xf32, #tpu.memory_space<vmem_shared>>)
      tpu.yield
    }) : () -> ()
    %add3A_16 = arith.constant 100 : i32
    %add3A_17 = arith.addi %mul3A_2, %add3A_16 : i32
    "tpu.region"() ({
      %run_scoped3A = tpu.sem_alloc : memref<!tpu.dma_semaphore, #tpu.memory_space<semaphore_mem>>
      %dma_start3A = arith.constant 0 : i32
      %dma_start3A_55 = arith.constant 0 : i32
      %dma_start3A_56 = tpu.memref_slice %arg5[%dma_start3A, %dma_start3A_55] : memref<50x16xf32, #tpu.memory_space<vmem>> -> memref<50x16xf32, #tpu.memory_space<vmem>>
      %dma_start3A_57 = arith.constant 0 : i32
      %dma_start3A_58 = tpu.memref_slice %arg4[%add3A_17, %dma_start3A_57] : memref<10112x16xf32, #tpu.memory_space<vmem_shared>> -> memref<50x16xf32, #tpu.memory_space<vmem_shared>>
      %dma_start3A_59 = arith.constant 0 : i32
      %dma_start3A_60 = tpu.memref_slice %arg4[%add3A_17, %dma_start3A_59] : memref<10112x16xf32, #tpu.memory_space<vmem_shared>> -> memref<50x16xf32, #tpu.memory_space<vmem_shared>>
      %dma_start3A_61 = arith.constant 0 : i32
      %dma_start3A_62 = arith.constant 0 : i32
      %dma_start3A_63 = tpu.memref_slice %arg5[%dma_start3A_61, %dma_start3A_62] : memref<50x16xf32, #tpu.memory_space<vmem>> -> memref<50x16xf32, #tpu.memory_space<vmem>>
      tpu.enqueue_dma source(%dma_start3A_63 : memref<50x16xf32, #tpu.memory_space<vmem>>) target(%dma_start3A_60 : memref<50x16xf32, #tpu.memory_space<vmem_shared>>) target_semaphore(%run_scoped3A : memref<!tpu.dma_semaphore, #tpu.memory_space<semaphore_mem>>)
      %dma_wait3A = arith.constant 0 : i32
      %dma_wait3A_64 = arith.constant 0 : i32
      %dma_wait3A_65 = tpu.memref_slice %arg5[%dma_wait3A, %dma_wait3A_64] : memref<50x16xf32, #tpu.memory_space<vmem>> -> memref<50x16xf32, #tpu.memory_space<vmem>>
      %dma_wait3A_66 = arith.constant 0 : i32
      %dma_wait3A_67 = tpu.memref_slice %arg4[%add3A_17, %dma_wait3A_66] : memref<10112x16xf32, #tpu.memory_space<vmem_shared>> -> memref<50x16xf32, #tpu.memory_space<vmem_shared>>
      %dma_wait3A_68 = arith.constant 0 : i32
      %dma_wait3A_69 = tpu.memref_slice %arg4[%add3A_17, %dma_wait3A_68] : memref<10112x16xf32, #tpu.memory_space<vmem_shared>> -> memref<50x16xf32, #tpu.memory_space<vmem_shared>>
      %dma_wait3A_70 = arith.constant 0 : i32
      %dma_wait3A_71 = arith.constant 0 : i32
      %dma_wait3A_72 = tpu.memref_slice %arg5[%dma_wait3A_70, %dma_wait3A_71] : memref<50x16xf32, #tpu.memory_space<vmem>> -> memref<50x16xf32, #tpu.memory_space<vmem>>
      tpu.wait_dma2 semaphore(%run_scoped3A : memref<!tpu.dma_semaphore, #tpu.memory_space<semaphore_mem>>) src(%dma_wait3A_72 : memref<50x16xf32, #tpu.memory_space<vmem>>) dst(%dma_wait3A_69 : memref<50x16xf32, #tpu.memory_space<vmem_shared>>)
      tpu.yield
    }) : () -> ()
    %add3A_18 = arith.constant 150 : i32
    %add3A_19 = arith.addi %mul3A_2, %add3A_18 : i32
    "tpu.region"() ({
      %run_scoped3A = tpu.sem_alloc : memref<!tpu.dma_semaphore, #tpu.memory_space<semaphore_mem>>
      %dma_start3A = arith.constant 0 : i32
      %dma_start3A_55 = arith.constant 0 : i32
      %dma_start3A_56 = tpu.memref_slice %arg5[%dma_start3A, %dma_start3A_55] : memref<50x16xf32, #tpu.memory_space<vmem>> -> memref<50x16xf32, #tpu.memory_space<vmem>>
      %dma_start3A_57 = arith.constant 0 : i32
      %dma_start3A_58 = tpu.memref_slice %arg4[%add3A_19, %dma_start3A_57] : memref<10112x16xf32, #tpu.memory_space<vmem_shared>> -> memref<50x16xf32, #tpu.memory_space<vmem_shared>>
      %dma_start3A_59 = arith.constant 0 : i32
      %dma_start3A_60 = tpu.memref_slice %arg4[%add3A_19, %dma_start3A_59] : memref<10112x16xf32, #tpu.memory_space<vmem_shared>> -> memref<50x16xf32, #tpu.memory_space<vmem_shared>>
      %dma_start3A_61 = arith.constant 0 : i32
      %dma_start3A_62 = arith.constant 0 : i32
      %dma_start3A_63 = tpu.memref_slice %arg5[%dma_start3A_61, %dma_start3A_62] : memref<50x16xf32, #tpu.memory_space<vmem>> -> memref<50x16xf32, #tpu.memory_space<vmem>>
      tpu.enqueue_dma source(%dma_start3A_63 : memref<50x16xf32, #tpu.memory_space<vmem>>) target(%dma_start3A_60 : memref<50x16xf32, #tpu.memory_space<vmem_shared>>) target_semaphore(%run_scoped3A : memref<!tpu.dma_semaphore, #tpu.memory_space<semaphore_mem>>)
      %dma_wait3A = arith.constant 0 : i32
      %dma_wait3A_64 = arith.constant 0 : i32
      %dma_wait3A_65 = tpu.memref_slice %arg5[%dma_wait3A, %dma_wait3A_64] : memref<50x16xf32, #tpu.memory_space<vmem>> -> memref<50x16xf32, #tpu.memory_space<vmem>>
      %dma_wait3A_66 = arith.constant 0 : i32
      %dma_wait3A_67 = tpu.memref_slice %arg4[%add3A_19, %dma_wait3A_66] : memref<10112x16xf32, #tpu.memory_space<vmem_shared>> -> memref<50x16xf32, #tpu.memory_space<vmem_shared>>
      %dma_wait3A_68 = arith.constant 0 : i32
      %dma_wait3A_69 = tpu.memref_slice %arg4[%add3A_19, %dma_wait3A_68] : memref<10112x16xf32, #tpu.memory_space<vmem_shared>> -> memref<50x16xf32, #tpu.memory_space<vmem_shared>>
      %dma_wait3A_70 = arith.constant 0 : i32
      %dma_wait3A_71 = arith.constant 0 : i32
      %dma_wait3A_72 = tpu.memref_slice %arg5[%dma_wait3A_70, %dma_wait3A_71] : memref<50x16xf32, #tpu.memory_space<vmem>> -> memref<50x16xf32, #tpu.memory_space<vmem>>
      tpu.wait_dma2 semaphore(%run_scoped3A : memref<!tpu.dma_semaphore, #tpu.memory_space<semaphore_mem>>) src(%dma_wait3A_72 : memref<50x16xf32, #tpu.memory_space<vmem>>) dst(%dma_wait3A_69 : memref<50x16xf32, #tpu.memory_space<vmem_shared>>)
      tpu.yield
    }) : () -> ()
    %add3A_20 = arith.constant 200 : i32
    %add3A_21 = arith.addi %mul3A_2, %add3A_20 : i32
    "tpu.region"() ({
      %run_scoped3A = tpu.sem_alloc : memref<!tpu.dma_semaphore, #tpu.memory_space<semaphore_mem>>
      %dma_start3A = arith.constant 0 : i32
      %dma_start3A_55 = arith.constant 0 : i32
      %dma_start3A_56 = tpu.memref_slice %arg5[%dma_start3A, %dma_start3A_55] : memref<50x16xf32, #tpu.memory_space<vmem>> -> memref<50x16xf32, #tpu.memory_space<vmem>>
      %dma_start3A_57 = arith.constant 0 : i32
      %dma_start3A_58 = tpu.memref_slice %arg4[%add3A_21, %dma_start3A_57] : memref<10112x16xf32, #tpu.memory_space<vmem_shared>> -> memref<50x16xf32, #tpu.memory_space<vmem_shared>>
      %dma_start3A_59 = arith.constant 0 : i32
      %dma_start3A_60 = tpu.memref_slice %arg4[%add3A_21, %dma_start3A_59] : memref<10112x16xf32, #tpu.memory_space<vmem_shared>> -> memref<50x16xf32, #tpu.memory_space<vmem_shared>>
      %dma_start3A_61 = arith.constant 0 : i32
      %dma_start3A_62 = arith.constant 0 : i32
      %dma_start3A_63 = tpu.memref_slice %arg5[%dma_start3A_61, %dma_start3A_62] : memref<50x16xf32, #tpu.memory_space<vmem>> -> memref<50x16xf32, #tpu.memory_space<vmem>>
      tpu.enqueue_dma source(%dma_start3A_63 : memref<50x16xf32, #tpu.memory_space<vmem>>) target(%dma_start3A_60 : memref<50x16xf32, #tpu.memory_space<vmem_shared>>) target_semaphore(%run_scoped3A : memref<!tpu.dma_semaphore, #tpu.memory_space<semaphore_mem>>)
      %dma_wait3A = arith.constant 0 : i32
      %dma_wait3A_64 = arith.constant 0 : i32
      %dma_wait3A_65 = tpu.memref_slice %arg5[%dma_wait3A, %dma_wait3A_64] : memref<50x16xf32, #tpu.memory_space<vmem>> -> memref<50x16xf32, #tpu.memory_space<vmem>>
      %dma_wait3A_66 = arith.constant 0 : i32
      %dma_wait3A_67 = tpu.memref_slice %arg4[%add3A_21, %dma_wait3A_66] : memref<10112x16xf32, #tpu.memory_space<vmem_shared>> -> memref<50x16xf32, #tpu.memory_space<vmem_shared>>
      %dma_wait3A_68 = arith.constant 0 : i32
      %dma_wait3A_69 = tpu.memref_slice %arg4[%add3A_21, %dma_wait3A_68] : memref<10112x16xf32, #tpu.memory_space<vmem_shared>> -> memref<50x16xf32, #tpu.memory_space<vmem_shared>>
      %dma_wait3A_70 = arith.constant 0 : i32
      %dma_wait3A_71 = arith.constant 0 : i32
      %dma_wait3A_72 = tpu.memref_slice %arg5[%dma_wait3A_70, %dma_wait3A_71] : memref<50x16xf32, #tpu.memory_space<vmem>> -> memref<50x16xf32, #tpu.memory_space<vmem>>
      tpu.wait_dma2 semaphore(%run_scoped3A : memref<!tpu.dma_semaphore, #tpu.memory_space<semaphore_mem>>) src(%dma_wait3A_72 : memref<50x16xf32, #tpu.memory_space<vmem>>) dst(%dma_wait3A_69 : memref<50x16xf32, #tpu.memory_space<vmem_shared>>)
      tpu.yield
    }) : () -> ()
    %add3A_22 = arith.constant 250 : i32
    %add3A_23 = arith.addi %mul3A_2, %add3A_22 : i32
    "tpu.region"() ({
      %run_scoped3A = tpu.sem_alloc : memref<!tpu.dma_semaphore, #tpu.memory_space<semaphore_mem>>
      %dma_start3A = arith.constant 0 : i32
      %dma_start3A_55 = arith.constant 0 : i32
      %dma_start3A_56 = tpu.memref_slice %arg5[%dma_start3A, %dma_start3A_55] : memref<50x16xf32, #tpu.memory_space<vmem>> -> memref<50x16xf32, #tpu.memory_space<vmem>>
      %dma_start3A_57 = arith.constant 0 : i32
      %dma_start3A_58 = tpu.memref_slice %arg4[%add3A_23, %dma_start3A_57] : memref<10112x16xf32, #tpu.memory_space<vmem_shared>> -> memref<50x16xf32, #tpu.memory_space<vmem_shared>>
      %dma_start3A_59 = arith.constant 0 : i32
      %dma_start3A_60 = tpu.memref_slice %arg4[%add3A_23, %dma_start3A_59] : memref<10112x16xf32, #tpu.memory_space<vmem_shared>> -> memref<50x16xf32, #tpu.memory_space<vmem_shared>>
      %dma_start3A_61 = arith.constant 0 : i32
      %dma_start3A_62 = arith.constant 0 : i32
      %dma_start3A_63 = tpu.memref_slice %arg5[%dma_start3A_61, %dma_start3A_62] : memref<50x16xf32, #tpu.memory_space<vmem>> -> memref<50x16xf32, #tpu.memory_space<vmem>>
      tpu.enqueue_dma source(%dma_start3A_63 : memref<50x16xf32, #tpu.memory_space<vmem>>) target(%dma_start3A_60 : memref<50x16xf32, #tpu.memory_space<vmem_shared>>) target_semaphore(%run_scoped3A : memref<!tpu.dma_semaphore, #tpu.memory_space<semaphore_mem>>)
      %dma_wait3A = arith.constant 0 : i32
      %dma_wait3A_64 = arith.constant 0 : i32
      %dma_wait3A_65 = tpu.memref_slice %arg5[%dma_wait3A, %dma_wait3A_64] : memref<50x16xf32, #tpu.memory_space<vmem>> -> memref<50x16xf32, #tpu.memory_space<vmem>>
      %dma_wait3A_66 = arith.constant 0 : i32
      %dma_wait3A_67 = tpu.memref_slice %arg4[%add3A_23, %dma_wait3A_66] : memref<10112x16xf32, #tpu.memory_space<vmem_shared>> -> memref<50x16xf32, #tpu.memory_space<vmem_shared>>
      %dma_wait3A_68 = arith.constant 0 : i32
      %dma_wait3A_69 = tpu.memref_slice %arg4[%add3A_23, %dma_wait3A_68] : memref<10112x16xf32, #tpu.memory_space<vmem_shared>> -> memref<50x16xf32, #tpu.memory_space<vmem_shared>>
      %dma_wait3A_70 = arith.constant 0 : i32
      %dma_wait3A_71 = arith.constant 0 : i32
      %dma_wait3A_72 = tpu.memref_slice %arg5[%dma_wait3A_70, %dma_wait3A_71] : memref<50x16xf32, #tpu.memory_space<vmem>> -> memref<50x16xf32, #tpu.memory_space<vmem>>
      tpu.wait_dma2 semaphore(%run_scoped3A : memref<!tpu.dma_semaphore, #tpu.memory_space<semaphore_mem>>) src(%dma_wait3A_72 : memref<50x16xf32, #tpu.memory_space<vmem>>) dst(%dma_wait3A_69 : memref<50x16xf32, #tpu.memory_space<vmem_shared>>)
      tpu.yield
    }) : () -> ()
    %add3A_24 = arith.constant 300 : i32
    %add3A_25 = arith.addi %mul3A_2, %add3A_24 : i32
    "tpu.region"() ({
      %run_scoped3A = tpu.sem_alloc : memref<!tpu.dma_semaphore, #tpu.memory_space<semaphore_mem>>
      %dma_start3A = arith.constant 0 : i32
      %dma_start3A_55 = arith.constant 0 : i32
      %dma_start3A_56 = tpu.memref_slice %arg5[%dma_start3A, %dma_start3A_55] : memref<50x16xf32, #tpu.memory_space<vmem>> -> memref<50x16xf32, #tpu.memory_space<vmem>>
      %dma_start3A_57 = arith.constant 0 : i32
      %dma_start3A_58 = tpu.memref_slice %arg4[%add3A_25, %dma_start3A_57] : memref<10112x16xf32, #tpu.memory_space<vmem_shared>> -> memref<50x16xf32, #tpu.memory_space<vmem_shared>>
      %dma_start3A_59 = arith.constant 0 : i32
      %dma_start3A_60 = tpu.memref_slice %arg4[%add3A_25, %dma_start3A_59] : memref<10112x16xf32, #tpu.memory_space<vmem_shared>> -> memref<50x16xf32, #tpu.memory_space<vmem_shared>>
      %dma_start3A_61 = arith.constant 0 : i32
      %dma_start3A_62 = arith.constant 0 : i32
      %dma_start3A_63 = tpu.memref_slice %arg5[%dma_start3A_61, %dma_start3A_62] : memref<50x16xf32, #tpu.memory_space<vmem>> -> memref<50x16xf32, #tpu.memory_space<vmem>>
      tpu.enqueue_dma source(%dma_start3A_63 : memref<50x16xf32, #tpu.memory_space<vmem>>) target(%dma_start3A_60 : memref<50x16xf32, #tpu.memory_space<vmem_shared>>) target_semaphore(%run_scoped3A : memref<!tpu.dma_semaphore, #tpu.memory_space<semaphore_mem>>)
      %dma_wait3A = arith.constant 0 : i32
      %dma_wait3A_64 = arith.constant 0 : i32
      %dma_wait3A_65 = tpu.memref_slice %arg5[%dma_wait3A, %dma_wait3A_64] : memref<50x16xf32, #tpu.memory_space<vmem>> -> memref<50x16xf32, #tpu.memory_space<vmem>>
      %dma_wait3A_66 = arith.constant 0 : i32
      %dma_wait3A_67 = tpu.memref_slice %arg4[%add3A_25, %dma_wait3A_66] : memref<10112x16xf32, #tpu.memory_space<vmem_shared>> -> memref<50x16xf32, #tpu.memory_space<vmem_shared>>
      %dma_wait3A_68 = arith.constant 0 : i32
      %dma_wait3A_69 = tpu.memref_slice %arg4[%add3A_25, %dma_wait3A_68] : memref<10112x16xf32, #tpu.memory_space<vmem_shared>> -> memref<50x16xf32, #tpu.memory_space<vmem_shared>>
      %dma_wait3A_70 = arith.constant 0 : i32
      %dma_wait3A_71 = arith.constant 0 : i32
      %dma_wait3A_72 = tpu.memref_slice %arg5[%dma_wait3A_70, %dma_wait3A_71] : memref<50x16xf32, #tpu.memory_space<vmem>> -> memref<50x16xf32, #tpu.memory_space<vmem>>
      tpu.wait_dma2 semaphore(%run_scoped3A : memref<!tpu.dma_semaphore, #tpu.memory_space<semaphore_mem>>) src(%dma_wait3A_72 : memref<50x16xf32, #tpu.memory_space<vmem>>) dst(%dma_wait3A_69 : memref<50x16xf32, #tpu.memory_space<vmem_shared>>)
      tpu.yield
    }) : () -> ()
    %add3A_26 = arith.constant 350 : i32
    %add3A_27 = arith.addi %mul3A_2, %add3A_26 : i32
    "tpu.region"() ({
      %run_scoped3A = tpu.sem_alloc : memref<!tpu.dma_semaphore, #tpu.memory_space<semaphore_mem>>
      %dma_start3A = arith.constant 0 : i32
      %dma_start3A_55 = arith.constant 0 : i32
      %dma_start3A_56 = tpu.memref_slice %arg5[%dma_start3A, %dma_start3A_55] : memref<50x16xf32, #tpu.memory_space<vmem>> -> memref<50x16xf32, #tpu.memory_space<vmem>>
      %dma_start3A_57 = arith.constant 0 : i32
      %dma_start3A_58 = tpu.memref_slice %arg4[%add3A_27, %dma_start3A_57] : memref<10112x16xf32, #tpu.memory_space<vmem_shared>> -> memref<50x16xf32, #tpu.memory_space<vmem_shared>>
      %dma_start3A_59 = arith.constant 0 : i32
      %dma_start3A_60 = tpu.memref_slice %arg4[%add3A_27, %dma_start3A_59] : memref<10112x16xf32, #tpu.memory_space<vmem_shared>> -> memref<50x16xf32, #tpu.memory_space<vmem_shared>>
      %dma_start3A_61 = arith.constant 0 : i32
      %dma_start3A_62 = arith.constant 0 : i32
      %dma_start3A_63 = tpu.memref_slice %arg5[%dma_start3A_61, %dma_start3A_62] : memref<50x16xf32, #tpu.memory_space<vmem>> -> memref<50x16xf32, #tpu.memory_space<vmem>>
      tpu.enqueue_dma source(%dma_start3A_63 : memref<50x16xf32, #tpu.memory_space<vmem>>) target(%dma_start3A_60 : memref<50x16xf32, #tpu.memory_space<vmem_shared>>) target_semaphore(%run_scoped3A : memref<!tpu.dma_semaphore, #tpu.memory_space<semaphore_mem>>)
      %dma_wait3A = arith.constant 0 : i32
      %dma_wait3A_64 = arith.constant 0 : i32
      %dma_wait3A_65 = tpu.memref_slice %arg5[%dma_wait3A, %dma_wait3A_64] : memref<50x16xf32, #tpu.memory_space<vmem>> -> memref<50x16xf32, #tpu.memory_space<vmem>>
      %dma_wait3A_66 = arith.constant 0 : i32
      %dma_wait3A_67 = tpu.memref_slice %arg4[%add3A_27, %dma_wait3A_66] : memref<10112x16xf32, #tpu.memory_space<vmem_shared>> -> memref<50x16xf32, #tpu.memory_space<vmem_shared>>
      %dma_wait3A_68 = arith.constant 0 : i32
      %dma_wait3A_69 = tpu.memref_slice %arg4[%add3A_27, %dma_wait3A_68] : memref<10112x16xf32, #tpu.memory_space<vmem_shared>> -> memref<50x16xf32, #tpu.memory_space<vmem_shared>>
      %dma_wait3A_70 = arith.constant 0 : i32
      %dma_wait3A_71 = arith.constant 0 : i32
      %dma_wait3A_72 = tpu.memref_slice %arg5[%dma_wait3A_70, %dma_wait3A_71] : memref<50x16xf32, #tpu.memory_space<vmem>> -> memref<50x16xf32, #tpu.memory_space<vmem>>
      tpu.wait_dma2 semaphore(%run_scoped3A : memref<!tpu.dma_semaphore, #tpu.memory_space<semaphore_mem>>) src(%dma_wait3A_72 : memref<50x16xf32, #tpu.memory_space<vmem>>) dst(%dma_wait3A_69 : memref<50x16xf32, #tpu.memory_space<vmem_shared>>)
      tpu.yield
    }) : () -> ()
    %add3A_28 = arith.constant 400 : i32
    %add3A_29 = arith.addi %mul3A_2, %add3A_28 : i32
    "tpu.region"() ({
      %run_scoped3A = tpu.sem_alloc : memref<!tpu.dma_semaphore, #tpu.memory_space<semaphore_mem>>
      %dma_start3A = arith.constant 0 : i32
      %dma_start3A_55 = arith.constant 0 : i32
      %dma_start3A_56 = tpu.memref_slice %arg5[%dma_start3A, %dma_start3A_55] : memref<50x16xf32, #tpu.memory_space<vmem>> -> memref<50x16xf32, #tpu.memory_space<vmem>>
      %dma_start3A_57 = arith.constant 0 : i32
      %dma_start3A_58 = tpu.memref_slice %arg4[%add3A_29, %dma_start3A_57] : memref<10112x16xf32, #tpu.memory_space<vmem_shared>> -> memref<50x16xf32, #tpu.memory_space<vmem_shared>>
      %dma_start3A_59 = arith.constant 0 : i32
      %dma_start3A_60 = tpu.memref_slice %arg4[%add3A_29, %dma_start3A_59] : memref<10112x16xf32, #tpu.memory_space<vmem_shared>> -> memref<50x16xf32, #tpu.memory_space<vmem_shared>>
      %dma_start3A_61 = arith.constant 0 : i32
      %dma_start3A_62 = arith.constant 0 : i32
      %dma_start3A_63 = tpu.memref_slice %arg5[%dma_start3A_61, %dma_start3A_62] : memref<50x16xf32, #tpu.memory_space<vmem>> -> memref<50x16xf32, #tpu.memory_space<vmem>>
      tpu.enqueue_dma source(%dma_start3A_63 : memref<50x16xf32, #tpu.memory_space<vmem>>) target(%dma_start3A_60 : memref<50x16xf32, #tpu.memory_space<vmem_shared>>) target_semaphore(%run_scoped3A : memref<!tpu.dma_semaphore, #tpu.memory_space<semaphore_mem>>)
      %dma_wait3A = arith.constant 0 : i32
      %dma_wait3A_64 = arith.constant 0 : i32
      %dma_wait3A_65 = tpu.memref_slice %arg5[%dma_wait3A, %dma_wait3A_64] : memref<50x16xf32, #tpu.memory_space<vmem>> -> memref<50x16xf32, #tpu.memory_space<vmem>>
      %dma_wait3A_66 = arith.constant 0 : i32
      %dma_wait3A_67 = tpu.memref_slice %arg4[%add3A_29, %dma_wait3A_66] : memref<10112x16xf32, #tpu.memory_space<vmem_shared>> -> memref<50x16xf32, #tpu.memory_space<vmem_shared>>
      %dma_wait3A_68 = arith.constant 0 : i32
      %dma_wait3A_69 = tpu.memref_slice %arg4[%add3A_29, %dma_wait3A_68] : memref<10112x16xf32, #tpu.memory_space<vmem_shared>> -> memref<50x16xf32, #tpu.memory_space<vmem_shared>>
      %dma_wait3A_70 = arith.constant 0 : i32
      %dma_wait3A_71 = arith.constant 0 : i32
      %dma_wait3A_72 = tpu.memref_slice %arg5[%dma_wait3A_70, %dma_wait3A_71] : memref<50x16xf32, #tpu.memory_space<vmem>> -> memref<50x16xf32, #tpu.memory_space<vmem>>
      tpu.wait_dma2 semaphore(%run_scoped3A : memref<!tpu.dma_semaphore, #tpu.memory_space<semaphore_mem>>) src(%dma_wait3A_72 : memref<50x16xf32, #tpu.memory_space<vmem>>) dst(%dma_wait3A_69 : memref<50x16xf32, #tpu.memory_space<vmem_shared>>)
      tpu.yield
    }) : () -> ()
    %add3A_30 = arith.constant 450 : i32
    %add3A_31 = arith.addi %mul3A_2, %add3A_30 : i32
    "tpu.region"() ({
      %run_scoped3A = tpu.sem_alloc : memref<!tpu.dma_semaphore, #tpu.memory_space<semaphore_mem>>
      %dma_start3A = arith.constant 0 : i32
      %dma_start3A_55 = arith.constant 0 : i32
      %dma_start3A_56 = tpu.memref_slice %arg5[%dma_start3A, %dma_start3A_55] : memref<50x16xf32, #tpu.memory_space<vmem>> -> memref<50x16xf32, #tpu.memory_space<vmem>>
      %dma_start3A_57 = arith.constant 0 : i32
      %dma_start3A_58 = tpu.memref_slice %arg4[%add3A_31, %dma_start3A_57] : memref<10112x16xf32, #tpu.memory_space<vmem_shared>> -> memref<50x16xf32, #tpu.memory_space<vmem_shared>>
      %dma_start3A_59 = arith.constant 0 : i32
      %dma_start3A_60 = tpu.memref_slice %arg4[%add3A_31, %dma_start3A_59] : memref<10112x16xf32, #tpu.memory_space<vmem_shared>> -> memref<50x16xf32, #tpu.memory_space<vmem_shared>>
      %dma_start3A_61 = arith.constant 0 : i32
      %dma_start3A_62 = arith.constant 0 : i32
      %dma_start3A_63 = tpu.memref_slice %arg5[%dma_start3A_61, %dma_start3A_62] : memref<50x16xf32, #tpu.memory_space<vmem>> -> memref<50x16xf32, #tpu.memory_space<vmem>>
      tpu.enqueue_dma source(%dma_start3A_63 : memref<50x16xf32, #tpu.memory_space<vmem>>) target(%dma_start3A_60 : memref<50x16xf32, #tpu.memory_space<vmem_shared>>) target_semaphore(%run_scoped3A : memref<!tpu.dma_semaphore, #tpu.memory_space<semaphore_mem>>)
      %dma_wait3A = arith.constant 0 : i32
      %dma_wait3A_64 = arith.constant 0 : i32
      %dma_wait3A_65 = tpu.memref_slice %arg5[%dma_wait3A, %dma_wait3A_64] : memref<50x16xf32, #tpu.memory_space<vmem>> -> memref<50x16xf32, #tpu.memory_space<vmem>>
      %dma_wait3A_66 = arith.constant 0 : i32
      %dma_wait3A_67 = tpu.memref_slice %arg4[%add3A_31, %dma_wait3A_66] : memref<10112x16xf32, #tpu.memory_space<vmem_shared>> -> memref<50x16xf32, #tpu.memory_space<vmem_shared>>
      %dma_wait3A_68 = arith.constant 0 : i32
      %dma_wait3A_69 = tpu.memref_slice %arg4[%add3A_31, %dma_wait3A_68] : memref<10112x16xf32, #tpu.memory_space<vmem_shared>> -> memref<50x16xf32, #tpu.memory_space<vmem_shared>>
      %dma_wait3A_70 = arith.constant 0 : i32
      %dma_wait3A_71 = arith.constant 0 : i32
      %dma_wait3A_72 = tpu.memref_slice %arg5[%dma_wait3A_70, %dma_wait3A_71] : memref<50x16xf32, #tpu.memory_space<vmem>> -> memref<50x16xf32, #tpu.memory_space<vmem>>
      tpu.wait_dma2 semaphore(%run_scoped3A : memref<!tpu.dma_semaphore, #tpu.memory_space<semaphore_mem>>) src(%dma_wait3A_72 : memref<50x16xf32, #tpu.memory_space<vmem>>) dst(%dma_wait3A_69 : memref<50x16xf32, #tpu.memory_space<vmem_shared>>)
      tpu.yield
    }) : () -> ()
    %add3A_32 = arith.constant 500 : i32
    %add3A_33 = arith.addi %mul3A_2, %add3A_32 : i32
    "tpu.region"() ({
      %run_scoped3A = tpu.sem_alloc : memref<!tpu.dma_semaphore, #tpu.memory_space<semaphore_mem>>
      %dma_start3A = arith.constant 0 : i32
      %dma_start3A_55 = arith.constant 0 : i32
      %dma_start3A_56 = tpu.memref_slice %arg5[%dma_start3A, %dma_start3A_55] : memref<50x16xf32, #tpu.memory_space<vmem>> -> memref<50x16xf32, #tpu.memory_space<vmem>>
      %dma_start3A_57 = arith.constant 0 : i32
      %dma_start3A_58 = tpu.memref_slice %arg4[%add3A_33, %dma_start3A_57] : memref<10112x16xf32, #tpu.memory_space<vmem_shared>> -> memref<50x16xf32, #tpu.memory_space<vmem_shared>>
      %dma_start3A_59 = arith.constant 0 : i32
      %dma_start3A_60 = tpu.memref_slice %arg4[%add3A_33, %dma_start3A_59] : memref<10112x16xf32, #tpu.memory_space<vmem_shared>> -> memref<50x16xf32, #tpu.memory_space<vmem_shared>>
      %dma_start3A_61 = arith.constant 0 : i32
      %dma_start3A_62 = arith.constant 0 : i32
      %dma_start3A_63 = tpu.memref_slice %arg5[%dma_start3A_61, %dma_start3A_62] : memref<50x16xf32, #tpu.memory_space<vmem>> -> memref<50x16xf32, #tpu.memory_space<vmem>>
      tpu.enqueue_dma source(%dma_start3A_63 : memref<50x16xf32, #tpu.memory_space<vmem>>) target(%dma_start3A_60 : memref<50x16xf32, #tpu.memory_space<vmem_shared>>) target_semaphore(%run_scoped3A : memref<!tpu.dma_semaphore, #tpu.memory_space<semaphore_mem>>)
      %dma_wait3A = arith.constant 0 : i32
      %dma_wait3A_64 = arith.constant 0 : i32
      %dma_wait3A_65 = tpu.memref_slice %arg5[%dma_wait3A, %dma_wait3A_64] : memref<50x16xf32, #tpu.memory_space<vmem>> -> memref<50x16xf32, #tpu.memory_space<vmem>>
      %dma_wait3A_66 = arith.constant 0 : i32
      %dma_wait3A_67 = tpu.memref_slice %arg4[%add3A_33, %dma_wait3A_66] : memref<10112x16xf32, #tpu.memory_space<vmem_shared>> -> memref<50x16xf32, #tpu.memory_space<vmem_shared>>
      %dma_wait3A_68 = arith.constant 0 : i32
      %dma_wait3A_69 = tpu.memref_slice %arg4[%add3A_33, %dma_wait3A_68] : memref<10112x16xf32, #tpu.memory_space<vmem_shared>> -> memref<50x16xf32, #tpu.memory_space<vmem_shared>>
      %dma_wait3A_70 = arith.constant 0 : i32
      %dma_wait3A_71 = arith.constant 0 : i32
      %dma_wait3A_72 = tpu.memref_slice %arg5[%dma_wait3A_70, %dma_wait3A_71] : memref<50x16xf32, #tpu.memory_space<vmem>> -> memref<50x16xf32, #tpu.memory_space<vmem>>
      tpu.wait_dma2 semaphore(%run_scoped3A : memref<!tpu.dma_semaphore, #tpu.memory_space<semaphore_mem>>) src(%dma_wait3A_72 : memref<50x16xf32, #tpu.memory_space<vmem>>) dst(%dma_wait3A_69 : memref<50x16xf32, #tpu.memory_space<vmem_shared>>)
      tpu.yield
    }) : () -> ()
    %add3A_34 = arith.constant 550 : i32
    %add3A_35 = arith.addi %mul3A_2, %add3A_34 : i32
    "tpu.region"() ({
      %run_scoped3A = tpu.sem_alloc : memref<!tpu.dma_semaphore, #tpu.memory_space<semaphore_mem>>
      %dma_start3A = arith.constant 0 : i32
      %dma_start3A_55 = arith.constant 0 : i32
      %dma_start3A_56 = tpu.memref_slice %arg5[%dma_start3A, %dma_start3A_55] : memref<50x16xf32, #tpu.memory_space<vmem>> -> memref<50x16xf32, #tpu.memory_space<vmem>>
      %dma_start3A_57 = arith.constant 0 : i32
      %dma_start3A_58 = tpu.memref_slice %arg4[%add3A_35, %dma_start3A_57] : memref<10112x16xf32, #tpu.memory_space<vmem_shared>> -> memref<50x16xf32, #tpu.memory_space<vmem_shared>>
      %dma_start3A_59 = arith.constant 0 : i32
      %dma_start3A_60 = tpu.memref_slice %arg4[%add3A_35, %dma_start3A_59] : memref<10112x16xf32, #tpu.memory_space<vmem_shared>> -> memref<50x16xf32, #tpu.memory_space<vmem_shared>>
      %dma_start3A_61 = arith.constant 0 : i32
      %dma_start3A_62 = arith.constant 0 : i32
      %dma_start3A_63 = tpu.memref_slice %arg5[%dma_start3A_61, %dma_start3A_62] : memref<50x16xf32, #tpu.memory_space<vmem>> -> memref<50x16xf32, #tpu.memory_space<vmem>>
      tpu.enqueue_dma source(%dma_start3A_63 : memref<50x16xf32, #tpu.memory_space<vmem>>) target(%dma_start3A_60 : memref<50x16xf32, #tpu.memory_space<vmem_shared>>) target_semaphore(%run_scoped3A : memref<!tpu.dma_semaphore, #tpu.memory_space<semaphore_mem>>)
      %dma_wait3A = arith.constant 0 : i32
      %dma_wait3A_64 = arith.constant 0 : i32
      %dma_wait3A_65 = tpu.memref_slice %arg5[%dma_wait3A, %dma_wait3A_64] : memref<50x16xf32, #tpu.memory_space<vmem>> -> memref<50x16xf32, #tpu.memory_space<vmem>>
      %dma_wait3A_66 = arith.constant 0 : i32
      %dma_wait3A_67 = tpu.memref_slice %arg4[%add3A_35, %dma_wait3A_66] : memref<10112x16xf32, #tpu.memory_space<vmem_shared>> -> memref<50x16xf32, #tpu.memory_space<vmem_shared>>
      %dma_wait3A_68 = arith.constant 0 : i32
      %dma_wait3A_69 = tpu.memref_slice %arg4[%add3A_35, %dma_wait3A_68] : memref<10112x16xf32, #tpu.memory_space<vmem_shared>> -> memref<50x16xf32, #tpu.memory_space<vmem_shared>>
      %dma_wait3A_70 = arith.constant 0 : i32
      %dma_wait3A_71 = arith.constant 0 : i32
      %dma_wait3A_72 = tpu.memref_slice %arg5[%dma_wait3A_70, %dma_wait3A_71] : memref<50x16xf32, #tpu.memory_space<vmem>> -> memref<50x16xf32, #tpu.memory_space<vmem>>
      tpu.wait_dma2 semaphore(%run_scoped3A : memref<!tpu.dma_semaphore, #tpu.memory_space<semaphore_mem>>) src(%dma_wait3A_72 : memref<50x16xf32, #tpu.memory_space<vmem>>) dst(%dma_wait3A_69 : memref<50x16xf32, #tpu.memory_space<vmem_shared>>)
      tpu.yield
    }) : () -> ()
    %add3A_36 = arith.constant 600 : i32
    %add3A_37 = arith.addi %mul3A_2, %add3A_36 : i32
    "tpu.region"() ({
      %run_scoped3A = tpu.sem_alloc : memref<!tpu.dma_semaphore, #tpu.memory_space<semaphore_mem>>
      %dma_start3A = arith.constant 0 : i32
      %dma_start3A_55 = arith.constant 0 : i32
      %dma_start3A_56 = tpu.memref_slice %arg5[%dma_start3A, %dma_start3A_55] : memref<50x16xf32, #tpu.memory_space<vmem>> -> memref<32x16xf32, #tpu.memory_space<vmem>>
      %dma_start3A_57 = arith.constant 0 : i32
      %dma_start3A_58 = tpu.memref_slice %arg4[%add3A_37, %dma_start3A_57] : memref<10112x16xf32, #tpu.memory_space<vmem_shared>> -> memref<32x16xf32, #tpu.memory_space<vmem_shared>>
      %dma_start3A_59 = arith.constant 0 : i32
      %dma_start3A_60 = tpu.memref_slice %arg4[%add3A_37, %dma_start3A_59] : memref<10112x16xf32, #tpu.memory_space<vmem_shared>> -> memref<32x16xf32, #tpu.memory_space<vmem_shared>>
      %dma_start3A_61 = arith.constant 0 : i32
      %dma_start3A_62 = arith.constant 0 : i32
      %dma_start3A_63 = tpu.memref_slice %arg5[%dma_start3A_61, %dma_start3A_62] : memref<50x16xf32, #tpu.memory_space<vmem>> -> memref<32x16xf32, #tpu.memory_space<vmem>>
      tpu.enqueue_dma source(%dma_start3A_63 : memref<32x16xf32, #tpu.memory_space<vmem>>) target(%dma_start3A_60 : memref<32x16xf32, #tpu.memory_space<vmem_shared>>) target_semaphore(%run_scoped3A : memref<!tpu.dma_semaphore, #tpu.memory_space<semaphore_mem>>)
      %dma_wait3A = arith.constant 0 : i32
      %dma_wait3A_64 = arith.constant 0 : i32
      %dma_wait3A_65 = tpu.memref_slice %arg5[%dma_wait3A, %dma_wait3A_64] : memref<50x16xf32, #tpu.memory_space<vmem>> -> memref<32x16xf32, #tpu.memory_space<vmem>>
      %dma_wait3A_66 = arith.constant 0 : i32
      %dma_wait3A_67 = tpu.memref_slice %arg4[%add3A_37, %dma_wait3A_66] : memref<10112x16xf32, #tpu.memory_space<vmem_shared>> -> memref<32x16xf32, #tpu.memory_space<vmem_shared>>
      %dma_wait3A_68 = arith.constant 0 : i32
      %dma_wait3A_69 = tpu.memref_slice %arg4[%add3A_37, %dma_wait3A_68] : memref<10112x16xf32, #tpu.memory_space<vmem_shared>> -> memref<32x16xf32, #tpu.memory_space<vmem_shared>>
      %dma_wait3A_70 = arith.constant 0 : i32
      %dma_wait3A_71 = arith.constant 0 : i32
      %dma_wait3A_72 = tpu.memref_slice %arg5[%dma_wait3A_70, %dma_wait3A_71] : memref<50x16xf32, #tpu.memory_space<vmem>> -> memref<32x16xf32, #tpu.memory_space<vmem>>
      tpu.wait_dma2 semaphore(%run_scoped3A : memref<!tpu.dma_semaphore, #tpu.memory_space<semaphore_mem>>) src(%dma_wait3A_72 : memref<32x16xf32, #tpu.memory_space<vmem>>) dst(%dma_wait3A_69 : memref<32x16xf32, #tpu.memory_space<vmem_shared>>)
      tpu.yield
    }) : () -> ()
    %barrier3A = arith.constant 0 : index
    tpu.barrier barrier_id(%barrier3A)
    %broadcast_in_dim3A_38 = arith.constant 1.000000e+00 : f32
    %broadcast_in_dim3A_39 = vector.broadcast %broadcast_in_dim3A_38 : f32 to vector<16xf32>
    %scan3A_40 = arith.constant 0 : i32
    %scan3A_41 = arith.constant 0 : i32
    %scan3A_42 = arith.constant 50 : i32
    %scan3A_43 = arith.addi %scan3A_41, %scan3A_42 : i32
    %scan3A_44 = arith.constant 1 : i32
    %scan3A_45 = scf.for %scan3A_55 = %scan3A_41 to %scan3A_43 step %scan3A_44 iter_args(%scan3A_56 = %scan3A_40) -> (i32)  : i32 {
      %swap3A = arith.index_cast %scan3A_55 : i32 to index
      %swap3A_57 = arith.constant 0 : index
      %swap3A_58 = tpu.vector_load %arg5[%swap3A, %swap3A_57] {strides = array<i32>} : memref<50x16xf32, #tpu.memory_space<vmem>>, vector<1x16xf32>,
      %swap3A_59 = vector.shape_cast %swap3A_58 : vector<1x16xf32> to vector<16xf32>
      %swap3A_60 = vector.shape_cast %broadcast_in_dim3A_39 : vector<16xf32> to vector<1x16xf32>
      tpu.vector_store %arg5[%swap3A, %swap3A_57], %swap3A_60 {strides = array<i32>} : memref<50x16xf32, #tpu.memory_space<vmem>>, vector<1x16xf32>,
      %scan3A_61 = arith.constant 0 : i32
      scf.yield %scan3A_61 : i32
    }
    %scan3A_46 = arith.constant 50 : i32
    %scan3A_47 = arith.constant 0 : i32
    %scan3A_48 = arith.constant 0 : i32
    %scan3A_49 = arith.constant 200 : i32
    %scan3A_50 = arith.addi %scan3A_48, %scan3A_49 : i32
    %scan3A_51 = arith.constant 1 : i32
    %scan3A_52 = scf.for %scan3A_55 = %scan3A_48 to %scan3A_50 step %scan3A_51 iter_args(%scan3A_56 = %scan3A_47) -> (i32)  : i32 {
      "tpu.region"() ({
        %run_scoped3A = tpu.sem_alloc : memref<!tpu.dma_semaphore, #tpu.memory_space<semaphore_mem>>
        %dma_start3A = arith.constant 0 : i32
        %dma_start3A_58 = tpu.memref_slice %arg6[%scan3A_55, %dma_start3A] : memref<200x50xi32, #tpu.memory_space<vmem>> -> memref<1x50xi32, #tpu.memory_space<vmem>>
        %dma_start3A_59 = tpu.memref_squeeze %dma_start3A_58 : memref<1x50xi32, #tpu.memory_space<vmem>> -> memref<50xi32, #tpu.memory_space<vmem>>
        %dma_start3A_60 = arith.constant 0 : i32
        %dma_start3A_61 = arith.constant 0 : i32
        %dma_start3A_62 = tpu.memref_slice %arg4[%dma_start3A_60, %dma_start3A_61] : memref<10112x16xf32, #tpu.memory_space<vmem_shared>> -> memref<10112x16xf32, #tpu.memory_space<vmem_shared>>
        tpu.enqueue_indirect_dma source(%arg5 : memref<50x16xf32, #tpu.memory_space<vmem>>) target(%dma_start3A_62 : memref<10112x16xf32, #tpu.memory_space<vmem_shared>>) offsets(%dma_start3A_59 : memref<50xi32, #tpu.memory_space<vmem>>) semaphore(%run_scoped3A : memref<!tpu.dma_semaphore, #tpu.memory_space<semaphore_mem>>) {add = true}
        %dma_wait3A = arith.constant 0 : i32
        %dma_wait3A_63 = tpu.memref_slice %arg6[%scan3A_55, %dma_wait3A] : memref<200x50xi32, #tpu.memory_space<vmem>> -> memref<1x50xi32, #tpu.memory_space<vmem>>
        %dma_wait3A_64 = tpu.memref_squeeze %dma_wait3A_63 : memref<1x50xi32, #tpu.memory_space<vmem>> -> memref<50xi32, #tpu.memory_space<vmem>>
        %dma_wait3A_65 = arith.constant 0 : i32
        %dma_wait3A_66 = arith.constant 0 : i32
        %dma_wait3A_67 = tpu.memref_slice %arg4[%dma_wait3A_65, %dma_wait3A_66] : memref<10112x16xf32, #tpu.memory_space<vmem_shared>> -> memref<10112x16xf32, #tpu.memory_space<vmem_shared>>
        tpu.wait_indirect_dma semaphore(%run_scoped3A : memref<!tpu.dma_semaphore, #tpu.memory_space<semaphore_mem>>) src(%arg5 : memref<50x16xf32, #tpu.memory_space<vmem>>) dst(%dma_wait3A_67 : memref<10112x16xf32, #tpu.memory_space<vmem_shared>>)
        tpu.yield
      }) : () -> ()
      %scan3A_57 = arith.constant 0 : i32
      scf.yield %scan3A_57 : i32
    }
    %scan3A_53 = arith.constant 200 : i32
    %barrier3A_54 = arith.constant 0 : index
    tpu.barrier barrier_id(%barrier3A_54)
    "tpu.region"() ({
      %run_scoped3A = tpu.sem_alloc : memref<!tpu.dma_semaphore, #tpu.memory_space<semaphore_mem>>
      %dma_start3A = arith.constant 0 : i32
      %dma_start3A_55 = tpu.memref_slice %arg3[%arg0, %mul3A_2, %dma_start3A] : memref<2x10112x16xf32, #tpu.memory_space<hbm>> -> memref<1x632x16xf32, #tpu.memory_space<hbm>>
      %dma_start3A_56 = tpu.memref_squeeze %dma_start3A_55 : memref<1x632x16xf32, #tpu.memory_space<hbm>> -> memref<632x16xf32, #tpu.memory_space<hbm>>
      %dma_start3A_57 = arith.constant 0 : i32
      %dma_start3A_58 = tpu.memref_slice %arg4[%mul3A_2, %dma_start3A_57] : memref<10112x16xf32, #tpu.memory_space<vmem_shared>> -> memref<632x16xf32, #tpu.memory_space<vmem_shared>>
      tpu.enqueue_dma source(%dma_start3A_58 : memref<632x16xf32, #tpu.memory_space<vmem_shared>>) target(%dma_start3A_56 : memref<632x16xf32, #tpu.memory_space<hbm>>) target_semaphore(%run_scoped3A : memref<!tpu.dma_semaphore, #tpu.memory_space<semaphore_mem>>)
      %dma_wait3A = arith.constant 0 : i32
      %dma_wait3A_59 = tpu.memref_slice %arg3[%arg0, %mul3A_2, %dma_wait3A] : memref<2x10112x16xf32, #tpu.memory_space<hbm>> -> memref<1x632x16xf32, #tpu.memory_space<hbm>>
      %dma_wait3A_60 = tpu.memref_squeeze %dma_wait3A_59 : memref<1x632x16xf32, #tpu.memory_space<hbm>> -> memref<632x16xf32, #tpu.memory_space<hbm>>
      %dma_wait3A_61 = arith.constant 0 : i32
      %dma_wait3A_62 = tpu.memref_slice %arg4[%mul3A_2, %dma_wait3A_61] : memref<10112x16xf32, #tpu.memory_space<vmem_shared>> -> memref<632x16xf32, #tpu.memory_space<vmem_shared>>
      tpu.wait_dma2 semaphore(%run_scoped3A : memref<!tpu.dma_semaphore, #tpu.memory_space<semaphore_mem>>) src(%dma_wait3A_62 : memref<632x16xf32, #tpu.memory_space<vmem_shared>>) dst(%dma_wait3A_60 : memref<632x16xf32, #tpu.memory_space<hbm>>)
      tpu.yield
    }) : () -> ()
    return
  }
}

#map = affine_map<(d0, d1) -> (0, 0)>
#map1 = affine_map<(d0, d1) -> (0, 0, 0)>
module attributes {stable_mosaic.version = 14 : i64} {
  func.func @agg_kernel(%arg0: i32, %arg1: i32, %arg2: memref<10000x128xf32, #tpu.memory_space<hbm>>, %arg3: memref<6400x50xi32, #tpu.memory_space<hbm>>, %arg4: memref<6400x50xi32, #tpu.memory_space<hbm>>, %arg5: memref<2x10112x128xf32, #tpu.memory_space<hbm>>, %arg6: memref<10112x128xf32, #tpu.memory_space<vmem_shared>>, %arg7: memref<4x50x128xf32, #tpu.memory_space<vmem>>, %arg8: memref<200x50xi32, #tpu.memory_space<vmem>>, %arg9: memref<200x50xi32, #tpu.memory_space<vmem>>, %arg10: memref<4x!tpu.dma_semaphore, #tpu.memory_space<semaphore_mem>>) attributes {dimension_semantics = [#tpu.dimension_semantics<core_parallel>, #tpu.dimension_semantics<subcore_parallel>], iteration_bounds = array<i64: 2, 16>, scalar_prefetch = 0 : i64, scratch_operands = 5 : i64, tpu.core_type = #tpu.core_type<sc_vector_subcore>, window_params = [{transform_indices = #map}, {transform_indices = #map}, {transform_indices = #map}, {transform_indices = #map1}]} {
    %mul3A = arith.constant 16 : i32
    %mul3A_0 = arith.muli %arg0, %mul3A : i32
    %add3A = arith.addi %mul3A_0, %arg1 : i32
    %mul3A_1 = arith.constant 632 : i32
    %mul3A_2 = arith.muli %arg1, %mul3A_1 : i32
    %mul3A_3 = arith.constant 200 : i32
    %mul3A_4 = arith.muli %add3A, %mul3A_3 : i32
    "tpu.region"() ({
      %run_scoped3A_127 = tpu.sem_alloc : memref<!tpu.dma_semaphore, #tpu.memory_space<semaphore_mem>>
      %dma_start3A_128 = arith.constant 0 : i32
      %dma_start3A_129 = tpu.memref_slice %arg3[%mul3A_4, %dma_start3A_128] : memref<6400x50xi32, #tpu.memory_space<hbm>> -> memref<200x50xi32, #tpu.memory_space<hbm>>
      %dma_start3A_130 = arith.constant 0 : i32
      %dma_start3A_131 = tpu.memref_slice %arg3[%mul3A_4, %dma_start3A_130] : memref<6400x50xi32, #tpu.memory_space<hbm>> -> memref<200x50xi32, #tpu.memory_space<hbm>>
      tpu.enqueue_dma source(%dma_start3A_131 : memref<200x50xi32, #tpu.memory_space<hbm>>) target(%arg8 : memref<200x50xi32, #tpu.memory_space<vmem>>) target_semaphore(%run_scoped3A_127 : memref<!tpu.dma_semaphore, #tpu.memory_space<semaphore_mem>>)
      %dma_wait3A = arith.constant 0 : i32
      %dma_wait3A_132 = tpu.memref_slice %arg3[%mul3A_4, %dma_wait3A] : memref<6400x50xi32, #tpu.memory_space<hbm>> -> memref<200x50xi32, #tpu.memory_space<hbm>>
      %dma_wait3A_133 = arith.constant 0 : i32
      %dma_wait3A_134 = tpu.memref_slice %arg3[%mul3A_4, %dma_wait3A_133] : memref<6400x50xi32, #tpu.memory_space<hbm>> -> memref<200x50xi32, #tpu.memory_space<hbm>>
      tpu.wait_dma2 semaphore(%run_scoped3A_127 : memref<!tpu.dma_semaphore, #tpu.memory_space<semaphore_mem>>) src(%dma_wait3A_134 : memref<200x50xi32, #tpu.memory_space<hbm>>) dst(%arg8 : memref<200x50xi32, #tpu.memory_space<vmem>>)
      tpu.yield
    }) : () -> ()
    %mul3A_5 = arith.constant 200 : i32
    %mul3A_6 = arith.muli %add3A, %mul3A_5 : i32
    "tpu.region"() ({
      %run_scoped3A_127 = tpu.sem_alloc : memref<!tpu.dma_semaphore, #tpu.memory_space<semaphore_mem>>
      %dma_start3A_128 = arith.constant 0 : i32
      %dma_start3A_129 = tpu.memref_slice %arg4[%mul3A_6, %dma_start3A_128] : memref<6400x50xi32, #tpu.memory_space<hbm>> -> memref<200x50xi32, #tpu.memory_space<hbm>>
      %dma_start3A_130 = arith.constant 0 : i32
      %dma_start3A_131 = tpu.memref_slice %arg4[%mul3A_6, %dma_start3A_130] : memref<6400x50xi32, #tpu.memory_space<hbm>> -> memref<200x50xi32, #tpu.memory_space<hbm>>
      tpu.enqueue_dma source(%dma_start3A_131 : memref<200x50xi32, #tpu.memory_space<hbm>>) target(%arg9 : memref<200x50xi32, #tpu.memory_space<vmem>>) target_semaphore(%run_scoped3A_127 : memref<!tpu.dma_semaphore, #tpu.memory_space<semaphore_mem>>)
      %dma_wait3A = arith.constant 0 : i32
      %dma_wait3A_132 = tpu.memref_slice %arg4[%mul3A_6, %dma_wait3A] : memref<6400x50xi32, #tpu.memory_space<hbm>> -> memref<200x50xi32, #tpu.memory_space<hbm>>
      %dma_wait3A_133 = arith.constant 0 : i32
      %dma_wait3A_134 = tpu.memref_slice %arg4[%mul3A_6, %dma_wait3A_133] : memref<6400x50xi32, #tpu.memory_space<hbm>> -> memref<200x50xi32, #tpu.memory_space<hbm>>
      tpu.wait_dma2 semaphore(%run_scoped3A_127 : memref<!tpu.dma_semaphore, #tpu.memory_space<semaphore_mem>>) src(%dma_wait3A_134 : memref<200x50xi32, #tpu.memory_space<hbm>>) dst(%arg9 : memref<200x50xi32, #tpu.memory_space<vmem>>)
      tpu.yield
    }) : () -> ()
    %broadcast_in_dim3A = arith.constant 0.000000e+00 : f32
    %broadcast_in_dim3A_7 = vector.broadcast %broadcast_in_dim3A : f32 to vector<16xf32>
    %scan3A = arith.constant 0 : i32
    %scan3A_8 = arith.constant 0 : i32
    %scan3A_9 = arith.constant 0 : i32
    %scan3A_10 = arith.constant 50 : i32
    %scan3A_11 = arith.addi %scan3A_9, %scan3A_10 : i32
    %scan3A_12 = arith.constant 1 : i32
    %scan3A_13 = scf.for %scan3A_127 = %scan3A_9 to %scan3A_11 step %scan3A_12 iter_args(%scan3A_128 = %scan3A_8) -> (i32)  : i32 {
      %swap3A = arith.constant 0 : i32
      %swap3A_129 = arith.constant 0 : i32
      %swap3A_130 = tpu.memref_slice %arg7[%scan3A, %swap3A, %swap3A_129] : memref<4x50x128xf32, #tpu.memory_space<vmem>> -> memref<1x50x128xf32, #tpu.memory_space<vmem>>
      %swap3A_131 = tpu.memref_squeeze %swap3A_130 : memref<1x50x128xf32, #tpu.memory_space<vmem>> -> memref<50x128xf32, #tpu.memory_space<vmem>>
      %swap3A_132 = arith.index_cast %scan3A_127 : i32 to index
      %swap3A_133 = arith.constant 0 : index
      %swap3A_134 = tpu.vector_load %swap3A_131[%swap3A_132, %swap3A_133] {strides = array<i32>} : memref<50x128xf32, #tpu.memory_space<vmem>>, vector<1x16xf32>,
      %swap3A_135 = vector.shape_cast %swap3A_134 : vector<1x16xf32> to vector<16xf32>
      %swap3A_136 = vector.shape_cast %broadcast_in_dim3A_7 : vector<16xf32> to vector<1x16xf32>
      tpu.vector_store %swap3A_131[%swap3A_132, %swap3A_133], %swap3A_136 {strides = array<i32>} : memref<50x128xf32, #tpu.memory_space<vmem>>, vector<1x16xf32>,
      %swap3A_137 = arith.constant 0 : i32
      %swap3A_138 = arith.constant 0 : i32
      %swap3A_139 = tpu.memref_slice %arg7[%scan3A, %swap3A_137, %swap3A_138] : memref<4x50x128xf32, #tpu.memory_space<vmem>> -> memref<1x50x128xf32, #tpu.memory_space<vmem>>
      %swap3A_140 = tpu.memref_squeeze %swap3A_139 : memref<1x50x128xf32, #tpu.memory_space<vmem>> -> memref<50x128xf32, #tpu.memory_space<vmem>>
      %swap3A_141 = arith.index_cast %scan3A_127 : i32 to index
      %swap3A_142 = arith.constant 16 : index
      %swap3A_143 = tpu.vector_load %swap3A_140[%swap3A_141, %swap3A_142] {strides = array<i32>} : memref<50x128xf32, #tpu.memory_space<vmem>>, vector<1x16xf32>,
      %swap3A_144 = vector.shape_cast %swap3A_143 : vector<1x16xf32> to vector<16xf32>
      %swap3A_145 = vector.shape_cast %broadcast_in_dim3A_7 : vector<16xf32> to vector<1x16xf32>
      tpu.vector_store %swap3A_140[%swap3A_141, %swap3A_142], %swap3A_145 {strides = array<i32>} : memref<50x128xf32, #tpu.memory_space<vmem>>, vector<1x16xf32>,
      %swap3A_146 = arith.constant 0 : i32
      %swap3A_147 = arith.constant 0 : i32
      %swap3A_148 = tpu.memref_slice %arg7[%scan3A, %swap3A_146, %swap3A_147] : memref<4x50x128xf32, #tpu.memory_space<vmem>> -> memref<1x50x128xf32, #tpu.memory_space<vmem>>
      %swap3A_149 = tpu.memref_squeeze %swap3A_148 : memref<1x50x128xf32, #tpu.memory_space<vmem>> -> memref<50x128xf32, #tpu.memory_space<vmem>>
      %swap3A_150 = arith.index_cast %scan3A_127 : i32 to index
      %swap3A_151 = arith.constant 32 : index
      %swap3A_152 = tpu.vector_load %swap3A_149[%swap3A_150, %swap3A_151] {strides = array<i32>} : memref<50x128xf32, #tpu.memory_space<vmem>>, vector<1x16xf32>,
      %swap3A_153 = vector.shape_cast %swap3A_152 : vector<1x16xf32> to vector<16xf32>
      %swap3A_154 = vector.shape_cast %broadcast_in_dim3A_7 : vector<16xf32> to vector<1x16xf32>
      tpu.vector_store %swap3A_149[%swap3A_150, %swap3A_151], %swap3A_154 {strides = array<i32>} : memref<50x128xf32, #tpu.memory_space<vmem>>, vector<1x16xf32>,
      %swap3A_155 = arith.constant 0 : i32
      %swap3A_156 = arith.constant 0 : i32
      %swap3A_157 = tpu.memref_slice %arg7[%scan3A, %swap3A_155, %swap3A_156] : memref<4x50x128xf32, #tpu.memory_space<vmem>> -> memref<1x50x128xf32, #tpu.memory_space<vmem>>
      %swap3A_158 = tpu.memref_squeeze %swap3A_157 : memref<1x50x128xf32, #tpu.memory_space<vmem>> -> memref<50x128xf32, #tpu.memory_space<vmem>>
      %swap3A_159 = arith.index_cast %scan3A_127 : i32 to index
      %swap3A_160 = arith.constant 48 : index
      %swap3A_161 = tpu.vector_load %swap3A_158[%swap3A_159, %swap3A_160] {strides = array<i32>} : memref<50x128xf32, #tpu.memory_space<vmem>>, vector<1x16xf32>,
      %swap3A_162 = vector.shape_cast %swap3A_161 : vector<1x16xf32> to vector<16xf32>
      %swap3A_163 = vector.shape_cast %broadcast_in_dim3A_7 : vector<16xf32> to vector<1x16xf32>
      tpu.vector_store %swap3A_158[%swap3A_159, %swap3A_160], %swap3A_163 {strides = array<i32>} : memref<50x128xf32, #tpu.memory_space<vmem>>, vector<1x16xf32>,
      %swap3A_164 = arith.constant 0 : i32
      %swap3A_165 = arith.constant 0 : i32
      %swap3A_166 = tpu.memref_slice %arg7[%scan3A, %swap3A_164, %swap3A_165] : memref<4x50x128xf32, #tpu.memory_space<vmem>> -> memref<1x50x128xf32, #tpu.memory_space<vmem>>
      %swap3A_167 = tpu.memref_squeeze %swap3A_166 : memref<1x50x128xf32, #tpu.memory_space<vmem>> -> memref<50x128xf32, #tpu.memory_space<vmem>>
      %swap3A_168 = arith.index_cast %scan3A_127 : i32 to index
      %swap3A_169 = arith.constant 64 : index
      %swap3A_170 = tpu.vector_load %swap3A_167[%swap3A_168, %swap3A_169] {strides = array<i32>} : memref<50x128xf32, #tpu.memory_space<vmem>>, vector<1x16xf32>,
      %swap3A_171 = vector.shape_cast %swap3A_170 : vector<1x16xf32> to vector<16xf32>
      %swap3A_172 = vector.shape_cast %broadcast_in_dim3A_7 : vector<16xf32> to vector<1x16xf32>
      tpu.vector_store %swap3A_167[%swap3A_168, %swap3A_169], %swap3A_172 {strides = array<i32>} : memref<50x128xf32, #tpu.memory_space<vmem>>, vector<1x16xf32>,
      %swap3A_173 = arith.constant 0 : i32
      %swap3A_174 = arith.constant 0 : i32
      %swap3A_175 = tpu.memref_slice %arg7[%scan3A, %swap3A_173, %swap3A_174] : memref<4x50x128xf32, #tpu.memory_space<vmem>> -> memref<1x50x128xf32, #tpu.memory_space<vmem>>
      %swap3A_176 = tpu.memref_squeeze %swap3A_175 : memref<1x50x128xf32, #tpu.memory_space<vmem>> -> memref<50x128xf32, #tpu.memory_space<vmem>>
      %swap3A_177 = arith.index_cast %scan3A_127 : i32 to index
      %swap3A_178 = arith.constant 80 : index
      %swap3A_179 = tpu.vector_load %swap3A_176[%swap3A_177, %swap3A_178] {strides = array<i32>} : memref<50x128xf32, #tpu.memory_space<vmem>>, vector<1x16xf32>,
      %swap3A_180 = vector.shape_cast %swap3A_179 : vector<1x16xf32> to vector<16xf32>
      %swap3A_181 = vector.shape_cast %broadcast_in_dim3A_7 : vector<16xf32> to vector<1x16xf32>
      tpu.vector_store %swap3A_176[%swap3A_177, %swap3A_178], %swap3A_181 {strides = array<i32>} : memref<50x128xf32, #tpu.memory_space<vmem>>, vector<1x16xf32>,
      %swap3A_182 = arith.constant 0 : i32
      %swap3A_183 = arith.constant 0 : i32
      %swap3A_184 = tpu.memref_slice %arg7[%scan3A, %swap3A_182, %swap3A_183] : memref<4x50x128xf32, #tpu.memory_space<vmem>> -> memref<1x50x128xf32, #tpu.memory_space<vmem>>
      %swap3A_185 = tpu.memref_squeeze %swap3A_184 : memref<1x50x128xf32, #tpu.memory_space<vmem>> -> memref<50x128xf32, #tpu.memory_space<vmem>>
      %swap3A_186 = arith.index_cast %scan3A_127 : i32 to index
      %swap3A_187 = arith.constant 96 : index
      %swap3A_188 = tpu.vector_load %swap3A_185[%swap3A_186, %swap3A_187] {strides = array<i32>} : memref<50x128xf32, #tpu.memory_space<vmem>>, vector<1x16xf32>,
      %swap3A_189 = vector.shape_cast %swap3A_188 : vector<1x16xf32> to vector<16xf32>
      %swap3A_190 = vector.shape_cast %broadcast_in_dim3A_7 : vector<16xf32> to vector<1x16xf32>
      tpu.vector_store %swap3A_185[%swap3A_186, %swap3A_187], %swap3A_190 {strides = array<i32>} : memref<50x128xf32, #tpu.memory_space<vmem>>, vector<1x16xf32>,
      %swap3A_191 = arith.constant 0 : i32
      %swap3A_192 = arith.constant 0 : i32
      %swap3A_193 = tpu.memref_slice %arg7[%scan3A, %swap3A_191, %swap3A_192] : memref<4x50x128xf32, #tpu.memory_space<vmem>> -> memref<1x50x128xf32, #tpu.memory_space<vmem>>
      %swap3A_194 = tpu.memref_squeeze %swap3A_193 : memref<1x50x128xf32, #tpu.memory_space<vmem>> -> memref<50x128xf32, #tpu.memory_space<vmem>>
      %swap3A_195 = arith.index_cast %scan3A_127 : i32 to index
      %swap3A_196 = arith.constant 112 : index
      %swap3A_197 = tpu.vector_load %swap3A_194[%swap3A_195, %swap3A_196] {strides = array<i32>} : memref<50x128xf32, #tpu.memory_space<vmem>>, vector<1x16xf32>,
      %swap3A_198 = vector.shape_cast %swap3A_197 : vector<1x16xf32> to vector<16xf32>
      %swap3A_199 = vector.shape_cast %broadcast_in_dim3A_7 : vector<16xf32> to vector<1x16xf32>
      tpu.vector_store %swap3A_194[%swap3A_195, %swap3A_196], %swap3A_199 {strides = array<i32>} : memref<50x128xf32, #tpu.memory_space<vmem>>, vector<1x16xf32>,
      %scan3A_200 = arith.constant 0 : i32
      scf.yield %scan3A_200 : i32
    }
    %scan3A_14 = arith.constant 50 : i32
    %add3A_15 = arith.constant 0 : i32
    %add3A_16 = arith.addi %mul3A_2, %add3A_15 : i32
    %run_scoped3A = arith.constant 0 : i32
    "tpu.region"() ({
      %run_scoped3A_127 = tpu.sem_alloc : memref<!tpu.dma_semaphore, #tpu.memory_space<semaphore_mem>>
      %dma_start3A_128 = arith.constant 0 : i32
      %dma_start3A_129 = arith.constant 0 : i32
      %dma_start3A_130 = tpu.memref_slice %arg7[%run_scoped3A, %dma_start3A_128, %dma_start3A_129] : memref<4x50x128xf32, #tpu.memory_space<vmem>> -> memref<1x50x128xf32, #tpu.memory_space<vmem>>
      %dma_start3A_131 = tpu.memref_squeeze %dma_start3A_130 : memref<1x50x128xf32, #tpu.memory_space<vmem>> -> memref<50x128xf32, #tpu.memory_space<vmem>>
      %dma_start3A_132 = arith.constant 0 : i32
      %dma_start3A_133 = arith.constant 0 : i32
      %dma_start3A_134 = tpu.memref_slice %dma_start3A_131[%dma_start3A_132, %dma_start3A_133] : memref<50x128xf32, #tpu.memory_space<vmem>> -> memref<50x128xf32, #tpu.memory_space<vmem>>
      %dma_start3A_135 = arith.constant 0 : i32
      %dma_start3A_136 = tpu.memref_slice %arg6[%add3A_16, %dma_start3A_135] : memref<10112x128xf32, #tpu.memory_space<vmem_shared>> -> memref<50x128xf32, #tpu.memory_space<vmem_shared>>
      %dma_start3A_137 = arith.constant 0 : i32
      %dma_start3A_138 = tpu.memref_slice %arg6[%add3A_16, %dma_start3A_137] : memref<10112x128xf32, #tpu.memory_space<vmem_shared>> -> memref<50x128xf32, #tpu.memory_space<vmem_shared>>
      %dma_start3A_139 = arith.constant 0 : i32
      %dma_start3A_140 = arith.constant 0 : i32
      %dma_start3A_141 = tpu.memref_slice %arg7[%run_scoped3A, %dma_start3A_139, %dma_start3A_140] : memref<4x50x128xf32, #tpu.memory_space<vmem>> -> memref<1x50x128xf32, #tpu.memory_space<vmem>>
      %dma_start3A_142 = tpu.memref_squeeze %dma_start3A_141 : memref<1x50x128xf32, #tpu.memory_space<vmem>> -> memref<50x128xf32, #tpu.memory_space<vmem>>
      %dma_start3A_143 = arith.constant 0 : i32
      %dma_start3A_144 = arith.constant 0 : i32
      %dma_start3A_145 = tpu.memref_slice %dma_start3A_142[%dma_start3A_143, %dma_start3A_144] : memref<50x128xf32, #tpu.memory_space<vmem>> -> memref<50x128xf32, #tpu.memory_space<vmem>>
      tpu.enqueue_dma source(%dma_start3A_145 : memref<50x128xf32, #tpu.memory_space<vmem>>) target(%dma_start3A_138 : memref<50x128xf32, #tpu.memory_space<vmem_shared>>) target_semaphore(%run_scoped3A_127 : memref<!tpu.dma_semaphore, #tpu.memory_space<semaphore_mem>>)
      %dma_wait3A = arith.constant 0 : i32
      %dma_wait3A_146 = arith.constant 0 : i32
      %dma_wait3A_147 = tpu.memref_slice %arg7[%run_scoped3A, %dma_wait3A, %dma_wait3A_146] : memref<4x50x128xf32, #tpu.memory_space<vmem>> -> memref<1x50x128xf32, #tpu.memory_space<vmem>>
      %dma_wait3A_148 = tpu.memref_squeeze %dma_wait3A_147 : memref<1x50x128xf32, #tpu.memory_space<vmem>> -> memref<50x128xf32, #tpu.memory_space<vmem>>
      %dma_wait3A_149 = arith.constant 0 : i32
      %dma_wait3A_150 = arith.constant 0 : i32
      %dma_wait3A_151 = tpu.memref_slice %dma_wait3A_148[%dma_wait3A_149, %dma_wait3A_150] : memref<50x128xf32, #tpu.memory_space<vmem>> -> memref<50x128xf32, #tpu.memory_space<vmem>>
      %dma_wait3A_152 = arith.constant 0 : i32
      %dma_wait3A_153 = tpu.memref_slice %arg6[%add3A_16, %dma_wait3A_152] : memref<10112x128xf32, #tpu.memory_space<vmem_shared>> -> memref<50x128xf32, #tpu.memory_space<vmem_shared>>
      %dma_wait3A_154 = arith.constant 0 : i32
      %dma_wait3A_155 = tpu.memref_slice %arg6[%add3A_16, %dma_wait3A_154] : memref<10112x128xf32, #tpu.memory_space<vmem_shared>> -> memref<50x128xf32, #tpu.memory_space<vmem_shared>>
      %dma_wait3A_156 = arith.constant 0 : i32
      %dma_wait3A_157 = arith.constant 0 : i32
      %dma_wait3A_158 = tpu.memref_slice %arg7[%run_scoped3A, %dma_wait3A_156, %dma_wait3A_157] : memref<4x50x128xf32, #tpu.memory_space<vmem>> -> memref<1x50x128xf32, #tpu.memory_space<vmem>>
      %dma_wait3A_159 = tpu.memref_squeeze %dma_wait3A_158 : memref<1x50x128xf32, #tpu.memory_space<vmem>> -> memref<50x128xf32, #tpu.memory_space<vmem>>
      %dma_wait3A_160 = arith.constant 0 : i32
      %dma_wait3A_161 = arith.constant 0 : i32
      %dma_wait3A_162 = tpu.memref_slice %dma_wait3A_159[%dma_wait3A_160, %dma_wait3A_161] : memref<50x128xf32, #tpu.memory_space<vmem>> -> memref<50x128xf32, #tpu.memory_space<vmem>>
      tpu.wait_dma2 semaphore(%run_scoped3A_127 : memref<!tpu.dma_semaphore, #tpu.memory_space<semaphore_mem>>) src(%dma_wait3A_162 : memref<50x128xf32, #tpu.memory_space<vmem>>) dst(%dma_wait3A_155 : memref<50x128xf32, #tpu.memory_space<vmem_shared>>)
      tpu.yield
    }) : () -> ()
    %add3A_17 = arith.constant 50 : i32
    %add3A_18 = arith.addi %mul3A_2, %add3A_17 : i32
    %run_scoped3A_19 = arith.constant 0 : i32
    "tpu.region"() ({
      %run_scoped3A_127 = tpu.sem_alloc : memref<!tpu.dma_semaphore, #tpu.memory_space<semaphore_mem>>
      %dma_start3A_128 = arith.constant 0 : i32
      %dma_start3A_129 = arith.constant 0 : i32
      %dma_start3A_130 = tpu.memref_slice %arg7[%run_scoped3A_19, %dma_start3A_128, %dma_start3A_129] : memref<4x50x128xf32, #tpu.memory_space<vmem>> -> memref<1x50x128xf32, #tpu.memory_space<vmem>>
      %dma_start3A_131 = tpu.memref_squeeze %dma_start3A_130 : memref<1x50x128xf32, #tpu.memory_space<vmem>> -> memref<50x128xf32, #tpu.memory_space<vmem>>
      %dma_start3A_132 = arith.constant 0 : i32
      %dma_start3A_133 = arith.constant 0 : i32
      %dma_start3A_134 = tpu.memref_slice %dma_start3A_131[%dma_start3A_132, %dma_start3A_133] : memref<50x128xf32, #tpu.memory_space<vmem>> -> memref<50x128xf32, #tpu.memory_space<vmem>>
      %dma_start3A_135 = arith.constant 0 : i32
      %dma_start3A_136 = tpu.memref_slice %arg6[%add3A_18, %dma_start3A_135] : memref<10112x128xf32, #tpu.memory_space<vmem_shared>> -> memref<50x128xf32, #tpu.memory_space<vmem_shared>>
      %dma_start3A_137 = arith.constant 0 : i32
      %dma_start3A_138 = tpu.memref_slice %arg6[%add3A_18, %dma_start3A_137] : memref<10112x128xf32, #tpu.memory_space<vmem_shared>> -> memref<50x128xf32, #tpu.memory_space<vmem_shared>>
      %dma_start3A_139 = arith.constant 0 : i32
      %dma_start3A_140 = arith.constant 0 : i32
      %dma_start3A_141 = tpu.memref_slice %arg7[%run_scoped3A_19, %dma_start3A_139, %dma_start3A_140] : memref<4x50x128xf32, #tpu.memory_space<vmem>> -> memref<1x50x128xf32, #tpu.memory_space<vmem>>
      %dma_start3A_142 = tpu.memref_squeeze %dma_start3A_141 : memref<1x50x128xf32, #tpu.memory_space<vmem>> -> memref<50x128xf32, #tpu.memory_space<vmem>>
      %dma_start3A_143 = arith.constant 0 : i32
      %dma_start3A_144 = arith.constant 0 : i32
      %dma_start3A_145 = tpu.memref_slice %dma_start3A_142[%dma_start3A_143, %dma_start3A_144] : memref<50x128xf32, #tpu.memory_space<vmem>> -> memref<50x128xf32, #tpu.memory_space<vmem>>
      tpu.enqueue_dma source(%dma_start3A_145 : memref<50x128xf32, #tpu.memory_space<vmem>>) target(%dma_start3A_138 : memref<50x128xf32, #tpu.memory_space<vmem_shared>>) target_semaphore(%run_scoped3A_127 : memref<!tpu.dma_semaphore, #tpu.memory_space<semaphore_mem>>)
      %dma_wait3A = arith.constant 0 : i32
      %dma_wait3A_146 = arith.constant 0 : i32
      %dma_wait3A_147 = tpu.memref_slice %arg7[%run_scoped3A_19, %dma_wait3A, %dma_wait3A_146] : memref<4x50x128xf32, #tpu.memory_space<vmem>> -> memref<1x50x128xf32, #tpu.memory_space<vmem>>
      %dma_wait3A_148 = tpu.memref_squeeze %dma_wait3A_147 : memref<1x50x128xf32, #tpu.memory_space<vmem>> -> memref<50x128xf32, #tpu.memory_space<vmem>>
      %dma_wait3A_149 = arith.constant 0 : i32
      %dma_wait3A_150 = arith.constant 0 : i32
      %dma_wait3A_151 = tpu.memref_slice %dma_wait3A_148[%dma_wait3A_149, %dma_wait3A_150] : memref<50x128xf32, #tpu.memory_space<vmem>> -> memref<50x128xf32, #tpu.memory_space<vmem>>
      %dma_wait3A_152 = arith.constant 0 : i32
      %dma_wait3A_153 = tpu.memref_slice %arg6[%add3A_18, %dma_wait3A_152] : memref<10112x128xf32, #tpu.memory_space<vmem_shared>> -> memref<50x128xf32, #tpu.memory_space<vmem_shared>>
      %dma_wait3A_154 = arith.constant 0 : i32
      %dma_wait3A_155 = tpu.memref_slice %arg6[%add3A_18, %dma_wait3A_154] : memref<10112x128xf32, #tpu.memory_space<vmem_shared>> -> memref<50x128xf32, #tpu.memory_space<vmem_shared>>
      %dma_wait3A_156 = arith.constant 0 : i32
      %dma_wait3A_157 = arith.constant 0 : i32
      %dma_wait3A_158 = tpu.memref_slice %arg7[%run_scoped3A_19, %dma_wait3A_156, %dma_wait3A_157] : memref<4x50x128xf32, #tpu.memory_space<vmem>> -> memref<1x50x128xf32, #tpu.memory_space<vmem>>
      %dma_wait3A_159 = tpu.memref_squeeze %dma_wait3A_158 : memref<1x50x128xf32, #tpu.memory_space<vmem>> -> memref<50x128xf32, #tpu.memory_space<vmem>>
      %dma_wait3A_160 = arith.constant 0 : i32
      %dma_wait3A_161 = arith.constant 0 : i32
      %dma_wait3A_162 = tpu.memref_slice %dma_wait3A_159[%dma_wait3A_160, %dma_wait3A_161] : memref<50x128xf32, #tpu.memory_space<vmem>> -> memref<50x128xf32, #tpu.memory_space<vmem>>
      tpu.wait_dma2 semaphore(%run_scoped3A_127 : memref<!tpu.dma_semaphore, #tpu.memory_space<semaphore_mem>>) src(%dma_wait3A_162 : memref<50x128xf32, #tpu.memory_space<vmem>>) dst(%dma_wait3A_155 : memref<50x128xf32, #tpu.memory_space<vmem_shared>>)
      tpu.yield
    }) : () -> ()
    %add3A_20 = arith.constant 100 : i32
    %add3A_21 = arith.addi %mul3A_2, %add3A_20 : i32
    %run_scoped3A_22 = arith.constant 0 : i32
    "tpu.region"() ({
      %run_scoped3A_127 = tpu.sem_alloc : memref<!tpu.dma_semaphore, #tpu.memory_space<semaphore_mem>>
      %dma_start3A_128 = arith.constant 0 : i32
      %dma_start3A_129 = arith.constant 0 : i32
      %dma_start3A_130 = tpu.memref_slice %arg7[%run_scoped3A_22, %dma_start3A_128, %dma_start3A_129] : memref<4x50x128xf32, #tpu.memory_space<vmem>> -> memref<1x50x128xf32, #tpu.memory_space<vmem>>
      %dma_start3A_131 = tpu.memref_squeeze %dma_start3A_130 : memref<1x50x128xf32, #tpu.memory_space<vmem>> -> memref<50x128xf32, #tpu.memory_space<vmem>>
      %dma_start3A_132 = arith.constant 0 : i32
      %dma_start3A_133 = arith.constant 0 : i32
      %dma_start3A_134 = tpu.memref_slice %dma_start3A_131[%dma_start3A_132, %dma_start3A_133] : memref<50x128xf32, #tpu.memory_space<vmem>> -> memref<50x128xf32, #tpu.memory_space<vmem>>
      %dma_start3A_135 = arith.constant 0 : i32
      %dma_start3A_136 = tpu.memref_slice %arg6[%add3A_21, %dma_start3A_135] : memref<10112x128xf32, #tpu.memory_space<vmem_shared>> -> memref<50x128xf32, #tpu.memory_space<vmem_shared>>
      %dma_start3A_137 = arith.constant 0 : i32
      %dma_start3A_138 = tpu.memref_slice %arg6[%add3A_21, %dma_start3A_137] : memref<10112x128xf32, #tpu.memory_space<vmem_shared>> -> memref<50x128xf32, #tpu.memory_space<vmem_shared>>
      %dma_start3A_139 = arith.constant 0 : i32
      %dma_start3A_140 = arith.constant 0 : i32
      %dma_start3A_141 = tpu.memref_slice %arg7[%run_scoped3A_22, %dma_start3A_139, %dma_start3A_140] : memref<4x50x128xf32, #tpu.memory_space<vmem>> -> memref<1x50x128xf32, #tpu.memory_space<vmem>>
      %dma_start3A_142 = tpu.memref_squeeze %dma_start3A_141 : memref<1x50x128xf32, #tpu.memory_space<vmem>> -> memref<50x128xf32, #tpu.memory_space<vmem>>
      %dma_start3A_143 = arith.constant 0 : i32
      %dma_start3A_144 = arith.constant 0 : i32
      %dma_start3A_145 = tpu.memref_slice %dma_start3A_142[%dma_start3A_143, %dma_start3A_144] : memref<50x128xf32, #tpu.memory_space<vmem>> -> memref<50x128xf32, #tpu.memory_space<vmem>>
      tpu.enqueue_dma source(%dma_start3A_145 : memref<50x128xf32, #tpu.memory_space<vmem>>) target(%dma_start3A_138 : memref<50x128xf32, #tpu.memory_space<vmem_shared>>) target_semaphore(%run_scoped3A_127 : memref<!tpu.dma_semaphore, #tpu.memory_space<semaphore_mem>>)
      %dma_wait3A = arith.constant 0 : i32
      %dma_wait3A_146 = arith.constant 0 : i32
      %dma_wait3A_147 = tpu.memref_slice %arg7[%run_scoped3A_22, %dma_wait3A, %dma_wait3A_146] : memref<4x50x128xf32, #tpu.memory_space<vmem>> -> memref<1x50x128xf32, #tpu.memory_space<vmem>>
      %dma_wait3A_148 = tpu.memref_squeeze %dma_wait3A_147 : memref<1x50x128xf32, #tpu.memory_space<vmem>> -> memref<50x128xf32, #tpu.memory_space<vmem>>
      %dma_wait3A_149 = arith.constant 0 : i32
      %dma_wait3A_150 = arith.constant 0 : i32
      %dma_wait3A_151 = tpu.memref_slice %dma_wait3A_148[%dma_wait3A_149, %dma_wait3A_150] : memref<50x128xf32, #tpu.memory_space<vmem>> -> memref<50x128xf32, #tpu.memory_space<vmem>>
      %dma_wait3A_152 = arith.constant 0 : i32
      %dma_wait3A_153 = tpu.memref_slice %arg6[%add3A_21, %dma_wait3A_152] : memref<10112x128xf32, #tpu.memory_space<vmem_shared>> -> memref<50x128xf32, #tpu.memory_space<vmem_shared>>
      %dma_wait3A_154 = arith.constant 0 : i32
      %dma_wait3A_155 = tpu.memref_slice %arg6[%add3A_21, %dma_wait3A_154] : memref<10112x128xf32, #tpu.memory_space<vmem_shared>> -> memref<50x128xf32, #tpu.memory_space<vmem_shared>>
      %dma_wait3A_156 = arith.constant 0 : i32
      %dma_wait3A_157 = arith.constant 0 : i32
      %dma_wait3A_158 = tpu.memref_slice %arg7[%run_scoped3A_22, %dma_wait3A_156, %dma_wait3A_157] : memref<4x50x128xf32, #tpu.memory_space<vmem>> -> memref<1x50x128xf32, #tpu.memory_space<vmem>>
      %dma_wait3A_159 = tpu.memref_squeeze %dma_wait3A_158 : memref<1x50x128xf32, #tpu.memory_space<vmem>> -> memref<50x128xf32, #tpu.memory_space<vmem>>
      %dma_wait3A_160 = arith.constant 0 : i32
      %dma_wait3A_161 = arith.constant 0 : i32
      %dma_wait3A_162 = tpu.memref_slice %dma_wait3A_159[%dma_wait3A_160, %dma_wait3A_161] : memref<50x128xf32, #tpu.memory_space<vmem>> -> memref<50x128xf32, #tpu.memory_space<vmem>>
      tpu.wait_dma2 semaphore(%run_scoped3A_127 : memref<!tpu.dma_semaphore, #tpu.memory_space<semaphore_mem>>) src(%dma_wait3A_162 : memref<50x128xf32, #tpu.memory_space<vmem>>) dst(%dma_wait3A_155 : memref<50x128xf32, #tpu.memory_space<vmem_shared>>)
      tpu.yield
    }) : () -> ()
    %add3A_23 = arith.constant 150 : i32
    %add3A_24 = arith.addi %mul3A_2, %add3A_23 : i32
    %run_scoped3A_25 = arith.constant 0 : i32
    "tpu.region"() ({
      %run_scoped3A_127 = tpu.sem_alloc : memref<!tpu.dma_semaphore, #tpu.memory_space<semaphore_mem>>
      %dma_start3A_128 = arith.constant 0 : i32
      %dma_start3A_129 = arith.constant 0 : i32
      %dma_start3A_130 = tpu.memref_slice %arg7[%run_scoped3A_25, %dma_start3A_128, %dma_start3A_129] : memref<4x50x128xf32, #tpu.memory_space<vmem>> -> memref<1x50x128xf32, #tpu.memory_space<vmem>>
      %dma_start3A_131 = tpu.memref_squeeze %dma_start3A_130 : memref<1x50x128xf32, #tpu.memory_space<vmem>> -> memref<50x128xf32, #tpu.memory_space<vmem>>
      %dma_start3A_132 = arith.constant 0 : i32
      %dma_start3A_133 = arith.constant 0 : i32
      %dma_start3A_134 = tpu.memref_slice %dma_start3A_131[%dma_start3A_132, %dma_start3A_133] : memref<50x128xf32, #tpu.memory_space<vmem>> -> memref<50x128xf32, #tpu.memory_space<vmem>>
      %dma_start3A_135 = arith.constant 0 : i32
      %dma_start3A_136 = tpu.memref_slice %arg6[%add3A_24, %dma_start3A_135] : memref<10112x128xf32, #tpu.memory_space<vmem_shared>> -> memref<50x128xf32, #tpu.memory_space<vmem_shared>>
      %dma_start3A_137 = arith.constant 0 : i32
      %dma_start3A_138 = tpu.memref_slice %arg6[%add3A_24, %dma_start3A_137] : memref<10112x128xf32, #tpu.memory_space<vmem_shared>> -> memref<50x128xf32, #tpu.memory_space<vmem_shared>>
      %dma_start3A_139 = arith.constant 0 : i32
      %dma_start3A_140 = arith.constant 0 : i32
      %dma_start3A_141 = tpu.memref_slice %arg7[%run_scoped3A_25, %dma_start3A_139, %dma_start3A_140] : memref<4x50x128xf32, #tpu.memory_space<vmem>> -> memref<1x50x128xf32, #tpu.memory_space<vmem>>
      %dma_start3A_142 = tpu.memref_squeeze %dma_start3A_141 : memref<1x50x128xf32, #tpu.memory_space<vmem>> -> memref<50x128xf32, #tpu.memory_space<vmem>>
      %dma_start3A_143 = arith.constant 0 : i32
      %dma_start3A_144 = arith.constant 0 : i32
      %dma_start3A_145 = tpu.memref_slice %dma_start3A_142[%dma_start3A_143, %dma_start3A_144] : memref<50x128xf32, #tpu.memory_space<vmem>> -> memref<50x128xf32, #tpu.memory_space<vmem>>
      tpu.enqueue_dma source(%dma_start3A_145 : memref<50x128xf32, #tpu.memory_space<vmem>>) target(%dma_start3A_138 : memref<50x128xf32, #tpu.memory_space<vmem_shared>>) target_semaphore(%run_scoped3A_127 : memref<!tpu.dma_semaphore, #tpu.memory_space<semaphore_mem>>)
      %dma_wait3A = arith.constant 0 : i32
      %dma_wait3A_146 = arith.constant 0 : i32
      %dma_wait3A_147 = tpu.memref_slice %arg7[%run_scoped3A_25, %dma_wait3A, %dma_wait3A_146] : memref<4x50x128xf32, #tpu.memory_space<vmem>> -> memref<1x50x128xf32, #tpu.memory_space<vmem>>
      %dma_wait3A_148 = tpu.memref_squeeze %dma_wait3A_147 : memref<1x50x128xf32, #tpu.memory_space<vmem>> -> memref<50x128xf32, #tpu.memory_space<vmem>>
      %dma_wait3A_149 = arith.constant 0 : i32
      %dma_wait3A_150 = arith.constant 0 : i32
      %dma_wait3A_151 = tpu.memref_slice %dma_wait3A_148[%dma_wait3A_149, %dma_wait3A_150] : memref<50x128xf32, #tpu.memory_space<vmem>> -> memref<50x128xf32, #tpu.memory_space<vmem>>
      %dma_wait3A_152 = arith.constant 0 : i32
      %dma_wait3A_153 = tpu.memref_slice %arg6[%add3A_24, %dma_wait3A_152] : memref<10112x128xf32, #tpu.memory_space<vmem_shared>> -> memref<50x128xf32, #tpu.memory_space<vmem_shared>>
      %dma_wait3A_154 = arith.constant 0 : i32
      %dma_wait3A_155 = tpu.memref_slice %arg6[%add3A_24, %dma_wait3A_154] : memref<10112x128xf32, #tpu.memory_space<vmem_shared>> -> memref<50x128xf32, #tpu.memory_space<vmem_shared>>
      %dma_wait3A_156 = arith.constant 0 : i32
      %dma_wait3A_157 = arith.constant 0 : i32
      %dma_wait3A_158 = tpu.memref_slice %arg7[%run_scoped3A_25, %dma_wait3A_156, %dma_wait3A_157] : memref<4x50x128xf32, #tpu.memory_space<vmem>> -> memref<1x50x128xf32, #tpu.memory_space<vmem>>
      %dma_wait3A_159 = tpu.memref_squeeze %dma_wait3A_158 : memref<1x50x128xf32, #tpu.memory_space<vmem>> -> memref<50x128xf32, #tpu.memory_space<vmem>>
      %dma_wait3A_160 = arith.constant 0 : i32
      %dma_wait3A_161 = arith.constant 0 : i32
      %dma_wait3A_162 = tpu.memref_slice %dma_wait3A_159[%dma_wait3A_160, %dma_wait3A_161] : memref<50x128xf32, #tpu.memory_space<vmem>> -> memref<50x128xf32, #tpu.memory_space<vmem>>
      tpu.wait_dma2 semaphore(%run_scoped3A_127 : memref<!tpu.dma_semaphore, #tpu.memory_space<semaphore_mem>>) src(%dma_wait3A_162 : memref<50x128xf32, #tpu.memory_space<vmem>>) dst(%dma_wait3A_155 : memref<50x128xf32, #tpu.memory_space<vmem_shared>>)
      tpu.yield
    }) : () -> ()
    %add3A_26 = arith.constant 200 : i32
    %add3A_27 = arith.addi %mul3A_2, %add3A_26 : i32
    %run_scoped3A_28 = arith.constant 0 : i32
    "tpu.region"() ({
      %run_scoped3A_127 = tpu.sem_alloc : memref<!tpu.dma_semaphore, #tpu.memory_space<semaphore_mem>>
      %dma_start3A_128 = arith.constant 0 : i32
      %dma_start3A_129 = arith.constant 0 : i32
      %dma_start3A_130 = tpu.memref_slice %arg7[%run_scoped3A_28, %dma_start3A_128, %dma_start3A_129] : memref<4x50x128xf32, #tpu.memory_space<vmem>> -> memref<1x50x128xf32, #tpu.memory_space<vmem>>
      %dma_start3A_131 = tpu.memref_squeeze %dma_start3A_130 : memref<1x50x128xf32, #tpu.memory_space<vmem>> -> memref<50x128xf32, #tpu.memory_space<vmem>>
      %dma_start3A_132 = arith.constant 0 : i32
      %dma_start3A_133 = arith.constant 0 : i32
      %dma_start3A_134 = tpu.memref_slice %dma_start3A_131[%dma_start3A_132, %dma_start3A_133] : memref<50x128xf32, #tpu.memory_space<vmem>> -> memref<50x128xf32, #tpu.memory_space<vmem>>
      %dma_start3A_135 = arith.constant 0 : i32
      %dma_start3A_136 = tpu.memref_slice %arg6[%add3A_27, %dma_start3A_135] : memref<10112x128xf32, #tpu.memory_space<vmem_shared>> -> memref<50x128xf32, #tpu.memory_space<vmem_shared>>
      %dma_start3A_137 = arith.constant 0 : i32
      %dma_start3A_138 = tpu.memref_slice %arg6[%add3A_27, %dma_start3A_137] : memref<10112x128xf32, #tpu.memory_space<vmem_shared>> -> memref<50x128xf32, #tpu.memory_space<vmem_shared>>
      %dma_start3A_139 = arith.constant 0 : i32
      %dma_start3A_140 = arith.constant 0 : i32
      %dma_start3A_141 = tpu.memref_slice %arg7[%run_scoped3A_28, %dma_start3A_139, %dma_start3A_140] : memref<4x50x128xf32, #tpu.memory_space<vmem>> -> memref<1x50x128xf32, #tpu.memory_space<vmem>>
      %dma_start3A_142 = tpu.memref_squeeze %dma_start3A_141 : memref<1x50x128xf32, #tpu.memory_space<vmem>> -> memref<50x128xf32, #tpu.memory_space<vmem>>
      %dma_start3A_143 = arith.constant 0 : i32
      %dma_start3A_144 = arith.constant 0 : i32
      %dma_start3A_145 = tpu.memref_slice %dma_start3A_142[%dma_start3A_143, %dma_start3A_144] : memref<50x128xf32, #tpu.memory_space<vmem>> -> memref<50x128xf32, #tpu.memory_space<vmem>>
      tpu.enqueue_dma source(%dma_start3A_145 : memref<50x128xf32, #tpu.memory_space<vmem>>) target(%dma_start3A_138 : memref<50x128xf32, #tpu.memory_space<vmem_shared>>) target_semaphore(%run_scoped3A_127 : memref<!tpu.dma_semaphore, #tpu.memory_space<semaphore_mem>>)
      %dma_wait3A = arith.constant 0 : i32
      %dma_wait3A_146 = arith.constant 0 : i32
      %dma_wait3A_147 = tpu.memref_slice %arg7[%run_scoped3A_28, %dma_wait3A, %dma_wait3A_146] : memref<4x50x128xf32, #tpu.memory_space<vmem>> -> memref<1x50x128xf32, #tpu.memory_space<vmem>>
      %dma_wait3A_148 = tpu.memref_squeeze %dma_wait3A_147 : memref<1x50x128xf32, #tpu.memory_space<vmem>> -> memref<50x128xf32, #tpu.memory_space<vmem>>
      %dma_wait3A_149 = arith.constant 0 : i32
      %dma_wait3A_150 = arith.constant 0 : i32
      %dma_wait3A_151 = tpu.memref_slice %dma_wait3A_148[%dma_wait3A_149, %dma_wait3A_150] : memref<50x128xf32, #tpu.memory_space<vmem>> -> memref<50x128xf32, #tpu.memory_space<vmem>>
      %dma_wait3A_152 = arith.constant 0 : i32
      %dma_wait3A_153 = tpu.memref_slice %arg6[%add3A_27, %dma_wait3A_152] : memref<10112x128xf32, #tpu.memory_space<vmem_shared>> -> memref<50x128xf32, #tpu.memory_space<vmem_shared>>
      %dma_wait3A_154 = arith.constant 0 : i32
      %dma_wait3A_155 = tpu.memref_slice %arg6[%add3A_27, %dma_wait3A_154] : memref<10112x128xf32, #tpu.memory_space<vmem_shared>> -> memref<50x128xf32, #tpu.memory_space<vmem_shared>>
      %dma_wait3A_156 = arith.constant 0 : i32
      %dma_wait3A_157 = arith.constant 0 : i32
      %dma_wait3A_158 = tpu.memref_slice %arg7[%run_scoped3A_28, %dma_wait3A_156, %dma_wait3A_157] : memref<4x50x128xf32, #tpu.memory_space<vmem>> -> memref<1x50x128xf32, #tpu.memory_space<vmem>>
      %dma_wait3A_159 = tpu.memref_squeeze %dma_wait3A_158 : memref<1x50x128xf32, #tpu.memory_space<vmem>> -> memref<50x128xf32, #tpu.memory_space<vmem>>
      %dma_wait3A_160 = arith.constant 0 : i32
      %dma_wait3A_161 = arith.constant 0 : i32
      %dma_wait3A_162 = tpu.memref_slice %dma_wait3A_159[%dma_wait3A_160, %dma_wait3A_161] : memref<50x128xf32, #tpu.memory_space<vmem>> -> memref<50x128xf32, #tpu.memory_space<vmem>>
      tpu.wait_dma2 semaphore(%run_scoped3A_127 : memref<!tpu.dma_semaphore, #tpu.memory_space<semaphore_mem>>) src(%dma_wait3A_162 : memref<50x128xf32, #tpu.memory_space<vmem>>) dst(%dma_wait3A_155 : memref<50x128xf32, #tpu.memory_space<vmem_shared>>)
      tpu.yield
    }) : () -> ()
    %add3A_29 = arith.constant 250 : i32
    %add3A_30 = arith.addi %mul3A_2, %add3A_29 : i32
    %run_scoped3A_31 = arith.constant 0 : i32
    "tpu.region"() ({
      %run_scoped3A_127 = tpu.sem_alloc : memref<!tpu.dma_semaphore, #tpu.memory_space<semaphore_mem>>
      %dma_start3A_128 = arith.constant 0 : i32
      %dma_start3A_129 = arith.constant 0 : i32
      %dma_start3A_130 = tpu.memref_slice %arg7[%run_scoped3A_31, %dma_start3A_128, %dma_start3A_129] : memref<4x50x128xf32, #tpu.memory_space<vmem>> -> memref<1x50x128xf32, #tpu.memory_space<vmem>>
      %dma_start3A_131 = tpu.memref_squeeze %dma_start3A_130 : memref<1x50x128xf32, #tpu.memory_space<vmem>> -> memref<50x128xf32, #tpu.memory_space<vmem>>
      %dma_start3A_132 = arith.constant 0 : i32
      %dma_start3A_133 = arith.constant 0 : i32
      %dma_start3A_134 = tpu.memref_slice %dma_start3A_131[%dma_start3A_132, %dma_start3A_133] : memref<50x128xf32, #tpu.memory_space<vmem>> -> memref<50x128xf32, #tpu.memory_space<vmem>>
      %dma_start3A_135 = arith.constant 0 : i32
      %dma_start3A_136 = tpu.memref_slice %arg6[%add3A_30, %dma_start3A_135] : memref<10112x128xf32, #tpu.memory_space<vmem_shared>> -> memref<50x128xf32, #tpu.memory_space<vmem_shared>>
      %dma_start3A_137 = arith.constant 0 : i32
      %dma_start3A_138 = tpu.memref_slice %arg6[%add3A_30, %dma_start3A_137] : memref<10112x128xf32, #tpu.memory_space<vmem_shared>> -> memref<50x128xf32, #tpu.memory_space<vmem_shared>>
      %dma_start3A_139 = arith.constant 0 : i32
      %dma_start3A_140 = arith.constant 0 : i32
      %dma_start3A_141 = tpu.memref_slice %arg7[%run_scoped3A_31, %dma_start3A_139, %dma_start3A_140] : memref<4x50x128xf32, #tpu.memory_space<vmem>> -> memref<1x50x128xf32, #tpu.memory_space<vmem>>
      %dma_start3A_142 = tpu.memref_squeeze %dma_start3A_141 : memref<1x50x128xf32, #tpu.memory_space<vmem>> -> memref<50x128xf32, #tpu.memory_space<vmem>>
      %dma_start3A_143 = arith.constant 0 : i32
      %dma_start3A_144 = arith.constant 0 : i32
      %dma_start3A_145 = tpu.memref_slice %dma_start3A_142[%dma_start3A_143, %dma_start3A_144] : memref<50x128xf32, #tpu.memory_space<vmem>> -> memref<50x128xf32, #tpu.memory_space<vmem>>
      tpu.enqueue_dma source(%dma_start3A_145 : memref<50x128xf32, #tpu.memory_space<vmem>>) target(%dma_start3A_138 : memref<50x128xf32, #tpu.memory_space<vmem_shared>>) target_semaphore(%run_scoped3A_127 : memref<!tpu.dma_semaphore, #tpu.memory_space<semaphore_mem>>)
      %dma_wait3A = arith.constant 0 : i32
      %dma_wait3A_146 = arith.constant 0 : i32
      %dma_wait3A_147 = tpu.memref_slice %arg7[%run_scoped3A_31, %dma_wait3A, %dma_wait3A_146] : memref<4x50x128xf32, #tpu.memory_space<vmem>> -> memref<1x50x128xf32, #tpu.memory_space<vmem>>
      %dma_wait3A_148 = tpu.memref_squeeze %dma_wait3A_147 : memref<1x50x128xf32, #tpu.memory_space<vmem>> -> memref<50x128xf32, #tpu.memory_space<vmem>>
      %dma_wait3A_149 = arith.constant 0 : i32
      %dma_wait3A_150 = arith.constant 0 : i32
      %dma_wait3A_151 = tpu.memref_slice %dma_wait3A_148[%dma_wait3A_149, %dma_wait3A_150] : memref<50x128xf32, #tpu.memory_space<vmem>> -> memref<50x128xf32, #tpu.memory_space<vmem>>
      %dma_wait3A_152 = arith.constant 0 : i32
      %dma_wait3A_153 = tpu.memref_slice %arg6[%add3A_30, %dma_wait3A_152] : memref<10112x128xf32, #tpu.memory_space<vmem_shared>> -> memref<50x128xf32, #tpu.memory_space<vmem_shared>>
      %dma_wait3A_154 = arith.constant 0 : i32
      %dma_wait3A_155 = tpu.memref_slice %arg6[%add3A_30, %dma_wait3A_154] : memref<10112x128xf32, #tpu.memory_space<vmem_shared>> -> memref<50x128xf32, #tpu.memory_space<vmem_shared>>
      %dma_wait3A_156 = arith.constant 0 : i32
      %dma_wait3A_157 = arith.constant 0 : i32
      %dma_wait3A_158 = tpu.memref_slice %arg7[%run_scoped3A_31, %dma_wait3A_156, %dma_wait3A_157] : memref<4x50x128xf32, #tpu.memory_space<vmem>> -> memref<1x50x128xf32, #tpu.memory_space<vmem>>
      %dma_wait3A_159 = tpu.memref_squeeze %dma_wait3A_158 : memref<1x50x128xf32, #tpu.memory_space<vmem>> -> memref<50x128xf32, #tpu.memory_space<vmem>>
      %dma_wait3A_160 = arith.constant 0 : i32
      %dma_wait3A_161 = arith.constant 0 : i32
      %dma_wait3A_162 = tpu.memref_slice %dma_wait3A_159[%dma_wait3A_160, %dma_wait3A_161] : memref<50x128xf32, #tpu.memory_space<vmem>> -> memref<50x128xf32, #tpu.memory_space<vmem>>
      tpu.wait_dma2 semaphore(%run_scoped3A_127 : memref<!tpu.dma_semaphore, #tpu.memory_space<semaphore_mem>>) src(%dma_wait3A_162 : memref<50x128xf32, #tpu.memory_space<vmem>>) dst(%dma_wait3A_155 : memref<50x128xf32, #tpu.memory_space<vmem_shared>>)
      tpu.yield
    }) : () -> ()
    %add3A_32 = arith.constant 300 : i32
    %add3A_33 = arith.addi %mul3A_2, %add3A_32 : i32
    %run_scoped3A_34 = arith.constant 0 : i32
    "tpu.region"() ({
      %run_scoped3A_127 = tpu.sem_alloc : memref<!tpu.dma_semaphore, #tpu.memory_space<semaphore_mem>>
      %dma_start3A_128 = arith.constant 0 : i32
      %dma_start3A_129 = arith.constant 0 : i32
      %dma_start3A_130 = tpu.memref_slice %arg7[%run_scoped3A_34, %dma_start3A_128, %dma_start3A_129] : memref<4x50x128xf32, #tpu.memory_space<vmem>> -> memref<1x50x128xf32, #tpu.memory_space<vmem>>
      %dma_start3A_131 = tpu.memref_squeeze %dma_start3A_130 : memref<1x50x128xf32, #tpu.memory_space<vmem>> -> memref<50x128xf32, #tpu.memory_space<vmem>>
      %dma_start3A_132 = arith.constant 0 : i32
      %dma_start3A_133 = arith.constant 0 : i32
      %dma_start3A_134 = tpu.memref_slice %dma_start3A_131[%dma_start3A_132, %dma_start3A_133] : memref<50x128xf32, #tpu.memory_space<vmem>> -> memref<50x128xf32, #tpu.memory_space<vmem>>
      %dma_start3A_135 = arith.constant 0 : i32
      %dma_start3A_136 = tpu.memref_slice %arg6[%add3A_33, %dma_start3A_135] : memref<10112x128xf32, #tpu.memory_space<vmem_shared>> -> memref<50x128xf32, #tpu.memory_space<vmem_shared>>
      %dma_start3A_137 = arith.constant 0 : i32
      %dma_start3A_138 = tpu.memref_slice %arg6[%add3A_33, %dma_start3A_137] : memref<10112x128xf32, #tpu.memory_space<vmem_shared>> -> memref<50x128xf32, #tpu.memory_space<vmem_shared>>
      %dma_start3A_139 = arith.constant 0 : i32
      %dma_start3A_140 = arith.constant 0 : i32
      %dma_start3A_141 = tpu.memref_slice %arg7[%run_scoped3A_34, %dma_start3A_139, %dma_start3A_140] : memref<4x50x128xf32, #tpu.memory_space<vmem>> -> memref<1x50x128xf32, #tpu.memory_space<vmem>>
      %dma_start3A_142 = tpu.memref_squeeze %dma_start3A_141 : memref<1x50x128xf32, #tpu.memory_space<vmem>> -> memref<50x128xf32, #tpu.memory_space<vmem>>
      %dma_start3A_143 = arith.constant 0 : i32
      %dma_start3A_144 = arith.constant 0 : i32
      %dma_start3A_145 = tpu.memref_slice %dma_start3A_142[%dma_start3A_143, %dma_start3A_144] : memref<50x128xf32, #tpu.memory_space<vmem>> -> memref<50x128xf32, #tpu.memory_space<vmem>>
      tpu.enqueue_dma source(%dma_start3A_145 : memref<50x128xf32, #tpu.memory_space<vmem>>) target(%dma_start3A_138 : memref<50x128xf32, #tpu.memory_space<vmem_shared>>) target_semaphore(%run_scoped3A_127 : memref<!tpu.dma_semaphore, #tpu.memory_space<semaphore_mem>>)
      %dma_wait3A = arith.constant 0 : i32
      %dma_wait3A_146 = arith.constant 0 : i32
      %dma_wait3A_147 = tpu.memref_slice %arg7[%run_scoped3A_34, %dma_wait3A, %dma_wait3A_146] : memref<4x50x128xf32, #tpu.memory_space<vmem>> -> memref<1x50x128xf32, #tpu.memory_space<vmem>>
      %dma_wait3A_148 = tpu.memref_squeeze %dma_wait3A_147 : memref<1x50x128xf32, #tpu.memory_space<vmem>> -> memref<50x128xf32, #tpu.memory_space<vmem>>
      %dma_wait3A_149 = arith.constant 0 : i32
      %dma_wait3A_150 = arith.constant 0 : i32
      %dma_wait3A_151 = tpu.memref_slice %dma_wait3A_148[%dma_wait3A_149, %dma_wait3A_150] : memref<50x128xf32, #tpu.memory_space<vmem>> -> memref<50x128xf32, #tpu.memory_space<vmem>>
      %dma_wait3A_152 = arith.constant 0 : i32
      %dma_wait3A_153 = tpu.memref_slice %arg6[%add3A_33, %dma_wait3A_152] : memref<10112x128xf32, #tpu.memory_space<vmem_shared>> -> memref<50x128xf32, #tpu.memory_space<vmem_shared>>
      %dma_wait3A_154 = arith.constant 0 : i32
      %dma_wait3A_155 = tpu.memref_slice %arg6[%add3A_33, %dma_wait3A_154] : memref<10112x128xf32, #tpu.memory_space<vmem_shared>> -> memref<50x128xf32, #tpu.memory_space<vmem_shared>>
      %dma_wait3A_156 = arith.constant 0 : i32
      %dma_wait3A_157 = arith.constant 0 : i32
      %dma_wait3A_158 = tpu.memref_slice %arg7[%run_scoped3A_34, %dma_wait3A_156, %dma_wait3A_157] : memref<4x50x128xf32, #tpu.memory_space<vmem>> -> memref<1x50x128xf32, #tpu.memory_space<vmem>>
      %dma_wait3A_159 = tpu.memref_squeeze %dma_wait3A_158 : memref<1x50x128xf32, #tpu.memory_space<vmem>> -> memref<50x128xf32, #tpu.memory_space<vmem>>
      %dma_wait3A_160 = arith.constant 0 : i32
      %dma_wait3A_161 = arith.constant 0 : i32
      %dma_wait3A_162 = tpu.memref_slice %dma_wait3A_159[%dma_wait3A_160, %dma_wait3A_161] : memref<50x128xf32, #tpu.memory_space<vmem>> -> memref<50x128xf32, #tpu.memory_space<vmem>>
      tpu.wait_dma2 semaphore(%run_scoped3A_127 : memref<!tpu.dma_semaphore, #tpu.memory_space<semaphore_mem>>) src(%dma_wait3A_162 : memref<50x128xf32, #tpu.memory_space<vmem>>) dst(%dma_wait3A_155 : memref<50x128xf32, #tpu.memory_space<vmem_shared>>)
      tpu.yield
    }) : () -> ()
    %add3A_35 = arith.constant 350 : i32
    %add3A_36 = arith.addi %mul3A_2, %add3A_35 : i32
    %run_scoped3A_37 = arith.constant 0 : i32
    "tpu.region"() ({
      %run_scoped3A_127 = tpu.sem_alloc : memref<!tpu.dma_semaphore, #tpu.memory_space<semaphore_mem>>
      %dma_start3A_128 = arith.constant 0 : i32
      %dma_start3A_129 = arith.constant 0 : i32
      %dma_start3A_130 = tpu.memref_slice %arg7[%run_scoped3A_37, %dma_start3A_128, %dma_start3A_129] : memref<4x50x128xf32, #tpu.memory_space<vmem>> -> memref<1x50x128xf32, #tpu.memory_space<vmem>>
      %dma_start3A_131 = tpu.memref_squeeze %dma_start3A_130 : memref<1x50x128xf32, #tpu.memory_space<vmem>> -> memref<50x128xf32, #tpu.memory_space<vmem>>
      %dma_start3A_132 = arith.constant 0 : i32
      %dma_start3A_133 = arith.constant 0 : i32
      %dma_start3A_134 = tpu.memref_slice %dma_start3A_131[%dma_start3A_132, %dma_start3A_133] : memref<50x128xf32, #tpu.memory_space<vmem>> -> memref<50x128xf32, #tpu.memory_space<vmem>>
      %dma_start3A_135 = arith.constant 0 : i32
      %dma_start3A_136 = tpu.memref_slice %arg6[%add3A_36, %dma_start3A_135] : memref<10112x128xf32, #tpu.memory_space<vmem_shared>> -> memref<50x128xf32, #tpu.memory_space<vmem_shared>>
      %dma_start3A_137 = arith.constant 0 : i32
      %dma_start3A_138 = tpu.memref_slice %arg6[%add3A_36, %dma_start3A_137] : memref<10112x128xf32, #tpu.memory_space<vmem_shared>> -> memref<50x128xf32, #tpu.memory_space<vmem_shared>>
      %dma_start3A_139 = arith.constant 0 : i32
      %dma_start3A_140 = arith.constant 0 : i32
      %dma_start3A_141 = tpu.memref_slice %arg7[%run_scoped3A_37, %dma_start3A_139, %dma_start3A_140] : memref<4x50x128xf32, #tpu.memory_space<vmem>> -> memref<1x50x128xf32, #tpu.memory_space<vmem>>
      %dma_start3A_142 = tpu.memref_squeeze %dma_start3A_141 : memref<1x50x128xf32, #tpu.memory_space<vmem>> -> memref<50x128xf32, #tpu.memory_space<vmem>>
      %dma_start3A_143 = arith.constant 0 : i32
      %dma_start3A_144 = arith.constant 0 : i32
      %dma_start3A_145 = tpu.memref_slice %dma_start3A_142[%dma_start3A_143, %dma_start3A_144] : memref<50x128xf32, #tpu.memory_space<vmem>> -> memref<50x128xf32, #tpu.memory_space<vmem>>
      tpu.enqueue_dma source(%dma_start3A_145 : memref<50x128xf32, #tpu.memory_space<vmem>>) target(%dma_start3A_138 : memref<50x128xf32, #tpu.memory_space<vmem_shared>>) target_semaphore(%run_scoped3A_127 : memref<!tpu.dma_semaphore, #tpu.memory_space<semaphore_mem>>)
      %dma_wait3A = arith.constant 0 : i32
      %dma_wait3A_146 = arith.constant 0 : i32
      %dma_wait3A_147 = tpu.memref_slice %arg7[%run_scoped3A_37, %dma_wait3A, %dma_wait3A_146] : memref<4x50x128xf32, #tpu.memory_space<vmem>> -> memref<1x50x128xf32, #tpu.memory_space<vmem>>
      %dma_wait3A_148 = tpu.memref_squeeze %dma_wait3A_147 : memref<1x50x128xf32, #tpu.memory_space<vmem>> -> memref<50x128xf32, #tpu.memory_space<vmem>>
      %dma_wait3A_149 = arith.constant 0 : i32
      %dma_wait3A_150 = arith.constant 0 : i32
      %dma_wait3A_151 = tpu.memref_slice %dma_wait3A_148[%dma_wait3A_149, %dma_wait3A_150] : memref<50x128xf32, #tpu.memory_space<vmem>> -> memref<50x128xf32, #tpu.memory_space<vmem>>
      %dma_wait3A_152 = arith.constant 0 : i32
      %dma_wait3A_153 = tpu.memref_slice %arg6[%add3A_36, %dma_wait3A_152] : memref<10112x128xf32, #tpu.memory_space<vmem_shared>> -> memref<50x128xf32, #tpu.memory_space<vmem_shared>>
      %dma_wait3A_154 = arith.constant 0 : i32
      %dma_wait3A_155 = tpu.memref_slice %arg6[%add3A_36, %dma_wait3A_154] : memref<10112x128xf32, #tpu.memory_space<vmem_shared>> -> memref<50x128xf32, #tpu.memory_space<vmem_shared>>
      %dma_wait3A_156 = arith.constant 0 : i32
      %dma_wait3A_157 = arith.constant 0 : i32
      %dma_wait3A_158 = tpu.memref_slice %arg7[%run_scoped3A_37, %dma_wait3A_156, %dma_wait3A_157] : memref<4x50x128xf32, #tpu.memory_space<vmem>> -> memref<1x50x128xf32, #tpu.memory_space<vmem>>
      %dma_wait3A_159 = tpu.memref_squeeze %dma_wait3A_158 : memref<1x50x128xf32, #tpu.memory_space<vmem>> -> memref<50x128xf32, #tpu.memory_space<vmem>>
      %dma_wait3A_160 = arith.constant 0 : i32
      %dma_wait3A_161 = arith.constant 0 : i32
      %dma_wait3A_162 = tpu.memref_slice %dma_wait3A_159[%dma_wait3A_160, %dma_wait3A_161] : memref<50x128xf32, #tpu.memory_space<vmem>> -> memref<50x128xf32, #tpu.memory_space<vmem>>
      tpu.wait_dma2 semaphore(%run_scoped3A_127 : memref<!tpu.dma_semaphore, #tpu.memory_space<semaphore_mem>>) src(%dma_wait3A_162 : memref<50x128xf32, #tpu.memory_space<vmem>>) dst(%dma_wait3A_155 : memref<50x128xf32, #tpu.memory_space<vmem_shared>>)
      tpu.yield
    }) : () -> ()
    %add3A_38 = arith.constant 400 : i32
    %add3A_39 = arith.addi %mul3A_2, %add3A_38 : i32
    %run_scoped3A_40 = arith.constant 0 : i32
    "tpu.region"() ({
      %run_scoped3A_127 = tpu.sem_alloc : memref<!tpu.dma_semaphore, #tpu.memory_space<semaphore_mem>>
      %dma_start3A_128 = arith.constant 0 : i32
      %dma_start3A_129 = arith.constant 0 : i32
      %dma_start3A_130 = tpu.memref_slice %arg7[%run_scoped3A_40, %dma_start3A_128, %dma_start3A_129] : memref<4x50x128xf32, #tpu.memory_space<vmem>> -> memref<1x50x128xf32, #tpu.memory_space<vmem>>
      %dma_start3A_131 = tpu.memref_squeeze %dma_start3A_130 : memref<1x50x128xf32, #tpu.memory_space<vmem>> -> memref<50x128xf32, #tpu.memory_space<vmem>>
      %dma_start3A_132 = arith.constant 0 : i32
      %dma_start3A_133 = arith.constant 0 : i32
      %dma_start3A_134 = tpu.memref_slice %dma_start3A_131[%dma_start3A_132, %dma_start3A_133] : memref<50x128xf32, #tpu.memory_space<vmem>> -> memref<50x128xf32, #tpu.memory_space<vmem>>
      %dma_start3A_135 = arith.constant 0 : i32
      %dma_start3A_136 = tpu.memref_slice %arg6[%add3A_39, %dma_start3A_135] : memref<10112x128xf32, #tpu.memory_space<vmem_shared>> -> memref<50x128xf32, #tpu.memory_space<vmem_shared>>
      %dma_start3A_137 = arith.constant 0 : i32
      %dma_start3A_138 = tpu.memref_slice %arg6[%add3A_39, %dma_start3A_137] : memref<10112x128xf32, #tpu.memory_space<vmem_shared>> -> memref<50x128xf32, #tpu.memory_space<vmem_shared>>
      %dma_start3A_139 = arith.constant 0 : i32
      %dma_start3A_140 = arith.constant 0 : i32
      %dma_start3A_141 = tpu.memref_slice %arg7[%run_scoped3A_40, %dma_start3A_139, %dma_start3A_140] : memref<4x50x128xf32, #tpu.memory_space<vmem>> -> memref<1x50x128xf32, #tpu.memory_space<vmem>>
      %dma_start3A_142 = tpu.memref_squeeze %dma_start3A_141 : memref<1x50x128xf32, #tpu.memory_space<vmem>> -> memref<50x128xf32, #tpu.memory_space<vmem>>
      %dma_start3A_143 = arith.constant 0 : i32
      %dma_start3A_144 = arith.constant 0 : i32
      %dma_start3A_145 = tpu.memref_slice %dma_start3A_142[%dma_start3A_143, %dma_start3A_144] : memref<50x128xf32, #tpu.memory_space<vmem>> -> memref<50x128xf32, #tpu.memory_space<vmem>>
      tpu.enqueue_dma source(%dma_start3A_145 : memref<50x128xf32, #tpu.memory_space<vmem>>) target(%dma_start3A_138 : memref<50x128xf32, #tpu.memory_space<vmem_shared>>) target_semaphore(%run_scoped3A_127 : memref<!tpu.dma_semaphore, #tpu.memory_space<semaphore_mem>>)
      %dma_wait3A = arith.constant 0 : i32
      %dma_wait3A_146 = arith.constant 0 : i32
      %dma_wait3A_147 = tpu.memref_slice %arg7[%run_scoped3A_40, %dma_wait3A, %dma_wait3A_146] : memref<4x50x128xf32, #tpu.memory_space<vmem>> -> memref<1x50x128xf32, #tpu.memory_space<vmem>>
      %dma_wait3A_148 = tpu.memref_squeeze %dma_wait3A_147 : memref<1x50x128xf32, #tpu.memory_space<vmem>> -> memref<50x128xf32, #tpu.memory_space<vmem>>
      %dma_wait3A_149 = arith.constant 0 : i32
      %dma_wait3A_150 = arith.constant 0 : i32
      %dma_wait3A_151 = tpu.memref_slice %dma_wait3A_148[%dma_wait3A_149, %dma_wait3A_150] : memref<50x128xf32, #tpu.memory_space<vmem>> -> memref<50x128xf32, #tpu.memory_space<vmem>>
      %dma_wait3A_152 = arith.constant 0 : i32
      %dma_wait3A_153 = tpu.memref_slice %arg6[%add3A_39, %dma_wait3A_152] : memref<10112x128xf32, #tpu.memory_space<vmem_shared>> -> memref<50x128xf32, #tpu.memory_space<vmem_shared>>
      %dma_wait3A_154 = arith.constant 0 : i32
      %dma_wait3A_155 = tpu.memref_slice %arg6[%add3A_39, %dma_wait3A_154] : memref<10112x128xf32, #tpu.memory_space<vmem_shared>> -> memref<50x128xf32, #tpu.memory_space<vmem_shared>>
      %dma_wait3A_156 = arith.constant 0 : i32
      %dma_wait3A_157 = arith.constant 0 : i32
      %dma_wait3A_158 = tpu.memref_slice %arg7[%run_scoped3A_40, %dma_wait3A_156, %dma_wait3A_157] : memref<4x50x128xf32, #tpu.memory_space<vmem>> -> memref<1x50x128xf32, #tpu.memory_space<vmem>>
      %dma_wait3A_159 = tpu.memref_squeeze %dma_wait3A_158 : memref<1x50x128xf32, #tpu.memory_space<vmem>> -> memref<50x128xf32, #tpu.memory_space<vmem>>
      %dma_wait3A_160 = arith.constant 0 : i32
      %dma_wait3A_161 = arith.constant 0 : i32
      %dma_wait3A_162 = tpu.memref_slice %dma_wait3A_159[%dma_wait3A_160, %dma_wait3A_161] : memref<50x128xf32, #tpu.memory_space<vmem>> -> memref<50x128xf32, #tpu.memory_space<vmem>>
      tpu.wait_dma2 semaphore(%run_scoped3A_127 : memref<!tpu.dma_semaphore, #tpu.memory_space<semaphore_mem>>) src(%dma_wait3A_162 : memref<50x128xf32, #tpu.memory_space<vmem>>) dst(%dma_wait3A_155 : memref<50x128xf32, #tpu.memory_space<vmem_shared>>)
      tpu.yield
    }) : () -> ()
    %add3A_41 = arith.constant 450 : i32
    %add3A_42 = arith.addi %mul3A_2, %add3A_41 : i32
    %run_scoped3A_43 = arith.constant 0 : i32
    "tpu.region"() ({
      %run_scoped3A_127 = tpu.sem_alloc : memref<!tpu.dma_semaphore, #tpu.memory_space<semaphore_mem>>
      %dma_start3A_128 = arith.constant 0 : i32
      %dma_start3A_129 = arith.constant 0 : i32
      %dma_start3A_130 = tpu.memref_slice %arg7[%run_scoped3A_43, %dma_start3A_128, %dma_start3A_129] : memref<4x50x128xf32, #tpu.memory_space<vmem>> -> memref<1x50x128xf32, #tpu.memory_space<vmem>>
      %dma_start3A_131 = tpu.memref_squeeze %dma_start3A_130 : memref<1x50x128xf32, #tpu.memory_space<vmem>> -> memref<50x128xf32, #tpu.memory_space<vmem>>
      %dma_start3A_132 = arith.constant 0 : i32
      %dma_start3A_133 = arith.constant 0 : i32
      %dma_start3A_134 = tpu.memref_slice %dma_start3A_131[%dma_start3A_132, %dma_start3A_133] : memref<50x128xf32, #tpu.memory_space<vmem>> -> memref<50x128xf32, #tpu.memory_space<vmem>>
      %dma_start3A_135 = arith.constant 0 : i32
      %dma_start3A_136 = tpu.memref_slice %arg6[%add3A_42, %dma_start3A_135] : memref<10112x128xf32, #tpu.memory_space<vmem_shared>> -> memref<50x128xf32, #tpu.memory_space<vmem_shared>>
      %dma_start3A_137 = arith.constant 0 : i32
      %dma_start3A_138 = tpu.memref_slice %arg6[%add3A_42, %dma_start3A_137] : memref<10112x128xf32, #tpu.memory_space<vmem_shared>> -> memref<50x128xf32, #tpu.memory_space<vmem_shared>>
      %dma_start3A_139 = arith.constant 0 : i32
      %dma_start3A_140 = arith.constant 0 : i32
      %dma_start3A_141 = tpu.memref_slice %arg7[%run_scoped3A_43, %dma_start3A_139, %dma_start3A_140] : memref<4x50x128xf32, #tpu.memory_space<vmem>> -> memref<1x50x128xf32, #tpu.memory_space<vmem>>
      %dma_start3A_142 = tpu.memref_squeeze %dma_start3A_141 : memref<1x50x128xf32, #tpu.memory_space<vmem>> -> memref<50x128xf32, #tpu.memory_space<vmem>>
      %dma_start3A_143 = arith.constant 0 : i32
      %dma_start3A_144 = arith.constant 0 : i32
      %dma_start3A_145 = tpu.memref_slice %dma_start3A_142[%dma_start3A_143, %dma_start3A_144] : memref<50x128xf32, #tpu.memory_space<vmem>> -> memref<50x128xf32, #tpu.memory_space<vmem>>
      tpu.enqueue_dma source(%dma_start3A_145 : memref<50x128xf32, #tpu.memory_space<vmem>>) target(%dma_start3A_138 : memref<50x128xf32, #tpu.memory_space<vmem_shared>>) target_semaphore(%run_scoped3A_127 : memref<!tpu.dma_semaphore, #tpu.memory_space<semaphore_mem>>)
      %dma_wait3A = arith.constant 0 : i32
      %dma_wait3A_146 = arith.constant 0 : i32
      %dma_wait3A_147 = tpu.memref_slice %arg7[%run_scoped3A_43, %dma_wait3A, %dma_wait3A_146] : memref<4x50x128xf32, #tpu.memory_space<vmem>> -> memref<1x50x128xf32, #tpu.memory_space<vmem>>
      %dma_wait3A_148 = tpu.memref_squeeze %dma_wait3A_147 : memref<1x50x128xf32, #tpu.memory_space<vmem>> -> memref<50x128xf32, #tpu.memory_space<vmem>>
      %dma_wait3A_149 = arith.constant 0 : i32
      %dma_wait3A_150 = arith.constant 0 : i32
      %dma_wait3A_151 = tpu.memref_slice %dma_wait3A_148[%dma_wait3A_149, %dma_wait3A_150] : memref<50x128xf32, #tpu.memory_space<vmem>> -> memref<50x128xf32, #tpu.memory_space<vmem>>
      %dma_wait3A_152 = arith.constant 0 : i32
      %dma_wait3A_153 = tpu.memref_slice %arg6[%add3A_42, %dma_wait3A_152] : memref<10112x128xf32, #tpu.memory_space<vmem_shared>> -> memref<50x128xf32, #tpu.memory_space<vmem_shared>>
      %dma_wait3A_154 = arith.constant 0 : i32
      %dma_wait3A_155 = tpu.memref_slice %arg6[%add3A_42, %dma_wait3A_154] : memref<10112x128xf32, #tpu.memory_space<vmem_shared>> -> memref<50x128xf32, #tpu.memory_space<vmem_shared>>
      %dma_wait3A_156 = arith.constant 0 : i32
      %dma_wait3A_157 = arith.constant 0 : i32
      %dma_wait3A_158 = tpu.memref_slice %arg7[%run_scoped3A_43, %dma_wait3A_156, %dma_wait3A_157] : memref<4x50x128xf32, #tpu.memory_space<vmem>> -> memref<1x50x128xf32, #tpu.memory_space<vmem>>
      %dma_wait3A_159 = tpu.memref_squeeze %dma_wait3A_158 : memref<1x50x128xf32, #tpu.memory_space<vmem>> -> memref<50x128xf32, #tpu.memory_space<vmem>>
      %dma_wait3A_160 = arith.constant 0 : i32
      %dma_wait3A_161 = arith.constant 0 : i32
      %dma_wait3A_162 = tpu.memref_slice %dma_wait3A_159[%dma_wait3A_160, %dma_wait3A_161] : memref<50x128xf32, #tpu.memory_space<vmem>> -> memref<50x128xf32, #tpu.memory_space<vmem>>
      tpu.wait_dma2 semaphore(%run_scoped3A_127 : memref<!tpu.dma_semaphore, #tpu.memory_space<semaphore_mem>>) src(%dma_wait3A_162 : memref<50x128xf32, #tpu.memory_space<vmem>>) dst(%dma_wait3A_155 : memref<50x128xf32, #tpu.memory_space<vmem_shared>>)
      tpu.yield
    }) : () -> ()
    %add3A_44 = arith.constant 500 : i32
    %add3A_45 = arith.addi %mul3A_2, %add3A_44 : i32
    %run_scoped3A_46 = arith.constant 0 : i32
    "tpu.region"() ({
      %run_scoped3A_127 = tpu.sem_alloc : memref<!tpu.dma_semaphore, #tpu.memory_space<semaphore_mem>>
      %dma_start3A_128 = arith.constant 0 : i32
      %dma_start3A_129 = arith.constant 0 : i32
      %dma_start3A_130 = tpu.memref_slice %arg7[%run_scoped3A_46, %dma_start3A_128, %dma_start3A_129] : memref<4x50x128xf32, #tpu.memory_space<vmem>> -> memref<1x50x128xf32, #tpu.memory_space<vmem>>
      %dma_start3A_131 = tpu.memref_squeeze %dma_start3A_130 : memref<1x50x128xf32, #tpu.memory_space<vmem>> -> memref<50x128xf32, #tpu.memory_space<vmem>>
      %dma_start3A_132 = arith.constant 0 : i32
      %dma_start3A_133 = arith.constant 0 : i32
      %dma_start3A_134 = tpu.memref_slice %dma_start3A_131[%dma_start3A_132, %dma_start3A_133] : memref<50x128xf32, #tpu.memory_space<vmem>> -> memref<50x128xf32, #tpu.memory_space<vmem>>
      %dma_start3A_135 = arith.constant 0 : i32
      %dma_start3A_136 = tpu.memref_slice %arg6[%add3A_45, %dma_start3A_135] : memref<10112x128xf32, #tpu.memory_space<vmem_shared>> -> memref<50x128xf32, #tpu.memory_space<vmem_shared>>
      %dma_start3A_137 = arith.constant 0 : i32
      %dma_start3A_138 = tpu.memref_slice %arg6[%add3A_45, %dma_start3A_137] : memref<10112x128xf32, #tpu.memory_space<vmem_shared>> -> memref<50x128xf32, #tpu.memory_space<vmem_shared>>
      %dma_start3A_139 = arith.constant 0 : i32
      %dma_start3A_140 = arith.constant 0 : i32
      %dma_start3A_141 = tpu.memref_slice %arg7[%run_scoped3A_46, %dma_start3A_139, %dma_start3A_140] : memref<4x50x128xf32, #tpu.memory_space<vmem>> -> memref<1x50x128xf32, #tpu.memory_space<vmem>>
      %dma_start3A_142 = tpu.memref_squeeze %dma_start3A_141 : memref<1x50x128xf32, #tpu.memory_space<vmem>> -> memref<50x128xf32, #tpu.memory_space<vmem>>
      %dma_start3A_143 = arith.constant 0 : i32
      %dma_start3A_144 = arith.constant 0 : i32
      %dma_start3A_145 = tpu.memref_slice %dma_start3A_142[%dma_start3A_143, %dma_start3A_144] : memref<50x128xf32, #tpu.memory_space<vmem>> -> memref<50x128xf32, #tpu.memory_space<vmem>>
      tpu.enqueue_dma source(%dma_start3A_145 : memref<50x128xf32, #tpu.memory_space<vmem>>) target(%dma_start3A_138 : memref<50x128xf32, #tpu.memory_space<vmem_shared>>) target_semaphore(%run_scoped3A_127 : memref<!tpu.dma_semaphore, #tpu.memory_space<semaphore_mem>>)
      %dma_wait3A = arith.constant 0 : i32
      %dma_wait3A_146 = arith.constant 0 : i32
      %dma_wait3A_147 = tpu.memref_slice %arg7[%run_scoped3A_46, %dma_wait3A, %dma_wait3A_146] : memref<4x50x128xf32, #tpu.memory_space<vmem>> -> memref<1x50x128xf32, #tpu.memory_space<vmem>>
      %dma_wait3A_148 = tpu.memref_squeeze %dma_wait3A_147 : memref<1x50x128xf32, #tpu.memory_space<vmem>> -> memref<50x128xf32, #tpu.memory_space<vmem>>
      %dma_wait3A_149 = arith.constant 0 : i32
      %dma_wait3A_150 = arith.constant 0 : i32
      %dma_wait3A_151 = tpu.memref_slice %dma_wait3A_148[%dma_wait3A_149, %dma_wait3A_150] : memref<50x128xf32, #tpu.memory_space<vmem>> -> memref<50x128xf32, #tpu.memory_space<vmem>>
      %dma_wait3A_152 = arith.constant 0 : i32
      %dma_wait3A_153 = tpu.memref_slice %arg6[%add3A_45, %dma_wait3A_152] : memref<10112x128xf32, #tpu.memory_space<vmem_shared>> -> memref<50x128xf32, #tpu.memory_space<vmem_shared>>
      %dma_wait3A_154 = arith.constant 0 : i32
      %dma_wait3A_155 = tpu.memref_slice %arg6[%add3A_45, %dma_wait3A_154] : memref<10112x128xf32, #tpu.memory_space<vmem_shared>> -> memref<50x128xf32, #tpu.memory_space<vmem_shared>>
      %dma_wait3A_156 = arith.constant 0 : i32
      %dma_wait3A_157 = arith.constant 0 : i32
      %dma_wait3A_158 = tpu.memref_slice %arg7[%run_scoped3A_46, %dma_wait3A_156, %dma_wait3A_157] : memref<4x50x128xf32, #tpu.memory_space<vmem>> -> memref<1x50x128xf32, #tpu.memory_space<vmem>>
      %dma_wait3A_159 = tpu.memref_squeeze %dma_wait3A_158 : memref<1x50x128xf32, #tpu.memory_space<vmem>> -> memref<50x128xf32, #tpu.memory_space<vmem>>
      %dma_wait3A_160 = arith.constant 0 : i32
      %dma_wait3A_161 = arith.constant 0 : i32
      %dma_wait3A_162 = tpu.memref_slice %dma_wait3A_159[%dma_wait3A_160, %dma_wait3A_161] : memref<50x128xf32, #tpu.memory_space<vmem>> -> memref<50x128xf32, #tpu.memory_space<vmem>>
      tpu.wait_dma2 semaphore(%run_scoped3A_127 : memref<!tpu.dma_semaphore, #tpu.memory_space<semaphore_mem>>) src(%dma_wait3A_162 : memref<50x128xf32, #tpu.memory_space<vmem>>) dst(%dma_wait3A_155 : memref<50x128xf32, #tpu.memory_space<vmem_shared>>)
      tpu.yield
    }) : () -> ()
    %add3A_47 = arith.constant 550 : i32
    %add3A_48 = arith.addi %mul3A_2, %add3A_47 : i32
    %run_scoped3A_49 = arith.constant 0 : i32
    "tpu.region"() ({
      %run_scoped3A_127 = tpu.sem_alloc : memref<!tpu.dma_semaphore, #tpu.memory_space<semaphore_mem>>
      %dma_start3A_128 = arith.constant 0 : i32
      %dma_start3A_129 = arith.constant 0 : i32
      %dma_start3A_130 = tpu.memref_slice %arg7[%run_scoped3A_49, %dma_start3A_128, %dma_start3A_129] : memref<4x50x128xf32, #tpu.memory_space<vmem>> -> memref<1x50x128xf32, #tpu.memory_space<vmem>>
      %dma_start3A_131 = tpu.memref_squeeze %dma_start3A_130 : memref<1x50x128xf32, #tpu.memory_space<vmem>> -> memref<50x128xf32, #tpu.memory_space<vmem>>
      %dma_start3A_132 = arith.constant 0 : i32
      %dma_start3A_133 = arith.constant 0 : i32
      %dma_start3A_134 = tpu.memref_slice %dma_start3A_131[%dma_start3A_132, %dma_start3A_133] : memref<50x128xf32, #tpu.memory_space<vmem>> -> memref<50x128xf32, #tpu.memory_space<vmem>>
      %dma_start3A_135 = arith.constant 0 : i32
      %dma_start3A_136 = tpu.memref_slice %arg6[%add3A_48, %dma_start3A_135] : memref<10112x128xf32, #tpu.memory_space<vmem_shared>> -> memref<50x128xf32, #tpu.memory_space<vmem_shared>>
      %dma_start3A_137 = arith.constant 0 : i32
      %dma_start3A_138 = tpu.memref_slice %arg6[%add3A_48, %dma_start3A_137] : memref<10112x128xf32, #tpu.memory_space<vmem_shared>> -> memref<50x128xf32, #tpu.memory_space<vmem_shared>>
      %dma_start3A_139 = arith.constant 0 : i32
      %dma_start3A_140 = arith.constant 0 : i32
      %dma_start3A_141 = tpu.memref_slice %arg7[%run_scoped3A_49, %dma_start3A_139, %dma_start3A_140] : memref<4x50x128xf32, #tpu.memory_space<vmem>> -> memref<1x50x128xf32, #tpu.memory_space<vmem>>
      %dma_start3A_142 = tpu.memref_squeeze %dma_start3A_141 : memref<1x50x128xf32, #tpu.memory_space<vmem>> -> memref<50x128xf32, #tpu.memory_space<vmem>>
      %dma_start3A_143 = arith.constant 0 : i32
      %dma_start3A_144 = arith.constant 0 : i32
      %dma_start3A_145 = tpu.memref_slice %dma_start3A_142[%dma_start3A_143, %dma_start3A_144] : memref<50x128xf32, #tpu.memory_space<vmem>> -> memref<50x128xf32, #tpu.memory_space<vmem>>
      tpu.enqueue_dma source(%dma_start3A_145 : memref<50x128xf32, #tpu.memory_space<vmem>>) target(%dma_start3A_138 : memref<50x128xf32, #tpu.memory_space<vmem_shared>>) target_semaphore(%run_scoped3A_127 : memref<!tpu.dma_semaphore, #tpu.memory_space<semaphore_mem>>)
      %dma_wait3A = arith.constant 0 : i32
      %dma_wait3A_146 = arith.constant 0 : i32
      %dma_wait3A_147 = tpu.memref_slice %arg7[%run_scoped3A_49, %dma_wait3A, %dma_wait3A_146] : memref<4x50x128xf32, #tpu.memory_space<vmem>> -> memref<1x50x128xf32, #tpu.memory_space<vmem>>
      %dma_wait3A_148 = tpu.memref_squeeze %dma_wait3A_147 : memref<1x50x128xf32, #tpu.memory_space<vmem>> -> memref<50x128xf32, #tpu.memory_space<vmem>>
      %dma_wait3A_149 = arith.constant 0 : i32
      %dma_wait3A_150 = arith.constant 0 : i32
      %dma_wait3A_151 = tpu.memref_slice %dma_wait3A_148[%dma_wait3A_149, %dma_wait3A_150] : memref<50x128xf32, #tpu.memory_space<vmem>> -> memref<50x128xf32, #tpu.memory_space<vmem>>
      %dma_wait3A_152 = arith.constant 0 : i32
      %dma_wait3A_153 = tpu.memref_slice %arg6[%add3A_48, %dma_wait3A_152] : memref<10112x128xf32, #tpu.memory_space<vmem_shared>> -> memref<50x128xf32, #tpu.memory_space<vmem_shared>>
      %dma_wait3A_154 = arith.constant 0 : i32
      %dma_wait3A_155 = tpu.memref_slice %arg6[%add3A_48, %dma_wait3A_154] : memref<10112x128xf32, #tpu.memory_space<vmem_shared>> -> memref<50x128xf32, #tpu.memory_space<vmem_shared>>
      %dma_wait3A_156 = arith.constant 0 : i32
      %dma_wait3A_157 = arith.constant 0 : i32
      %dma_wait3A_158 = tpu.memref_slice %arg7[%run_scoped3A_49, %dma_wait3A_156, %dma_wait3A_157] : memref<4x50x128xf32, #tpu.memory_space<vmem>> -> memref<1x50x128xf32, #tpu.memory_space<vmem>>
      %dma_wait3A_159 = tpu.memref_squeeze %dma_wait3A_158 : memref<1x50x128xf32, #tpu.memory_space<vmem>> -> memref<50x128xf32, #tpu.memory_space<vmem>>
      %dma_wait3A_160 = arith.constant 0 : i32
      %dma_wait3A_161 = arith.constant 0 : i32
      %dma_wait3A_162 = tpu.memref_slice %dma_wait3A_159[%dma_wait3A_160, %dma_wait3A_161] : memref<50x128xf32, #tpu.memory_space<vmem>> -> memref<50x128xf32, #tpu.memory_space<vmem>>
      tpu.wait_dma2 semaphore(%run_scoped3A_127 : memref<!tpu.dma_semaphore, #tpu.memory_space<semaphore_mem>>) src(%dma_wait3A_162 : memref<50x128xf32, #tpu.memory_space<vmem>>) dst(%dma_wait3A_155 : memref<50x128xf32, #tpu.memory_space<vmem_shared>>)
      tpu.yield
    }) : () -> ()
    %add3A_50 = arith.constant 600 : i32
    %add3A_51 = arith.addi %mul3A_2, %add3A_50 : i32
    %run_scoped3A_52 = arith.constant 0 : i32
    "tpu.region"() ({
      %run_scoped3A_127 = tpu.sem_alloc : memref<!tpu.dma_semaphore, #tpu.memory_space<semaphore_mem>>
      %dma_start3A_128 = arith.constant 0 : i32
      %dma_start3A_129 = arith.constant 0 : i32
      %dma_start3A_130 = tpu.memref_slice %arg7[%run_scoped3A_52, %dma_start3A_128, %dma_start3A_129] : memref<4x50x128xf32, #tpu.memory_space<vmem>> -> memref<1x50x128xf32, #tpu.memory_space<vmem>>
      %dma_start3A_131 = tpu.memref_squeeze %dma_start3A_130 : memref<1x50x128xf32, #tpu.memory_space<vmem>> -> memref<50x128xf32, #tpu.memory_space<vmem>>
      %dma_start3A_132 = arith.constant 0 : i32
      %dma_start3A_133 = arith.constant 0 : i32
      %dma_start3A_134 = tpu.memref_slice %dma_start3A_131[%dma_start3A_132, %dma_start3A_133] : memref<50x128xf32, #tpu.memory_space<vmem>> -> memref<32x128xf32, #tpu.memory_space<vmem>>
      %dma_start3A_135 = arith.constant 0 : i32
      %dma_start3A_136 = tpu.memref_slice %arg6[%add3A_51, %dma_start3A_135] : memref<10112x128xf32, #tpu.memory_space<vmem_shared>> -> memref<32x128xf32, #tpu.memory_space<vmem_shared>>
      %dma_start3A_137 = arith.constant 0 : i32
      %dma_start3A_138 = tpu.memref_slice %arg6[%add3A_51, %dma_start3A_137] : memref<10112x128xf32, #tpu.memory_space<vmem_shared>> -> memref<32x128xf32, #tpu.memory_space<vmem_shared>>
      %dma_start3A_139 = arith.constant 0 : i32
      %dma_start3A_140 = arith.constant 0 : i32
      %dma_start3A_141 = tpu.memref_slice %arg7[%run_scoped3A_52, %dma_start3A_139, %dma_start3A_140] : memref<4x50x128xf32, #tpu.memory_space<vmem>> -> memref<1x50x128xf32, #tpu.memory_space<vmem>>
      %dma_start3A_142 = tpu.memref_squeeze %dma_start3A_141 : memref<1x50x128xf32, #tpu.memory_space<vmem>> -> memref<50x128xf32, #tpu.memory_space<vmem>>
      %dma_start3A_143 = arith.constant 0 : i32
      %dma_start3A_144 = arith.constant 0 : i32
      %dma_start3A_145 = tpu.memref_slice %dma_start3A_142[%dma_start3A_143, %dma_start3A_144] : memref<50x128xf32, #tpu.memory_space<vmem>> -> memref<32x128xf32, #tpu.memory_space<vmem>>
      tpu.enqueue_dma source(%dma_start3A_145 : memref<32x128xf32, #tpu.memory_space<vmem>>) target(%dma_start3A_138 : memref<32x128xf32, #tpu.memory_space<vmem_shared>>) target_semaphore(%run_scoped3A_127 : memref<!tpu.dma_semaphore, #tpu.memory_space<semaphore_mem>>)
      %dma_wait3A = arith.constant 0 : i32
      %dma_wait3A_146 = arith.constant 0 : i32
      %dma_wait3A_147 = tpu.memref_slice %arg7[%run_scoped3A_52, %dma_wait3A, %dma_wait3A_146] : memref<4x50x128xf32, #tpu.memory_space<vmem>> -> memref<1x50x128xf32, #tpu.memory_space<vmem>>
      %dma_wait3A_148 = tpu.memref_squeeze %dma_wait3A_147 : memref<1x50x128xf32, #tpu.memory_space<vmem>> -> memref<50x128xf32, #tpu.memory_space<vmem>>
      %dma_wait3A_149 = arith.constant 0 : i32
      %dma_wait3A_150 = arith.constant 0 : i32
      %dma_wait3A_151 = tpu.memref_slice %dma_wait3A_148[%dma_wait3A_149, %dma_wait3A_150] : memref<50x128xf32, #tpu.memory_space<vmem>> -> memref<32x128xf32, #tpu.memory_space<vmem>>
      %dma_wait3A_152 = arith.constant 0 : i32
      %dma_wait3A_153 = tpu.memref_slice %arg6[%add3A_51, %dma_wait3A_152] : memref<10112x128xf32, #tpu.memory_space<vmem_shared>> -> memref<32x128xf32, #tpu.memory_space<vmem_shared>>
      %dma_wait3A_154 = arith.constant 0 : i32
      %dma_wait3A_155 = tpu.memref_slice %arg6[%add3A_51, %dma_wait3A_154] : memref<10112x128xf32, #tpu.memory_space<vmem_shared>> -> memref<32x128xf32, #tpu.memory_space<vmem_shared>>
      %dma_wait3A_156 = arith.constant 0 : i32
      %dma_wait3A_157 = arith.constant 0 : i32
      %dma_wait3A_158 = tpu.memref_slice %arg7[%run_scoped3A_52, %dma_wait3A_156, %dma_wait3A_157] : memref<4x50x128xf32, #tpu.memory_space<vmem>> -> memref<1x50x128xf32, #tpu.memory_space<vmem>>
      %dma_wait3A_159 = tpu.memref_squeeze %dma_wait3A_158 : memref<1x50x128xf32, #tpu.memory_space<vmem>> -> memref<50x128xf32, #tpu.memory_space<vmem>>
      %dma_wait3A_160 = arith.constant 0 : i32
      %dma_wait3A_161 = arith.constant 0 : i32
      %dma_wait3A_162 = tpu.memref_slice %dma_wait3A_159[%dma_wait3A_160, %dma_wait3A_161] : memref<50x128xf32, #tpu.memory_space<vmem>> -> memref<32x128xf32, #tpu.memory_space<vmem>>
      tpu.wait_dma2 semaphore(%run_scoped3A_127 : memref<!tpu.dma_semaphore, #tpu.memory_space<semaphore_mem>>) src(%dma_wait3A_162 : memref<32x128xf32, #tpu.memory_space<vmem>>) dst(%dma_wait3A_155 : memref<32x128xf32, #tpu.memory_space<vmem_shared>>)
      tpu.yield
    }) : () -> ()
    %barrier3A = arith.constant 0 : index
    tpu.barrier barrier_id(%barrier3A)
    %dma_start3A = arith.constant 0 : i32
    %dma_start3A_53 = arith.constant 0 : i32
    %dma_start3A_54 = arith.constant 0 : i32
    %dma_start3A_55 = arith.constant 0 : i32
    %dma_start3A_56 = arith.constant 0 : i32
    %dma_start3A_57 = tpu.memref_slice %arg7[%dma_start3A_53, %dma_start3A_55, %dma_start3A_56] : memref<4x50x128xf32, #tpu.memory_space<vmem>> -> memref<1x50x128xf32, #tpu.memory_space<vmem>>
    %dma_start3A_58 = tpu.memref_squeeze %dma_start3A_57 : memref<1x50x128xf32, #tpu.memory_space<vmem>> -> memref<50x128xf32, #tpu.memory_space<vmem>>
    %dma_start3A_59 = arith.constant 0 : i32
    %dma_start3A_60 = tpu.memref_slice %arg8[%dma_start3A, %dma_start3A_59] : memref<200x50xi32, #tpu.memory_space<vmem>> -> memref<1x50xi32, #tpu.memory_space<vmem>>
    %dma_start3A_61 = tpu.memref_squeeze %dma_start3A_60 : memref<1x50xi32, #tpu.memory_space<vmem>> -> memref<50xi32, #tpu.memory_space<vmem>>
    %dma_start3A_62 = arith.constant 0 : i32
    %dma_start3A_63 = arith.constant 0 : i32
    %dma_start3A_64 = tpu.memref_slice %arg2[%dma_start3A_62, %dma_start3A_63] : memref<10000x128xf32, #tpu.memory_space<hbm>> -> memref<10000x128xf32, #tpu.memory_space<hbm>>
    %dma_start3A_65 = tpu.memref_slice %arg10[%dma_start3A_54] : memref<4x!tpu.dma_semaphore, #tpu.memory_space<semaphore_mem>> -> memref<1x!tpu.dma_semaphore, #tpu.memory_space<semaphore_mem>>
    %dma_start3A_66 = tpu.memref_squeeze %dma_start3A_65 : memref<1x!tpu.dma_semaphore, #tpu.memory_space<semaphore_mem>> -> memref<!tpu.dma_semaphore, #tpu.memory_space<semaphore_mem>>
    tpu.enqueue_indirect_dma source(%dma_start3A_64 : memref<10000x128xf32, #tpu.memory_space<hbm>>) target(%dma_start3A_58 : memref<50x128xf32, #tpu.memory_space<vmem>>) offsets(%dma_start3A_61 : memref<50xi32, #tpu.memory_space<vmem>>) semaphore(%dma_start3A_66 : memref<!tpu.dma_semaphore, #tpu.memory_space<semaphore_mem>>)
    %dma_start3A_67 = arith.constant 1 : i32
    %dma_start3A_68 = arith.constant 1 : i32
    %dma_start3A_69 = arith.constant 1 : i32
    %dma_start3A_70 = arith.constant 0 : i32
    %dma_start3A_71 = arith.constant 0 : i32
    %dma_start3A_72 = tpu.memref_slice %arg7[%dma_start3A_68, %dma_start3A_70, %dma_start3A_71] : memref<4x50x128xf32, #tpu.memory_space<vmem>> -> memref<1x50x128xf32, #tpu.memory_space<vmem>>
    %dma_start3A_73 = tpu.memref_squeeze %dma_start3A_72 : memref<1x50x128xf32, #tpu.memory_space<vmem>> -> memref<50x128xf32, #tpu.memory_space<vmem>>
    %dma_start3A_74 = arith.constant 0 : i32
    %dma_start3A_75 = tpu.memref_slice %arg8[%dma_start3A_67, %dma_start3A_74] : memref<200x50xi32, #tpu.memory_space<vmem>> -> memref<1x50xi32, #tpu.memory_space<vmem>>
    %dma_start3A_76 = tpu.memref_squeeze %dma_start3A_75 : memref<1x50xi32, #tpu.memory_space<vmem>> -> memref<50xi32, #tpu.memory_space<vmem>>
    %dma_start3A_77 = arith.constant 0 : i32
    %dma_start3A_78 = arith.constant 0 : i32
    %dma_start3A_79 = tpu.memref_slice %arg2[%dma_start3A_77, %dma_start3A_78] : memref<10000x128xf32, #tpu.memory_space<hbm>> -> memref<10000x128xf32, #tpu.memory_space<hbm>>
    %dma_start3A_80 = tpu.memref_slice %arg10[%dma_start3A_69] : memref<4x!tpu.dma_semaphore, #tpu.memory_space<semaphore_mem>> -> memref<1x!tpu.dma_semaphore, #tpu.memory_space<semaphore_mem>>
    %dma_start3A_81 = tpu.memref_squeeze %dma_start3A_80 : memref<1x!tpu.dma_semaphore, #tpu.memory_space<semaphore_mem>> -> memref<!tpu.dma_semaphore, #tpu.memory_space<semaphore_mem>>
    tpu.enqueue_indirect_dma source(%dma_start3A_79 : memref<10000x128xf32, #tpu.memory_space<hbm>>) target(%dma_start3A_73 : memref<50x128xf32, #tpu.memory_space<vmem>>) offsets(%dma_start3A_76 : memref<50xi32, #tpu.memory_space<vmem>>) semaphore(%dma_start3A_81 : memref<!tpu.dma_semaphore, #tpu.memory_space<semaphore_mem>>)
    %dma_start3A_82 = arith.constant 2 : i32
    %dma_start3A_83 = arith.constant 2 : i32
    %dma_start3A_84 = arith.constant 2 : i32
    %dma_start3A_85 = arith.constant 0 : i32
    %dma_start3A_86 = arith.constant 0 : i32
    %dma_start3A_87 = tpu.memref_slice %arg7[%dma_start3A_83, %dma_start3A_85, %dma_start3A_86] : memref<4x50x128xf32, #tpu.memory_space<vmem>> -> memref<1x50x128xf32, #tpu.memory_space<vmem>>
    %dma_start3A_88 = tpu.memref_squeeze %dma_start3A_87 : memref<1x50x128xf32, #tpu.memory_space<vmem>> -> memref<50x128xf32, #tpu.memory_space<vmem>>
    %dma_start3A_89 = arith.constant 0 : i32
    %dma_start3A_90 = tpu.memref_slice %arg8[%dma_start3A_82, %dma_start3A_89] : memref<200x50xi32, #tpu.memory_space<vmem>> -> memref<1x50xi32, #tpu.memory_space<vmem>>
    %dma_start3A_91 = tpu.memref_squeeze %dma_start3A_90 : memref<1x50xi32, #tpu.memory_space<vmem>> -> memref<50xi32, #tpu.memory_space<vmem>>
    %dma_start3A_92 = arith.constant 0 : i32
    %dma_start3A_93 = arith.constant 0 : i32
    %dma_start3A_94 = tpu.memref_slice %arg2[%dma_start3A_92, %dma_start3A_93] : memref<10000x128xf32, #tpu.memory_space<hbm>> -> memref<10000x128xf32, #tpu.memory_space<hbm>>
    %dma_start3A_95 = tpu.memref_slice %arg10[%dma_start3A_84] : memref<4x!tpu.dma_semaphore, #tpu.memory_space<semaphore_mem>> -> memref<1x!tpu.dma_semaphore, #tpu.memory_space<semaphore_mem>>
    %dma_start3A_96 = tpu.memref_squeeze %dma_start3A_95 : memref<1x!tpu.dma_semaphore, #tpu.memory_space<semaphore_mem>> -> memref<!tpu.dma_semaphore, #tpu.memory_space<semaphore_mem>>
    tpu.enqueue_indirect_dma source(%dma_start3A_94 : memref<10000x128xf32, #tpu.memory_space<hbm>>) target(%dma_start3A_88 : memref<50x128xf32, #tpu.memory_space<vmem>>) offsets(%dma_start3A_91 : memref<50xi32, #tpu.memory_space<vmem>>) semaphore(%dma_start3A_96 : memref<!tpu.dma_semaphore, #tpu.memory_space<semaphore_mem>>)
    %dma_start3A_97 = arith.constant 3 : i32
    %dma_start3A_98 = arith.constant 3 : i32
    %dma_start3A_99 = arith.constant 3 : i32
    %dma_start3A_100 = arith.constant 0 : i32
    %dma_start3A_101 = arith.constant 0 : i32
    %dma_start3A_102 = tpu.memref_slice %arg7[%dma_start3A_98, %dma_start3A_100, %dma_start3A_101] : memref<4x50x128xf32, #tpu.memory_space<vmem>> -> memref<1x50x128xf32, #tpu.memory_space<vmem>>
    %dma_start3A_103 = tpu.memref_squeeze %dma_start3A_102 : memref<1x50x128xf32, #tpu.memory_space<vmem>> -> memref<50x128xf32, #tpu.memory_space<vmem>>
    %dma_start3A_104 = arith.constant 0 : i32
    %dma_start3A_105 = tpu.memref_slice %arg8[%dma_start3A_97, %dma_start3A_104] : memref<200x50xi32, #tpu.memory_space<vmem>> -> memref<1x50xi32, #tpu.memory_space<vmem>>
    %dma_start3A_106 = tpu.memref_squeeze %dma_start3A_105 : memref<1x50xi32, #tpu.memory_space<vmem>> -> memref<50xi32, #tpu.memory_space<vmem>>
    %dma_start3A_107 = arith.constant 0 : i32
    %dma_start3A_108 = arith.constant 0 : i32
    %dma_start3A_109 = tpu.memref_slice %arg2[%dma_start3A_107, %dma_start3A_108] : memref<10000x128xf32, #tpu.memory_space<hbm>> -> memref<10000x128xf32, #tpu.memory_space<hbm>>
    %dma_start3A_110 = tpu.memref_slice %arg10[%dma_start3A_99] : memref<4x!tpu.dma_semaphore, #tpu.memory_space<semaphore_mem>> -> memref<1x!tpu.dma_semaphore, #tpu.memory_space<semaphore_mem>>
    %dma_start3A_111 = tpu.memref_squeeze %dma_start3A_110 : memref<1x!tpu.dma_semaphore, #tpu.memory_space<semaphore_mem>> -> memref<!tpu.dma_semaphore, #tpu.memory_space<semaphore_mem>>
    tpu.enqueue_indirect_dma source(%dma_start3A_109 : memref<10000x128xf32, #tpu.memory_space<hbm>>) target(%dma_start3A_103 : memref<50x128xf32, #tpu.memory_space<vmem>>) offsets(%dma_start3A_106 : memref<50xi32, #tpu.memory_space<vmem>>) semaphore(%dma_start3A_111 : memref<!tpu.dma_semaphore, #tpu.memory_space<semaphore_mem>>)
    %scan3A_112 = arith.constant 0 : i32
    %scan3A_113 = arith.constant 0 : i32
    %scan3A_114 = arith.constant 196 : i32
    %scan3A_115 = arith.addi %scan3A_113, %scan3A_114 : i32
    %scan3A_116 = arith.constant 1 : i32
    %scan3A_117 = scf.for %scan3A_127 = %scan3A_113 to %scan3A_115 step %scan3A_116 iter_args(%scan3A_128 = %scan3A_112) -> (i32)  : i32 {
      %jit3A = arith.constant 4 : i32
      %eq3A = arith.constant 0 : i32
      %eq3A_129 = arith.cmpi eq, %jit3A, %eq3A : i32
      %jit3A_130 = arith.constant 1 : i32
      %select_n3A = arith.select %eq3A_129, %jit3A_130, %jit3A : i32
      %rem3A = arith.remsi %scan3A_127, %select_n3A : i32
      %ne3A = arith.constant 0 : i32
      %ne3A_131 = arith.cmpi ne, %rem3A, %ne3A : i32
      %lt3A = arith.constant 0 : i32
      %lt3A_132 = arith.cmpi slt, %rem3A, %lt3A : i32
      %lt3A_133 = arith.constant 0 : i32
      %lt3A_134 = arith.cmpi slt, %select_n3A, %lt3A_133 : i32
      %ne3A_135 = arith.xori %lt3A_132, %lt3A_134 : i1
      %and3A = arith.andi %ne3A_135, %ne3A_131 : i1
      %add3A_136 = arith.addi %rem3A, %select_n3A : i32
      %select_n3A_137 = arith.select %and3A, %add3A_136, %rem3A : i32
      %dma_wait3A = arith.constant 0 : i32
      %dma_wait3A_138 = arith.constant 0 : i32
      %dma_wait3A_139 = tpu.memref_slice %arg7[%select_n3A_137, %dma_wait3A, %dma_wait3A_138] : memref<4x50x128xf32, #tpu.memory_space<vmem>> -> memref<1x50x128xf32, #tpu.memory_space<vmem>>
      %dma_wait3A_140 = tpu.memref_squeeze %dma_wait3A_139 : memref<1x50x128xf32, #tpu.memory_space<vmem>> -> memref<50x128xf32, #tpu.memory_space<vmem>>
      %dma_wait3A_141 = arith.constant 0 : i32
      %dma_wait3A_142 = tpu.memref_slice %arg8[%scan3A_127, %dma_wait3A_141] : memref<200x50xi32, #tpu.memory_space<vmem>> -> memref<1x50xi32, #tpu.memory_space<vmem>>
      %dma_wait3A_143 = tpu.memref_squeeze %dma_wait3A_142 : memref<1x50xi32, #tpu.memory_space<vmem>> -> memref<50xi32, #tpu.memory_space<vmem>>
      %dma_wait3A_144 = arith.constant 0 : i32
      %dma_wait3A_145 = arith.constant 0 : i32
      %dma_wait3A_146 = tpu.memref_slice %arg2[%dma_wait3A_144, %dma_wait3A_145] : memref<10000x128xf32, #tpu.memory_space<hbm>> -> memref<10000x128xf32, #tpu.memory_space<hbm>>
      %dma_wait3A_147 = tpu.memref_slice %arg10[%select_n3A_137] : memref<4x!tpu.dma_semaphore, #tpu.memory_space<semaphore_mem>> -> memref<1x!tpu.dma_semaphore, #tpu.memory_space<semaphore_mem>>
      %dma_wait3A_148 = tpu.memref_squeeze %dma_wait3A_147 : memref<1x!tpu.dma_semaphore, #tpu.memory_space<semaphore_mem>> -> memref<!tpu.dma_semaphore, #tpu.memory_space<semaphore_mem>>
      tpu.wait_indirect_dma semaphore(%dma_wait3A_148 : memref<!tpu.dma_semaphore, #tpu.memory_space<semaphore_mem>>) src(%dma_wait3A_146 : memref<10000x128xf32, #tpu.memory_space<hbm>>) dst(%dma_wait3A_140 : memref<50x128xf32, #tpu.memory_space<vmem>>)
      "tpu.region"() ({
        %run_scoped3A_164 = tpu.sem_alloc : memref<!tpu.dma_semaphore, #tpu.memory_space<semaphore_mem>>
        %dma_start3A_165 = arith.constant 0 : i32
        %dma_start3A_166 = arith.constant 0 : i32
        %dma_start3A_167 = tpu.memref_slice %arg7[%select_n3A_137, %dma_start3A_165, %dma_start3A_166] : memref<4x50x128xf32, #tpu.memory_space<vmem>> -> memref<1x50x128xf32, #tpu.memory_space<vmem>>
        %dma_start3A_168 = tpu.memref_squeeze %dma_start3A_167 : memref<1x50x128xf32, #tpu.memory_space<vmem>> -> memref<50x128xf32, #tpu.memory_space<vmem>>
        %dma_start3A_169 = arith.constant 0 : i32
        %dma_start3A_170 = tpu.memref_slice %arg9[%scan3A_127, %dma_start3A_169] : memref<200x50xi32, #tpu.memory_space<vmem>> -> memref<1x50xi32, #tpu.memory_space<vmem>>
        %dma_start3A_171 = tpu.memref_squeeze %dma_start3A_170 : memref<1x50xi32, #tpu.memory_space<vmem>> -> memref<50xi32, #tpu.memory_space<vmem>>
        %dma_start3A_172 = arith.constant 0 : i32
        %dma_start3A_173 = arith.constant 0 : i32
        %dma_start3A_174 = tpu.memref_slice %arg6[%dma_start3A_172, %dma_start3A_173] : memref<10112x128xf32, #tpu.memory_space<vmem_shared>> -> memref<10112x128xf32, #tpu.memory_space<vmem_shared>>
        tpu.enqueue_indirect_dma source(%dma_start3A_168 : memref<50x128xf32, #tpu.memory_space<vmem>>) target(%dma_start3A_174 : memref<10112x128xf32, #tpu.memory_space<vmem_shared>>) offsets(%dma_start3A_171 : memref<50xi32, #tpu.memory_space<vmem>>) semaphore(%run_scoped3A_164 : memref<!tpu.dma_semaphore, #tpu.memory_space<semaphore_mem>>) {add = true}
        %dma_wait3A_175 = arith.constant 0 : i32
        %dma_wait3A_176 = arith.constant 0 : i32
        %dma_wait3A_177 = tpu.memref_slice %arg7[%select_n3A_137, %dma_wait3A_175, %dma_wait3A_176] : memref<4x50x128xf32, #tpu.memory_space<vmem>> -> memref<1x50x128xf32, #tpu.memory_space<vmem>>
        %dma_wait3A_178 = tpu.memref_squeeze %dma_wait3A_177 : memref<1x50x128xf32, #tpu.memory_space<vmem>> -> memref<50x128xf32, #tpu.memory_space<vmem>>
        %dma_wait3A_179 = arith.constant 0 : i32
        %dma_wait3A_180 = tpu.memref_slice %arg9[%scan3A_127, %dma_wait3A_179] : memref<200x50xi32, #tpu.memory_space<vmem>> -> memref<1x50xi32, #tpu.memory_space<vmem>>
        %dma_wait3A_181 = tpu.memref_squeeze %dma_wait3A_180 : memref<1x50xi32, #tpu.memory_space<vmem>> -> memref<50xi32, #tpu.memory_space<vmem>>
        %dma_wait3A_182 = arith.constant 0 : i32
        %dma_wait3A_183 = arith.constant 0 : i32
        %dma_wait3A_184 = tpu.memref_slice %arg6[%dma_wait3A_182, %dma_wait3A_183] : memref<10112x128xf32, #tpu.memory_space<vmem_shared>> -> memref<10112x128xf32, #tpu.memory_space<vmem_shared>>
        tpu.wait_indirect_dma semaphore(%run_scoped3A_164 : memref<!tpu.dma_semaphore, #tpu.memory_space<semaphore_mem>>) src(%dma_wait3A_178 : memref<50x128xf32, #tpu.memory_space<vmem>>) dst(%dma_wait3A_184 : memref<10112x128xf32, #tpu.memory_space<vmem_shared>>)
        tpu.yield
      }) : () -> ()
      %add3A_149 = arith.constant 4 : i32
      %add3A_150 = arith.addi %scan3A_127, %add3A_149 : i32
      %dma_start3A_151 = arith.constant 0 : i32
      %dma_start3A_152 = arith.constant 0 : i32
      %dma_start3A_153 = tpu.memref_slice %arg7[%select_n3A_137, %dma_start3A_151, %dma_start3A_152] : memref<4x50x128xf32, #tpu.memory_space<vmem>> -> memref<1x50x128xf32, #tpu.memory_space<vmem>>
      %dma_start3A_154 = tpu.memref_squeeze %dma_start3A_153 : memref<1x50x128xf32, #tpu.memory_space<vmem>> -> memref<50x128xf32, #tpu.memory_space<vmem>>
      %dma_start3A_155 = arith.constant 0 : i32
      %dma_start3A_156 = tpu.memref_slice %arg8[%add3A_150, %dma_start3A_155] : memref<200x50xi32, #tpu.memory_space<vmem>> -> memref<1x50xi32, #tpu.memory_space<vmem>>
      %dma_start3A_157 = tpu.memref_squeeze %dma_start3A_156 : memref<1x50xi32, #tpu.memory_space<vmem>> -> memref<50xi32, #tpu.memory_space<vmem>>
      %dma_start3A_158 = arith.constant 0 : i32
      %dma_start3A_159 = arith.constant 0 : i32
      %dma_start3A_160 = tpu.memref_slice %arg2[%dma_start3A_158, %dma_start3A_159] : memref<10000x128xf32, #tpu.memory_space<hbm>> -> memref<10000x128xf32, #tpu.memory_space<hbm>>
      %dma_start3A_161 = tpu.memref_slice %arg10[%select_n3A_137] : memref<4x!tpu.dma_semaphore, #tpu.memory_space<semaphore_mem>> -> memref<1x!tpu.dma_semaphore, #tpu.memory_space<semaphore_mem>>
      %dma_start3A_162 = tpu.memref_squeeze %dma_start3A_161 : memref<1x!tpu.dma_semaphore, #tpu.memory_space<semaphore_mem>> -> memref<!tpu.dma_semaphore, #tpu.memory_space<semaphore_mem>>
      tpu.enqueue_indirect_dma source(%dma_start3A_160 : memref<10000x128xf32, #tpu.memory_space<hbm>>) target(%dma_start3A_154 : memref<50x128xf32, #tpu.memory_space<vmem>>) offsets(%dma_start3A_157 : memref<50xi32, #tpu.memory_space<vmem>>) semaphore(%dma_start3A_162 : memref<!tpu.dma_semaphore, #tpu.memory_space<semaphore_mem>>)
      %scan3A_163 = arith.constant 0 : i32
      scf.yield %scan3A_163 : i32
    }
    %scan3A_118 = arith.constant 196 : i32
    %scan3A_119 = arith.constant 0 : i32
    %scan3A_120 = arith.constant 196 : i32
    %scan3A_121 = arith.constant 4 : i32
    %scan3A_122 = arith.addi %scan3A_120, %scan3A_121 : i32
    %scan3A_123 = arith.constant 1 : i32
    %scan3A_124 = scf.for %scan3A_127 = %scan3A_120 to %scan3A_122 step %scan3A_123 iter_args(%scan3A_128 = %scan3A_119) -> (i32)  : i32 {
      %jit3A = arith.constant 4 : i32
      %eq3A = arith.constant 0 : i32
      %eq3A_129 = arith.cmpi eq, %jit3A, %eq3A : i32
      %jit3A_130 = arith.constant 1 : i32
      %select_n3A = arith.select %eq3A_129, %jit3A_130, %jit3A : i32
      %rem3A = arith.remsi %scan3A_127, %select_n3A : i32
      %ne3A = arith.constant 0 : i32
      %ne3A_131 = arith.cmpi ne, %rem3A, %ne3A : i32
      %lt3A = arith.constant 0 : i32
      %lt3A_132 = arith.cmpi slt, %rem3A, %lt3A : i32
      %lt3A_133 = arith.constant 0 : i32
      %lt3A_134 = arith.cmpi slt, %select_n3A, %lt3A_133 : i32
      %ne3A_135 = arith.xori %lt3A_132, %lt3A_134 : i1
      %and3A = arith.andi %ne3A_135, %ne3A_131 : i1
      %add3A_136 = arith.addi %rem3A, %select_n3A : i32
      %select_n3A_137 = arith.select %and3A, %add3A_136, %rem3A : i32
      %dma_wait3A = arith.constant 0 : i32
      %dma_wait3A_138 = arith.constant 0 : i32
      %dma_wait3A_139 = tpu.memref_slice %arg7[%select_n3A_137, %dma_wait3A, %dma_wait3A_138] : memref<4x50x128xf32, #tpu.memory_space<vmem>> -> memref<1x50x128xf32, #tpu.memory_space<vmem>>
      %dma_wait3A_140 = tpu.memref_squeeze %dma_wait3A_139 : memref<1x50x128xf32, #tpu.memory_space<vmem>> -> memref<50x128xf32, #tpu.memory_space<vmem>>
      %dma_wait3A_141 = arith.constant 0 : i32
      %dma_wait3A_142 = tpu.memref_slice %arg8[%scan3A_127, %dma_wait3A_141] : memref<200x50xi32, #tpu.memory_space<vmem>> -> memref<1x50xi32, #tpu.memory_space<vmem>>
      %dma_wait3A_143 = tpu.memref_squeeze %dma_wait3A_142 : memref<1x50xi32, #tpu.memory_space<vmem>> -> memref<50xi32, #tpu.memory_space<vmem>>
      %dma_wait3A_144 = arith.constant 0 : i32
      %dma_wait3A_145 = arith.constant 0 : i32
      %dma_wait3A_146 = tpu.memref_slice %arg2[%dma_wait3A_144, %dma_wait3A_145] : memref<10000x128xf32, #tpu.memory_space<hbm>> -> memref<10000x128xf32, #tpu.memory_space<hbm>>
      %dma_wait3A_147 = tpu.memref_slice %arg10[%select_n3A_137] : memref<4x!tpu.dma_semaphore, #tpu.memory_space<semaphore_mem>> -> memref<1x!tpu.dma_semaphore, #tpu.memory_space<semaphore_mem>>
      %dma_wait3A_148 = tpu.memref_squeeze %dma_wait3A_147 : memref<1x!tpu.dma_semaphore, #tpu.memory_space<semaphore_mem>> -> memref<!tpu.dma_semaphore, #tpu.memory_space<semaphore_mem>>
      tpu.wait_indirect_dma semaphore(%dma_wait3A_148 : memref<!tpu.dma_semaphore, #tpu.memory_space<semaphore_mem>>) src(%dma_wait3A_146 : memref<10000x128xf32, #tpu.memory_space<hbm>>) dst(%dma_wait3A_140 : memref<50x128xf32, #tpu.memory_space<vmem>>)
      "tpu.region"() ({
        %run_scoped3A_150 = tpu.sem_alloc : memref<!tpu.dma_semaphore, #tpu.memory_space<semaphore_mem>>
        %dma_start3A_151 = arith.constant 0 : i32
        %dma_start3A_152 = arith.constant 0 : i32
        %dma_start3A_153 = tpu.memref_slice %arg7[%select_n3A_137, %dma_start3A_151, %dma_start3A_152] : memref<4x50x128xf32, #tpu.memory_space<vmem>> -> memref<1x50x128xf32, #tpu.memory_space<vmem>>
        %dma_start3A_154 = tpu.memref_squeeze %dma_start3A_153 : memref<1x50x128xf32, #tpu.memory_space<vmem>> -> memref<50x128xf32, #tpu.memory_space<vmem>>
        %dma_start3A_155 = arith.constant 0 : i32
        %dma_start3A_156 = tpu.memref_slice %arg9[%scan3A_127, %dma_start3A_155] : memref<200x50xi32, #tpu.memory_space<vmem>> -> memref<1x50xi32, #tpu.memory_space<vmem>>
        %dma_start3A_157 = tpu.memref_squeeze %dma_start3A_156 : memref<1x50xi32, #tpu.memory_space<vmem>> -> memref<50xi32, #tpu.memory_space<vmem>>
        %dma_start3A_158 = arith.constant 0 : i32
        %dma_start3A_159 = arith.constant 0 : i32
        %dma_start3A_160 = tpu.memref_slice %arg6[%dma_start3A_158, %dma_start3A_159] : memref<10112x128xf32, #tpu.memory_space<vmem_shared>> -> memref<10112x128xf32, #tpu.memory_space<vmem_shared>>
        tpu.enqueue_indirect_dma source(%dma_start3A_154 : memref<50x128xf32, #tpu.memory_space<vmem>>) target(%dma_start3A_160 : memref<10112x128xf32, #tpu.memory_space<vmem_shared>>) offsets(%dma_start3A_157 : memref<50xi32, #tpu.memory_space<vmem>>) semaphore(%run_scoped3A_150 : memref<!tpu.dma_semaphore, #tpu.memory_space<semaphore_mem>>) {add = true}
        %dma_wait3A_161 = arith.constant 0 : i32
        %dma_wait3A_162 = arith.constant 0 : i32
        %dma_wait3A_163 = tpu.memref_slice %arg7[%select_n3A_137, %dma_wait3A_161, %dma_wait3A_162] : memref<4x50x128xf32, #tpu.memory_space<vmem>> -> memref<1x50x128xf32, #tpu.memory_space<vmem>>
        %dma_wait3A_164 = tpu.memref_squeeze %dma_wait3A_163 : memref<1x50x128xf32, #tpu.memory_space<vmem>> -> memref<50x128xf32, #tpu.memory_space<vmem>>
        %dma_wait3A_165 = arith.constant 0 : i32
        %dma_wait3A_166 = tpu.memref_slice %arg9[%scan3A_127, %dma_wait3A_165] : memref<200x50xi32, #tpu.memory_space<vmem>> -> memref<1x50xi32, #tpu.memory_space<vmem>>
        %dma_wait3A_167 = tpu.memref_squeeze %dma_wait3A_166 : memref<1x50xi32, #tpu.memory_space<vmem>> -> memref<50xi32, #tpu.memory_space<vmem>>
        %dma_wait3A_168 = arith.constant 0 : i32
        %dma_wait3A_169 = arith.constant 0 : i32
        %dma_wait3A_170 = tpu.memref_slice %arg6[%dma_wait3A_168, %dma_wait3A_169] : memref<10112x128xf32, #tpu.memory_space<vmem_shared>> -> memref<10112x128xf32, #tpu.memory_space<vmem_shared>>
        tpu.wait_indirect_dma semaphore(%run_scoped3A_150 : memref<!tpu.dma_semaphore, #tpu.memory_space<semaphore_mem>>) src(%dma_wait3A_164 : memref<50x128xf32, #tpu.memory_space<vmem>>) dst(%dma_wait3A_170 : memref<10112x128xf32, #tpu.memory_space<vmem_shared>>)
        tpu.yield
      }) : () -> ()
      %scan3A_149 = arith.constant 0 : i32
      scf.yield %scan3A_149 : i32
    }
    %scan3A_125 = arith.constant 4 : i32
    %barrier3A_126 = arith.constant 0 : index
    tpu.barrier barrier_id(%barrier3A_126)
    "tpu.region"() ({
      %run_scoped3A_127 = tpu.sem_alloc : memref<!tpu.dma_semaphore, #tpu.memory_space<semaphore_mem>>
      %dma_start3A_128 = arith.constant 0 : i32
      %dma_start3A_129 = tpu.memref_slice %arg5[%arg0, %mul3A_2, %dma_start3A_128] : memref<2x10112x128xf32, #tpu.memory_space<hbm>> -> memref<1x632x128xf32, #tpu.memory_space<hbm>>
      %dma_start3A_130 = tpu.memref_squeeze %dma_start3A_129 : memref<1x632x128xf32, #tpu.memory_space<hbm>> -> memref<632x128xf32, #tpu.memory_space<hbm>>
      %dma_start3A_131 = arith.constant 0 : i32
      %dma_start3A_132 = tpu.memref_slice %arg6[%mul3A_2, %dma_start3A_131] : memref<10112x128xf32, #tpu.memory_space<vmem_shared>> -> memref<632x128xf32, #tpu.memory_space<vmem_shared>>
      tpu.enqueue_dma source(%dma_start3A_132 : memref<632x128xf32, #tpu.memory_space<vmem_shared>>) target(%dma_start3A_130 : memref<632x128xf32, #tpu.memory_space<hbm>>) target_semaphore(%run_scoped3A_127 : memref<!tpu.dma_semaphore, #tpu.memory_space<semaphore_mem>>)
      %dma_wait3A = arith.constant 0 : i32
      %dma_wait3A_133 = tpu.memref_slice %arg5[%arg0, %mul3A_2, %dma_wait3A] : memref<2x10112x128xf32, #tpu.memory_space<hbm>> -> memref<1x632x128xf32, #tpu.memory_space<hbm>>
      %dma_wait3A_134 = tpu.memref_squeeze %dma_wait3A_133 : memref<1x632x128xf32, #tpu.memory_space<hbm>> -> memref<632x128xf32, #tpu.memory_space<hbm>>
      %dma_wait3A_135 = arith.constant 0 : i32
      %dma_wait3A_136 = tpu.memref_slice %arg6[%mul3A_2, %dma_wait3A_135] : memref<10112x128xf32, #tpu.memory_space<vmem_shared>> -> memref<632x128xf32, #tpu.memory_space<vmem_shared>>
      tpu.wait_dma2 semaphore(%run_scoped3A_127 : memref<!tpu.dma_semaphore, #tpu.memory_space<semaphore_mem>>) src(%dma_wait3A_136 : memref<632x128xf32, #tpu.memory_space<vmem_shared>>) dst(%dma_wait3A_134 : memref<632x128xf32, #tpu.memory_space<hbm>>)
      tpu.yield
    }) : () -> ()
    return
  }
}

module attributes {stable_mosaic.version = 14 : i64} {
  func.func @_tc_layer1(%arg0: i32, %arg1: memref<2000x16xf32, #tpu.memory_space<vmem>>, %arg2: memref<2000x16xf32, #tpu.memory_space<vmem>>, %arg3: memref<2000x128xf32, #tpu.memory_space<vmem>>, %arg4: memref<128x64xf32, #tpu.memory_space<vmem>>, %arg5: memref<2000x16xf32, #tpu.memory_space<vmem>>, %arg6: memref<2000x64xf32, #tpu.memory_space<vmem>>) attributes {dimension_semantics = [#tpu.dimension_semantics<arbitrary>], iteration_bounds = array<i64: 5>, scalar_prefetch = 0 : i64, scratch_operands = 0 : i64, tpu.core_type = #tpu.core_type<tc>, window_params = [{transform_indices = @transform_0, window_bounds = array<i64: 2000, 16>}, {transform_indices = @transform_1, window_bounds = array<i64: 2000, 16>}, {transform_indices = @transform_2, window_bounds = array<i64: 2000, 128>}, {pipeline_mode = #tpu.pipeline_mode<synchronous>, transform_indices = @transform_3, window_bounds = array<i64: 128, 64>}, {transform_indices = @transform_4, window_bounds = array<i64: 2000, 16>}, {transform_indices = @transform_5, window_bounds = array<i64: 2000, 64>}]} {
    %get3A = arith.constant 0 : index
    %get3A_0 = arith.constant 0 : index
    %get3A_1 = vector.load %arg1[%get3A, %get3A_0] : memref<2000x16xf32, #tpu.memory_space<vmem>>, vector<2000x16xf32>
    %get3A_2 = arith.constant 0 : index
    %get3A_3 = arith.constant 0 : index
    %get3A_4 = vector.load %arg2[%get3A_2, %get3A_3] : memref<2000x16xf32, #tpu.memory_space<vmem>>, vector<2000x16xf32>
    %add3A = arith.addf %get3A_1, %get3A_4 : vector<2000x16xf32>
    %add3A_5 = arith.constant 1.000000e+00 : f32
    %add3A_6 = vector.broadcast %add3A_5 : f32 to vector<2000x16xf32>
    %add3A_7 = arith.addf %add3A, %add3A_6 : vector<2000x16xf32>
    %rsqrt3A = math.rsqrt %add3A_7 : vector<2000x16xf32>
    %swap3A = arith.constant 0 : index
    %swap3A_8 = arith.constant 0 : index
    %swap3A_9 = vector.load %arg5[%swap3A, %swap3A_8] : memref<2000x16xf32, #tpu.memory_space<vmem>>, vector<2000x16xf32>
    tpu.vector_store %arg5[%swap3A, %swap3A_8], %rsqrt3A {strides = array<i32>} : memref<2000x16xf32, #tpu.memory_space<vmem>>, vector<2000x16xf32>,
    %get3A_10 = arith.constant 0 : index
    %get3A_11 = arith.constant 0 : index
    %get3A_12 = vector.load %arg3[%get3A_10, %get3A_11] : memref<2000x128xf32, #tpu.memory_space<vmem>>, vector<2000x128xf32>
    %get3A_13 = arith.constant 0 : index
    %get3A_14 = arith.constant 0 : index
    %get3A_15 = vector.load %arg4[%get3A_13, %get3A_14] : memref<128x64xf32, #tpu.memory_space<vmem>>, vector<128x64xf32>
    %dot_general3A = arith.constant dense<0.000000e+00> : vector<2000x64xf32>
    %dot_general3A_16 = tpu.matmul %get3A_12, %get3A_15, %dot_general3A {dimension_numbers = #tpu.dot_dimension_numbers<[1], [0], [0], [1], [0, 0, 1, 1], [], []>, transpose_lhs_hint = false} : vector<2000x128xf32>, vector<128x64xf32>, vector<2000x64xf32> -> vector<2000x64xf32>
    %slice3A = vector.extract_strided_slice %rsqrt3A {offsets = [0, 0], sizes = [2000, 1], strides = [1, 1]} : vector<2000x16xf32> to vector<2000x1xf32>
    %mul3A = vector.broadcast %slice3A : vector<2000x1xf32> to vector<2000x64xf32>
    %mul3A_17 = arith.mulf %dot_general3A_16, %mul3A : vector<2000x64xf32>
    %swap3A_18 = arith.constant 0 : index
    %swap3A_19 = arith.constant 0 : index
    %swap3A_20 = vector.load %arg6[%swap3A_18, %swap3A_19] : memref<2000x64xf32, #tpu.memory_space<vmem>>, vector<2000x64xf32>
    tpu.vector_store %arg6[%swap3A_18, %swap3A_19], %mul3A_17 {strides = array<i32>} : memref<2000x64xf32, #tpu.memory_space<vmem>>, vector<2000x64xf32>,
    return
  }
  func.func @transform_0(%arg0: i32) -> (i32, i32) {
    %c0_i32 = arith.constant 0 : i32
    %c0_i32_0 = arith.constant 0 : i32
    return %arg0, %c0_i32 : i32, i32
  }
  func.func @transform_1(%arg0: i32) -> (i32, i32) {
    %c0_i32 = arith.constant 0 : i32
    %c0_i32_0 = arith.constant 0 : i32
    return %arg0, %c0_i32 : i32, i32
  }
  func.func @transform_2(%arg0: i32) -> (i32, i32) {
    %c0_i32 = arith.constant 0 : i32
    %c0_i32_0 = arith.constant 0 : i32
    return %arg0, %c0_i32 : i32, i32
  }
  func.func @transform_3(%arg0: i32) -> (i32, i32) {
    %c0_i32 = arith.constant 0 : i32
    %c0_i32_0 = arith.constant 0 : i32
    %c0_i32_1 = arith.constant 0 : i32
    return %c0_i32, %c0_i32_0 : i32, i32
  }
  func.func @transform_4(%arg0: i32) -> (i32, i32) {
    %c0_i32 = arith.constant 0 : i32
    %c0_i32_0 = arith.constant 0 : i32
    return %arg0, %c0_i32 : i32, i32
  }
  func.func @transform_5(%arg0: i32) -> (i32, i32) {
    %c0_i32 = arith.constant 0 : i32
    %c0_i32_0 = arith.constant 0 : i32
    return %arg0, %c0_i32 : i32, i32
  }
}

module attributes {stable_mosaic.version = 14 : i64} {
  func.func @_tc_layer2(%arg0: i32, %arg1: memref<2000x64xf32, #tpu.memory_space<vmem>>, %arg2: memref<2000x64xf32, #tpu.memory_space<vmem>>, %arg3: memref<2000x64xf32, #tpu.memory_space<vmem>>, %arg4: memref<2000x16xf32, #tpu.memory_space<vmem>>, %arg5: memref<64x128xf32, #tpu.memory_space<vmem>>, %arg6: memref<2000x128xf32, #tpu.memory_space<vmem>>) attributes {dimension_semantics = [#tpu.dimension_semantics<arbitrary>], iteration_bounds = array<i64: 5>, scalar_prefetch = 0 : i64, scratch_operands = 0 : i64, tpu.core_type = #tpu.core_type<tc>, window_params = [{transform_indices = @transform_0, window_bounds = array<i64: 2000, 64>}, {transform_indices = @transform_1, window_bounds = array<i64: 2000, 64>}, {transform_indices = @transform_2, window_bounds = array<i64: 2000, 64>}, {transform_indices = @transform_3, window_bounds = array<i64: 2000, 16>}, {pipeline_mode = #tpu.pipeline_mode<synchronous>, transform_indices = @transform_4, window_bounds = array<i64: 64, 128>}, {transform_indices = @transform_5, window_bounds = array<i64: 2000, 128>}]} {
    %get3A = arith.constant 0 : index
    %get3A_0 = arith.constant 0 : index
    %get3A_1 = vector.load %arg4[%get3A, %get3A_0] : memref<2000x16xf32, #tpu.memory_space<vmem>>, vector<2000x16xf32>
    %slice3A = vector.extract_strided_slice %get3A_1 {offsets = [0, 0], sizes = [2000, 1], strides = [1, 1]} : vector<2000x16xf32> to vector<2000x1xf32>
    %get3A_2 = arith.constant 0 : index
    %get3A_3 = arith.constant 0 : index
    %get3A_4 = vector.load %arg1[%get3A_2, %get3A_3] : memref<2000x64xf32, #tpu.memory_space<vmem>>, vector<2000x64xf32>
    %get3A_5 = arith.constant 0 : index
    %get3A_6 = arith.constant 0 : index
    %get3A_7 = vector.load %arg2[%get3A_5, %get3A_6] : memref<2000x64xf32, #tpu.memory_space<vmem>>, vector<2000x64xf32>
    %add3A = arith.addf %get3A_4, %get3A_7 : vector<2000x64xf32>
    %get3A_8 = arith.constant 0 : index
    %get3A_9 = arith.constant 0 : index
    %get3A_10 = vector.load %arg3[%get3A_8, %get3A_9] : memref<2000x64xf32, #tpu.memory_space<vmem>>, vector<2000x64xf32>
    %add3A_11 = arith.addf %add3A, %get3A_10 : vector<2000x64xf32>
    %mul3A = vector.broadcast %slice3A : vector<2000x1xf32> to vector<2000x64xf32>
    %mul3A_12 = arith.mulf %add3A_11, %mul3A : vector<2000x64xf32>
    %tanh3A = math.tanh %mul3A_12 : vector<2000x64xf32>
    %get3A_13 = arith.constant 0 : index
    %get3A_14 = arith.constant 0 : index
    %get3A_15 = vector.load %arg5[%get3A_13, %get3A_14] : memref<64x128xf32, #tpu.memory_space<vmem>>, vector<64x128xf32>
    %dot_general3A = arith.constant dense<0.000000e+00> : vector<2000x128xf32>
    %dot_general3A_16 = tpu.matmul %tanh3A, %get3A_15, %dot_general3A {dimension_numbers = #tpu.dot_dimension_numbers<[1], [0], [0], [1], [0, 0, 1, 1], [], []>, transpose_lhs_hint = false} : vector<2000x64xf32>, vector<64x128xf32>, vector<2000x128xf32> -> vector<2000x128xf32>
    %mul3A_17 = vector.broadcast %slice3A : vector<2000x1xf32> to vector<2000x128xf32>
    %mul3A_18 = arith.mulf %dot_general3A_16, %mul3A_17 : vector<2000x128xf32>
    %swap3A = arith.constant 0 : index
    %swap3A_19 = arith.constant 0 : index
    %swap3A_20 = vector.load %arg6[%swap3A, %swap3A_19] : memref<2000x128xf32, #tpu.memory_space<vmem>>, vector<2000x128xf32>
    tpu.vector_store %arg6[%swap3A, %swap3A_19], %mul3A_18 {strides = array<i32>} : memref<2000x128xf32, #tpu.memory_space<vmem>>, vector<2000x128xf32>,
    return
  }
  func.func @transform_0(%arg0: i32) -> (i32, i32) {
    %c0_i32 = arith.constant 0 : i32
    %c0_i32_0 = arith.constant 0 : i32
    return %arg0, %c0_i32 : i32, i32
  }
  func.func @transform_1(%arg0: i32) -> (i32, i32) {
    %c0_i32 = arith.constant 0 : i32
    %c0_i32_0 = arith.constant 0 : i32
    return %arg0, %c0_i32 : i32, i32
  }
  func.func @transform_2(%arg0: i32) -> (i32, i32) {
    %c0_i32 = arith.constant 0 : i32
    %c0_i32_0 = arith.constant 0 : i32
    return %arg0, %c0_i32 : i32, i32
  }
  func.func @transform_3(%arg0: i32) -> (i32, i32) {
    %c0_i32 = arith.constant 0 : i32
    %c0_i32_0 = arith.constant 0 : i32
    return %arg0, %c0_i32 : i32, i32
  }
  func.func @transform_4(%arg0: i32) -> (i32, i32) {
    %c0_i32 = arith.constant 0 : i32
    %c0_i32_0 = arith.constant 0 : i32
    %c0_i32_1 = arith.constant 0 : i32
    return %c0_i32, %c0_i32_0 : i32, i32
  }
  func.func @transform_5(%arg0: i32) -> (i32, i32) {
    %c0_i32 = arith.constant 0 : i32
    %c0_i32_0 = arith.constant 0 : i32
    return %arg0, %c0_i32 : i32, i32
  }
}

module attributes {stable_mosaic.version = 14 : i64} {
  func.func @_tc_final(%arg0: i32, %arg1: memref<2000x128xf32, #tpu.memory_space<vmem>>, %arg2: memref<2000x128xf32, #tpu.memory_space<vmem>>, %arg3: memref<2000x128xf32, #tpu.memory_space<vmem>>, %arg4: memref<2000x16xf32, #tpu.memory_space<vmem>>, %arg5: memref<2000x128xf32, #tpu.memory_space<vmem>>) attributes {dimension_semantics = [#tpu.dimension_semantics<arbitrary>], iteration_bounds = array<i64: 5>, scalar_prefetch = 0 : i64, scratch_operands = 0 : i64, tpu.core_type = #tpu.core_type<tc>, window_params = [{transform_indices = @transform_0, window_bounds = array<i64: 2000, 128>}, {transform_indices = @transform_1, window_bounds = array<i64: 2000, 128>}, {transform_indices = @transform_2, window_bounds = array<i64: 2000, 128>}, {transform_indices = @transform_3, window_bounds = array<i64: 2000, 16>}, {transform_indices = @transform_4, window_bounds = array<i64: 2000, 128>}]} {
    %get3A = arith.constant 0 : index
    %get3A_0 = arith.constant 0 : index
    %get3A_1 = vector.load %arg4[%get3A, %get3A_0] : memref<2000x16xf32, #tpu.memory_space<vmem>>, vector<2000x16xf32>
    %slice3A = vector.extract_strided_slice %get3A_1 {offsets = [0, 0], sizes = [2000, 1], strides = [1, 1]} : vector<2000x16xf32> to vector<2000x1xf32>
    %get3A_2 = arith.constant 0 : index
    %get3A_3 = arith.constant 0 : index
    %get3A_4 = vector.load %arg1[%get3A_2, %get3A_3] : memref<2000x128xf32, #tpu.memory_space<vmem>>, vector<2000x128xf32>
    %get3A_5 = arith.constant 0 : index
    %get3A_6 = arith.constant 0 : index
    %get3A_7 = vector.load %arg2[%get3A_5, %get3A_6] : memref<2000x128xf32, #tpu.memory_space<vmem>>, vector<2000x128xf32>
    %add3A = arith.addf %get3A_4, %get3A_7 : vector<2000x128xf32>
    %get3A_8 = arith.constant 0 : index
    %get3A_9 = arith.constant 0 : index
    %get3A_10 = vector.load %arg3[%get3A_8, %get3A_9] : memref<2000x128xf32, #tpu.memory_space<vmem>>, vector<2000x128xf32>
    %add3A_11 = arith.addf %add3A, %get3A_10 : vector<2000x128xf32>
    %mul3A = vector.broadcast %slice3A : vector<2000x1xf32> to vector<2000x128xf32>
    %mul3A_12 = arith.mulf %add3A_11, %mul3A : vector<2000x128xf32>
    %swap3A = arith.constant 0 : index
    %swap3A_13 = arith.constant 0 : index
    %swap3A_14 = vector.load %arg5[%swap3A, %swap3A_13] : memref<2000x128xf32, #tpu.memory_space<vmem>>, vector<2000x128xf32>
    tpu.vector_store %arg5[%swap3A, %swap3A_13], %mul3A_12 {strides = array<i32>} : memref<2000x128xf32, #tpu.memory_space<vmem>>, vector<2000x128xf32>,
    return
  }
  func.func @transform_0(%arg0: i32) -> (i32, i32) {
    %c0_i32 = arith.constant 0 : i32
    %c0_i32_0 = arith.constant 0 : i32
    return %arg0, %c0_i32 : i32, i32
  }
  func.func @transform_1(%arg0: i32) -> (i32, i32) {
    %c0_i32 = arith.constant 0 : i32
    %c0_i32_0 = arith.constant 0 : i32
    return %arg0, %c0_i32 : i32, i32
  }
  func.func @transform_2(%arg0: i32) -> (i32, i32) {
    %c0_i32 = arith.constant 0 : i32
    %c0_i32_0 = arith.constant 0 : i32
    return %arg0, %c0_i32 : i32, i32
  }
  func.func @transform_3(%arg0: i32) -> (i32, i32) {
    %c0_i32 = arith.constant 0 : i32
    %c0_i32_0 = arith.constant 0 : i32
    return %arg0, %c0_i32 : i32, i32
  }
  func.func @transform_4(%arg0: i32) -> (i32, i32) {
    %c0_i32 = arith.constant 0 : i32
    %c0_i32_0 = arith.constant 0 : i32
    return %arg0, %c0_i32 : i32, i32
  }
}

</mosaic_0001>

<sc_bundles>
// kernel: kernel.11.cloned.1.call-start
scs
__scs_entry_jumppad:
0x0: {  	(pc) =	sbr.rel $0x88, $3  }
0x1: {  	(tag) =	ssettag $0x0;
	lr =	simm.s32 $0x1  }
0x2: {  	[smem:$0x3F9D] =	sst lr;
	_ =	strace $0xD0000000  }
0x3: {  	_ = 	snop  }
0x4: {  	_ = 	snop  }
0x5: {  	_ = 	snop  }
0x6: {  	_ = 	snop  }
0x7: {  	_ = 	snop  }
__scs_overlays_trampoline_lowered:
0x8: {  	[smem:$0x3FAC] =	sst s0  }
0x9: {  	[smem:$0x3FAD] =	sst s1  }
0xa: {  	[smem:$0x3FAE] =	sst s2  }
0xb: {  	[smem:$0x3FAF] =	sst s3  }
0xc: {  	[smem:$0x3FB0] =	sst s4  }
0xd: {  	[smem:$0x3FB1] =	sst s5  }
0xe: {  	[smem:$0x3FB2] =	sst s6  }
0xf: {  	[smem:$0x3FB3] =	sst s7  }
0x10: {  	[smem:$0x3FB4] =	sst s8  }
0x11: {  	[smem:$0x3FB5] =	sst s9;
	s0 =	simm.s32 @!p0 $0x0  }
0x12: {  	s1 =	sld [smem:$0x3F9B];
	s0 =	simm.s32 @p0 $0x1  }
0x13: {  	[smem:$0x3FB6] =	sst s0;
	s0 =	simm.s32 @!p1 $0x0  }
0x14: {  	s2 =	sld [smem:$0x3F9A];
	s0 =	simm.s32 @p1 $0x1  }
0x15: {  	[smem:$0x3FB7] =	sst s0;
	s0 =	simm.s32 @!p2 $0x0  }
0x16: {  	s3 =	sld [smem:$0x3FDB];
	s0 =	simm.s32 @p2 $0x1  }
0x17: {  	s4 =	simm.s32 $0x1BF5;
	[smem:$0x3FB9] =	sst s0  }
0x18: {  	s0 =	sld [smem:$0x3F9C];
	_ =	swait.ge [sflag:s4], $0x0  }
0x19: {  	s7 =	sld [smem:$0x3F9D]  }
0x1a: {  	s8 =	sadd.s32 $0xFFFFE003, lr  }
0x1b: {  	s9 =	sadd.s32 $0xFFFFFEF7, lr;
	s5 =	simm.s32 $0xFFFFFFFF;
	p2 =	slt.u32 s8, $0xFFFFF086  }
0x1c: {  	p1 =	slt.u32 s9, $0xF7A;
	s5 =	simm.s32 @!p2 $0x0  }
0x1d: {  	s5 =	simm.s32 @p1 $0x1;
	p0 =	seq.s32 s7, s2  }
0x1e: {  	s7 =	smul.u32 @!p0 $0xF7A, s2;
	p2 =	seq.s32 @!p0 s5, $0x0  }
0x1f: {  	s9 =	smul.u32 $0xF7A, s1;
	s8 =	simm.s32 @!p0 $0x1BF5;
	p2 =	por !p2, p0  }
0x20: {  	[sflag:s8] =	ssyncset.s32 @!p0 $0xFFFFF086;
	s6 =	sadd.s32 @!p0 s3, s7;
	s7 =	simm.s32 @!p0 $0x108  }
0x21: {  	s3 =	sadd.s32 s3, s9;
	s6 =	sadd.s32 @!p0 $0x88, s6;
	s7 =	simm.s32 @p2 $0x1082  }
0x22: {  	[simem:s7], [sflag:s8] =	dma.local @!p0 [hbm:s6], $0xF7A  }
0x23: {  	s9 =	sor.u32 $0xD0000000, s2;
	s6 =	simm.s32 $0x108;
	_ =	swait.ge @!p0 [sflag:s8], $0x0  }
0x24: {  	s3 =	sadd.s32 $0x88, s3;
	s6 =	simm.s32 @!p1 $0x1082;
	[sflag:s4] =	ssyncset.s32 $0xFFFFF086  }
0x25: {  	[simem:s6], [sflag:s4] =	dma.local [hbm:s3], $0xF7A  }
0x26: {  	[smem:$0x3F9D] =	sst s1;
	(tag) =	ssettag s2;
	_ =	strace s9  }
0x27: {  	s1 =	sld [smem:$0x3FAD]  }
0x28: {  	s2 =	sld [smem:$0x3FAE]  }
0x29: {  	s4 =	sld [smem:$0x3FB0]  }
0x2a: {  	p0 =	seq.s32 s5, $0x0;
	s5 =	sld [smem:$0x3FB1]  }
0x2b: {  	s6 =	sld [smem:$0x3FB2]  }
0x2c: {  	s7 =	sld [smem:$0x3FB3]  }
0x2d: {  	s3 =	simm.s32 $0x108;
	s8 =	sld [smem:$0x3FB4]  }
0x2e: {  	s3 =	simm.s32 @!p0 $0x1082;
	s9 =	sld [smem:$0x3FB5]  }
0x2f: {  	lr =	sadd.s32 s0, s3;
	s0 =	sld [smem:$0x3FAC]  }
0x30: {  	s3 =	sld [smem:$0x3FAF]  }
0x31: {  	[smem:$0x3FB8] =	sst s10  }
0x32: {  	s10 =	sld [smem:$0x3FB6];
	_ =	sdelay $0x3  }
0x33: {  	p0 =	seq.s32 s10, $0x1;
	s10 =	sld [smem:$0x3FB8];
	_ =	sdelay $0x3  }
0x34: {  	[smem:$0x3FB8] =	sst s10  }
0x35: {  	s10 =	sld [smem:$0x3FB7];
	_ =	sdelay $0x3  }
0x36: {  	p1 =	seq.s32 s10, $0x1;
	s10 =	sld [smem:$0x3FB8];
	_ =	sdelay $0x3  }
0x37: {  	[smem:$0x3FB8] =	sst s10  }
0x38: {  	s10 =	sld [smem:$0x3FB9]  }
0x39: {  	_ = 	snop;
	(pc) =	sbr.ind lr, $3  }
0x3a: {  	_ = 	snop  }
0x3b: {  	_ = 	snop  }
0x3c: {  	p2 =	seq.s32 s10, $0x1;
	s10 =	sld [smem:$0x3FB8]  }
0x3d: {  	_ =	shalt  }
0x3e: {  	_ =	shalt  }
0x3f: {  	_ =	shalt  }
0x40: {  	_ =	shalt  }
0x41: {  	_ =	shalt  }
0x42: {  	_ =	shalt  }
0x43: {  	_ =	shalt  }
0x44: {  	_ =	shalt  }
0x45: {  	_ =	shalt  }
0x46: {  	_ =	shalt  }
0x47: {  	_ =	shalt  }
0x48: {  	_ =	shalt  }
0x49: {  	_ =	shalt  }
0x4a: {  	_ =	shalt  }
0x4b: {  	_ =	shalt  }
0x4c: {  	_ =	shalt  }
0x4d: {  	_ =	shalt  }
0x4e: {  	_ =	shalt  }
0x4f: {  	_ =	shalt  }
0x50: {  	_ =	shalt  }
0x51: {  	_ =	shalt  }
0x52: {  	_ =	shalt  }
0x53: {  	_ =	shalt  }
0x54: {  	_ =	shalt  }
0x55: {  	_ =	shalt  }
0x56: {  	_ =	shalt  }
0x57: {  	_ =	shalt  }
0x58: {  	_ =	shalt  }
0x59: {  	_ =	shalt  }
0x5a: {  	_ =	shalt  }
0x5b: {  	_ =	shalt  }
0x5c: {  	_ =	shalt  }
0x5d: {  	_ =	shalt  }
0x5e: {  	_ =	shalt  }
0x5f: {  	_ =	shalt  }
0x60: {  	_ =	shalt  }
0x61: {  	_ =	shalt  }
0x62: {  	_ =	shalt  }
0x63: {  	_ =	shalt  }
0x64: {  	_ =	shalt  }
0x65: {  	_ =	shalt  }
0x66: {  	_ =	shalt  }
0x67: {  	_ =	shalt  }
0x68: {  	_ =	shalt  }
0x69: {  	_ =	shalt  }
0x6a: {  	_ =	shalt  }
0x6b: {  	_ =	shalt  }
0x6c: {  	_ =	shalt  }
0x6d: {  	_ =	shalt  }
0x6e: {  	_ =	shalt  }
0x6f: {  	_ =	shalt  }
0x70: {  	_ =	shalt  }
0x71: {  	_ =	shalt  }
0x72: {  	_ =	shalt  }
0x73: {  	_ =	shalt  }
0x74: {  	_ =	shalt  }
0x75: {  	_ =	shalt  }
0x76: {  	_ =	shalt  }
0x77: {  	_ =	shalt  }
0x78: {  	_ =	shalt  }
0x79: {  	_ =	shalt  }
0x7a: {  	_ =	shalt  }
0x7b: {  	_ =	shalt  }
0x7c: {  	_ =	shalt  }
0x7d: {  	_ =	shalt  }
0x7e: {  	_ =	shalt  }
0x7f: {  	_ =	shalt  }
0x80: {  	_ =	shalt  }
0x81: {  	_ =	shalt  }
0x82: {  	_ =	shalt  }
0x83: {  	_ =	shalt  }
0x84: {  	_ =	shalt  }
0x85: {  	_ =	shalt  }
0x86: {  	_ =	shalt  }
0x87: {  	_ =	shalt  }
.Lfunc_end0:
.L_simem_size_0:
called_computation.1_lowered:
.L_overlay_start_0:
0x88: {  	s2 =	sld [smem:$0x3FD9]  }
0x89: {  	s3 =	sld [smem:$0x3FFE];
	_ =	sdelay $0x1  }
0x8a: {  	s1 =	srdreg.scid  }
0x8b: {  	s0 =	sand.u32 $0x1, s1  }
0x8c: {  	s17 =	sshll.u32 s0, $0xA;
	s2 =	sadd.s32 s3, s2  }
0x8d: {  	s2 =	sadd.s32 s2, s17  }
0x8e: {  	[smem:$0x3FC4] =	sst s2  }
0x8f: {  	_ = 	snop  }
0x90: {  	s2 =	sld [smem:$0x3FD0];
	(tm) =	ssettm $0x1  }
0x91: {  	s18 =	sld [smem:$0x3FFB];
	_ =	sdelay $0x3  }
0x92: {  	_ =	strace s18  }
0x93: {  	s3 =	sld [smem:$0x3FFC];
	_ =	sdelay $0x3  }
0x94: {  	_ =	strace s3  }
0x95: {  	s3 =	sld [smem:$0x3FFD];
	_ =	sdelay $0x3  }
0x96: {  	_ =	strace s3  }
0x97: {  	_ =	strace $0x8FFFFFFF  }
0x98: {  	s19 =	sld [smem:$0x3FDB];
	_ =	sdelay $0x1  }
0x99: {  	s4 =	simm.s32 $_scs_section_size  }
0x9a: {  	s5 =	simm.s32 $_size__tile_overlayer_lowered;
	s6 =	simm.s32 $_tile_overlayer_lowered  }
0x9b: {  	s22 =	simm.s32 $0x1BFF;
	s21 =	sshll.u32 s6, $0x1;
	s3 =	sadd.s32 s4, s19  }
0x9c: {  	s7 =	simm.s32 $0x0;
	s20 =	sshll.u32 s5, $0x1;
	s5 =	sadd.s32 s21, s3  }
0x9d: {  	[timem:s7], [sflag:s22] =	dma.local [hbm:s5], s20  }
0x9e: {  	_ =	swait.ge [sflag:s22], s20  }
0x9f: {  	s4 =	ssub.s32 $0x0, s20;
	[sflag:s22] =	ssyncset.done $0x0  }
0xa0: {  	[sflag:s22] =	ssyncadd.s32 s4;
	_ =	sdelay $0x1  }
0xa1: {  	s23 =	simm.s32 $0x1B8B  }
0xa2: {  	_ =	swait.ge [sflag:s23], $0x1  }
0xa3: {  	[sflag:s23] =	ssyncset.done $0x0  }
0xa4: {  	s25 =	simm.s32 $0x1B8E;
	s24 =	sld [smem:$0x3FFE];
	[sflag:s23] =	ssyncadd.s32 $0xFFFFFFFF  }
0xa5: {  	s26 =	simm.s32 $execute0_lowered;
	[smem:$0x3FD2] =	sst s25  }
0xa6: {  	s5 =	sshll.u32 s26, $0x1;
	_ =	strace $0x80000049;
	[dreg:$0x1] =	wrdreg $0xFFFFFFFF  }
0xa7: {  	s28 =	simm.s32 $_size_execute0_lowered;
	s3 =	sadd.s32 s3, s5;
	[dreg:$0x0] =	wrdreg $0x0  }
0xa8: {  	s5 =	sshll.u32 s28, $0x1;
	[dreg:$0x2] =	wrdreg s3  }
0xa9: {  	[dreg:$0x3] =	wrdreg s5  }
0xaa: {  	[dreg:$0x4] =	wrdreg $0xC0  }
0xab: {  	_ =	task [dreg:s7], $0x5FFFF  }
0xac: {  	[dreg:$0x1] =	wrdreg $0xFFFFFFFF  }
0xad: {  	[dreg:$0x0] =	wrdreg $0x60  }
0xae: {  	[dreg:$0x2] =	wrdreg s2  }
0xaf: {  	[dreg:$0x3] =	wrdreg s24  }
0xb0: {  	[dreg:$0x4] =	wrdreg $0x0  }
0xb1: {  	[dreg:$0x5] =	wrdreg $0x9  }
0xb2: {  	_ =	task.clear_ibuf [dreg:s7], $0x6FFFF;
	_ =	strace $0x90000049  }
0xb3: {  	s29 =	simm.s32 $0x9;
	_ =	strace $0x8000004B  }
0xb4: {  	_ =	swait.ge [sflag:s29], $0x1  }
0xb5: {  	[sflag:s29] =	ssyncadd.s32 $0xFFFFFFFF  }
0xb6: {  	_ =	strace $0x9000004B  }
0xb7: {  	_ =	sfence  }
0xb8: {  	s30 =	sld [smem:$0x0];
	_ =	sdelay $0x2  }
0xb9: {  	s31 =	sshll.u32 s1, $0xD;
	s1 =	sshrl.u32 s1, $0x2  }
0xba: {  	s3 =	sand.u32 $0x4000, s31;
	s1 =	sadd.s32 s1, s30  }
0xbb: {  	s0 =	sor.u32 s3, s0;
	s1 =	sshll.u32 s1, $0x11  }
0xbc: {  	s0 =	sor.u32 s1, s0  }
0xbd: {  	s0 =	sadd.s32 $0x8F2B, s0  }
0xbe: {  	[sflag:s0] =	ssyncadd.remote.s32 $0x1  }
0xbf: {  	_ =	sfence.sel $0xFFFF  }
0xc0: {  	[dreg:$0x0] =	wrdreg $0xFFFFFFFF;
	(pc) =	sbr.abs _section_cstart, $3  }
0xc1: {  	[dreg:$0x1] =	wrdreg $0xFFFFFFFF  }
0xc2: {  	_ =	task.clear_ibuf [dreg:s7], $0x2FFFF;
	_ =	strace $0x9FFFFFFF  }
0xc3: {  	(tm) =	ssettm $0x7FFFFFFF  }
tec
execute0_lowered:
.L_overlay_start_1:
0x0: {  	(tag) =	ssettag $0x1  }
0x1: {  	s1 =	rddreg [dreg:$0x0]  }
0x2: {  	s0 =	rddreg [dreg:$0x1]  }
0x3: {  	s3 =	rddreg [dreg:$0x2]  }
0x4: {  	s2 =	srdreg.scid;
	s7 =	stileid.u32  }
0x5: {  	s6 =	simm.s32 $0x0;
	s31 =	simm.s32 $0xB700;
	s2 =	sand.u32 $0x1, s2  }
0x6: {  	s28 =	simm.s32 $0xD000;
	s5 =	smul.u32 $0x9E00, s7;
	s4 =	sshll.u32 s2, $0x4  }
0x7: {  	s12 =	smul.u32 $0x9E000, s2;
	s2 =	ssub.s32 $0x2, s2;
	s4 =	sor.u32 s7, s4  }
0x8: {  	s30 =	simm.s32 $0xE900;
	s8 =	sshrl.u32 s2, $0x1;
	s4 =	smul.u32 $0x578, s4  }
0x9: {  	[smem:$0x7FF] =	sst s6;
	s7 =	smul.u32 $0x27800, s7;
	s2 =	ssub.s32 s2, s8  }
0xa: {  	_ =	strace $0x8000004A;
	s29 =	smax.u32 s2, $0x1;
	s4 =	sadd.s32 s4, s0  }
0xb: {  	s13 =	sshrl.u32 s7, $0x2;
	[dreg:$0x13] =	wrdreg s29;
	s14 =	sadd.s32 $0xC600, s4  }
0xc: {  	s15 =	sadd.s32 s13, s3;
	s4 =	sadd.s32 $0x1600, s4;
	[dreg:$0x4] =	wrdreg s14  }
0xd: {  	s9 =	simm.s32 $0x5;
	s16 =	sadd.s32 $0xC80, s15;
	[dreg:$0x5] =	wrdreg s4  }
0xe: {  	s10 =	simm.s32 $0x6;
	s17 =	sadd.s32 $0x1900, s15;
	[dreg:$0x6] =	wrdreg s16  }
0xf: {  	s11 =	simm.s32 $0x7;
	s18 =	sadd.s32 $0x2580, s15;
	[dreg:$0x7] =	wrdreg s17  }
0x10: {  	s6 =	sadd.s32 s5, s12;
	s19 =	sadd.s32 $0x3200, s15;
	[dreg:$0x8] =	wrdreg s18  }
0x11: {  	s8 =	simm.s32 $0x4;
	s20 =	sadd.s32 $0x3E80, s15;
	[dreg:$0x9] =	wrdreg s19  }
0x12: {  	s12 =	simm.s32 $0x8;
	s21 =	sadd.s32 $0x4B00, s15;
	[dreg:$0xa] =	wrdreg s20  }
0x13: {  	s6 =	sshrl.u32 s6, $0x3;
	s22 =	sadd.s32 $0x5780, s15;
	[dreg:$0xb] =	wrdreg s21  }
0x14: {  	s7 =	sadd.s32 s5, s3;
	s23 =	sadd.s32 $0x6400, s15;
	[dreg:$0xc] =	wrdreg s22  }
0x15: {  	s2 =	simm.s32 $0xC380;
	s24 =	sadd.s32 $0x7080, s15;
	[dreg:$0xd] =	wrdreg s23  }
0x16: {  	s5 =	simm.s32 $0x2;
	s25 =	sadd.s32 $0x7D00, s15;
	[dreg:$0xe] =	wrdreg s24  }
0x17: {  	s0 =	sadd.s32 s6, s0;
	s26 =	sadd.s32 $0x8980, s15;
	[dreg:$0xf] =	wrdreg s25  }
0x18: {  	s6 =	simm.s32 $0x3;
	s0 =	sadd.s32 $0x17600, s0;
	[dreg:$0x10] =	wrdreg s26  }
0x19: {  	s13 =	simm.s32 $0x0;
	s4 =	sadd.s32 $0x9600, s15;
	[dreg:$0x12] =	wrdreg s0  }
0x1a: {  	s17 =	simm.s32 $0x10200;
	s23 =	simm.s32 $0x9;
	s25 =	simm.s32 $0x9E00  }
0x1b: {  	s26 =	simm.s32 $0x32;
	s18 =	simm.s32 $0xAA80;
	s0 =	simm.s32 $0xDC80  }
0x1c: {  	v0 =	vimm.f32 $0.0e+00;
	s24 =	simm.s32 $0xF580;
	[dreg:$0x11] =	wrdreg s4;
	s4 =	simm.s32 $0x1  }
.LBB2_1:
0x1d: {  	s14 =	simm.s32 $0x0;
	s15 =	rddreg [dreg:$0x4]  }
0x1e: {  	[tilespmem:s17], [sflag:$0x9] =	stream.linear.gather [hbm4b:s15+s14], $0x2BC0, $0x38;
	[tilespmem:$0x15980] =	vst v63  }
0x1f: {  	_ =	swait.ge [sflag:s23], $0x2BC0  }
0x20: {  	[sflag:s23] =	ssyncset.done $0x0  }
0x21: {  	s16 =	simm.s32 $0x12DC0;
	s29 =	rddreg [dreg:$0x5];
	[sflag:s23] =	ssyncadd.s32 $0xFFFFD440  }
0x22: {  	[tilespmem:s16], [sflag:$0x9] =	stream.linear.gather [hbm4b:s29+s14], $0x2BC0, $0x38;
	[tilespmem:$0x15980] =	vst v63  }
0x23: {  	_ =	swait.ge [sflag:s23], $0x2BC0  }
0x24: {  	[sflag:s23] =	ssyncset.done $0x0  }
0x25: {  	s15 =	simm.s32 $0x100;
	s14 =	simm.s32 $0x0;
	[sflag:s23] =	ssyncadd.s32 $0xFFFFD440  }
.LBB2_2:
0x26: {  	p0 =	sne.s32 s15, $0x3100;
	[tilespmem:s14+$0x9E30] =	vst v0;
	s16 =	smov.u32 s15;
	s15 =	sadd.s32 $0x100, s15  }
.Ltmp0:
0x27: {  	[tilespmem:s14+$0x9E20] =	vst v0;
	(pc) =	sbr.rel @p0 .LBB2_2-.Ltmp0, $3  }
0x28: {  	[tilespmem:s14+$0x9E00] =	vst v0  }
0x29: {  	[tilespmem:s14+$0x9E10] =	vst v0;
	_ =	sdelay $0x1  }
0x2a: {  	s14 =	sshra.s32 s16, $0x2  }
0x2b: {  	[tilespmem:s14+$0x9E30] =	vst v0  }
0x2c: {  	[tilespmem:s14+$0x9E20] =	vst v0  }
0x2d: {  	[tilespmem:s14+$0x9E00] =	vst v0  }
0x2e: {  	[tilespmem:s14+$0x9E10] =	vst v0  }
0x2f: {  	[spmem:s7] =	stream.linear.scatter [tilespmem:s25], [sflag:$0x9], $0xC80, $0x38;
	[tilespmem:$0x15980] =	vst v63  }
0x30: {  	_ =	swait.ge [sflag:s23], $0xC80  }
0x31: {  	[sflag:s23] =	ssyncset.done $0x0  }
0x32: {  	s19 =	rddreg [dreg:$0x6];
	[sflag:s23] =	ssyncadd.s32 $0xFFFFF380  }
0x33: {  	[spmem:s19] =	stream.linear.scatter [tilespmem:s25], [sflag:$0x9], $0xC80, $0x38;
	[tilespmem:$0x15980] =	vst v63  }
0x34: {  	_ =	swait.ge [sflag:s23], $0xC80  }
0x35: {  	[sflag:s23] =	ssyncset.done $0x0  }
0x36: {  	s20 =	rddreg [dreg:$0x7];
	[sflag:s23] =	ssyncadd.s32 $0xFFFFF380  }
0x37: {  	[spmem:s20] =	stream.linear.scatter [tilespmem:s25], [sflag:$0x9], $0xC80, $0x38;
	[tilespmem:$0x15980] =	vst v63  }
0x38: {  	_ =	swait.ge [sflag:s23], $0xC80  }
0x39: {  	[sflag:s23] =	ssyncset.done $0x0  }
0x3a: {  	s21 =	rddreg [dreg:$0x8];
	[sflag:s23] =	ssyncadd.s32 $0xFFFFF380  }
0x3b: {  	[spmem:s21] =	stream.linear.scatter [tilespmem:s25], [sflag:$0x9], $0xC80, $0x38;
	[tilespmem:$0x15980] =	vst v63  }
0x3c: {  	_ =	swait.ge [sflag:s23], $0xC80  }
0x3d: {  	[sflag:s23] =	ssyncset.done $0x0  }
0x3e: {  	s22 =	rddreg [dreg:$0x9];
	[sflag:s23] =	ssyncadd.s32 $0xFFFFF380  }
0x3f: {  	[spmem:s22] =	stream.linear.scatter [tilespmem:s25], [sflag:$0x9], $0xC80, $0x38;
	[tilespmem:$0x15980] =	vst v63  }
0x40: {  	_ =	swait.ge [sflag:s23], $0xC80  }
0x41: {  	[sflag:s23] =	ssyncset.done $0x0  }
0x42: {  	s29 =	rddreg [dreg:$0xa];
	[sflag:s23] =	ssyncadd.s32 $0xFFFFF380  }
0x43: {  	[spmem:s29] =	stream.linear.scatter [tilespmem:s25], [sflag:$0x9], $0xC80, $0x38;
	[tilespmem:$0x15980] =	vst v63  }
0x44: {  	_ =	swait.ge [sflag:s23], $0xC80  }
0x45: {  	[sflag:s23] =	ssyncset.done $0x0  }
0x46: {  	s15 =	rddreg [dreg:$0xb];
	[sflag:s23] =	ssyncadd.s32 $0xFFFFF380  }
0x47: {  	[spmem:s15] =	stream.linear.scatter [tilespmem:s25], [sflag:$0x9], $0xC80, $0x38;
	[tilespmem:$0x15980] =	vst v63  }
0x48: {  	_ =	swait.ge [sflag:s23], $0xC80  }
0x49: {  	[sflag:s23] =	ssyncset.done $0x0  }
0x4a: {  	s16 =	rddreg [dreg:$0xc];
	[sflag:s23] =	ssyncadd.s32 $0xFFFFF380  }
0x4b: {  	[spmem:s16] =	stream.linear.scatter [tilespmem:s25], [sflag:$0x9], $0xC80, $0x38;
	[tilespmem:$0x15980] =	vst v63  }
0x4c: {  	_ =	swait.ge [sflag:s23], $0xC80  }
0x4d: {  	[sflag:s23] =	ssyncset.done $0x0  }
0x4e: {  	s19 =	rddreg [dreg:$0xd];
	[sflag:s23] =	ssyncadd.s32 $0xFFFFF380  }
0x4f: {  	[spmem:s19] =	stream.linear.scatter [tilespmem:s25], [sflag:$0x9], $0xC80, $0x38;
	[tilespmem:$0x15980] =	vst v63  }
0x50: {  	_ =	swait.ge [sflag:s23], $0xC80  }
0x51: {  	[sflag:s23] =	ssyncset.done $0x0  }
0x52: {  	s20 =	rddreg [dreg:$0xe];
	[sflag:s23] =	ssyncadd.s32 $0xFFFFF380  }
0x53: {  	[spmem:s20] =	stream.linear.scatter [tilespmem:s25], [sflag:$0x9], $0xC80, $0x38;
	[tilespmem:$0x15980] =	vst v63  }
0x54: {  	_ =	swait.ge [sflag:s23], $0xC80  }
0x55: {  	[sflag:s23] =	ssyncset.done $0x0  }
0x56: {  	s21 =	rddreg [dreg:$0xf];
	[sflag:s23] =	ssyncadd.s32 $0xFFFFF380  }
0x57: {  	[spmem:s21] =	stream.linear.scatter [tilespmem:s25], [sflag:$0x9], $0xC80, $0x38;
	[tilespmem:$0x15980] =	vst v63  }
0x58: {  	_ =	swait.ge [sflag:s23], $0xC80  }
0x59: {  	[sflag:s23] =	ssyncset.done $0x0  }
0x5a: {  	s22 =	rddreg [dreg:$0x10];
	[sflag:s23] =	ssyncadd.s32 $0xFFFFF380  }
0x5b: {  	[spmem:s22] =	stream.linear.scatter [tilespmem:s25], [sflag:$0x9], $0xC80, $0x38;
	[tilespmem:$0x15980] =	vst v63  }
0x5c: {  	_ =	swait.ge [sflag:s23], $0xC80  }
0x5d: {  	[sflag:s23] =	ssyncset.done $0x0  }
0x5e: {  	s29 =	rddreg [dreg:$0x11];
	[sflag:s23] =	ssyncadd.s32 $0xFFFFF380  }
0x5f: {  	[spmem:s29] =	stream.linear.scatter [tilespmem:s25], [sflag:$0x9], $0x800, $0x38;
	[tilespmem:$0x15980] =	vst v63  }
0x60: {  	_ =	swait.ge [sflag:s23], $0x800  }
0x61: {  	[sflag:s23] =	ssyncset.done $0x0  }
0x62: {  	[sflag:s23] =	ssyncadd.s32 $0xFFFFF800  }
0x63: {  	[bflag:$0x0] =	sbarrier.arrive $0xFFFF  }
0x64: {  	[tilespmem:s25], [sflag:$0x1] =	stream.indirect.gather [hbm4b:s1+s26], $0x40, s17, s26, $0xb8;
	[tilespmem:$0x15980] =	vst v63  }
0x65: {  	s15 =	simm.s32 $0x10238  }
0x66: {  	[tilespmem:s18], [sflag:$0x2] =	stream.indirect.gather [hbm4b:s1+s26], $0x40, s15, s26, $0xb8;
	[tilespmem:$0x15980] =	vst v63  }
0x67: {  	s16 =	simm.s32 $0x10270  }
0x68: {  	[tilespmem:s31], [sflag:$0x3] =	stream.indirect.gather [hbm4b:s1+s26], $0x40, s16, s26, $0xb8;
	[tilespmem:$0x15980] =	vst v63  }
0x69: {  	s17 =	simm.s32 $0x102A8  }
0x6a: {  	[tilespmem:s2], [sflag:$0x4] =	stream.indirect.gather [hbm4b:s1+s26], $0x40, s17, s26, $0xb8;
	[tilespmem:$0x15980] =	vst v63  }
0x6b: {  	s18 =	simm.s32 $0x102E0  }
0x6c: {  	[tilespmem:s28], [sflag:$0x5] =	stream.indirect.gather [hbm4b:s1+s26], $0x40, s18, s26, $0xb8;
	[tilespmem:$0x15980] =	vst v63  }
0x6d: {  	s19 =	simm.s32 $0x10318;
	s22 =	simm.s32 $0x0  }
0x6e: {  	[tilespmem:s0], [sflag:$0x6] =	stream.indirect.gather [hbm4b:s1+s26], $0x40, s19, s26, $0xb8;
	[tilespmem:$0x15980] =	vst v63  }
0x6f: {  	s20 =	simm.s32 $0x10350;
	s14 =	sand.u32 $0x7, s22  }
0x70: {  	[tilespmem:s30], [sflag:$0x7] =	stream.indirect.gather [hbm4b:s1+s26], $0x40, s20, s26, $0xb8;
	[tilespmem:$0x15980] =	vst v63  }
0x71: {  	s21 =	simm.s32 $0x10388;
	s15 =	smul.u32 $0x3200, s14;
	s16 =	sadd.s32 $0x1, s14  }
0x72: {  	[tilespmem:s24], [sflag:$0x8] =	stream.indirect.gather [hbm4b:s1+s26], $0x40, s21, s26, $0xb8;
	[tilespmem:$0x15980] =	vst v63  }
0x73: {  	s22 =	simm.s32 $0x103C0;
	_ =	swait.ge [sflag:s16], $0xC80  }
0x74: {  	s29 =	simm.s32 $0x12DC0;
	s15 =	sshrl.u32 s15, $0x2;
	[sflag:s16] =	ssyncset.done $0x0  }
0x75: {  	s14 =	simm.s32 $0x103F8;
	s17 =	sadd.s32 $0x9E00, s15;
	[sflag:s16] =	ssyncadd.s32 $0xFFFFF380  }
0x76: {  	[spmem:s3] =	stream.indirect.scatter.add.f32 [tilespmem:s17], [sflag:$0x9], $0x40, s29, s26, $0xb8;
	[tilespmem:$0x15980] =	vst v63  }
0x77: {  	s15 =	simm.s32 $0x12DF8;
	s19 =	simm.s32 $0x1;
	_ =	swait.ge [sflag:s23], $0xC80  }
0x78: {  	s18 =	simm.s32 $0x2;
	s19 =	sand.u32 $0x7, s19;
	[sflag:s23] =	ssyncset.done $0x0  }
.LBB2_4:
0x79: {  	s20 =	smul.u32 $0x3200, s19;
	s19 =	sadd.s32 $0x1, s19  }
0x7a: {  	[sflag:s23] =	ssyncadd.s32 $0xFFFFF380;
	s21 =	smov.u32 s18;
	s29 =	sadd.s32 $0x1, s18  }
0x7b: {  	[tilespmem:s17], [sflag:s16] =	stream.indirect.gather [hbm4b:s1+s26], $0x40, s22, s26, $0xb8;
	[tilespmem:$0x15980] =	vst v63  }
0x7c: {  	p0 =	sne.s32 s18, $0xBF;
	s16 =	sshrl.u32 s20, $0x2;
	_ =	swait.ge [sflag:s19], $0xC80  }
.Ltmp1:
0x7d: {  	s17 =	sadd.s32 $0x9E00, s16;
	[sflag:s19] =	ssyncset.done $0x0;
	(pc) =	sbr.rel @p0 .LBB2_4-.Ltmp1, $4  }
0x7e: {  	s22 =	smov.u32 s14;
	s16 =	smov.u32 s19;
	[sflag:s19] =	ssyncadd.s32 $0xFFFFF380  }
0x7f: {  	[spmem:s3] =	stream.indirect.scatter.add.f32 [tilespmem:s17], [sflag:$0x9], $0x40, s15, s26, $0xb8;
	[tilespmem:$0x15980] =	vst v63  }
0x80: {  	s14 =	sadd.s32 $0x38, s14;
	s15 =	sadd.s32 $0x38, s15;
	_ =	swait.ge [sflag:s23], $0xC80  }
0x81: {  	s18 =	smov.u32 s29;
	s19 =	sand.u32 $0x7, s21;
	[sflag:s23] =	ssyncset.done $0x0  }
0x82: {  	[sflag:s23] =	ssyncadd.s32 $0xFFFFF380;
	s18 =	smul.u32 $0x3200, s19;
	s19 =	sadd.s32 $0x1, s19  }
0x83: {  	[tilespmem:s17], [sflag:s16] =	stream.indirect.gather [hbm4b:s1+s26], $0x40, s22, s26, $0xb8;
	[tilespmem:$0x15980] =	vst v63  }
0x84: {  	_ =	swait.ge [sflag:s19], $0xC80  }
0x85: {  	s16 =	sshrl.u32 s18, $0x2;
	[sflag:s19] =	ssyncset.done $0x0  }
0x86: {  	s16 =	sadd.s32 $0x9E00, s16;
	[sflag:s19] =	ssyncadd.s32 $0xFFFFF380  }
0x87: {  	[spmem:s3] =	stream.indirect.scatter.add.f32 [tilespmem:s16], [sflag:$0x9], $0x40, s15, s26, $0xb8;
	[tilespmem:$0x15980] =	vst v63  }
0x88: {  	_ =	swait.ge [sflag:s23], $0xC80  }
0x89: {  	[sflag:s23] =	ssyncset.done $0x0  }
0x8a: {  	[sflag:s23] =	ssyncadd.s32 $0xFFFFF380  }
0x8b: {  	[tilespmem:s16], [sflag:s19] =	stream.indirect.gather [hbm4b:s1+s26], $0x40, s14, s26, $0xb8;
	[tilespmem:$0x15980] =	vst v63  }
0x8c: {  	_ =	swait.ge [sflag:s4], $0xC80  }
0x8d: {  	[sflag:s4] =	ssyncset.done $0x0  }
0x8e: {  	s20 =	simm.s32 $0x157C0;
	[sflag:s4] =	ssyncadd.s32 $0xFFFFF380  }
0x8f: {  	[spmem:s3] =	stream.indirect.scatter.add.f32 [tilespmem:s25], [sflag:$0x9], $0x40, s20, s26, $0xb8;
	[tilespmem:$0x15980] =	vst v63  }
0x90: {  	_ =	swait.ge [sflag:s23], $0xC80  }
0x91: {  	[sflag:s23] =	ssyncset.done $0x0  }
0x92: {  	[sflag:s23] =	ssyncadd.s32 $0xFFFFF380  }
0x93: {  	_ =	swait.ge [sflag:s5], $0xC80  }
0x94: {  	[sflag:s5] =	ssyncset.done $0x0  }
0x95: {  	s21 =	simm.s32 $0x157F8;
	s18 =	simm.s32 $0xAA80;
	[sflag:s5] =	ssyncadd.s32 $0xFFFFF380  }
0x96: {  	[spmem:s3] =	stream.indirect.scatter.add.f32 [tilespmem:s18], [sflag:$0x9], $0x40, s21, s26, $0xb8;
	[tilespmem:$0x15980] =	vst v63  }
0x97: {  	_ =	swait.ge [sflag:s23], $0xC80  }
0x98: {  	[sflag:s23] =	ssyncset.done $0x0  }
0x99: {  	[sflag:s23] =	ssyncadd.s32 $0xFFFFF380  }
0x9a: {  	_ =	swait.ge [sflag:s6], $0xC80  }
0x9b: {  	[sflag:s6] =	ssyncset.done $0x0  }
0x9c: {  	s22 =	simm.s32 $0x15830;
	[sflag:s6] =	ssyncadd.s32 $0xFFFFF380  }
0x9d: {  	[spmem:s3] =	stream.indirect.scatter.add.f32 [tilespmem:s31], [sflag:$0x9], $0x40, s22, s26, $0xb8;
	[tilespmem:$0x15980] =	vst v63  }
0x9e: {  	_ =	swait.ge [sflag:s23], $0xC80  }
0x9f: {  	[sflag:s23] =	ssyncset.done $0x0  }
0xa0: {  	[sflag:s23] =	ssyncadd.s32 $0xFFFFF380  }
0xa1: {  	_ =	swait.ge [sflag:s8], $0xC80  }
0xa2: {  	[sflag:s8] =	ssyncset.done $0x0  }
0xa3: {  	s29 =	simm.s32 $0x15868;
	[sflag:s8] =	ssyncadd.s32 $0xFFFFF380  }
0xa4: {  	[spmem:s3] =	stream.indirect.scatter.add.f32 [tilespmem:s2], [sflag:$0x9], $0x40, s29, s26, $0xb8;
	[tilespmem:$0x15980] =	vst v63  }
0xa5: {  	_ =	swait.ge [sflag:s23], $0xC80  }
0xa6: {  	[sflag:s23] =	ssyncset.done $0x0  }
0xa7: {  	[sflag:s23] =	ssyncadd.s32 $0xFFFFF380  }
0xa8: {  	_ =	swait.ge [sflag:s9], $0xC80  }
0xa9: {  	[sflag:s9] =	ssyncset.done $0x0  }
0xaa: {  	s15 =	simm.s32 $0x158A0;
	[sflag:s9] =	ssyncadd.s32 $0xFFFFF380  }
0xab: {  	[spmem:s3] =	stream.indirect.scatter.add.f32 [tilespmem:s28], [sflag:$0x9], $0x40, s15, s26, $0xb8;
	[tilespmem:$0x15980] =	vst v63  }
0xac: {  	_ =	swait.ge [sflag:s23], $0xC80  }
0xad: {  	[sflag:s23] =	ssyncset.done $0x0  }
0xae: {  	[sflag:s23] =	ssyncadd.s32 $0xFFFFF380  }
0xaf: {  	_ =	swait.ge [sflag:s10], $0xC80  }
0xb0: {  	[sflag:s10] =	ssyncset.done $0x0  }
0xb1: {  	s16 =	simm.s32 $0x158D8;
	[sflag:s10] =	ssyncadd.s32 $0xFFFFF380  }
0xb2: {  	[spmem:s3] =	stream.indirect.scatter.add.f32 [tilespmem:s0], [sflag:$0x9], $0x40, s16, s26, $0xb8;
	[tilespmem:$0x15980] =	vst v63  }
0xb3: {  	_ =	swait.ge [sflag:s23], $0xC80  }
0xb4: {  	[sflag:s23] =	ssyncset.done $0x0  }
0xb5: {  	[sflag:s23] =	ssyncadd.s32 $0xFFFFF380  }
0xb6: {  	_ =	swait.ge [sflag:s11], $0xC80  }
0xb7: {  	[sflag:s11] =	ssyncset.done $0x0  }
0xb8: {  	s17 =	simm.s32 $0x15910;
	[sflag:s11] =	ssyncadd.s32 $0xFFFFF380  }
0xb9: {  	[spmem:s3] =	stream.indirect.scatter.add.f32 [tilespmem:s30], [sflag:$0x9], $0x40, s17, s26, $0xb8;
	[tilespmem:$0x15980] =	vst v63  }
0xba: {  	_ =	swait.ge [sflag:s23], $0xC80  }
0xbb: {  	[sflag:s23] =	ssyncset.done $0x0  }
0xbc: {  	[sflag:s23] =	ssyncadd.s32 $0xFFFFF380  }
0xbd: {  	_ =	swait.ge [sflag:s12], $0xC80  }
0xbe: {  	[sflag:s12] =	ssyncset.done $0x0  }
0xbf: {  	s19 =	simm.s32 $0x15948;
	[sflag:s12] =	ssyncadd.s32 $0xFFFFF380  }
0xc0: {  	[spmem:s3] =	stream.indirect.scatter.add.f32 [tilespmem:s24], [sflag:$0x9], $0x40, s19, s26, $0xb8;
	[tilespmem:$0x15980] =	vst v63  }
0xc1: {  	_ =	swait.ge [sflag:s23], $0xC80  }
0xc2: {  	[sflag:s23] =	ssyncset.done $0x0  }
0xc3: {  	s20 =	stileid.u32;
	[sflag:s23] =	ssyncadd.s32 $0xFFFFF380  }
0xc4: {  	s14 =	sshll.u32 s20, $0x6;
	[bflag:$0x0] =	sbarrier.arrive $0xFFFF  }
0xc5: {  	s14 =	sor.u32 $0x1C09, s14;
	s21 =	sshrl.u32 s7, $0x3;
	s22 =	rddreg [dreg:$0x12]  }
0xc6: {  	[hbm:s22], [sflag:s14] =	dma.local [spmem:s21], $0x13C0  }
0xc7: {  	_ =	swait.ge [sflag:s23], $0x13C0  }
0xc8: {  	s13 =	sadd.s32 $0x1, s13;
	s29 =	rddreg [dreg:$0x13]  }
0xc9: {  	p0 =	sne.s32 s13, s29  }
.Ltmp2:
0xca: {  	_ = 	snop;
	(pc) =	sbr.rel @p0 .LBB2_1-.Ltmp2, $3  }
0xcb: {  	_ =	sdelay $0x1  }
0xcc: {  	[sflag:s23] =	ssyncset.done $0x0  }
0xcd: {  	s17 =	simm.s32 $0x10200;
	[sflag:s23] =	ssyncadd.s32 $0xFFFFEC40  }
0xce: {  	_ =	sfence.sel $0x180000  }
0xcf: {  	[bflag:$0x0] =	sbarrier.arrive $0xFFFF  }
0xd0: {  	_ =	strace $0x9000004A  }
0xd1: {  	s0 =	stileid.u32;
	[bflag:$0x2] =	sbarrier.arrive $0xFFFF  }
0xd2: {  	p0 =	sne.s32 s0, $0x0;
	s0 =	rddreg [dreg:$0x3]  }
0xd3: {  	s0 =	sadd.s32 @!p0 $0x100000, s0  }
0xd4: {  	[sflag:s0] =	ssyncadd.tile.s32 @!p0 $0x1;
	_ =	shalt  }
.Lfunc_end2:
_tile_overlayer_lowered:
.L_overlay_start_2:
0xd5: {  	(tag) =	ssettag $0x2  }
0xd6: {  	s0 =	rddreg [dreg:$0x0];
	s2 =	stileid.u32  }
0xd7: {  	s1 =	rddreg [dreg:$0x1];
	p0 =	sne.s32 s2, $0x0  }
0xd8: {  	s3 =	rddreg [dreg:$0x2];
	[bflag:$0x3] =	sbarrier.arrive $0xFFFF;
	s2 =	simm.s32 @!p0 $0x1C09  }
0xd9: {  	[timem:s3], [sflag:s2] =	dma.local @!p0 [hbm:s0], s1  }
0xda: {  	s0 =	simm.s32 @!p0 $0x9  }
0xdb: {  	_ =	swait.ge @!p0 [sflag:s0], s1  }
0xdc: {  	s1 =	ssub.s32 @!p0 $0x0, s1;
	[sflag:s0] =	ssyncset.done @!p0 $0x0  }
0xdd: {  	[sflag:s0] =	ssyncadd.s32 @!p0 s1  }
0xde: {  	[bflag:$0x3] =	sbarrier.arrive $0xFFFF  }
0xdf: {  	_ =	shalt  }

// kernel: kernel.14.cloned.1.call-start
scs
__scs_entry_jumppad:
0x0: {  	(pc) =	sbr.rel $0x88, $3  }
0x1: {  	(tag) =	ssettag $0x0;
	lr =	simm.s32 $0x1  }
0x2: {  	[smem:$0x3F9D] =	sst lr;
	_ =	strace $0xD0000000  }
0x3: {  	_ = 	snop  }
0x4: {  	_ = 	snop  }
0x5: {  	_ = 	snop  }
0x6: {  	_ = 	snop  }
0x7: {  	_ = 	snop  }
__scs_overlays_trampoline_lowered:
0x8: {  	[smem:$0x3FAC] =	sst s0  }
0x9: {  	[smem:$0x3FAD] =	sst s1  }
0xa: {  	[smem:$0x3FAE] =	sst s2  }
0xb: {  	[smem:$0x3FAF] =	sst s3  }
0xc: {  	[smem:$0x3FB0] =	sst s4  }
0xd: {  	[smem:$0x3FB1] =	sst s5  }
0xe: {  	[smem:$0x3FB2] =	sst s6  }
0xf: {  	[smem:$0x3FB3] =	sst s7  }
0x10: {  	[smem:$0x3FB4] =	sst s8  }
0x11: {  	[smem:$0x3FB5] =	sst s9;
	s0 =	simm.s32 @!p0 $0x0  }
0x12: {  	s1 =	sld [smem:$0x3F9B];
	s0 =	simm.s32 @p0 $0x1  }
0x13: {  	[smem:$0x3FB6] =	sst s0;
	s0 =	simm.s32 @!p1 $0x0  }
0x14: {  	s2 =	sld [smem:$0x3F9A];
	s0 =	simm.s32 @p1 $0x1  }
0x15: {  	[smem:$0x3FB7] =	sst s0;
	s0 =	simm.s32 @!p2 $0x0  }
0x16: {  	s3 =	sld [smem:$0x3FDB];
	s0 =	simm.s32 @p2 $0x1  }
0x17: {  	s4 =	simm.s32 $0x1BF5;
	[smem:$0x3FB9] =	sst s0  }
0x18: {  	s0 =	sld [smem:$0x3F9C];
	_ =	swait.ge [sflag:s4], $0x0  }
0x19: {  	s7 =	sld [smem:$0x3F9D]  }
0x1a: {  	s8 =	sadd.s32 $0xFFFFE003, lr  }
0x1b: {  	s9 =	sadd.s32 $0xFFFFFEF7, lr;
	s5 =	simm.s32 $0xFFFFFFFF;
	p2 =	slt.u32 s8, $0xFFFFF086  }
0x1c: {  	p1 =	slt.u32 s9, $0xF7A;
	s5 =	simm.s32 @!p2 $0x0  }
0x1d: {  	s5 =	simm.s32 @p1 $0x1;
	p0 =	seq.s32 s7, s2  }
0x1e: {  	s7 =	smul.u32 @!p0 $0xF7A, s2;
	p2 =	seq.s32 @!p0 s5, $0x0  }
0x1f: {  	s9 =	smul.u32 $0xF7A, s1;
	s8 =	simm.s32 @!p0 $0x1BF5;
	p2 =	por !p2, p0  }
0x20: {  	[sflag:s8] =	ssyncset.s32 @!p0 $0xFFFFF086;
	s6 =	sadd.s32 @!p0 s3, s7;
	s7 =	simm.s32 @!p0 $0x108  }
0x21: {  	s3 =	sadd.s32 s3, s9;
	s6 =	sadd.s32 @!p0 $0x88, s6;
	s7 =	simm.s32 @p2 $0x1082  }
0x22: {  	[simem:s7], [sflag:s8] =	dma.local @!p0 [hbm:s6], $0xF7A  }
0x23: {  	s9 =	sor.u32 $0xD0000000, s2;
	s6 =	simm.s32 $0x108;
	_ =	swait.ge @!p0 [sflag:s8], $0x0  }
0x24: {  	s3 =	sadd.s32 $0x88, s3;
	s6 =	simm.s32 @!p1 $0x1082;
	[sflag:s4] =	ssyncset.s32 $0xFFFFF086  }
0x25: {  	[simem:s6], [sflag:s4] =	dma.local [hbm:s3], $0xF7A  }
0x26: {  	[smem:$0x3F9D] =	sst s1;
	(tag) =	ssettag s2;
	_ =	strace s9  }
0x27: {  	s1 =	sld [smem:$0x3FAD]  }
0x28: {  	s2 =	sld [smem:$0x3FAE]  }
0x29: {  	s4 =	sld [smem:$0x3FB0]  }
0x2a: {  	p0 =	seq.s32 s5, $0x0;
	s5 =	sld [smem:$0x3FB1]  }
0x2b: {  	s6 =	sld [smem:$0x3FB2]  }
0x2c: {  	s7 =	sld [smem:$0x3FB3]  }
0x2d: {  	s3 =	simm.s32 $0x108;
	s8 =	sld [smem:$0x3FB4]  }
0x2e: {  	s3 =	simm.s32 @!p0 $0x1082;
	s9 =	sld [smem:$0x3FB5]  }
0x2f: {  	lr =	sadd.s32 s0, s3;
	s0 =	sld [smem:$0x3FAC]  }
0x30: {  	s3 =	sld [smem:$0x3FAF]  }
0x31: {  	[smem:$0x3FB8] =	sst s10  }
0x32: {  	s10 =	sld [smem:$0x3FB6];
	_ =	sdelay $0x3  }
0x33: {  	p0 =	seq.s32 s10, $0x1;
	s10 =	sld [smem:$0x3FB8];
	_ =	sdelay $0x3  }
0x34: {  	[smem:$0x3FB8] =	sst s10  }
0x35: {  	s10 =	sld [smem:$0x3FB7];
	_ =	sdelay $0x3  }
0x36: {  	p1 =	seq.s32 s10, $0x1;
	s10 =	sld [smem:$0x3FB8];
	_ =	sdelay $0x3  }
0x37: {  	[smem:$0x3FB8] =	sst s10  }
0x38: {  	s10 =	sld [smem:$0x3FB9]  }
0x39: {  	_ = 	snop;
	(pc) =	sbr.ind lr, $3  }
0x3a: {  	_ = 	snop  }
0x3b: {  	_ = 	snop  }
0x3c: {  	p2 =	seq.s32 s10, $0x1;
	s10 =	sld [smem:$0x3FB8]  }
0x3d: {  	_ =	shalt  }
0x3e: {  	_ =	shalt  }
0x3f: {  	_ =	shalt  }
0x40: {  	_ =	shalt  }
0x41: {  	_ =	shalt  }
0x42: {  	_ =	shalt  }
0x43: {  	_ =	shalt  }
0x44: {  	_ =	shalt  }
0x45: {  	_ =	shalt  }
0x46: {  	_ =	shalt  }
0x47: {  	_ =	shalt  }
0x48: {  	_ =	shalt  }
0x49: {  	_ =	shalt  }
0x4a: {  	_ =	shalt  }
0x4b: {  	_ =	shalt  }
0x4c: {  	_ =	shalt  }
0x4d: {  	_ =	shalt  }
0x4e: {  	_ =	shalt  }
0x4f: {  	_ =	shalt  }
0x50: {  	_ =	shalt  }
0x51: {  	_ =	shalt  }
0x52: {  	_ =	shalt  }
0x53: {  	_ =	shalt  }
0x54: {  	_ =	shalt  }
0x55: {  	_ =	shalt  }
0x56: {  	_ =	shalt  }
0x57: {  	_ =	shalt  }
0x58: {  	_ =	shalt  }
0x59: {  	_ =	shalt  }
0x5a: {  	_ =	shalt  }
0x5b: {  	_ =	shalt  }
0x5c: {  	_ =	shalt  }
0x5d: {  	_ =	shalt  }
0x5e: {  	_ =	shalt  }
0x5f: {  	_ =	shalt  }
0x60: {  	_ =	shalt  }
0x61: {  	_ =	shalt  }
0x62: {  	_ =	shalt  }
0x63: {  	_ =	shalt  }
0x64: {  	_ =	shalt  }
0x65: {  	_ =	shalt  }
0x66: {  	_ =	shalt  }
0x67: {  	_ =	shalt  }
0x68: {  	_ =	shalt  }
0x69: {  	_ =	shalt  }
0x6a: {  	_ =	shalt  }
0x6b: {  	_ =	shalt  }
0x6c: {  	_ =	shalt  }
0x6d: {  	_ =	shalt  }
0x6e: {  	_ =	shalt  }
0x6f: {  	_ =	shalt  }
0x70: {  	_ =	shalt  }
0x71: {  	_ =	shalt  }
0x72: {  	_ =	shalt  }
0x73: {  	_ =	shalt  }
0x74: {  	_ =	shalt  }
0x75: {  	_ =	shalt  }
0x76: {  	_ =	shalt  }
0x77: {  	_ =	shalt  }
0x78: {  	_ =	shalt  }
0x79: {  	_ =	shalt  }
0x7a: {  	_ =	shalt  }
0x7b: {  	_ =	shalt  }
0x7c: {  	_ =	shalt  }
0x7d: {  	_ =	shalt  }
0x7e: {  	_ =	shalt  }
0x7f: {  	_ =	shalt  }
0x80: {  	_ =	shalt  }
0x81: {  	_ =	shalt  }
0x82: {  	_ =	shalt  }
0x83: {  	_ =	shalt  }
0x84: {  	_ =	shalt  }
0x85: {  	_ =	shalt  }
0x86: {  	_ =	shalt  }
0x87: {  	_ =	shalt  }
.Lfunc_end0:
.L_simem_size_0:
called_computation.2_lowered:
.L_overlay_start_0:
0x88: {  	s2 =	sld [smem:$0x3FD9]  }
0x89: {  	s3 =	sld [smem:$0x3FFE];
	_ =	sdelay $0x1  }
0x8a: {  	s1 =	srdreg.scid  }
0x8b: {  	s0 =	sand.u32 $0x1, s1  }
0x8c: {  	s17 =	sshll.u32 s0, $0xA;
	s2 =	sadd.s32 s3, s2  }
0x8d: {  	s2 =	sadd.s32 s2, s17  }
0x8e: {  	[smem:$0x3FC4] =	sst s2  }
0x8f: {  	_ = 	snop  }
0x90: {  	s2 =	sld [smem:$0x3FD0];
	(tm) =	ssettm $0x1  }
0x91: {  	s18 =	sld [smem:$0x3FFB];
	_ =	sdelay $0x3  }
0x92: {  	_ =	strace s18  }
0x93: {  	s3 =	sld [smem:$0x3FFC];
	_ =	sdelay $0x3  }
0x94: {  	_ =	strace s3  }
0x95: {  	s3 =	sld [smem:$0x3FFD];
	_ =	sdelay $0x3  }
0x96: {  	_ =	strace s3  }
0x97: {  	_ =	strace $0x8FFFFFFF  }
0x98: {  	s19 =	sld [smem:$0x3FDB];
	_ =	sdelay $0x1  }
0x99: {  	s4 =	simm.s32 $_scs_section_size  }
0x9a: {  	s5 =	simm.s32 $_size__tile_overlayer_lowered;
	s6 =	simm.s32 $_tile_overlayer_lowered  }
0x9b: {  	s22 =	simm.s32 $0x1BFF;
	s21 =	sshll.u32 s6, $0x1;
	s3 =	sadd.s32 s4, s19  }
0x9c: {  	s7 =	simm.s32 $0x0;
	s20 =	sshll.u32 s5, $0x1;
	s5 =	sadd.s32 s21, s3  }
0x9d: {  	[timem:s7], [sflag:s22] =	dma.local [hbm:s5], s20  }
0x9e: {  	_ =	swait.ge [sflag:s22], s20  }
0x9f: {  	s4 =	ssub.s32 $0x0, s20;
	[sflag:s22] =	ssyncset.done $0x0  }
0xa0: {  	[sflag:s22] =	ssyncadd.s32 s4;
	_ =	sdelay $0x1  }
0xa1: {  	s23 =	simm.s32 $0x1B8B  }
0xa2: {  	_ =	swait.ge [sflag:s23], $0x1  }
0xa3: {  	[sflag:s23] =	ssyncset.done $0x0  }
0xa4: {  	s25 =	simm.s32 $0x1B8E;
	s24 =	sld [smem:$0x3FFE];
	[sflag:s23] =	ssyncadd.s32 $0xFFFFFFFF  }
0xa5: {  	s26 =	simm.s32 $execute0_lowered;
	[smem:$0x3FD2] =	sst s25  }
0xa6: {  	s5 =	sshll.u32 s26, $0x1;
	_ =	strace $0x8000004C;
	[dreg:$0x1] =	wrdreg $0xFFFFFFFF  }
0xa7: {  	s28 =	simm.s32 $_size_execute0_lowered;
	s3 =	sadd.s32 s3, s5;
	[dreg:$0x0] =	wrdreg $0x0  }
0xa8: {  	s5 =	sshll.u32 s28, $0x1;
	[dreg:$0x2] =	wrdreg s3  }
0xa9: {  	[dreg:$0x3] =	wrdreg s5  }
0xaa: {  	[dreg:$0x4] =	wrdreg $0xC0  }
0xab: {  	_ =	task [dreg:s7], $0x5FFFF  }
0xac: {  	[dreg:$0x1] =	wrdreg $0xFFFFFFFF  }
0xad: {  	[dreg:$0x0] =	wrdreg $0x60  }
0xae: {  	[dreg:$0x2] =	wrdreg s2  }
0xaf: {  	[dreg:$0x3] =	wrdreg s24  }
0xb0: {  	[dreg:$0x4] =	wrdreg $0x0  }
0xb1: {  	[dreg:$0x5] =	wrdreg $0x9  }
0xb2: {  	_ =	task.clear_ibuf [dreg:s7], $0x6FFFF;
	_ =	strace $0x9000004C  }
0xb3: {  	s29 =	simm.s32 $0x9;
	_ =	strace $0x8000004E  }
0xb4: {  	_ =	swait.ge [sflag:s29], $0x1  }
0xb5: {  	[sflag:s29] =	ssyncadd.s32 $0xFFFFFFFF  }
0xb6: {  	_ =	strace $0x9000004E  }
0xb7: {  	_ =	sfence  }
0xb8: {  	s30 =	sld [smem:$0x0];
	_ =	sdelay $0x2  }
0xb9: {  	s31 =	sshll.u32 s1, $0xD;
	s1 =	sshrl.u32 s1, $0x2  }
0xba: {  	s3 =	sand.u32 $0x4000, s31;
	s1 =	sadd.s32 s1, s30  }
0xbb: {  	s0 =	sor.u32 s3, s0;
	s1 =	sshll.u32 s1, $0x11  }
0xbc: {  	s0 =	sor.u32 s1, s0  }
0xbd: {  	s0 =	sadd.s32 $0x8F2B, s0  }
0xbe: {  	[sflag:s0] =	ssyncadd.remote.s32 $0x1  }
0xbf: {  	_ =	sfence.sel $0xFFFF  }
0xc0: {  	[dreg:$0x0] =	wrdreg $0xFFFFFFFF;
	(pc) =	sbr.abs _section_cstart, $3  }
0xc1: {  	[dreg:$0x1] =	wrdreg $0xFFFFFFFF  }
0xc2: {  	_ =	task.clear_ibuf [dreg:s7], $0x2FFFF;
	_ =	strace $0x9FFFFFFF  }
0xc3: {  	(tm) =	ssettm $0x7FFFFFFF  }
tec
execute0_lowered:
.L_overlay_start_1:
0x0: {  	(tag) =	ssettag $0x1  }
0x1: {  	s2 =	rddreg [dreg:$0x0]  }
0x2: {  	s0 =	rddreg [dreg:$0x1];
	s1 =	srdreg.scid  }
0x3: {  	s3 =	rddreg [dreg:$0x2];
	s7 =	stileid.u32;
	s1 =	sand.u32 $0x1, s1  }
0x4: {  	s8 =	simm.s32 $0x0;
	s5 =	smul.u32 $0x13C00, s7;
	s4 =	sshll.u32 s1, $0x4  }
0x5: {  	s29 =	simm.s32 $0x15500;
	s6 =	smul.u32 $0x13C000, s1;
	s4 =	sor.u32 s7, s4  }
0x6: {  	s31 =	simm.s32 $0x16E00;
	s30 =	simm.s32 $0x2;
	s4 =	smul.u32 $0x578, s4  }
0x7: {  	s28 =	simm.s32 $0x3;
	[smem:$0x7FF] =	sst s8;
	s7 =	smul.u32 $0x4F000, s7  }
0x8: {  	_ =	strace $0x8000004D;
	s1 =	ssub.s32 $0x2, s1;
	s4 =	sadd.s32 s4, s0  }
0x9: {  	s13 =	sshrl.u32 s1, $0x1;
	s7 =	sshrl.u32 s7, $0x2;
	s14 =	sadd.s32 $0xC600, s4  }
0xa: {  	s15 =	sadd.s32 s7, s3;
	s4 =	sadd.s32 $0x1600, s4;
	[dreg:$0x4] =	wrdreg s14  }
0xb: {  	s6 =	sadd.s32 s5, s6;
	s19 =	sadd.s32 $0x1900, s15;
	[dreg:$0x5] =	wrdreg s4  }
0xc: {  	s1 =	ssub.s32 s1, s13;
	s20 =	sadd.s32 $0x3200, s15;
	[dreg:$0x6] =	wrdreg s19  }
0xd: {  	s6 =	sshrl.u32 s6, $0x3;
	s21 =	sadd.s32 $0x4B00, s15;
	[dreg:$0x7] =	wrdreg s20  }
0xe: {  	s0 =	sadd.s32 s6, s0;
	s22 =	sadd.s32 $0x6400, s15;
	[dreg:$0x8] =	wrdreg s21  }
0xf: {  	s7 =	sadd.s32 s5, s3;
	s23 =	sadd.s32 $0x7D00, s15;
	[dreg:$0x9] =	wrdreg s22  }
0x10: {  	s24 =	sadd.s32 $0x9600, s15;
	s25 =	sadd.s32 $0xAF00, s15;
	[dreg:$0xa] =	wrdreg s23  }
0x11: {  	s26 =	sadd.s32 $0xC800, s15;
	s16 =	sadd.s32 $0xE100, s15;
	[dreg:$0xb] =	wrdreg s24  }
0x12: {  	s17 =	sadd.s32 $0xFA00, s15;
	s18 =	sadd.s32 $0x11300, s15;
	[dreg:$0xc] =	wrdreg s25  }
0x13: {  	[dreg:$0xd] =	wrdreg s26;
	s19 =	sadd.s32 $0x12C00, s15;
	s20 =	sadd.s32 $0x17600, s0  }
0x14: {  	s21 =	smax.u32 s1, $0x1;
	s22 =	simm.s32 $0x1A000;
	s23 =	simm.s32 $0x5  }
0x15: {  	s25 =	simm.s32 $0x13C00;
	s26 =	simm.s32 $0x32;
	s1 =	simm.s32 $0x18700  }
0x16: {  	v0 =	vimm.f32 $0.0e+00;
	s24 =	simm.s32 $0x1;
	s0 =	simm.s32 $0x4;
	s4 =	simm.s32 $0x0  }
.LBB2_1:
0x17: {  	s5 =	simm.s32 $0x0;
	s6 =	rddreg [dreg:$0x4]  }
0x18: {  	[tilespmem:s22], [sflag:$0x5] =	stream.linear.gather [hbm4b:s6+s5], $0x2BC0, $0x38;
	[tilespmem:$0x1F780] =	vst v63  }
0x19: {  	_ =	swait.ge [sflag:s23], $0x2BC0  }
0x1a: {  	[sflag:s23] =	ssyncset.done $0x0  }
0x1b: {  	s8 =	simm.s32 $0x1CBC0;
	s15 =	rddreg [dreg:$0x5];
	[sflag:s23] =	ssyncadd.s32 $0xFFFFD440  }
0x1c: {  	[tilespmem:s8], [sflag:$0x5] =	stream.linear.gather [hbm4b:s15+s5], $0x2BC0, $0x38;
	[tilespmem:$0x1F780] =	vst v63  }
0x1d: {  	_ =	swait.ge [sflag:s23], $0x2BC0  }
0x1e: {  	[sflag:s23] =	ssyncset.done $0x0  }
0x1f: {  	s6 =	simm.s32 $0x200;
	s5 =	simm.s32 $0x0;
	[sflag:s23] =	ssyncadd.s32 $0xFFFFD440  }
.LBB2_2:
0x20: {  	p0 =	sne.s32 s6, $0x6200;
	[tilespmem:s5+$0x13C70] =	vst v0  }
0x21: {  	[tilespmem:s5+$0x13C00] =	vst v0  }
0x22: {  	[tilespmem:s5+$0x13C10] =	vst v0  }
.Ltmp0:
0x23: {  	[tilespmem:s5+$0x13C20] =	vst v0;
	(pc) =	sbr.rel @p0 .LBB2_2-.Ltmp0, $4  }
0x24: {  	[tilespmem:s5+$0x13C30] =	vst v0  }
0x25: {  	[tilespmem:s5+$0x13C40] =	vst v0  }
0x26: {  	[tilespmem:s5+$0x13C50] =	vst v0  }
0x27: {  	[tilespmem:s5+$0x13C60] =	vst v0;
	s5 =	sshra.s32 s6, $0x2;
	s6 =	sadd.s32 $0x200, s6  }
0x28: {  	[tilespmem:s5+$0x13C70] =	vst v0  }
0x29: {  	[tilespmem:s5+$0x13C00] =	vst v0  }
0x2a: {  	[tilespmem:s5+$0x13C10] =	vst v0  }
0x2b: {  	[tilespmem:s5+$0x13C20] =	vst v0  }
0x2c: {  	[tilespmem:s5+$0x13C30] =	vst v0  }
0x2d: {  	[tilespmem:s5+$0x13C40] =	vst v0  }
0x2e: {  	[tilespmem:s5+$0x13C50] =	vst v0  }
0x2f: {  	[tilespmem:s5+$0x13C60] =	vst v0  }
0x30: {  	[spmem:s7] =	stream.linear.scatter [tilespmem:s25], [sflag:$0x5], $0x1900, $0x38;
	[tilespmem:$0x1F780] =	vst v63  }
0x31: {  	_ =	swait.ge [sflag:s23], $0x1900  }
0x32: {  	[sflag:s23] =	ssyncset.done $0x0  }
0x33: {  	s12 =	rddreg [dreg:$0x6];
	[sflag:s23] =	ssyncadd.s32 $0xFFFFE700  }
0x34: {  	[spmem:s12] =	stream.linear.scatter [tilespmem:s25], [sflag:$0x5], $0x1900, $0x38;
	[tilespmem:$0x1F780] =	vst v63  }
0x35: {  	_ =	swait.ge [sflag:s23], $0x1900  }
0x36: {  	[sflag:s23] =	ssyncset.done $0x0  }
0x37: {  	s13 =	rddreg [dreg:$0x7];
	[sflag:s23] =	ssyncadd.s32 $0xFFFFE700  }
0x38: {  	[spmem:s13] =	stream.linear.scatter [tilespmem:s25], [sflag:$0x5], $0x1900, $0x38;
	[tilespmem:$0x1F780] =	vst v63  }
0x39: {  	_ =	swait.ge [sflag:s23], $0x1900  }
0x3a: {  	[sflag:s23] =	ssyncset.done $0x0  }
0x3b: {  	s14 =	rddreg [dreg:$0x8];
	[sflag:s23] =	ssyncadd.s32 $0xFFFFE700  }
0x3c: {  	[spmem:s14] =	stream.linear.scatter [tilespmem:s25], [sflag:$0x5], $0x1900, $0x38;
	[tilespmem:$0x1F780] =	vst v63  }
0x3d: {  	_ =	swait.ge [sflag:s23], $0x1900  }
0x3e: {  	[sflag:s23] =	ssyncset.done $0x0  }
0x3f: {  	s15 =	rddreg [dreg:$0x9];
	[sflag:s23] =	ssyncadd.s32 $0xFFFFE700  }
0x40: {  	[spmem:s15] =	stream.linear.scatter [tilespmem:s25], [sflag:$0x5], $0x1900, $0x38;
	[tilespmem:$0x1F780] =	vst v63  }
0x41: {  	_ =	swait.ge [sflag:s23], $0x1900  }
0x42: {  	[sflag:s23] =	ssyncset.done $0x0  }
0x43: {  	s6 =	rddreg [dreg:$0xa];
	[sflag:s23] =	ssyncadd.s32 $0xFFFFE700  }
0x44: {  	[spmem:s6] =	stream.linear.scatter [tilespmem:s25], [sflag:$0x5], $0x1900, $0x38;
	[tilespmem:$0x1F780] =	vst v63  }
0x45: {  	_ =	swait.ge [sflag:s23], $0x1900  }
0x46: {  	[sflag:s23] =	ssyncset.done $0x0  }
0x47: {  	s8 =	rddreg [dreg:$0xb];
	[sflag:s23] =	ssyncadd.s32 $0xFFFFE700  }
0x48: {  	[spmem:s8] =	stream.linear.scatter [tilespmem:s25], [sflag:$0x5], $0x1900, $0x38;
	[tilespmem:$0x1F780] =	vst v63  }
0x49: {  	_ =	swait.ge [sflag:s23], $0x1900  }
0x4a: {  	[sflag:s23] =	ssyncset.done $0x0  }
0x4b: {  	s9 =	rddreg [dreg:$0xc];
	[sflag:s23] =	ssyncadd.s32 $0xFFFFE700  }
0x4c: {  	[spmem:s9] =	stream.linear.scatter [tilespmem:s25], [sflag:$0x5], $0x1900, $0x38;
	[tilespmem:$0x1F780] =	vst v63  }
0x4d: {  	_ =	swait.ge [sflag:s23], $0x1900  }
0x4e: {  	[sflag:s23] =	ssyncset.done $0x0  }
0x4f: {  	s10 =	rddreg [dreg:$0xd];
	[sflag:s23] =	ssyncadd.s32 $0xFFFFE700  }
0x50: {  	[spmem:s10] =	stream.linear.scatter [tilespmem:s25], [sflag:$0x5], $0x1900, $0x38;
	[tilespmem:$0x1F780] =	vst v63  }
0x51: {  	_ =	swait.ge [sflag:s23], $0x1900  }
0x52: {  	[sflag:s23] =	ssyncset.done $0x0  }
0x53: {  	[sflag:s23] =	ssyncadd.s32 $0xFFFFE700  }
0x54: {  	[spmem:s16] =	stream.linear.scatter [tilespmem:s25], [sflag:$0x5], $0x1900, $0x38;
	[tilespmem:$0x1F780] =	vst v63  }
0x55: {  	_ =	swait.ge [sflag:s23], $0x1900  }
0x56: {  	[sflag:s23] =	ssyncset.done $0x0  }
0x57: {  	[sflag:s23] =	ssyncadd.s32 $0xFFFFE700  }
0x58: {  	[spmem:s17] =	stream.linear.scatter [tilespmem:s25], [sflag:$0x5], $0x1900, $0x38;
	[tilespmem:$0x1F780] =	vst v63  }
0x59: {  	_ =	swait.ge [sflag:s23], $0x1900  }
0x5a: {  	[sflag:s23] =	ssyncset.done $0x0  }
0x5b: {  	[sflag:s23] =	ssyncadd.s32 $0xFFFFE700  }
0x5c: {  	[spmem:s18] =	stream.linear.scatter [tilespmem:s25], [sflag:$0x5], $0x1900, $0x38;
	[tilespmem:$0x1F780] =	vst v63  }
0x5d: {  	_ =	swait.ge [sflag:s23], $0x1900  }
0x5e: {  	[sflag:s23] =	ssyncset.done $0x0  }
0x5f: {  	[sflag:s23] =	ssyncadd.s32 $0xFFFFE700  }
0x60: {  	[spmem:s19] =	stream.linear.scatter [tilespmem:s25], [sflag:$0x5], $0x1000, $0x38;
	[tilespmem:$0x1F780] =	vst v63  }
0x61: {  	_ =	swait.ge [sflag:s23], $0x1000  }
0x62: {  	[sflag:s23] =	ssyncset.done $0x0  }
0x63: {  	[sflag:s23] =	ssyncadd.s32 $0xFFFFF000  }
0x64: {  	[bflag:$0x0] =	sbarrier.arrive $0xFFFF  }
0x65: {  	[tilespmem:s25], [sflag:$0x1] =	stream.indirect.gather [hbm4b:s2+s26], $0x80, s22, s26, $0xb8;
	[tilespmem:$0x1F780] =	vst v63  }
0x66: {  	s11 =	simm.s32 $0x1A038;
	s14 =	simm.s32 $0x0  }
0x67: {  	[tilespmem:s29], [sflag:$0x2] =	stream.indirect.gather [hbm4b:s2+s26], $0x80, s11, s26, $0xb8;
	[tilespmem:$0x1F780] =	vst v63  }
0x68: {  	s12 =	simm.s32 $0x1A070;
	s5 =	sand.u32 $0x3, s14  }
0x69: {  	[tilespmem:s31], [sflag:$0x3] =	stream.indirect.gather [hbm4b:s2+s26], $0x80, s12, s26, $0xb8;
	[tilespmem:$0x1F780] =	vst v63  }
0x6a: {  	s13 =	simm.s32 $0x1A0A8;
	s6 =	smul.u32 $0x6400, s5;
	s8 =	sadd.s32 $0x1, s5  }
0x6b: {  	[tilespmem:s1], [sflag:$0x4] =	stream.indirect.gather [hbm4b:s2+s26], $0x80, s13, s26, $0xb8;
	[tilespmem:$0x1F780] =	vst v63  }
0x6c: {  	s15 =	simm.s32 $0x1CBC0;
	_ =	swait.ge [sflag:s8], $0x1900  }
0x6d: {  	s6 =	sshrl.u32 s6, $0x2;
	s5 =	simm.s32 $0x1A118;
	[sflag:s8] =	ssyncset.done $0x0  }
0x6e: {  	s9 =	sadd.s32 $0x13C00, s6;
	s6 =	simm.s32 $0x1CBF8;
	[sflag:s8] =	ssyncadd.s32 $0xFFFFE700  }
0x6f: {  	[spmem:s3] =	stream.indirect.scatter.add.f32 [tilespmem:s9], [sflag:$0x5], $0x80, s15, s26, $0xb8;
	[tilespmem:$0x1F780] =	vst v63  }
0x70: {  	s10 =	simm.s32 $0x1A0E0;
	s12 =	simm.s32 $0x1;
	_ =	swait.ge [sflag:s23], $0x1900  }
0x71: {  	s11 =	simm.s32 $0x2;
	s12 =	sand.u32 $0x3, s12;
	[sflag:s23] =	ssyncset.done $0x0  }
.LBB2_4:
0x72: {  	s13 =	smul.u32 $0x6400, s12;
	s12 =	sadd.s32 $0x1, s12  }
0x73: {  	[sflag:s23] =	ssyncadd.s32 $0xFFFFE700;
	s14 =	smov.u32 s11;
	s15 =	sadd.s32 $0x1, s11  }
0x74: {  	[tilespmem:s9], [sflag:s8] =	stream.indirect.gather [hbm4b:s2+s26], $0x80, s10, s26, $0xb8;
	[tilespmem:$0x1F780] =	vst v63  }
0x75: {  	p0 =	sne.s32 s11, $0xC3;
	s8 =	sshrl.u32 s13, $0x2;
	_ =	swait.ge [sflag:s12], $0x1900  }
.Ltmp1:
0x76: {  	s9 =	sadd.s32 $0x13C00, s8;
	[sflag:s12] =	ssyncset.done $0x0;
	(pc) =	sbr.rel @p0 .LBB2_4-.Ltmp1, $4  }
0x77: {  	s10 =	smov.u32 s5;
	s8 =	smov.u32 s12;
	[sflag:s12] =	ssyncadd.s32 $0xFFFFE700  }
0x78: {  	[spmem:s3] =	stream.indirect.scatter.add.f32 [tilespmem:s9], [sflag:$0x5], $0x80, s6, s26, $0xb8;
	[tilespmem:$0x1F780] =	vst v63  }
0x79: {  	s5 =	sadd.s32 $0x38, s5;
	s6 =	sadd.s32 $0x38, s6;
	_ =	swait.ge [sflag:s23], $0x1900  }
0x7a: {  	s11 =	smov.u32 s15;
	s12 =	sand.u32 $0x3, s14;
	[sflag:s23] =	ssyncset.done $0x0  }
0x7b: {  	[sflag:s23] =	ssyncadd.s32 $0xFFFFE700;
	s14 =	smul.u32 $0x6400, s12;
	s15 =	sadd.s32 $0x1, s12  }
0x7c: {  	[tilespmem:s9], [sflag:s8] =	stream.indirect.gather [hbm4b:s2+s26], $0x80, s10, s26, $0xb8;
	[tilespmem:$0x1F780] =	vst v63  }
0x7d: {  	_ =	swait.ge [sflag:s15], $0x1900  }
0x7e: {  	s8 =	sshrl.u32 s14, $0x2;
	[sflag:s15] =	ssyncset.done $0x0  }
0x7f: {  	s8 =	sadd.s32 $0x13C00, s8;
	[sflag:s15] =	ssyncadd.s32 $0xFFFFE700  }
0x80: {  	[spmem:s3] =	stream.indirect.scatter.add.f32 [tilespmem:s8], [sflag:$0x5], $0x80, s6, s26, $0xb8;
	[tilespmem:$0x1F780] =	vst v63  }
0x81: {  	_ =	swait.ge [sflag:s23], $0x1900  }
0x82: {  	[sflag:s23] =	ssyncset.done $0x0  }
0x83: {  	[sflag:s23] =	ssyncadd.s32 $0xFFFFE700  }
0x84: {  	[tilespmem:s8], [sflag:s15] =	stream.indirect.gather [hbm4b:s2+s26], $0x80, s5, s26, $0xb8;
	[tilespmem:$0x1F780] =	vst v63  }
0x85: {  	_ =	swait.ge [sflag:s24], $0x1900  }
0x86: {  	[sflag:s24] =	ssyncset.done $0x0  }
0x87: {  	s10 =	simm.s32 $0x1F6A0;
	[sflag:s24] =	ssyncadd.s32 $0xFFFFE700  }
0x88: {  	[spmem:s3] =	stream.indirect.scatter.add.f32 [tilespmem:s25], [sflag:$0x5], $0x80, s10, s26, $0xb8;
	[tilespmem:$0x1F780] =	vst v63  }
0x89: {  	_ =	swait.ge [sflag:s23], $0x1900  }
0x8a: {  	[sflag:s23] =	ssyncset.done $0x0  }
0x8b: {  	[sflag:s23] =	ssyncadd.s32 $0xFFFFE700  }
0x8c: {  	_ =	swait.ge [sflag:s30], $0x1900  }
0x8d: {  	[sflag:s30] =	ssyncset.done $0x0  }
0x8e: {  	s11 =	simm.s32 $0x1F6D8;
	[sflag:s30] =	ssyncadd.s32 $0xFFFFE700  }
0x8f: {  	[spmem:s3] =	stream.indirect.scatter.add.f32 [tilespmem:s29], [sflag:$0x5], $0x80, s11, s26, $0xb8;
	[tilespmem:$0x1F780] =	vst v63  }
0x90: {  	_ =	swait.ge [sflag:s23], $0x1900  }
0x91: {  	[sflag:s23] =	ssyncset.done $0x0  }
0x92: {  	[sflag:s23] =	ssyncadd.s32 $0xFFFFE700  }
0x93: {  	_ =	swait.ge [sflag:s28], $0x1900  }
0x94: {  	[sflag:s28] =	ssyncset.done $0x0  }
0x95: {  	s12 =	simm.s32 $0x1F710;
	[sflag:s28] =	ssyncadd.s32 $0xFFFFE700  }
0x96: {  	[spmem:s3] =	stream.indirect.scatter.add.f32 [tilespmem:s31], [sflag:$0x5], $0x80, s12, s26, $0xb8;
	[tilespmem:$0x1F780] =	vst v63  }
0x97: {  	_ =	swait.ge [sflag:s23], $0x1900  }
0x98: {  	[sflag:s23] =	ssyncset.done $0x0  }
0x99: {  	[sflag:s23] =	ssyncadd.s32 $0xFFFFE700  }
0x9a: {  	_ =	swait.ge [sflag:s0], $0x1900  }
0x9b: {  	[sflag:s0] =	ssyncset.done $0x0  }
0x9c: {  	s13 =	simm.s32 $0x1F748;
	[sflag:s0] =	ssyncadd.s32 $0xFFFFE700  }
0x9d: {  	[spmem:s3] =	stream.indirect.scatter.add.f32 [tilespmem:s1], [sflag:$0x5], $0x80, s13, s26, $0xb8;
	[tilespmem:$0x1F780] =	vst v63  }
0x9e: {  	s4 =	sadd.s32 $0x1, s4;
	_ =	swait.ge [sflag:s23], $0x1900  }
0x9f: {  	p0 =	sne.s32 s4, s21;
	s14 =	stileid.u32;
	[sflag:s23] =	ssyncset.done $0x0  }
0xa0: {  	s5 =	sshll.u32 s14, $0x6;
	s15 =	sshrl.u32 s7, $0x3;
	[sflag:s23] =	ssyncadd.s32 $0xFFFFE700  }
.Ltmp2:
0xa1: {  	s5 =	sor.u32 $0x1C05, s5;
	[bflag:$0x0] =	sbarrier.arrive $0xFFFF;
	(pc) =	sbr.rel @p0 .LBB2_1-.Ltmp2, $4  }
0xa2: {  	[hbm:s20], [sflag:s5] =	dma.local [spmem:s15], $0x2780  }
0xa3: {  	_ =	swait.ge [sflag:s23], $0x2780  }
0xa4: {  	[sflag:s23] =	ssyncset.done $0x0  }
0xa5: {  	[sflag:s23] =	ssyncadd.s32 $0xFFFFD880  }
0xa6: {  	_ =	sfence.sel $0x180000  }
0xa7: {  	[bflag:$0x0] =	sbarrier.arrive $0xFFFF  }
0xa8: {  	_ =	strace $0x9000004D  }
0xa9: {  	s0 =	stileid.u32;
	[bflag:$0x2] =	sbarrier.arrive $0xFFFF  }
0xaa: {  	p0 =	sne.s32 s0, $0x0;
	s0 =	rddreg [dreg:$0x3]  }
0xab: {  	s0 =	sadd.s32 @!p0 $0x100000, s0  }
0xac: {  	[sflag:s0] =	ssyncadd.tile.s32 @!p0 $0x1;
	_ =	shalt  }
.Lfunc_end2:
_tile_overlayer_lowered:
.L_overlay_start_2:
0xad: {  	(tag) =	ssettag $0x2  }
0xae: {  	s0 =	rddreg [dreg:$0x0];
	s2 =	stileid.u32  }
0xaf: {  	s1 =	rddreg [dreg:$0x1];
	p0 =	sne.s32 s2, $0x0  }
0xb0: {  	s3 =	rddreg [dreg:$0x2];
	[bflag:$0x3] =	sbarrier.arrive $0xFFFF;
	s2 =	simm.s32 @!p0 $0x1C05  }
0xb1: {  	[timem:s3], [sflag:s2] =	dma.local @!p0 [hbm:s0], s1  }
0xb2: {  	s0 =	simm.s32 @!p0 $0x5  }
0xb3: {  	_ =	swait.ge @!p0 [sflag:s0], s1  }
0xb4: {  	s1 =	ssub.s32 @!p0 $0x0, s1;
	[sflag:s0] =	ssyncset.done @!p0 $0x0  }
0xb5: {  	[sflag:s0] =	ssyncadd.s32 @!p0 s1  }
0xb6: {  	[bflag:$0x3] =	sbarrier.arrive $0xFFFF  }
0xb7: {  	_ =	shalt  }

// kernel: kernel.8.cloned.1.call-start
scs
__scs_entry_jumppad:
0x0: {  	(pc) =	sbr.rel $0x88, $3  }
0x1: {  	(tag) =	ssettag $0x0;
	lr =	simm.s32 $0x1  }
0x2: {  	[smem:$0x3F9D] =	sst lr;
	_ =	strace $0xD0000000  }
0x3: {  	_ = 	snop  }
0x4: {  	_ = 	snop  }
0x5: {  	_ = 	snop  }
0x6: {  	_ = 	snop  }
0x7: {  	_ = 	snop  }
__scs_overlays_trampoline_lowered:
0x8: {  	[smem:$0x3FAC] =	sst s0  }
0x9: {  	[smem:$0x3FAD] =	sst s1  }
0xa: {  	[smem:$0x3FAE] =	sst s2  }
0xb: {  	[smem:$0x3FAF] =	sst s3  }
0xc: {  	[smem:$0x3FB0] =	sst s4  }
0xd: {  	[smem:$0x3FB1] =	sst s5  }
0xe: {  	[smem:$0x3FB2] =	sst s6  }
0xf: {  	[smem:$0x3FB3] =	sst s7  }
0x10: {  	[smem:$0x3FB4] =	sst s8  }
0x11: {  	[smem:$0x3FB5] =	sst s9;
	s0 =	simm.s32 @!p0 $0x0  }
0x12: {  	s1 =	sld [smem:$0x3F9B];
	s0 =	simm.s32 @p0 $0x1  }
0x13: {  	[smem:$0x3FB6] =	sst s0;
	s0 =	simm.s32 @!p1 $0x0  }
0x14: {  	s2 =	sld [smem:$0x3F9A];
	s0 =	simm.s32 @p1 $0x1  }
0x15: {  	[smem:$0x3FB7] =	sst s0;
	s0 =	simm.s32 @!p2 $0x0  }
0x16: {  	s3 =	sld [smem:$0x3FDB];
	s0 =	simm.s32 @p2 $0x1  }
0x17: {  	s4 =	simm.s32 $0x1BF5;
	[smem:$0x3FB9] =	sst s0  }
0x18: {  	s0 =	sld [smem:$0x3F9C];
	_ =	swait.ge [sflag:s4], $0x0  }
0x19: {  	s7 =	sld [smem:$0x3F9D]  }
0x1a: {  	s8 =	sadd.s32 $0xFFFFE003, lr  }
0x1b: {  	s9 =	sadd.s32 $0xFFFFFEF7, lr;
	s5 =	simm.s32 $0xFFFFFFFF;
	p2 =	slt.u32 s8, $0xFFFFF086  }
0x1c: {  	p1 =	slt.u32 s9, $0xF7A;
	s5 =	simm.s32 @!p2 $0x0  }
0x1d: {  	s5 =	simm.s32 @p1 $0x1;
	p0 =	seq.s32 s7, s2  }
0x1e: {  	s7 =	smul.u32 @!p0 $0xF7A, s2;
	p2 =	seq.s32 @!p0 s5, $0x0  }
0x1f: {  	s9 =	smul.u32 $0xF7A, s1;
	s8 =	simm.s32 @!p0 $0x1BF5;
	p2 =	por !p2, p0  }
0x20: {  	[sflag:s8] =	ssyncset.s32 @!p0 $0xFFFFF086;
	s6 =	sadd.s32 @!p0 s3, s7;
	s7 =	simm.s32 @!p0 $0x108  }
0x21: {  	s3 =	sadd.s32 s3, s9;
	s6 =	sadd.s32 @!p0 $0x88, s6;
	s7 =	simm.s32 @p2 $0x1082  }
0x22: {  	[simem:s7], [sflag:s8] =	dma.local @!p0 [hbm:s6], $0xF7A  }
0x23: {  	s9 =	sor.u32 $0xD0000000, s2;
	s6 =	simm.s32 $0x108;
	_ =	swait.ge @!p0 [sflag:s8], $0x0  }
0x24: {  	s3 =	sadd.s32 $0x88, s3;
	s6 =	simm.s32 @!p1 $0x1082;
	[sflag:s4] =	ssyncset.s32 $0xFFFFF086  }
0x25: {  	[simem:s6], [sflag:s4] =	dma.local [hbm:s3], $0xF7A  }
0x26: {  	[smem:$0x3F9D] =	sst s1;
	(tag) =	ssettag s2;
	_ =	strace s9  }
0x27: {  	s1 =	sld [smem:$0x3FAD]  }
0x28: {  	s2 =	sld [smem:$0x3FAE]  }
0x29: {  	s4 =	sld [smem:$0x3FB0]  }
0x2a: {  	p0 =	seq.s32 s5, $0x0;
	s5 =	sld [smem:$0x3FB1]  }
0x2b: {  	s6 =	sld [smem:$0x3FB2]  }
0x2c: {  	s7 =	sld [smem:$0x3FB3]  }
0x2d: {  	s3 =	simm.s32 $0x108;
	s8 =	sld [smem:$0x3FB4]  }
0x2e: {  	s3 =	simm.s32 @!p0 $0x1082;
	s9 =	sld [smem:$0x3FB5]  }
0x2f: {  	lr =	sadd.s32 s0, s3;
	s0 =	sld [smem:$0x3FAC]  }
0x30: {  	s3 =	sld [smem:$0x3FAF]  }
0x31: {  	[smem:$0x3FB8] =	sst s10  }
0x32: {  	s10 =	sld [smem:$0x3FB6];
	_ =	sdelay $0x3  }
0x33: {  	p0 =	seq.s32 s10, $0x1;
	s10 =	sld [smem:$0x3FB8];
	_ =	sdelay $0x3  }
0x34: {  	[smem:$0x3FB8] =	sst s10  }
0x35: {  	s10 =	sld [smem:$0x3FB7];
	_ =	sdelay $0x3  }
0x36: {  	p1 =	seq.s32 s10, $0x1;
	s10 =	sld [smem:$0x3FB8];
	_ =	sdelay $0x3  }
0x37: {  	[smem:$0x3FB8] =	sst s10  }
0x38: {  	s10 =	sld [smem:$0x3FB9]  }
0x39: {  	_ = 	snop;
	(pc) =	sbr.ind lr, $3  }
0x3a: {  	_ = 	snop  }
0x3b: {  	_ = 	snop  }
0x3c: {  	p2 =	seq.s32 s10, $0x1;
	s10 =	sld [smem:$0x3FB8]  }
0x3d: {  	_ =	shalt  }
0x3e: {  	_ =	shalt  }
0x3f: {  	_ =	shalt  }
0x40: {  	_ =	shalt  }
0x41: {  	_ =	shalt  }
0x42: {  	_ =	shalt  }
0x43: {  	_ =	shalt  }
0x44: {  	_ =	shalt  }
0x45: {  	_ =	shalt  }
0x46: {  	_ =	shalt  }
0x47: {  	_ =	shalt  }
0x48: {  	_ =	shalt  }
0x49: {  	_ =	shalt  }
0x4a: {  	_ =	shalt  }
0x4b: {  	_ =	shalt  }
0x4c: {  	_ =	shalt  }
0x4d: {  	_ =	shalt  }
0x4e: {  	_ =	shalt  }
0x4f: {  	_ =	shalt  }
0x50: {  	_ =	shalt  }
0x51: {  	_ =	shalt  }
0x52: {  	_ =	shalt  }
0x53: {  	_ =	shalt  }
0x54: {  	_ =	shalt  }
0x55: {  	_ =	shalt  }
0x56: {  	_ =	shalt  }
0x57: {  	_ =	shalt  }
0x58: {  	_ =	shalt  }
0x59: {  	_ =	shalt  }
0x5a: {  	_ =	shalt  }
0x5b: {  	_ =	shalt  }
0x5c: {  	_ =	shalt  }
0x5d: {  	_ =	shalt  }
0x5e: {  	_ =	shalt  }
0x5f: {  	_ =	shalt  }
0x60: {  	_ =	shalt  }
0x61: {  	_ =	shalt  }
0x62: {  	_ =	shalt  }
0x63: {  	_ =	shalt  }
0x64: {  	_ =	shalt  }
0x65: {  	_ =	shalt  }
0x66: {  	_ =	shalt  }
0x67: {  	_ =	shalt  }
0x68: {  	_ =	shalt  }
0x69: {  	_ =	shalt  }
0x6a: {  	_ =	shalt  }
0x6b: {  	_ =	shalt  }
0x6c: {  	_ =	shalt  }
0x6d: {  	_ =	shalt  }
0x6e: {  	_ =	shalt  }
0x6f: {  	_ =	shalt  }
0x70: {  	_ =	shalt  }
0x71: {  	_ =	shalt  }
0x72: {  	_ =	shalt  }
0x73: {  	_ =	shalt  }
0x74: {  	_ =	shalt  }
0x75: {  	_ =	shalt  }
0x76: {  	_ =	shalt  }
0x77: {  	_ =	shalt  }
0x78: {  	_ =	shalt  }
0x79: {  	_ =	shalt  }
0x7a: {  	_ =	shalt  }
0x7b: {  	_ =	shalt  }
0x7c: {  	_ =	shalt  }
0x7d: {  	_ =	shalt  }
0x7e: {  	_ =	shalt  }
0x7f: {  	_ =	shalt  }
0x80: {  	_ =	shalt  }
0x81: {  	_ =	shalt  }
0x82: {  	_ =	shalt  }
0x83: {  	_ =	shalt  }
0x84: {  	_ =	shalt  }
0x85: {  	_ =	shalt  }
0x86: {  	_ =	shalt  }
0x87: {  	_ =	shalt  }
.Lfunc_end0:
.L_simem_size_0:
called_computation_lowered:
.L_overlay_start_0:
0x88: {  	s2 =	sld [smem:$0x3FD9]  }
0x89: {  	s3 =	sld [smem:$0x3FFE];
	_ =	sdelay $0x1  }
0x8a: {  	s1 =	srdreg.scid  }
0x8b: {  	s0 =	sand.u32 $0x1, s1  }
0x8c: {  	s17 =	sshll.u32 s0, $0xA;
	s2 =	sadd.s32 s3, s2  }
0x8d: {  	s2 =	sadd.s32 s2, s17  }
0x8e: {  	[smem:$0x3FC4] =	sst s2  }
0x8f: {  	_ = 	snop  }
0x90: {  	s2 =	sld [smem:$0x3FD0];
	(tm) =	ssettm $0x1  }
0x91: {  	s18 =	sld [smem:$0x3FFB];
	_ =	sdelay $0x3  }
0x92: {  	_ =	strace s18  }
0x93: {  	s3 =	sld [smem:$0x3FFC];
	_ =	sdelay $0x3  }
0x94: {  	_ =	strace s3  }
0x95: {  	s3 =	sld [smem:$0x3FFD];
	_ =	sdelay $0x3  }
0x96: {  	_ =	strace s3  }
0x97: {  	_ =	strace $0x8FFFFFFF  }
0x98: {  	s19 =	sld [smem:$0x3FDB];
	_ =	sdelay $0x1  }
0x99: {  	s4 =	simm.s32 $_scs_section_size  }
0x9a: {  	s5 =	simm.s32 $_size__tile_overlayer_lowered;
	s6 =	simm.s32 $_tile_overlayer_lowered  }
0x9b: {  	s22 =	simm.s32 $0x1BFF;
	s21 =	sshll.u32 s6, $0x1;
	s3 =	sadd.s32 s4, s19  }
0x9c: {  	s7 =	simm.s32 $0x0;
	s20 =	sshll.u32 s5, $0x1;
	s5 =	sadd.s32 s21, s3  }
0x9d: {  	[timem:s7], [sflag:s22] =	dma.local [hbm:s5], s20  }
0x9e: {  	_ =	swait.ge [sflag:s22], s20  }
0x9f: {  	s4 =	ssub.s32 $0x0, s20;
	[sflag:s22] =	ssyncset.done $0x0  }
0xa0: {  	[sflag:s22] =	ssyncadd.s32 s4;
	_ =	sdelay $0x1  }
0xa1: {  	s23 =	simm.s32 $0x1B8B  }
0xa2: {  	_ =	swait.ge [sflag:s23], $0x1  }
0xa3: {  	[sflag:s23] =	ssyncset.done $0x0  }
0xa4: {  	s25 =	simm.s32 $0x1B8E;
	s24 =	sld [smem:$0x3FFE];
	[sflag:s23] =	ssyncadd.s32 $0xFFFFFFFF  }
0xa5: {  	s26 =	simm.s32 $execute0_lowered;
	[smem:$0x3FD2] =	sst s25  }
0xa6: {  	s5 =	sshll.u32 s26, $0x1;
	_ =	strace $0x80000046;
	[dreg:$0x1] =	wrdreg $0xFFFFFFFF  }
0xa7: {  	s28 =	simm.s32 $_size_execute0_lowered;
	s3 =	sadd.s32 s3, s5;
	[dreg:$0x0] =	wrdreg $0x0  }
0xa8: {  	s5 =	sshll.u32 s28, $0x1;
	[dreg:$0x2] =	wrdreg s3  }
0xa9: {  	[dreg:$0x3] =	wrdreg s5  }
0xaa: {  	[dreg:$0x4] =	wrdreg $0xC0  }
0xab: {  	_ =	task [dreg:s7], $0x5FFFF  }
0xac: {  	[dreg:$0x1] =	wrdreg $0xFFFFFFFF  }
0xad: {  	[dreg:$0x0] =	wrdreg $0x60  }
0xae: {  	[dreg:$0x2] =	wrdreg s24  }
0xaf: {  	[dreg:$0x3] =	wrdreg s2  }
0xb0: {  	[dreg:$0x4] =	wrdreg $0x0  }
0xb1: {  	[dreg:$0x5] =	wrdreg $0x9  }
0xb2: {  	_ =	task.clear_ibuf [dreg:s7], $0x6FFFF;
	_ =	strace $0x90000046  }
0xb3: {  	s29 =	simm.s32 $0x9;
	_ =	strace $0x80000048  }
0xb4: {  	_ =	swait.ge [sflag:s29], $0x1  }
0xb5: {  	[sflag:s29] =	ssyncadd.s32 $0xFFFFFFFF  }
0xb6: {  	_ =	strace $0x90000048  }
0xb7: {  	_ =	sfence  }
0xb8: {  	s30 =	sld [smem:$0x0];
	_ =	sdelay $0x2  }
0xb9: {  	s31 =	sshll.u32 s1, $0xD;
	s1 =	sshrl.u32 s1, $0x2  }
0xba: {  	s3 =	sand.u32 $0x4000, s31;
	s1 =	sadd.s32 s1, s30  }
0xbb: {  	s0 =	sor.u32 s3, s0;
	s1 =	sshll.u32 s1, $0x11  }
0xbc: {  	s0 =	sor.u32 s1, s0  }
0xbd: {  	s0 =	sadd.s32 $0x8F2B, s0  }
0xbe: {  	[sflag:s0] =	ssyncadd.remote.s32 $0x1  }
0xbf: {  	_ =	sfence.sel $0xFFFF  }
0xc0: {  	[dreg:$0x0] =	wrdreg $0xFFFFFFFF;
	(pc) =	sbr.abs _section_cstart, $3  }
0xc1: {  	[dreg:$0x1] =	wrdreg $0xFFFFFFFF  }
0xc2: {  	_ =	task.clear_ibuf [dreg:s7], $0x2FFFF;
	_ =	strace $0x9FFFFFFF  }
0xc3: {  	(tm) =	ssettm $0x7FFFFFFF  }
tec
execute0_lowered:
.L_overlay_start_1:
0x0: {  	(tag) =	ssettag $0x1  }
0x1: {  	s4 =	rddreg [dreg:$0x0]  }
0x2: {  	s18 =	rddreg [dreg:$0x1]  }
0x3: {  	s0 =	srdreg.scid;
	s2 =	rddreg [dreg:$0x2];
	s3 =	simm.s32 $0x0  }
0x4: {  	s21 =	simm.s32 $0x1;
	s11 =	sand.u32 $0x1, s0;
	s0 =	stileid.u32  }
0x5: {  	s22 =	simm.s32 $0x2780;
	s23 =	simm.s32 $0x32;
	s7 =	smul.u32 $0x9E00, s0  }
0x6: {  	s25 =	simm.s32 $0x0;
	[smem:$0x7FF] =	sst s3;
	s16 =	smul.u32 $0x2780, s0  }
0x7: {  	s1 =	sshll.u32 s11, $0x4;
	s6 =	ssub.s32 $0x2, s11;
	s20 =	smul.u32 $0x27800, s11  }
0x8: {  	s24 =	sshll.u32 s0, $0x6;
	s5 =	sor.u32 s0, s1;
	s1 =	rddreg [dreg:$0x3]  }
0x9: {  	_ =	strace $0x80000047;
	s8 =	sshrl.u32 s6, $0x1;
	s24 =	sor.u32 $0x1C01, s24  }
0xa: {  	s5 =	smul.u32 $0x578, s5;
	s31 =	sshrl.u32 s7, $0x2;
	s20 =	sadd.s32 s16, s20  }
0xb: {  	s19 =	ssub.s32 s6, s8;
	s17 =	sadd.s32 s31, s2;
	s20 =	sshrl.u32 s20, $0x3  }
0xc: {  	s19 =	smax.u32 s19, $0x1;
	s4 =	sadd.s32 s5, s4;
	s5 =	sadd.s32 s16, s2  }
0xd: {  	s6 =	sadd.s32 $0x320, s17;
	s7 =	sadd.s32 $0x640, s17;
	s8 =	sadd.s32 $0x960, s17  }
0xe: {  	s9 =	sadd.s32 $0xC80, s17;
	s10 =	sadd.s32 $0xFA0, s17;
	s11 =	sadd.s32 $0x12C0, s17  }
0xf: {  	s12 =	sadd.s32 $0x15E0, s17;
	s13 =	sadd.s32 $0x1900, s17;
	s14 =	sadd.s32 $0x1C20, s17  }
0x10: {  	s15 =	sadd.s32 $0x1F40, s17;
	s16 =	sadd.s32 $0x2260, s17;
	s17 =	sadd.s32 $0x2580, s17  }
0x11: {  	v0 =	vimm.f32 $0.0e+00;
	v1 =	vimm.f32 $1.000000000e+00;
	s18 =	sadd.s32 s18, s20;
	s20 =	simm.s32 $0x2AA0;
	s4 =	sadd.s32 $0x1600, s4  }
.LBB2_1:
0x12: {  	[tilespmem:s20], [sflag:$0x1] =	stream.linear.gather [hbm4b:s4+s3], $0x2BC0, $0x38;
	[tilespmem:$0x5660] =	vst v63  }
0x13: {  	_ =	swait.ge [sflag:s21], $0x2BC0  }
0x14: {  	[sflag:s21] =	ssyncset.done $0x0  }
0x15: {  	s26 =	simm.s32 $0x40;
	s28 =	simm.s32 $0x0;
	[sflag:s21] =	ssyncadd.s32 $0xFFFFD440  }
.LBB2_2:
0x16: {  	p0 =	sne.s32 s26, $0xC40;
	[tilespmem:s28+$0x2780] =	vst v0;
	s28 =	smov.u32 s26;
	s26 =	sadd.s32 $0x40, s26  }
.Ltmp0:
0x17: {  	(pc) =	sbr.rel @p0 .LBB2_2-.Ltmp0, $2  }
0x18: {  	_ =	sdelay $0x2  }
0x19: {  	s28 =	sshra.s32 s28, $0x2  }
0x1a: {  	[tilespmem:s28+$0x2780] =	vst v0  }
0x1b: {  	[spmem:s5] =	stream.linear.scatter [tilespmem:s22], [sflag:$0x1], $0x320, $0x38;
	[tilespmem:$0x5660] =	vst v63  }
0x1c: {  	_ =	swait.ge [sflag:s21], $0x320  }
0x1d: {  	[sflag:s21] =	ssyncset.done $0x0  }
0x1e: {  	[sflag:s21] =	ssyncadd.s32 $0xFFFFFCE0  }
0x1f: {  	[spmem:s6] =	stream.linear.scatter [tilespmem:s22], [sflag:$0x1], $0x320, $0x38;
	[tilespmem:$0x5660] =	vst v63  }
0x20: {  	_ =	swait.ge [sflag:s21], $0x320  }
0x21: {  	[sflag:s21] =	ssyncset.done $0x0  }
0x22: {  	[sflag:s21] =	ssyncadd.s32 $0xFFFFFCE0  }
0x23: {  	[spmem:s7] =	stream.linear.scatter [tilespmem:s22], [sflag:$0x1], $0x320, $0x38;
	[tilespmem:$0x5660] =	vst v63  }
0x24: {  	_ =	swait.ge [sflag:s21], $0x320  }
0x25: {  	[sflag:s21] =	ssyncset.done $0x0  }
0x26: {  	[sflag:s21] =	ssyncadd.s32 $0xFFFFFCE0  }
0x27: {  	[spmem:s8] =	stream.linear.scatter [tilespmem:s22], [sflag:$0x1], $0x320, $0x38;
	[tilespmem:$0x5660] =	vst v63  }
0x28: {  	_ =	swait.ge [sflag:s21], $0x320  }
0x29: {  	[sflag:s21] =	ssyncset.done $0x0  }
0x2a: {  	[sflag:s21] =	ssyncadd.s32 $0xFFFFFCE0  }
0x2b: {  	[spmem:s9] =	stream.linear.scatter [tilespmem:s22], [sflag:$0x1], $0x320, $0x38;
	[tilespmem:$0x5660] =	vst v63  }
0x2c: {  	_ =	swait.ge [sflag:s21], $0x320  }
0x2d: {  	[sflag:s21] =	ssyncset.done $0x0  }
0x2e: {  	[sflag:s21] =	ssyncadd.s32 $0xFFFFFCE0  }
0x2f: {  	[spmem:s10] =	stream.linear.scatter [tilespmem:s22], [sflag:$0x1], $0x320, $0x38;
	[tilespmem:$0x5660] =	vst v63  }
0x30: {  	_ =	swait.ge [sflag:s21], $0x320  }
0x31: {  	[sflag:s21] =	ssyncset.done $0x0  }
0x32: {  	[sflag:s21] =	ssyncadd.s32 $0xFFFFFCE0  }
0x33: {  	[spmem:s11] =	stream.linear.scatter [tilespmem:s22], [sflag:$0x1], $0x320, $0x38;
	[tilespmem:$0x5660] =	vst v63  }
0x34: {  	_ =	swait.ge [sflag:s21], $0x320  }
0x35: {  	[sflag:s21] =	ssyncset.done $0x0  }
0x36: {  	[sflag:s21] =	ssyncadd.s32 $0xFFFFFCE0  }
0x37: {  	[spmem:s12] =	stream.linear.scatter [tilespmem:s22], [sflag:$0x1], $0x320, $0x38;
	[tilespmem:$0x5660] =	vst v63  }
0x38: {  	_ =	swait.ge [sflag:s21], $0x320  }
0x39: {  	[sflag:s21] =	ssyncset.done $0x0  }
0x3a: {  	[sflag:s21] =	ssyncadd.s32 $0xFFFFFCE0  }
0x3b: {  	[spmem:s13] =	stream.linear.scatter [tilespmem:s22], [sflag:$0x1], $0x320, $0x38;
	[tilespmem:$0x5660] =	vst v63  }
0x3c: {  	_ =	swait.ge [sflag:s21], $0x320  }
0x3d: {  	[sflag:s21] =	ssyncset.done $0x0  }
0x3e: {  	[sflag:s21] =	ssyncadd.s32 $0xFFFFFCE0  }
0x3f: {  	[spmem:s14] =	stream.linear.scatter [tilespmem:s22], [sflag:$0x1], $0x320, $0x38;
	[tilespmem:$0x5660] =	vst v63  }
0x40: {  	_ =	swait.ge [sflag:s21], $0x320  }
0x41: {  	[sflag:s21] =	ssyncset.done $0x0  }
0x42: {  	[sflag:s21] =	ssyncadd.s32 $0xFFFFFCE0  }
0x43: {  	[spmem:s15] =	stream.linear.scatter [tilespmem:s22], [sflag:$0x1], $0x320, $0x38;
	[tilespmem:$0x5660] =	vst v63  }
0x44: {  	_ =	swait.ge [sflag:s21], $0x320  }
0x45: {  	[sflag:s21] =	ssyncset.done $0x0  }
0x46: {  	[sflag:s21] =	ssyncadd.s32 $0xFFFFFCE0  }
0x47: {  	[spmem:s16] =	stream.linear.scatter [tilespmem:s22], [sflag:$0x1], $0x320, $0x38;
	[tilespmem:$0x5660] =	vst v63  }
0x48: {  	_ =	swait.ge [sflag:s21], $0x320  }
0x49: {  	[sflag:s21] =	ssyncset.done $0x0  }
0x4a: {  	[sflag:s21] =	ssyncadd.s32 $0xFFFFFCE0  }
0x4b: {  	[spmem:s17] =	stream.linear.scatter [tilespmem:s22], [sflag:$0x1], $0x200, $0x38;
	[tilespmem:$0x5660] =	vst v63  }
0x4c: {  	_ =	swait.ge [sflag:s21], $0x200  }
0x4d: {  	[sflag:s21] =	ssyncset.done $0x0  }
0x4e: {  	[sflag:s21] =	ssyncadd.s32 $0xFFFFFE00  }
0x4f: {  	s26 =	simm.s32 $0x40;
	s28 =	simm.s32 $0x0;
	[bflag:$0x0] =	sbarrier.arrive $0xFFFF  }
.LBB2_4:
0x50: {  	p0 =	sne.s32 s26, $0xC40;
	[tilespmem:s28+$0x2780] =	vst v1;
	s28 =	smov.u32 s26;
	s26 =	sadd.s32 $0x40, s26  }
.Ltmp1:
0x51: {  	(pc) =	sbr.rel @p0 .LBB2_4-.Ltmp1, $2  }
0x52: {  	_ =	sdelay $0x2  }
0x53: {  	s28 =	sshra.s32 s28, $0x2  }
0x54: {  	[tilespmem:s28+$0x2780] =	vst v1;
	s26 =	simm.s32 $0x2AA0  }
0x55: {  	[spmem:s2] =	stream.indirect.scatter.add.f32 [tilespmem:s22], [sflag:$0x1], $0x10, s26, s23, $0xb8;
	[tilespmem:$0x5660] =	vst v63  }
0x56: {  	s26 =	simm.s32 $0xE0;
	_ =	swait.ge [sflag:s21], $0x320  }
.LBB2_6:
0x57: {  	s28 =	sshra.s32 s26, $0x2;
	[sflag:s21] =	ssyncset.done $0x0;
	p0 =	sne.s32 s26, $0xAE20  }
.Ltmp2:
0x58: {  	s28 =	sadd.s32 $0x2AA0, s28;
	[sflag:s21] =	ssyncadd.s32 $0xFFFFFCE0;
	(pc) =	sbr.rel @p0 .LBB2_6-.Ltmp2, $3  }
0x59: {  	[spmem:s2] =	stream.indirect.scatter.add.f32 [tilespmem:s22], [sflag:$0x1], $0x10, s28, s23, $0xb8;
	[tilespmem:$0x5660] =	vst v63  }
0x5a: {  	s26 =	sadd.s32 $0xE0, s26;
	_ =	sdelay $0x1  }
0x5b: {  	_ =	swait.ge [sflag:s21], $0x320  }
0x5c: {  	[sflag:s21] =	ssyncset.done $0x0;
	s25 =	sadd.s32 $0x1, s25  }
0x5d: {  	[sflag:s21] =	ssyncadd.s32 $0xFFFFFCE0;
	p0 =	sne.s32 s25, s19  }
.Ltmp3:
0x5e: {  	s26 =	sshrl.u32 s5, $0x3;
	[bflag:$0x0] =	sbarrier.arrive $0xFFFF;
	(pc) =	sbr.rel @p0 .LBB2_1-.Ltmp3, $4  }
0x5f: {  	[hbm:s18], [sflag:s24] =	dma.local [spmem:s26], $0x4F0  }
0x60: {  	_ =	swait.ge [sflag:s21], $0x4F0  }
0x61: {  	[sflag:s21] =	ssyncset.done $0x0  }
0x62: {  	[sflag:s21] =	ssyncadd.s32 $0xFFFFFB10  }
0x63: {  	_ =	sfence.sel $0x180000  }
0x64: {  	[bflag:$0x0] =	sbarrier.arrive $0xFFFF  }
0x65: {  	p0 =	sne.s32 s0, $0x0;
	_ =	strace $0x90000047  }
0x66: {  	s0 =	sadd.s32 @!p0 $0x100000, s1;
	[bflag:$0x2] =	sbarrier.arrive $0xFFFF  }
0x67: {  	[sflag:s0] =	ssyncadd.tile.s32 @!p0 $0x1;
	_ =	shalt  }
.Lfunc_end2:
_tile_overlayer_lowered:
.L_overlay_start_2:
0x68: {  	(tag) =	ssettag $0x2  }
0x69: {  	s0 =	rddreg [dreg:$0x0];
	s2 =	stileid.u32  }
0x6a: {  	s1 =	rddreg [dreg:$0x1];
	p0 =	sne.s32 s2, $0x0  }
0x6b: {  	s3 =	rddreg [dreg:$0x2];
	[bflag:$0x3] =	sbarrier.arrive $0xFFFF;
	s2 =	simm.s32 @!p0 $0x1C01  }
0x6c: {  	[timem:s3], [sflag:s2] =	dma.local @!p0 [hbm:s0], s1  }
0x6d: {  	s0 =	simm.s32 @!p0 $0x1  }
0x6e: {  	_ =	swait.ge @!p0 [sflag:s0], s1  }
0x6f: {  	s1 =	ssub.s32 @!p0 $0x0, s1;
	[sflag:s0] =	ssyncset.done @!p0 $0x0  }
0x70: {  	[sflag:s0] =	ssyncadd.s32 @!p0 s1  }
0x71: {  	[bflag:$0x3] =	sbarrier.arrive $0xFFFF  }
0x72: {  	_ =	shalt  }

</sc_bundles>
